<compile_context>
chip_gen: v7x
topology: tpu7x:2x2x1
jax: 0.10.2.dev20260603
libtpu: 0.0.44.dev20260713+nightly
codegen_flags: <defaults>
</compile_context>

<pallas_src>
import functools

import jax
import jax.numpy as jnp
from jax import lax
from jax.experimental import pallas as pl
from jax.experimental.pallas import tpu as pltpu
from jax.experimental.pallas import tpu_sc as plsc

D = 64
SCALE = 8.0
CB = 256


@functools.lru_cache(maxsize=None)
def _make_kernel(B, L, V):
    NC, NS = 2, 16
    NW = NC * NS
    n_pr = B // CB
    n_units = L * n_pr
    assert n_units % (2 * NW) == 0
    u_w = n_units // NW

    mesh = plsc.VectorSubcoreMesh(
        core_axis_name="c", subcore_axis_name="s", num_cores=NC, num_subcores=NS)

    buf_set = [
        pltpu.VMEM((1, CB), jnp.int32),
        pltpu.VMEM((1, CB), jnp.int32),
        pltpu.VMEM((CB, D), jnp.float32),
        pltpu.VMEM((CB, D), jnp.float32),
        pltpu.SemaphoreType.DMA,
        pltpu.SemaphoreType.DMA,
        pltpu.SemaphoreType.DMA,
    ]

    @functools.partial(
        pl.kernel,
        out_type=jax.ShapeDtypeStruct((B, L * D), jnp.float32),
        mesh=mesh,
        scratch_types=buf_set + buf_set + [pltpu.VMEM((L, D), jnp.float32)],
        compiler_params=pltpu.CompilerParams(
            use_tc_tiling_on_sc=False, needs_layout_passes=False),
    )
    def body(w_hbm, p_hbm, emb0_hbm, emb1_hbm, out_hbm,
             wiA, piA, wrowA, obufA, semIA, semGA, semOA,
             wiB, piB, wrowB, obufB, semIB, semGB, semOB, emb1_v):
        wid = lax.axis_index("s") * NC + lax.axis_index("c")
        u0 = wid * u_w
        pltpu.sync_copy(emb1_hbm, emb1_v)

        def coords(u):
            l = u // n_pr
            b0 = pl.multiple_of((u % n_pr) * CB, CB)
            return l, b0

        def stage_idx(u, wi, pi, sem):
            l, b0 = coords(u)
            pltpu.async_copy(w_hbm.at[pl.ds(l, 1), pl.ds(b0, CB)], wi, sem)
            pltpu.async_copy(p_hbm.at[pl.ds(l, 1), pl.ds(b0, CB)], pi, sem)

        def wait_idx(wi, pi, sem):
            pltpu.make_async_copy(w_hbm.at[pl.ds(0, 1), pl.ds(0, CB)], wi, sem).wait()
            pltpu.make_async_copy(p_hbm.at[pl.ds(0, 1), pl.ds(0, CB)], pi, sem).wait()

        def fire_gathers(wi, pi, wrow, sem):
            for g in range(CB // 128):
                sl = pl.ds(g * 128, 128)
                pltpu.async_copy(emb0_hbm.at[wi.at[0, sl]], wrow.at[sl], sem)

        def wait_gathers(wi, pi, wrow, sem):
            for g in range(CB // 128):
                sl = pl.ds(g * 128, 128)
                pltpu.make_async_copy(emb0_hbm.at[wi.at[0, sl]], wrow.at[sl], sem).wait()

        def compute(wrow, pi, obuf):
            @plsc.parallel_loop(0, CB // 16)
            def r_body(r16):
                r0 = pl.multiple_of(r16 * 16, 16)
                pvec = pi[0, pl.ds(r0, 16)]
                for i in range(16):
                    p = pvec[i]
                    for c in range(D // 16):
                        sl = pl.ds(c * 16, 16)
                        obuf[r0 + i, sl] = wrow[r0 + i, sl] * SCALE + emb1_v[p, sl]

        def fire_out(u, obuf, sem):
            l, b0 = coords(u)
            loff = pl.multiple_of(l * D, D)
            pltpu.async_copy(obuf, out_hbm.at[pl.ds(b0, CB), pl.ds(loff, D)], sem)

        def wait_out(obuf, sem):
            pltpu.make_async_copy(
                obuf, out_hbm.at[pl.ds(0, CB), pl.ds(0, D)], sem).wait()

        stage_idx(u0, wiA, piA, semIA)
        wait_idx(wiA, piA, semIA)
        fire_gathers(wiA, piA, wrowA, semGA)
        stage_idx(u0 + 1, wiB, piB, semIB)

        def pair_body(j, carry):
            uA = u0 + 2 * j
            uB = uA + 1
            wait_idx(wiB, piB, semIB)
            fire_gathers(wiB, piB, wrowB, semGB)
            wait_gathers(wiA, piA, wrowA, semGA)

            @pl.when(j > 0)
            def _():
                wait_out(obufA, semOA)

            compute(wrowA, piA, obufA)
            fire_out(uA, obufA, semOA)

            @pl.when(j < u_w // 2 - 1)
            def _():
                stage_idx(uA + 2, wiA, piA, semIA)

            wait_gathers(wiB, piB, wrowB, semGB)

            @pl.when(j > 0)
            def _():
                wait_out(obufB, semOB)

            compute(wrowB, piB, obufB)
            fire_out(uB, obufB, semOB)

            @pl.when(j < u_w // 2 - 1)
            def _():
                wait_idx(wiA, piA, semIA)
                fire_gathers(wiA, piA, wrowA, semGA)
                stage_idx(uB + 2, wiB, piB, semIB)

            return carry

        lax.fori_loop(0, u_w // 2, pair_body, 0)
        wait_out(obufA, semOA)
        wait_out(obufB, semOB)

    return body


def kernel(src_word, src_pos, emb0_table, emb1_table):
    B, L, _ = src_word.shape
    V = emb0_table.shape[0]
    w2 = jnp.transpose(src_word.astype(jnp.int32), (1, 2, 0)).reshape(L, B)
    p2 = jnp.transpose(src_pos.astype(jnp.int32), (1, 2, 0)).reshape(L, B)
    out = _make_kernel(B, L, V)(w2, p2, emb0_table, emb1_table)
    return out.reshape(B, L, D)

# --- scband reference (transcript-rebuilt; emitter-appended) ---
"""Pipeline reference for scband-prepare-decoder-8186207666730 (READ-ONLY COPY).

The authoritative reference and input builder live on the scoring server;
editing this copy changes nothing except your own understanding.
"""

import jax, jax.numpy as jnp
import numpy as np

SRC_VOCAB = 1000000
EMB_DIM = 64
SRC_MAX_LEN = 200
B, L = 4096, 200

def setup_inputs(seed: int = 0) -> dict:
    key = jax.random.key(seed)
    k1, k2, k3, k4 = jax.random.split(key, 4)
    src_word = jax.random.randint(k1, (B, L, 1), 0, SRC_VOCAB, dtype=jnp.int32)
    src_pos = jax.random.randint(k2, (B, L, 1), 0, SRC_MAX_LEN, dtype=jnp.int32)
    emb0_table = jax.random.normal(k3, (SRC_VOCAB, EMB_DIM), dtype=jnp.float32)
    # padding_idx=0 (bos_idx): torch initializes that row to zeros
    emb0_table = emb0_table.at[0].set(0.0)
    emb1_table = jax.random.normal(k4, (SRC_MAX_LEN, EMB_DIM), dtype=jnp.float32)
    return {"src_word": src_word, "src_pos": src_pos, "emb0_table": emb0_table, "emb1_table": emb1_table}

def reference(src_word, src_pos, emb0_table, emb1_table):
    w = jnp.squeeze(src_word.astype(jnp.int32), axis=-1)
    src_word_emb = jnp.take(emb0_table, w, axis=0)
    src_word_emb = (EMB_DIM ** 0.5) * src_word_emb
    p = jnp.squeeze(src_pos, axis=-1)
    src_pos_enc = jnp.take(emb1_table, p, axis=0)
    enc_input = src_word_emb + src_pos_enc
    # dropout_rate == 0 -> identity
    return enc_input

if __name__ == "__main__":
    import jax
    _d = setup_inputs()
    print(jax.jit(kernel)(*tuple(_d.values())))

</pallas_src>

<mosaic_0001>
#map = affine_map<(d0, d1) -> (0, 0)>
module attributes {stable_mosaic.version = 14 : i64} {
  func.func @body(%arg0: i32, %arg1: i32, %arg2: memref<200x4096xi32, #tpu.memory_space<hbm>>, %arg3: memref<200x4096xi32, #tpu.memory_space<hbm>>, %arg4: memref<1000000x64xf32, #tpu.memory_space<hbm>>, %arg5: memref<200x64xf32, #tpu.memory_space<hbm>>, %arg6: memref<4096x12800xf32, #tpu.memory_space<hbm>>, %arg7: memref<1x256xi32, #tpu.memory_space<vmem>>, %arg8: memref<1x256xi32, #tpu.memory_space<vmem>>, %arg9: memref<256x64xf32, #tpu.memory_space<vmem>>, %arg10: memref<256x64xf32, #tpu.memory_space<vmem>>, %arg11: memref<!tpu.dma_semaphore, #tpu.memory_space<semaphore_mem>>, %arg12: memref<!tpu.dma_semaphore, #tpu.memory_space<semaphore_mem>>, %arg13: memref<!tpu.dma_semaphore, #tpu.memory_space<semaphore_mem>>, %arg14: memref<1x256xi32, #tpu.memory_space<vmem>>, %arg15: memref<1x256xi32, #tpu.memory_space<vmem>>, %arg16: memref<256x64xf32, #tpu.memory_space<vmem>>, %arg17: memref<256x64xf32, #tpu.memory_space<vmem>>, %arg18: memref<!tpu.dma_semaphore, #tpu.memory_space<semaphore_mem>>, %arg19: memref<!tpu.dma_semaphore, #tpu.memory_space<semaphore_mem>>, %arg20: memref<!tpu.dma_semaphore, #tpu.memory_space<semaphore_mem>>, %arg21: memref<200x64xf32, #tpu.memory_space<vmem>>) attributes {dimension_semantics = [#tpu.dimension_semantics<core_parallel>, #tpu.dimension_semantics<subcore_parallel>], iteration_bounds = array<i64: 2, 16>, scalar_prefetch = 0 : i64, scratch_operands = 15 : i64, tpu.core_type = #tpu.core_type<sc_vector_subcore>, window_params = [{transform_indices = #map}, {transform_indices = #map}, {transform_indices = #map}, {transform_indices = #map}, {transform_indices = #map}]} {
    %mul3A = arith.constant 2 : i32
    %mul3A_0 = arith.muli %arg1, %mul3A : i32
    %add3A = arith.addi %mul3A_0, %arg0 : i32
    %mul3A_1 = arith.constant 100 : i32
    %mul3A_2 = arith.muli %add3A, %mul3A_1 : i32
    "tpu.region"() ({
      %run_scoped3A = tpu.sem_alloc : memref<!tpu.dma_semaphore, #tpu.memory_space<semaphore_mem>>
      tpu.enqueue_dma source(%arg5 : memref<200x64xf32, #tpu.memory_space<hbm>>) target(%arg21 : memref<200x64xf32, #tpu.memory_space<vmem>>) target_semaphore(%run_scoped3A : memref<!tpu.dma_semaphore, #tpu.memory_space<semaphore_mem>>)
      tpu.wait_dma2 semaphore(%run_scoped3A : memref<!tpu.dma_semaphore, #tpu.memory_space<semaphore_mem>>) src(%arg5 : memref<200x64xf32, #tpu.memory_space<hbm>>) dst(%arg21 : memref<200x64xf32, #tpu.memory_space<vmem>>)
      tpu.yield
    }) : () -> ()
    %jit3A = arith.constant 16 : i32
    %div3A = arith.divsi %mul3A_2, %jit3A : i32
    %sign3A = arith.constant 0 : i32
    %sign3A_3 = arith.cmpi sgt, %mul3A_2, %sign3A : i32
    %sign3A_4 = arith.extui %sign3A_3 : i1 to i32
    %sign3A_5 = arith.constant 0 : i32
    %sign3A_6 = arith.cmpi slt, %mul3A_2, %sign3A_5 : i32
    %sign3A_7 = arith.extui %sign3A_6 : i1 to i32
    %sign3A_8 = arith.subi %sign3A_4, %sign3A_7 : i32
    %sign3A_9 = arith.constant 0 : i32
    %sign3A_10 = arith.cmpi sgt, %jit3A, %sign3A_9 : i32
    %sign3A_11 = arith.extui %sign3A_10 : i1 to i32
    %sign3A_12 = arith.constant 0 : i32
    %sign3A_13 = arith.cmpi slt, %jit3A, %sign3A_12 : i32
    %sign3A_14 = arith.extui %sign3A_13 : i1 to i32
    %sign3A_15 = arith.subi %sign3A_11, %sign3A_14 : i32
    %ne3A = arith.cmpi ne, %sign3A_8, %sign3A_15 : i32
    %rem3A = arith.remsi %mul3A_2, %jit3A : i32
    %ne3A_16 = arith.constant 0 : i32
    %ne3A_17 = arith.cmpi ne, %rem3A, %ne3A_16 : i32
    %and3A = arith.andi %ne3A, %ne3A_17 : i1
    %sub3A = arith.constant 1 : i32
    %sub3A_18 = arith.subi %div3A, %sub3A : i32
    %select_n3A = arith.select %and3A, %sub3A_18, %div3A : i32
    %jit3A_19 = arith.constant 16 : i32
    %eq3A = arith.constant 0 : i32
    %eq3A_20 = arith.cmpi eq, %jit3A_19, %eq3A : i32
    %jit3A_21 = arith.constant 1 : i32
    %select_n3A_22 = arith.select %eq3A_20, %jit3A_21, %jit3A_19 : i32
    %rem3A_23 = arith.remsi %mul3A_2, %select_n3A_22 : i32
    %ne3A_24 = arith.constant 0 : i32
    %ne3A_25 = arith.cmpi ne, %rem3A_23, %ne3A_24 : i32
    %lt3A = arith.constant 0 : i32
    %lt3A_26 = arith.cmpi slt, %rem3A_23, %lt3A : i32
    %lt3A_27 = arith.constant 0 : i32
    %lt3A_28 = arith.cmpi slt, %select_n3A_22, %lt3A_27 : i32
    %ne3A_29 = arith.xori %lt3A_26, %lt3A_28 : i1
    %and3A_30 = arith.andi %ne3A_29, %ne3A_25 : i1
    %add3A_31 = arith.addi %rem3A_23, %select_n3A_22 : i32
    %select_n3A_32 = arith.select %and3A_30, %add3A_31, %rem3A_23 : i32
    %mul3A_33 = arith.constant 256 : i32
    %mul3A_34 = arith.muli %select_n3A_32, %mul3A_33 : i32
    %multiple_of3A = tpu.assume_multiple %mul3A_34, 256 : i32
    %dma_start3A = tpu.memref_slice %arg2[%select_n3A, %multiple_of3A] : memref<200x4096xi32, #tpu.memory_space<hbm>> -> memref<1x256xi32, #tpu.memory_space<hbm>>
    %dma_start3A_35 = tpu.memref_slice %arg2[%select_n3A, %multiple_of3A] : memref<200x4096xi32, #tpu.memory_space<hbm>> -> memref<1x256xi32, #tpu.memory_space<hbm>>
    tpu.enqueue_dma source(%dma_start3A_35 : memref<1x256xi32, #tpu.memory_space<hbm>>) target(%arg7 : memref<1x256xi32, #tpu.memory_space<vmem>>) target_semaphore(%arg11 : memref<!tpu.dma_semaphore, #tpu.memory_space<semaphore_mem>>)
    %dma_start3A_36 = tpu.memref_slice %arg3[%select_n3A, %multiple_of3A] : memref<200x4096xi32, #tpu.memory_space<hbm>> -> memref<1x256xi32, #tpu.memory_space<hbm>>
    %dma_start3A_37 = tpu.memref_slice %arg3[%select_n3A, %multiple_of3A] : memref<200x4096xi32, #tpu.memory_space<hbm>> -> memref<1x256xi32, #tpu.memory_space<hbm>>
    tpu.enqueue_dma source(%dma_start3A_37 : memref<1x256xi32, #tpu.memory_space<hbm>>) target(%arg8 : memref<1x256xi32, #tpu.memory_space<vmem>>) target_semaphore(%arg11 : memref<!tpu.dma_semaphore, #tpu.memory_space<semaphore_mem>>)
    %dma_wait3A = arith.constant 0 : i32
    %dma_wait3A_38 = arith.constant 0 : i32
    %dma_wait3A_39 = tpu.memref_slice %arg2[%dma_wait3A, %dma_wait3A_38] : memref<200x4096xi32, #tpu.memory_space<hbm>> -> memref<1x256xi32, #tpu.memory_space<hbm>>
    %dma_wait3A_40 = arith.constant 0 : i32
    %dma_wait3A_41 = arith.constant 0 : i32
    %dma_wait3A_42 = tpu.memref_slice %arg2[%dma_wait3A_40, %dma_wait3A_41] : memref<200x4096xi32, #tpu.memory_space<hbm>> -> memref<1x256xi32, #tpu.memory_space<hbm>>
    tpu.wait_dma2 semaphore(%arg11 : memref<!tpu.dma_semaphore, #tpu.memory_space<semaphore_mem>>) src(%dma_wait3A_42 : memref<1x256xi32, #tpu.memory_space<hbm>>) dst(%arg7 : memref<1x256xi32, #tpu.memory_space<vmem>>)
    %dma_wait3A_43 = arith.constant 0 : i32
    %dma_wait3A_44 = arith.constant 0 : i32
    %dma_wait3A_45 = tpu.memref_slice %arg3[%dma_wait3A_43, %dma_wait3A_44] : memref<200x4096xi32, #tpu.memory_space<hbm>> -> memref<1x256xi32, #tpu.memory_space<hbm>>
    %dma_wait3A_46 = arith.constant 0 : i32
    %dma_wait3A_47 = arith.constant 0 : i32
    %dma_wait3A_48 = tpu.memref_slice %arg3[%dma_wait3A_46, %dma_wait3A_47] : memref<200x4096xi32, #tpu.memory_space<hbm>> -> memref<1x256xi32, #tpu.memory_space<hbm>>
    tpu.wait_dma2 semaphore(%arg11 : memref<!tpu.dma_semaphore, #tpu.memory_space<semaphore_mem>>) src(%dma_wait3A_48 : memref<1x256xi32, #tpu.memory_space<hbm>>) dst(%arg8 : memref<1x256xi32, #tpu.memory_space<vmem>>)
    %dma_start3A_49 = arith.constant 0 : i32
    %dma_start3A_50 = arith.constant 0 : i32
    %dma_start3A_51 = arith.constant 0 : i32
    %dma_start3A_52 = tpu.memref_slice %arg9[%dma_start3A_50, %dma_start3A_51] : memref<256x64xf32, #tpu.memory_space<vmem>> -> memref<128x64xf32, #tpu.memory_space<vmem>>
    %dma_start3A_53 = arith.constant 0 : i32
    %dma_start3A_54 = tpu.memref_slice %arg7[%dma_start3A_49, %dma_start3A_53] : memref<1x256xi32, #tpu.memory_space<vmem>> -> memref<1x128xi32, #tpu.memory_space<vmem>>
    %dma_start3A_55 = tpu.memref_squeeze %dma_start3A_54 : memref<1x128xi32, #tpu.memory_space<vmem>> -> memref<128xi32, #tpu.memory_space<vmem>>
    %dma_start3A_56 = arith.constant 0 : i32
    %dma_start3A_57 = arith.constant 0 : i32
    %dma_start3A_58 = tpu.memref_slice %arg4[%dma_start3A_56, %dma_start3A_57] : memref<1000000x64xf32, #tpu.memory_space<hbm>> -> memref<1000000x64xf32, #tpu.memory_space<hbm>>
    tpu.enqueue_indirect_dma source(%dma_start3A_58 : memref<1000000x64xf32, #tpu.memory_space<hbm>>) target(%dma_start3A_52 : memref<128x64xf32, #tpu.memory_space<vmem>>) offsets(%dma_start3A_55 : memref<128xi32, #tpu.memory_space<vmem>>) semaphore(%arg12 : memref<!tpu.dma_semaphore, #tpu.memory_space<semaphore_mem>>)
    %dma_start3A_59 = arith.constant 0 : i32
    %dma_start3A_60 = arith.constant 128 : i32
    %dma_start3A_61 = arith.constant 0 : i32
    %dma_start3A_62 = tpu.memref_slice %arg9[%dma_start3A_60, %dma_start3A_61] : memref<256x64xf32, #tpu.memory_space<vmem>> -> memref<128x64xf32, #tpu.memory_space<vmem>>
    %dma_start3A_63 = arith.constant 128 : i32
    %dma_start3A_64 = tpu.memref_slice %arg7[%dma_start3A_59, %dma_start3A_63] : memref<1x256xi32, #tpu.memory_space<vmem>> -> memref<1x128xi32, #tpu.memory_space<vmem>>
    %dma_start3A_65 = tpu.memref_squeeze %dma_start3A_64 : memref<1x128xi32, #tpu.memory_space<vmem>> -> memref<128xi32, #tpu.memory_space<vmem>>
    %dma_start3A_66 = arith.constant 0 : i32
    %dma_start3A_67 = arith.constant 0 : i32
    %dma_start3A_68 = tpu.memref_slice %arg4[%dma_start3A_66, %dma_start3A_67] : memref<1000000x64xf32, #tpu.memory_space<hbm>> -> memref<1000000x64xf32, #tpu.memory_space<hbm>>
    tpu.enqueue_indirect_dma source(%dma_start3A_68 : memref<1000000x64xf32, #tpu.memory_space<hbm>>) target(%dma_start3A_62 : memref<128x64xf32, #tpu.memory_space<vmem>>) offsets(%dma_start3A_65 : memref<128xi32, #tpu.memory_space<vmem>>) semaphore(%arg12 : memref<!tpu.dma_semaphore, #tpu.memory_space<semaphore_mem>>)
    %add3A_69 = arith.constant 1 : i32
    %add3A_70 = arith.addi %mul3A_2, %add3A_69 : i32
    %jit3A_71 = arith.constant 16 : i32
    %div3A_72 = arith.divsi %add3A_70, %jit3A_71 : i32
    %sign3A_73 = arith.constant 0 : i32
    %sign3A_74 = arith.cmpi sgt, %add3A_70, %sign3A_73 : i32
    %sign3A_75 = arith.extui %sign3A_74 : i1 to i32
    %sign3A_76 = arith.constant 0 : i32
    %sign3A_77 = arith.cmpi slt, %add3A_70, %sign3A_76 : i32
    %sign3A_78 = arith.extui %sign3A_77 : i1 to i32
    %sign3A_79 = arith.subi %sign3A_75, %sign3A_78 : i32
    %sign3A_80 = arith.constant 0 : i32
    %sign3A_81 = arith.cmpi sgt, %jit3A_71, %sign3A_80 : i32
    %sign3A_82 = arith.extui %sign3A_81 : i1 to i32
    %sign3A_83 = arith.constant 0 : i32
    %sign3A_84 = arith.cmpi slt, %jit3A_71, %sign3A_83 : i32
    %sign3A_85 = arith.extui %sign3A_84 : i1 to i32
    %sign3A_86 = arith.subi %sign3A_82, %sign3A_85 : i32
    %ne3A_87 = arith.cmpi ne, %sign3A_79, %sign3A_86 : i32
    %rem3A_88 = arith.remsi %add3A_70, %jit3A_71 : i32
    %ne3A_89 = arith.constant 0 : i32
    %ne3A_90 = arith.cmpi ne, %rem3A_88, %ne3A_89 : i32
    %and3A_91 = arith.andi %ne3A_87, %ne3A_90 : i1
    %sub3A_92 = arith.constant 1 : i32
    %sub3A_93 = arith.subi %div3A_72, %sub3A_92 : i32
    %select_n3A_94 = arith.select %and3A_91, %sub3A_93, %div3A_72 : i32
    %jit3A_95 = arith.constant 16 : i32
    %eq3A_96 = arith.constant 0 : i32
    %eq3A_97 = arith.cmpi eq, %jit3A_95, %eq3A_96 : i32
    %jit3A_98 = arith.constant 1 : i32
    %select_n3A_99 = arith.select %eq3A_97, %jit3A_98, %jit3A_95 : i32
    %rem3A_100 = arith.remsi %add3A_70, %select_n3A_99 : i32
    %ne3A_101 = arith.constant 0 : i32
    %ne3A_102 = arith.cmpi ne, %rem3A_100, %ne3A_101 : i32
    %lt3A_103 = arith.constant 0 : i32
    %lt3A_104 = arith.cmpi slt, %rem3A_100, %lt3A_103 : i32
    %lt3A_105 = arith.constant 0 : i32
    %lt3A_106 = arith.cmpi slt, %select_n3A_99, %lt3A_105 : i32
    %ne3A_107 = arith.xori %lt3A_104, %lt3A_106 : i1
    %and3A_108 = arith.andi %ne3A_107, %ne3A_102 : i1
    %add3A_109 = arith.addi %rem3A_100, %select_n3A_99 : i32
    %select_n3A_110 = arith.select %and3A_108, %add3A_109, %rem3A_100 : i32
    %mul3A_111 = arith.constant 256 : i32
    %mul3A_112 = arith.muli %select_n3A_110, %mul3A_111 : i32
    %multiple_of3A_113 = tpu.assume_multiple %mul3A_112, 256 : i32
    %dma_start3A_114 = tpu.memref_slice %arg2[%select_n3A_94, %multiple_of3A_113] : memref<200x4096xi32, #tpu.memory_space<hbm>> -> memref<1x256xi32, #tpu.memory_space<hbm>>
    %dma_start3A_115 = tpu.memref_slice %arg2[%select_n3A_94, %multiple_of3A_113] : memref<200x4096xi32, #tpu.memory_space<hbm>> -> memref<1x256xi32, #tpu.memory_space<hbm>>
    tpu.enqueue_dma source(%dma_start3A_115 : memref<1x256xi32, #tpu.memory_space<hbm>>) target(%arg14 : memref<1x256xi32, #tpu.memory_space<vmem>>) target_semaphore(%arg18 : memref<!tpu.dma_semaphore, #tpu.memory_space<semaphore_mem>>)
    %dma_start3A_116 = tpu.memref_slice %arg3[%select_n3A_94, %multiple_of3A_113] : memref<200x4096xi32, #tpu.memory_space<hbm>> -> memref<1x256xi32, #tpu.memory_space<hbm>>
    %dma_start3A_117 = tpu.memref_slice %arg3[%select_n3A_94, %multiple_of3A_113] : memref<200x4096xi32, #tpu.memory_space<hbm>> -> memref<1x256xi32, #tpu.memory_space<hbm>>
    tpu.enqueue_dma source(%dma_start3A_117 : memref<1x256xi32, #tpu.memory_space<hbm>>) target(%arg15 : memref<1x256xi32, #tpu.memory_space<vmem>>) target_semaphore(%arg18 : memref<!tpu.dma_semaphore, #tpu.memory_space<semaphore_mem>>)
    %scan3A = arith.constant 0 : i32
    %scan3A_118 = arith.constant 0 : i32
    %scan3A_119 = arith.constant 50 : i32
    %scan3A_120 = arith.addi %scan3A_118, %scan3A_119 : i32
    %scan3A_121 = arith.constant 1 : i32
    scf.for %scan3A_135 = %scan3A_118 to %scan3A_120 step %scan3A_121  : i32 {
      %mul3A_136 = arith.constant 2 : i32
      %mul3A_137 = arith.muli %mul3A_136, %scan3A_135 : i32
      %add3A_138 = arith.addi %mul3A_2, %mul3A_137 : i32
      %add3A_139 = arith.constant 1 : i32
      %add3A_140 = arith.addi %add3A_138, %add3A_139 : i32
      %dma_wait3A_141 = arith.constant 0 : i32
      %dma_wait3A_142 = arith.constant 0 : i32
      %dma_wait3A_143 = tpu.memref_slice %arg2[%dma_wait3A_141, %dma_wait3A_142] : memref<200x4096xi32, #tpu.memory_space<hbm>> -> memref<1x256xi32, #tpu.memory_space<hbm>>
      %dma_wait3A_144 = arith.constant 0 : i32
      %dma_wait3A_145 = arith.constant 0 : i32
      %dma_wait3A_146 = tpu.memref_slice %arg2[%dma_wait3A_144, %dma_wait3A_145] : memref<200x4096xi32, #tpu.memory_space<hbm>> -> memref<1x256xi32, #tpu.memory_space<hbm>>
      tpu.wait_dma2 semaphore(%arg18 : memref<!tpu.dma_semaphore, #tpu.memory_space<semaphore_mem>>) src(%dma_wait3A_146 : memref<1x256xi32, #tpu.memory_space<hbm>>) dst(%arg14 : memref<1x256xi32, #tpu.memory_space<vmem>>)
      %dma_wait3A_147 = arith.constant 0 : i32
      %dma_wait3A_148 = arith.constant 0 : i32
      %dma_wait3A_149 = tpu.memref_slice %arg3[%dma_wait3A_147, %dma_wait3A_148] : memref<200x4096xi32, #tpu.memory_space<hbm>> -> memref<1x256xi32, #tpu.memory_space<hbm>>
      %dma_wait3A_150 = arith.constant 0 : i32
      %dma_wait3A_151 = arith.constant 0 : i32
      %dma_wait3A_152 = tpu.memref_slice %arg3[%dma_wait3A_150, %dma_wait3A_151] : memref<200x4096xi32, #tpu.memory_space<hbm>> -> memref<1x256xi32, #tpu.memory_space<hbm>>
      tpu.wait_dma2 semaphore(%arg18 : memref<!tpu.dma_semaphore, #tpu.memory_space<semaphore_mem>>) src(%dma_wait3A_152 : memref<1x256xi32, #tpu.memory_space<hbm>>) dst(%arg15 : memref<1x256xi32, #tpu.memory_space<vmem>>)
      %dma_start3A_153 = arith.constant 0 : i32
      %dma_start3A_154 = arith.constant 0 : i32
      %dma_start3A_155 = arith.constant 0 : i32
      %dma_start3A_156 = tpu.memref_slice %arg16[%dma_start3A_154, %dma_start3A_155] : memref<256x64xf32, #tpu.memory_space<vmem>> -> memref<128x64xf32, #tpu.memory_space<vmem>>
      %dma_start3A_157 = arith.constant 0 : i32
      %dma_start3A_158 = tpu.memref_slice %arg14[%dma_start3A_153, %dma_start3A_157] : memref<1x256xi32, #tpu.memory_space<vmem>> -> memref<1x128xi32, #tpu.memory_space<vmem>>
      %dma_start3A_159 = tpu.memref_squeeze %dma_start3A_158 : memref<1x128xi32, #tpu.memory_space<vmem>> -> memref<128xi32, #tpu.memory_space<vmem>>
      %dma_start3A_160 = arith.constant 0 : i32
      %dma_start3A_161 = arith.constant 0 : i32
      %dma_start3A_162 = tpu.memref_slice %arg4[%dma_start3A_160, %dma_start3A_161] : memref<1000000x64xf32, #tpu.memory_space<hbm>> -> memref<1000000x64xf32, #tpu.memory_space<hbm>>
      tpu.enqueue_indirect_dma source(%dma_start3A_162 : memref<1000000x64xf32, #tpu.memory_space<hbm>>) target(%dma_start3A_156 : memref<128x64xf32, #tpu.memory_space<vmem>>) offsets(%dma_start3A_159 : memref<128xi32, #tpu.memory_space<vmem>>) semaphore(%arg19 : memref<!tpu.dma_semaphore, #tpu.memory_space<semaphore_mem>>)
      %dma_start3A_163 = arith.constant 0 : i32
      %dma_start3A_164 = arith.constant 128 : i32
      %dma_start3A_165 = arith.constant 0 : i32
      %dma_start3A_166 = tpu.memref_slice %arg16[%dma_start3A_164, %dma_start3A_165] : memref<256x64xf32, #tpu.memory_space<vmem>> -> memref<128x64xf32, #tpu.memory_space<vmem>>
      %dma_start3A_167 = arith.constant 128 : i32
      %dma_start3A_168 = tpu.memref_slice %arg14[%dma_start3A_163, %dma_start3A_167] : memref<1x256xi32, #tpu.memory_space<vmem>> -> memref<1x128xi32, #tpu.memory_space<vmem>>
      %dma_start3A_169 = tpu.memref_squeeze %dma_start3A_168 : memref<1x128xi32, #tpu.memory_space<vmem>> -> memref<128xi32, #tpu.memory_space<vmem>>
      %dma_start3A_170 = arith.constant 0 : i32
      %dma_start3A_171 = arith.constant 0 : i32
      %dma_start3A_172 = tpu.memref_slice %arg4[%dma_start3A_170, %dma_start3A_171] : memref<1000000x64xf32, #tpu.memory_space<hbm>> -> memref<1000000x64xf32, #tpu.memory_space<hbm>>
      tpu.enqueue_indirect_dma source(%dma_start3A_172 : memref<1000000x64xf32, #tpu.memory_space<hbm>>) target(%dma_start3A_166 : memref<128x64xf32, #tpu.memory_space<vmem>>) offsets(%dma_start3A_169 : memref<128xi32, #tpu.memory_space<vmem>>) semaphore(%arg19 : memref<!tpu.dma_semaphore, #tpu.memory_space<semaphore_mem>>)
      %dma_wait3A_173 = arith.constant 0 : i32
      %dma_wait3A_174 = arith.constant 0 : i32
      %dma_wait3A_175 = arith.constant 0 : i32
      %dma_wait3A_176 = tpu.memref_slice %arg9[%dma_wait3A_174, %dma_wait3A_175] : memref<256x64xf32, #tpu.memory_space<vmem>> -> memref<128x64xf32, #tpu.memory_space<vmem>>
      %dma_wait3A_177 = arith.constant 0 : i32
      %dma_wait3A_178 = tpu.memref_slice %arg7[%dma_wait3A_173, %dma_wait3A_177] : memref<1x256xi32, #tpu.memory_space<vmem>> -> memref<1x128xi32, #tpu.memory_space<vmem>>
      %dma_wait3A_179 = tpu.memref_squeeze %dma_wait3A_178 : memref<1x128xi32, #tpu.memory_space<vmem>> -> memref<128xi32, #tpu.memory_space<vmem>>
      %dma_wait3A_180 = arith.constant 0 : i32
      %dma_wait3A_181 = arith.constant 0 : i32
      %dma_wait3A_182 = tpu.memref_slice %arg4[%dma_wait3A_180, %dma_wait3A_181] : memref<1000000x64xf32, #tpu.memory_space<hbm>> -> memref<1000000x64xf32, #tpu.memory_space<hbm>>
      tpu.wait_indirect_dma semaphore(%arg12 : memref<!tpu.dma_semaphore, #tpu.memory_space<semaphore_mem>>) src(%dma_wait3A_182 : memref<1000000x64xf32, #tpu.memory_space<hbm>>) dst(%dma_wait3A_176 : memref<128x64xf32, #tpu.memory_space<vmem>>)
      %dma_wait3A_183 = arith.constant 0 : i32
      %dma_wait3A_184 = arith.constant 128 : i32
      %dma_wait3A_185 = arith.constant 0 : i32
      %dma_wait3A_186 = tpu.memref_slice %arg9[%dma_wait3A_184, %dma_wait3A_185] : memref<256x64xf32, #tpu.memory_space<vmem>> -> memref<128x64xf32, #tpu.memory_space<vmem>>
      %dma_wait3A_187 = arith.constant 128 : i32
      %dma_wait3A_188 = tpu.memref_slice %arg7[%dma_wait3A_183, %dma_wait3A_187] : memref<1x256xi32, #tpu.memory_space<vmem>> -> memref<1x128xi32, #tpu.memory_space<vmem>>
      %dma_wait3A_189 = tpu.memref_squeeze %dma_wait3A_188 : memref<1x128xi32, #tpu.memory_space<vmem>> -> memref<128xi32, #tpu.memory_space<vmem>>
      %dma_wait3A_190 = arith.constant 0 : i32
      %dma_wait3A_191 = arith.constant 0 : i32
      %dma_wait3A_192 = tpu.memref_slice %arg4[%dma_wait3A_190, %dma_wait3A_191] : memref<1000000x64xf32, #tpu.memory_space<hbm>> -> memref<1000000x64xf32, #tpu.memory_space<hbm>>
      tpu.wait_indirect_dma semaphore(%arg12 : memref<!tpu.dma_semaphore, #tpu.memory_space<semaphore_mem>>) src(%dma_wait3A_192 : memref<1000000x64xf32, #tpu.memory_space<hbm>>) dst(%dma_wait3A_186 : memref<128x64xf32, #tpu.memory_space<vmem>>)
      %gt3A = arith.constant 0 : i32
      %gt3A_193 = arith.cmpi sgt, %scan3A_135, %gt3A : i32
      %convert_element_type3A = arith.extui %gt3A_193 : i1 to i32
      %cond3A = arith.constant 0 : i32
      %cond3A_194 = arith.cmpi ne, %convert_element_type3A, %cond3A : i32
      scf.if %cond3A_194 {
        %dma_wait3A_331 = arith.constant 0 : i32
        %dma_wait3A_332 = arith.constant 0 : i32
        %dma_wait3A_333 = tpu.memref_slice %arg6[%dma_wait3A_331, %dma_wait3A_332] : memref<4096x12800xf32, #tpu.memory_space<hbm>> -> memref<256x64xf32, #tpu.memory_space<hbm>>
        %dma_wait3A_334 = arith.constant 0 : i32
        %dma_wait3A_335 = arith.constant 0 : i32
        %dma_wait3A_336 = tpu.memref_slice %arg6[%dma_wait3A_334, %dma_wait3A_335] : memref<4096x12800xf32, #tpu.memory_space<hbm>> -> memref<256x64xf32, #tpu.memory_space<hbm>>
        tpu.wait_dma2 semaphore(%arg13 : memref<!tpu.dma_semaphore, #tpu.memory_space<semaphore_mem>>) src(%arg10 : memref<256x64xf32, #tpu.memory_space<vmem>>) dst(%dma_wait3A_336 : memref<256x64xf32, #tpu.memory_space<hbm>>)
      } else {
      }
      %parallel_loop3A = arith.constant 0 : i32
      %parallel_loop3A_195 = arith.constant 16 : i32
      %parallel_loop3A_196 = arith.constant 1 : i32
      scf.for %parallel_loop3A_331 = %parallel_loop3A to %parallel_loop3A_195 step %parallel_loop3A_196  : i32 {
        %parallel_loop3A_332 = arith.constant 16 : i32
        %parallel_loop3A_333 = arith.muli %parallel_loop3A_331, %parallel_loop3A_332 : i32
        %parallel_loop3A_334 = tpu.assume_multiple %parallel_loop3A_333, 16 : i32
        %parallel_loop3A_335 = arith.constant 0 : i32
        %parallel_loop3A_336 = arith.index_cast %parallel_loop3A_335 : i32 to index
        %parallel_loop3A_337 = arith.index_cast %parallel_loop3A_334 : i32 to index
        %parallel_loop3A_338 = tpu.vector_load %arg8[%parallel_loop3A_336, %parallel_loop3A_337] {strides = array<i32>} : memref<1x256xi32, #tpu.memory_space<vmem>>, vector<16xi32>,
        %parallel_loop3A_339 = vector.extract_strided_slice %parallel_loop3A_338 {offsets = [0], sizes = [1], strides = [1]} : vector<16xi32> to vector<1xi32>
        %parallel_loop3A_340 = vector.extract %parallel_loop3A_339[0] : i32 from vector<1xi32>
        %parallel_loop3A_341 = arith.constant 0 : i32
        %parallel_loop3A_342 = arith.addi %parallel_loop3A_334, %parallel_loop3A_341 : i32
        %parallel_loop3A_343 = arith.index_cast %parallel_loop3A_342 : i32 to index
        %parallel_loop3A_344 = arith.constant 0 : index
        %parallel_loop3A_345 = tpu.vector_load %arg9[%parallel_loop3A_343, %parallel_loop3A_344] {strides = array<i32>} : memref<256x64xf32, #tpu.memory_space<vmem>>, vector<16xf32>,
        %parallel_loop3A_346 = arith.constant 8.000000e+00 : f32
        %parallel_loop3A_347 = vector.broadcast %parallel_loop3A_346 : f32 to vector<16xf32>
        %parallel_loop3A_348 = arith.mulf %parallel_loop3A_345, %parallel_loop3A_347 : vector<16xf32>
        %parallel_loop3A_349 = arith.index_cast %parallel_loop3A_340 : i32 to index
        %parallel_loop3A_350 = arith.constant 0 : index
        %parallel_loop3A_351 = tpu.vector_load %arg21[%parallel_loop3A_349, %parallel_loop3A_350] {strides = array<i32>} : memref<200x64xf32, #tpu.memory_space<vmem>>, vector<16xf32>,
        %parallel_loop3A_352 = arith.addf %parallel_loop3A_348, %parallel_loop3A_351 : vector<16xf32>
        %parallel_loop3A_353 = arith.constant 0 : i32
        %parallel_loop3A_354 = arith.addi %parallel_loop3A_334, %parallel_loop3A_353 : i32
        %parallel_loop3A_355 = arith.index_cast %parallel_loop3A_354 : i32 to index
        %parallel_loop3A_356 = arith.constant 0 : index
        %parallel_loop3A_357 = tpu.vector_load %arg10[%parallel_loop3A_355, %parallel_loop3A_356] {strides = array<i32>} : memref<256x64xf32, #tpu.memory_space<vmem>>, vector<16xf32>,
        tpu.vector_store %arg10[%parallel_loop3A_355, %parallel_loop3A_356], %parallel_loop3A_352 {strides = array<i32>} : memref<256x64xf32, #tpu.memory_space<vmem>>, vector<16xf32>,
        %parallel_loop3A_358 = arith.constant 0 : i32
        %parallel_loop3A_359 = arith.addi %parallel_loop3A_334, %parallel_loop3A_358 : i32
        %parallel_loop3A_360 = arith.index_cast %parallel_loop3A_359 : i32 to index
        %parallel_loop3A_361 = arith.constant 16 : index
        %parallel_loop3A_362 = tpu.vector_load %arg9[%parallel_loop3A_360, %parallel_loop3A_361] {strides = array<i32>} : memref<256x64xf32, #tpu.memory_space<vmem>>, vector<16xf32>,
        %parallel_loop3A_363 = arith.constant 8.000000e+00 : f32
        %parallel_loop3A_364 = vector.broadcast %parallel_loop3A_363 : f32 to vector<16xf32>
        %parallel_loop3A_365 = arith.mulf %parallel_loop3A_362, %parallel_loop3A_364 : vector<16xf32>
        %parallel_loop3A_366 = arith.index_cast %parallel_loop3A_340 : i32 to index
        %parallel_loop3A_367 = arith.constant 16 : index
        %parallel_loop3A_368 = tpu.vector_load %arg21[%parallel_loop3A_366, %parallel_loop3A_367] {strides = array<i32>} : memref<200x64xf32, #tpu.memory_space<vmem>>, vector<16xf32>,
        %parallel_loop3A_369 = arith.addf %parallel_loop3A_365, %parallel_loop3A_368 : vector<16xf32>
        %parallel_loop3A_370 = arith.constant 0 : i32
        %parallel_loop3A_371 = arith.addi %parallel_loop3A_334, %parallel_loop3A_370 : i32
        %parallel_loop3A_372 = arith.index_cast %parallel_loop3A_371 : i32 to index
        %parallel_loop3A_373 = arith.constant 16 : index
        %parallel_loop3A_374 = tpu.vector_load %arg10[%parallel_loop3A_372, %parallel_loop3A_373] {strides = array<i32>} : memref<256x64xf32, #tpu.memory_space<vmem>>, vector<16xf32>,
        tpu.vector_store %arg10[%parallel_loop3A_372, %parallel_loop3A_373], %parallel_loop3A_369 {strides = array<i32>} : memref<256x64xf32, #tpu.memory_space<vmem>>, vector<16xf32>,
        %parallel_loop3A_375 = arith.constant 0 : i32
        %parallel_loop3A_376 = arith.addi %parallel_loop3A_334, %parallel_loop3A_375 : i32
        %parallel_loop3A_377 = arith.index_cast %parallel_loop3A_376 : i32 to index
        %parallel_loop3A_378 = arith.constant 32 : index
        %parallel_loop3A_379 = tpu.vector_load %arg9[%parallel_loop3A_377, %parallel_loop3A_378] {strides = array<i32>} : memref<256x64xf32, #tpu.memory_space<vmem>>, vector<16xf32>,
        %parallel_loop3A_380 = arith.constant 8.000000e+00 : f32
        %parallel_loop3A_381 = vector.broadcast %parallel_loop3A_380 : f32 to vector<16xf32>
        %parallel_loop3A_382 = arith.mulf %parallel_loop3A_379, %parallel_loop3A_381 : vector<16xf32>
        %parallel_loop3A_383 = arith.index_cast %parallel_loop3A_340 : i32 to index
        %parallel_loop3A_384 = arith.constant 32 : index
        %parallel_loop3A_385 = tpu.vector_load %arg21[%parallel_loop3A_383, %parallel_loop3A_384] {strides = array<i32>} : memref<200x64xf32, #tpu.memory_space<vmem>>, vector<16xf32>,
        %parallel_loop3A_386 = arith.addf %parallel_loop3A_382, %parallel_loop3A_385 : vector<16xf32>
        %parallel_loop3A_387 = arith.constant 0 : i32
        %parallel_loop3A_388 = arith.addi %parallel_loop3A_334, %parallel_loop3A_387 : i32
        %parallel_loop3A_389 = arith.index_cast %parallel_loop3A_388 : i32 to index
        %parallel_loop3A_390 = arith.constant 32 : index
        %parallel_loop3A_391 = tpu.vector_load %arg10[%parallel_loop3A_389, %parallel_loop3A_390] {strides = array<i32>} : memref<256x64xf32, #tpu.memory_space<vmem>>, vector<16xf32>,
        tpu.vector_store %arg10[%parallel_loop3A_389, %parallel_loop3A_390], %parallel_loop3A_386 {strides = array<i32>} : memref<256x64xf32, #tpu.memory_space<vmem>>, vector<16xf32>,
        %parallel_loop3A_392 = arith.constant 0 : i32
        %parallel_loop3A_393 = arith.addi %parallel_loop3A_334, %parallel_loop3A_392 : i32
        %parallel_loop3A_394 = arith.index_cast %parallel_loop3A_393 : i32 to index
        %parallel_loop3A_395 = arith.constant 48 : index
        %parallel_loop3A_396 = tpu.vector_load %arg9[%parallel_loop3A_394, %parallel_loop3A_395] {strides = array<i32>} : memref<256x64xf32, #tpu.memory_space<vmem>>, vector<16xf32>,
        %parallel_loop3A_397 = arith.constant 8.000000e+00 : f32
        %parallel_loop3A_398 = vector.broadcast %parallel_loop3A_397 : f32 to vector<16xf32>
        %parallel_loop3A_399 = arith.mulf %parallel_loop3A_396, %parallel_loop3A_398 : vector<16xf32>
        %parallel_loop3A_400 = arith.index_cast %parallel_loop3A_340 : i32 to index
        %parallel_loop3A_401 = arith.constant 48 : index
        %parallel_loop3A_402 = tpu.vector_load %arg21[%parallel_loop3A_400, %parallel_loop3A_401] {strides = array<i32>} : memref<200x64xf32, #tpu.memory_space<vmem>>, vector<16xf32>,
        %parallel_loop3A_403 = arith.addf %parallel_loop3A_399, %parallel_loop3A_402 : vector<16xf32>
        %parallel_loop3A_404 = arith.constant 0 : i32
        %parallel_loop3A_405 = arith.addi %parallel_loop3A_334, %parallel_loop3A_404 : i32
        %parallel_loop3A_406 = arith.index_cast %parallel_loop3A_405 : i32 to index
        %parallel_loop3A_407 = arith.constant 48 : index
        %parallel_loop3A_408 = tpu.vector_load %arg10[%parallel_loop3A_406, %parallel_loop3A_407] {strides = array<i32>} : memref<256x64xf32, #tpu.memory_space<vmem>>, vector<16xf32>,
        tpu.vector_store %arg10[%parallel_loop3A_406, %parallel_loop3A_407], %parallel_loop3A_403 {strides = array<i32>} : memref<256x64xf32, #tpu.memory_space<vmem>>, vector<16xf32>,
        %parallel_loop3A_409 = vector.extract_strided_slice %parallel_loop3A_338 {offsets = [1], sizes = [1], strides = [1]} : vector<16xi32> to vector<1xi32>
        %parallel_loop3A_410 = vector.extract %parallel_loop3A_409[0] : i32 from vector<1xi32>
        %parallel_loop3A_411 = arith.constant 1 : i32
        %parallel_loop3A_412 = arith.addi %parallel_loop3A_334, %parallel_loop3A_411 : i32
        %parallel_loop3A_413 = arith.index_cast %parallel_loop3A_412 : i32 to index
        %parallel_loop3A_414 = arith.constant 0 : index
        %parallel_loop3A_415 = tpu.vector_load %arg9[%parallel_loop3A_413, %parallel_loop3A_414] {strides = array<i32>} : memref<256x64xf32, #tpu.memory_space<vmem>>, vector<16xf32>,
        %parallel_loop3A_416 = arith.constant 8.000000e+00 : f32
        %parallel_loop3A_417 = vector.broadcast %parallel_loop3A_416 : f32 to vector<16xf32>
        %parallel_loop3A_418 = arith.mulf %parallel_loop3A_415, %parallel_loop3A_417 : vector<16xf32>
        %parallel_loop3A_419 = arith.index_cast %parallel_loop3A_410 : i32 to index
        %parallel_loop3A_420 = arith.constant 0 : index
        %parallel_loop3A_421 = tpu.vector_load %arg21[%parallel_loop3A_419, %parallel_loop3A_420] {strides = array<i32>} : memref<200x64xf32, #tpu.memory_space<vmem>>, vector<16xf32>,
        %parallel_loop3A_422 = arith.addf %parallel_loop3A_418, %parallel_loop3A_421 : vector<16xf32>
        %parallel_loop3A_423 = arith.constant 1 : i32
        %parallel_loop3A_424 = arith.addi %parallel_loop3A_334, %parallel_loop3A_423 : i32
        %parallel_loop3A_425 = arith.index_cast %parallel_loop3A_424 : i32 to index
        %parallel_loop3A_426 = arith.constant 0 : index
        %parallel_loop3A_427 = tpu.vector_load %arg10[%parallel_loop3A_425, %parallel_loop3A_426] {strides = array<i32>} : memref<256x64xf32, #tpu.memory_space<vmem>>, vector<16xf32>,
        tpu.vector_store %arg10[%parallel_loop3A_425, %parallel_loop3A_426], %parallel_loop3A_422 {strides = array<i32>} : memref<256x64xf32, #tpu.memory_space<vmem>>, vector<16xf32>,
        %parallel_loop3A_428 = arith.constant 1 : i32
        %parallel_loop3A_429 = arith.addi %parallel_loop3A_334, %parallel_loop3A_428 : i32
        %parallel_loop3A_430 = arith.index_cast %parallel_loop3A_429 : i32 to index
        %parallel_loop3A_431 = arith.constant 16 : index
        %parallel_loop3A_432 = tpu.vector_load %arg9[%parallel_loop3A_430, %parallel_loop3A_431] {strides = array<i32>} : memref<256x64xf32, #tpu.memory_space<vmem>>, vector<16xf32>,
        %parallel_loop3A_433 = arith.constant 8.000000e+00 : f32
        %parallel_loop3A_434 = vector.broadcast %parallel_loop3A_433 : f32 to vector<16xf32>
        %parallel_loop3A_435 = arith.mulf %parallel_loop3A_432, %parallel_loop3A_434 : vector<16xf32>
        %parallel_loop3A_436 = arith.index_cast %parallel_loop3A_410 : i32 to index
        %parallel_loop3A_437 = arith.constant 16 : index
        %parallel_loop3A_438 = tpu.vector_load %arg21[%parallel_loop3A_436, %parallel_loop3A_437] {strides = array<i32>} : memref<200x64xf32, #tpu.memory_space<vmem>>, vector<16xf32>,
        %parallel_loop3A_439 = arith.addf %parallel_loop3A_435, %parallel_loop3A_438 : vector<16xf32>
        %parallel_loop3A_440 = arith.constant 1 : i32
        %parallel_loop3A_441 = arith.addi %parallel_loop3A_334, %parallel_loop3A_440 : i32
        %parallel_loop3A_442 = arith.index_cast %parallel_loop3A_441 : i32 to index
        %parallel_loop3A_443 = arith.constant 16 : index
        %parallel_loop3A_444 = tpu.vector_load %arg10[%parallel_loop3A_442, %parallel_loop3A_443] {strides = array<i32>} : memref<256x64xf32, #tpu.memory_space<vmem>>, vector<16xf32>,
        tpu.vector_store %arg10[%parallel_loop3A_442, %parallel_loop3A_443], %parallel_loop3A_439 {strides = array<i32>} : memref<256x64xf32, #tpu.memory_space<vmem>>, vector<16xf32>,
        %parallel_loop3A_445 = arith.constant 1 : i32
        %parallel_loop3A_446 = arith.addi %parallel_loop3A_334, %parallel_loop3A_445 : i32
        %parallel_loop3A_447 = arith.index_cast %parallel_loop3A_446 : i32 to index
        %parallel_loop3A_448 = arith.constant 32 : index
        %parallel_loop3A_449 = tpu.vector_load %arg9[%parallel_loop3A_447, %parallel_loop3A_448] {strides = array<i32>} : memref<256x64xf32, #tpu.memory_space<vmem>>, vector<16xf32>,
        %parallel_loop3A_450 = arith.constant 8.000000e+00 : f32
        %parallel_loop3A_451 = vector.broadcast %parallel_loop3A_450 : f32 to vector<16xf32>
        %parallel_loop3A_452 = arith.mulf %parallel_loop3A_449, %parallel_loop3A_451 : vector<16xf32>
        %parallel_loop3A_453 = arith.index_cast %parallel_loop3A_410 : i32 to index
        %parallel_loop3A_454 = arith.constant 32 : index
        %parallel_loop3A_455 = tpu.vector_load %arg21[%parallel_loop3A_453, %parallel_loop3A_454] {strides = array<i32>} : memref<200x64xf32, #tpu.memory_space<vmem>>, vector<16xf32>,
        %parallel_loop3A_456 = arith.addf %parallel_loop3A_452, %parallel_loop3A_455 : vector<16xf32>
        %parallel_loop3A_457 = arith.constant 1 : i32
        %parallel_loop3A_458 = arith.addi %parallel_loop3A_334, %parallel_loop3A_457 : i32
        %parallel_loop3A_459 = arith.index_cast %parallel_loop3A_458 : i32 to index
        %parallel_loop3A_460 = arith.constant 32 : index
        %parallel_loop3A_461 = tpu.vector_load %arg10[%parallel_loop3A_459, %parallel_loop3A_460] {strides = array<i32>} : memref<256x64xf32, #tpu.memory_space<vmem>>, vector<16xf32>,
        tpu.vector_store %arg10[%parallel_loop3A_459, %parallel_loop3A_460], %parallel_loop3A_456 {strides = array<i32>} : memref<256x64xf32, #tpu.memory_space<vmem>>, vector<16xf32>,
        %parallel_loop3A_462 = arith.constant 1 : i32
        %parallel_loop3A_463 = arith.addi %parallel_loop3A_334, %parallel_loop3A_462 : i32
        %parallel_loop3A_464 = arith.index_cast %parallel_loop3A_463 : i32 to index
        %parallel_loop3A_465 = arith.constant 48 : index
        %parallel_loop3A_466 = tpu.vector_load %arg9[%parallel_loop3A_464, %parallel_loop3A_465] {strides = array<i32>} : memref<256x64xf32, #tpu.memory_space<vmem>>, vector<16xf32>,
        %parallel_loop3A_467 = arith.constant 8.000000e+00 : f32
        %parallel_loop3A_468 = vector.broadcast %parallel_loop3A_467 : f32 to vector<16xf32>
        %parallel_loop3A_469 = arith.mulf %parallel_loop3A_466, %parallel_loop3A_468 : vector<16xf32>
        %parallel_loop3A_470 = arith.index_cast %parallel_loop3A_410 : i32 to index
        %parallel_loop3A_471 = arith.constant 48 : index
        %parallel_loop3A_472 = tpu.vector_load %arg21[%parallel_loop3A_470, %parallel_loop3A_471] {strides = array<i32>} : memref<200x64xf32, #tpu.memory_space<vmem>>, vector<16xf32>,
        %parallel_loop3A_473 = arith.addf %parallel_loop3A_469, %parallel_loop3A_472 : vector<16xf32>
        %parallel_loop3A_474 = arith.constant 1 : i32
        %parallel_loop3A_475 = arith.addi %parallel_loop3A_334, %parallel_loop3A_474 : i32
        %parallel_loop3A_476 = arith.index_cast %parallel_loop3A_475 : i32 to index
        %parallel_loop3A_477 = arith.constant 48 : index
        %parallel_loop3A_478 = tpu.vector_load %arg10[%parallel_loop3A_476, %parallel_loop3A_477] {strides = array<i32>} : memref<256x64xf32, #tpu.memory_space<vmem>>, vector<16xf32>,
        tpu.vector_store %arg10[%parallel_loop3A_476, %parallel_loop3A_477], %parallel_loop3A_473 {strides = array<i32>} : memref<256x64xf32, #tpu.memory_space<vmem>>, vector<16xf32>,
        %parallel_loop3A_479 = vector.extract_strided_slice %parallel_loop3A_338 {offsets = [2], sizes = [1], strides = [1]} : vector<16xi32> to vector<1xi32>
        %parallel_loop3A_480 = vector.extract %parallel_loop3A_479[0] : i32 from vector<1xi32>
        %parallel_loop3A_481 = arith.constant 2 : i32
        %parallel_loop3A_482 = arith.addi %parallel_loop3A_334, %parallel_loop3A_481 : i32
        %parallel_loop3A_483 = arith.index_cast %parallel_loop3A_482 : i32 to index
        %parallel_loop3A_484 = arith.constant 0 : index
        %parallel_loop3A_485 = tpu.vector_load %arg9[%parallel_loop3A_483, %parallel_loop3A_484] {strides = array<i32>} : memref<256x64xf32, #tpu.memory_space<vmem>>, vector<16xf32>,
        %parallel_loop3A_486 = arith.constant 8.000000e+00 : f32
        %parallel_loop3A_487 = vector.broadcast %parallel_loop3A_486 : f32 to vector<16xf32>
        %parallel_loop3A_488 = arith.mulf %parallel_loop3A_485, %parallel_loop3A_487 : vector<16xf32>
        %parallel_loop3A_489 = arith.index_cast %parallel_loop3A_480 : i32 to index
        %parallel_loop3A_490 = arith.constant 0 : index
        %parallel_loop3A_491 = tpu.vector_load %arg21[%parallel_loop3A_489, %parallel_loop3A_490] {strides = array<i32>} : memref<200x64xf32, #tpu.memory_space<vmem>>, vector<16xf32>,
        %parallel_loop3A_492 = arith.addf %parallel_loop3A_488, %parallel_loop3A_491 : vector<16xf32>
        %parallel_loop3A_493 = arith.constant 2 : i32
        %parallel_loop3A_494 = arith.addi %parallel_loop3A_334, %parallel_loop3A_493 : i32
        %parallel_loop3A_495 = arith.index_cast %parallel_loop3A_494 : i32 to index
        %parallel_loop3A_496 = arith.constant 0 : index
        %parallel_loop3A_497 = tpu.vector_load %arg10[%parallel_loop3A_495, %parallel_loop3A_496] {strides = array<i32>} : memref<256x64xf32, #tpu.memory_space<vmem>>, vector<16xf32>,
        tpu.vector_store %arg10[%parallel_loop3A_495, %parallel_loop3A_496], %parallel_loop3A_492 {strides = array<i32>} : memref<256x64xf32, #tpu.memory_space<vmem>>, vector<16xf32>,
        %parallel_loop3A_498 = arith.constant 2 : i32
        %parallel_loop3A_499 = arith.addi %parallel_loop3A_334, %parallel_loop3A_498 : i32
        %parallel_loop3A_500 = arith.index_cast %parallel_loop3A_499 : i32 to index
        %parallel_loop3A_501 = arith.constant 16 : index
        %parallel_loop3A_502 = tpu.vector_load %arg9[%parallel_loop3A_500, %parallel_loop3A_501] {strides = array<i32>} : memref<256x64xf32, #tpu.memory_space<vmem>>, vector<16xf32>,
        %parallel_loop3A_503 = arith.constant 8.000000e+00 : f32
        %parallel_loop3A_504 = vector.broadcast %parallel_loop3A_503 : f32 to vector<16xf32>
        %parallel_loop3A_505 = arith.mulf %parallel_loop3A_502, %parallel_loop3A_504 : vector<16xf32>
        %parallel_loop3A_506 = arith.index_cast %parallel_loop3A_480 : i32 to index
        %parallel_loop3A_507 = arith.constant 16 : index
        %parallel_loop3A_508 = tpu.vector_load %arg21[%parallel_loop3A_506, %parallel_loop3A_507] {strides = array<i32>} : memref<200x64xf32, #tpu.memory_space<vmem>>, vector<16xf32>,
        %parallel_loop3A_509 = arith.addf %parallel_loop3A_505, %parallel_loop3A_508 : vector<16xf32>
        %parallel_loop3A_510 = arith.constant 2 : i32
        %parallel_loop3A_511 = arith.addi %parallel_loop3A_334, %parallel_loop3A_510 : i32
        %parallel_loop3A_512 = arith.index_cast %parallel_loop3A_511 : i32 to index
        %parallel_loop3A_513 = arith.constant 16 : index
        %parallel_loop3A_514 = tpu.vector_load %arg10[%parallel_loop3A_512, %parallel_loop3A_513] {strides = array<i32>} : memref<256x64xf32, #tpu.memory_space<vmem>>, vector<16xf32>,
        tpu.vector_store %arg10[%parallel_loop3A_512, %parallel_loop3A_513], %parallel_loop3A_509 {strides = array<i32>} : memref<256x64xf32, #tpu.memory_space<vmem>>, vector<16xf32>,
        %parallel_loop3A_515 = arith.constant 2 : i32
        %parallel_loop3A_516 = arith.addi %parallel_loop3A_334, %parallel_loop3A_515 : i32
        %parallel_loop3A_517 = arith.index_cast %parallel_loop3A_516 : i32 to index
        %parallel_loop3A_518 = arith.constant 32 : index
        %parallel_loop3A_519 = tpu.vector_load %arg9[%parallel_loop3A_517, %parallel_loop3A_518] {strides = array<i32>} : memref<256x64xf32, #tpu.memory_space<vmem>>, vector<16xf32>,
        %parallel_loop3A_520 = arith.constant 8.000000e+00 : f32
        %parallel_loop3A_521 = vector.broadcast %parallel_loop3A_520 : f32 to vector<16xf32>
        %parallel_loop3A_522 = arith.mulf %parallel_loop3A_519, %parallel_loop3A_521 : vector<16xf32>
        %parallel_loop3A_523 = arith.index_cast %parallel_loop3A_480 : i32 to index
        %parallel_loop3A_524 = arith.constant 32 : index
        %parallel_loop3A_525 = tpu.vector_load %arg21[%parallel_loop3A_523, %parallel_loop3A_524] {strides = array<i32>} : memref<200x64xf32, #tpu.memory_space<vmem>>, vector<16xf32>,
        %parallel_loop3A_526 = arith.addf %parallel_loop3A_522, %parallel_loop3A_525 : vector<16xf32>
        %parallel_loop3A_527 = arith.constant 2 : i32
        %parallel_loop3A_528 = arith.addi %parallel_loop3A_334, %parallel_loop3A_527 : i32
        %parallel_loop3A_529 = arith.index_cast %parallel_loop3A_528 : i32 to index
        %parallel_loop3A_530 = arith.constant 32 : index
        %parallel_loop3A_531 = tpu.vector_load %arg10[%parallel_loop3A_529, %parallel_loop3A_530] {strides = array<i32>} : memref<256x64xf32, #tpu.memory_space<vmem>>, vector<16xf32>,
        tpu.vector_store %arg10[%parallel_loop3A_529, %parallel_loop3A_530], %parallel_loop3A_526 {strides = array<i32>} : memref<256x64xf32, #tpu.memory_space<vmem>>, vector<16xf32>,
        %parallel_loop3A_532 = arith.constant 2 : i32
        %parallel_loop3A_533 = arith.addi %parallel_loop3A_334, %parallel_loop3A_532 : i32
        %parallel_loop3A_534 = arith.index_cast %parallel_loop3A_533 : i32 to index
        %parallel_loop3A_535 = arith.constant 48 : index
        %parallel_loop3A_536 = tpu.vector_load %arg9[%parallel_loop3A_534, %parallel_loop3A_535] {strides = array<i32>} : memref<256x64xf32, #tpu.memory_space<vmem>>, vector<16xf32>,
        %parallel_loop3A_537 = arith.constant 8.000000e+00 : f32
        %parallel_loop3A_538 = vector.broadcast %parallel_loop3A_537 : f32 to vector<16xf32>
        %parallel_loop3A_539 = arith.mulf %parallel_loop3A_536, %parallel_loop3A_538 : vector<16xf32>
        %parallel_loop3A_540 = arith.index_cast %parallel_loop3A_480 : i32 to index
        %parallel_loop3A_541 = arith.constant 48 : index
        %parallel_loop3A_542 = tpu.vector_load %arg21[%parallel_loop3A_540, %parallel_loop3A_541] {strides = array<i32>} : memref<200x64xf32, #tpu.memory_space<vmem>>, vector<16xf32>,
        %parallel_loop3A_543 = arith.addf %parallel_loop3A_539, %parallel_loop3A_542 : vector<16xf32>
        %parallel_loop3A_544 = arith.constant 2 : i32
        %parallel_loop3A_545 = arith.addi %parallel_loop3A_334, %parallel_loop3A_544 : i32
        %parallel_loop3A_546 = arith.index_cast %parallel_loop3A_545 : i32 to index
        %parallel_loop3A_547 = arith.constant 48 : index
        %parallel_loop3A_548 = tpu.vector_load %arg10[%parallel_loop3A_546, %parallel_loop3A_547] {strides = array<i32>} : memref<256x64xf32, #tpu.memory_space<vmem>>, vector<16xf32>,
        tpu.vector_store %arg10[%parallel_loop3A_546, %parallel_loop3A_547], %parallel_loop3A_543 {strides = array<i32>} : memref<256x64xf32, #tpu.memory_space<vmem>>, vector<16xf32>,
        %parallel_loop3A_549 = vector.extract_strided_slice %parallel_loop3A_338 {offsets = [3], sizes = [1], strides = [1]} : vector<16xi32> to vector<1xi32>
        %parallel_loop3A_550 = vector.extract %parallel_loop3A_549[0] : i32 from vector<1xi32>
        %parallel_loop3A_551 = arith.constant 3 : i32
        %parallel_loop3A_552 = arith.addi %parallel_loop3A_334, %parallel_loop3A_551 : i32
        %parallel_loop3A_553 = arith.index_cast %parallel_loop3A_552 : i32 to index
        %parallel_loop3A_554 = arith.constant 0 : index
        %parallel_loop3A_555 = tpu.vector_load %arg9[%parallel_loop3A_553, %parallel_loop3A_554] {strides = array<i32>} : memref<256x64xf32, #tpu.memory_space<vmem>>, vector<16xf32>,
        %parallel_loop3A_556 = arith.constant 8.000000e+00 : f32
        %parallel_loop3A_557 = vector.broadcast %parallel_loop3A_556 : f32 to vector<16xf32>
        %parallel_loop3A_558 = arith.mulf %parallel_loop3A_555, %parallel_loop3A_557 : vector<16xf32>
        %parallel_loop3A_559 = arith.index_cast %parallel_loop3A_550 : i32 to index
        %parallel_loop3A_560 = arith.constant 0 : index
        %parallel_loop3A_561 = tpu.vector_load %arg21[%parallel_loop3A_559, %parallel_loop3A_560] {strides = array<i32>} : memref<200x64xf32, #tpu.memory_space<vmem>>, vector<16xf32>,
        %parallel_loop3A_562 = arith.addf %parallel_loop3A_558, %parallel_loop3A_561 : vector<16xf32>
        %parallel_loop3A_563 = arith.constant 3 : i32
        %parallel_loop3A_564 = arith.addi %parallel_loop3A_334, %parallel_loop3A_563 : i32
        %parallel_loop3A_565 = arith.index_cast %parallel_loop3A_564 : i32 to index
        %parallel_loop3A_566 = arith.constant 0 : index
        %parallel_loop3A_567 = tpu.vector_load %arg10[%parallel_loop3A_565, %parallel_loop3A_566] {strides = array<i32>} : memref<256x64xf32, #tpu.memory_space<vmem>>, vector<16xf32>,
        tpu.vector_store %arg10[%parallel_loop3A_565, %parallel_loop3A_566], %parallel_loop3A_562 {strides = array<i32>} : memref<256x64xf32, #tpu.memory_space<vmem>>, vector<16xf32>,
        %parallel_loop3A_568 = arith.constant 3 : i32
        %parallel_loop3A_569 = arith.addi %parallel_loop3A_334, %parallel_loop3A_568 : i32
        %parallel_loop3A_570 = arith.index_cast %parallel_loop3A_569 : i32 to index
        %parallel_loop3A_571 = arith.constant 16 : index
        %parallel_loop3A_572 = tpu.vector_load %arg9[%parallel_loop3A_570, %parallel_loop3A_571] {strides = array<i32>} : memref<256x64xf32, #tpu.memory_space<vmem>>, vector<16xf32>,
        %parallel_loop3A_573 = arith.constant 8.000000e+00 : f32
        %parallel_loop3A_574 = vector.broadcast %parallel_loop3A_573 : f32 to vector<16xf32>
        %parallel_loop3A_575 = arith.mulf %parallel_loop3A_572, %parallel_loop3A_574 : vector<16xf32>
        %parallel_loop3A_576 = arith.index_cast %parallel_loop3A_550 : i32 to index
        %parallel_loop3A_577 = arith.constant 16 : index
        %parallel_loop3A_578 = tpu.vector_load %arg21[%parallel_loop3A_576, %parallel_loop3A_577] {strides = array<i32>} : memref<200x64xf32, #tpu.memory_space<vmem>>, vector<16xf32>,
        %parallel_loop3A_579 = arith.addf %parallel_loop3A_575, %parallel_loop3A_578 : vector<16xf32>
        %parallel_loop3A_580 = arith.constant 3 : i32
        %parallel_loop3A_581 = arith.addi %parallel_loop3A_334, %parallel_loop3A_580 : i32
        %parallel_loop3A_582 = arith.index_cast %parallel_loop3A_581 : i32 to index
        %parallel_loop3A_583 = arith.constant 16 : index
        %parallel_loop3A_584 = tpu.vector_load %arg10[%parallel_loop3A_582, %parallel_loop3A_583] {strides = array<i32>} : memref<256x64xf32, #tpu.memory_space<vmem>>, vector<16xf32>,
        tpu.vector_store %arg10[%parallel_loop3A_582, %parallel_loop3A_583], %parallel_loop3A_579 {strides = array<i32>} : memref<256x64xf32, #tpu.memory_space<vmem>>, vector<16xf32>,
        %parallel_loop3A_585 = arith.constant 3 : i32
        %parallel_loop3A_586 = arith.addi %parallel_loop3A_334, %parallel_loop3A_585 : i32
        %parallel_loop3A_587 = arith.index_cast %parallel_loop3A_586 : i32 to index
        %parallel_loop3A_588 = arith.constant 32 : index
        %parallel_loop3A_589 = tpu.vector_load %arg9[%parallel_loop3A_587, %parallel_loop3A_588] {strides = array<i32>} : memref<256x64xf32, #tpu.memory_space<vmem>>, vector<16xf32>,
        %parallel_loop3A_590 = arith.constant 8.000000e+00 : f32
        %parallel_loop3A_591 = vector.broadcast %parallel_loop3A_590 : f32 to vector<16xf32>
        %parallel_loop3A_592 = arith.mulf %parallel_loop3A_589, %parallel_loop3A_591 : vector<16xf32>
        %parallel_loop3A_593 = arith.index_cast %parallel_loop3A_550 : i32 to index
        %parallel_loop3A_594 = arith.constant 32 : index
        %parallel_loop3A_595 = tpu.vector_load %arg21[%parallel_loop3A_593, %parallel_loop3A_594] {strides = array<i32>} : memref<200x64xf32, #tpu.memory_space<vmem>>, vector<16xf32>,
        %parallel_loop3A_596 = arith.addf %parallel_loop3A_592, %parallel_loop3A_595 : vector<16xf32>
        %parallel_loop3A_597 = arith.constant 3 : i32
        %parallel_loop3A_598 = arith.addi %parallel_loop3A_334, %parallel_loop3A_597 : i32
        %parallel_loop3A_599 = arith.index_cast %parallel_loop3A_598 : i32 to index
        %parallel_loop3A_600 = arith.constant 32 : index
        %parallel_loop3A_601 = tpu.vector_load %arg10[%parallel_loop3A_599, %parallel_loop3A_600] {strides = array<i32>} : memref<256x64xf32, #tpu.memory_space<vmem>>, vector<16xf32>,
        tpu.vector_store %arg10[%parallel_loop3A_599, %parallel_loop3A_600], %parallel_loop3A_596 {strides = array<i32>} : memref<256x64xf32, #tpu.memory_space<vmem>>, vector<16xf32>,
        %parallel_loop3A_602 = arith.constant 3 : i32
        %parallel_loop3A_603 = arith.addi %parallel_loop3A_334, %parallel_loop3A_602 : i32
        %parallel_loop3A_604 = arith.index_cast %parallel_loop3A_603 : i32 to index
        %parallel_loop3A_605 = arith.constant 48 : index
        %parallel_loop3A_606 = tpu.vector_load %arg9[%parallel_loop3A_604, %parallel_loop3A_605] {strides = array<i32>} : memref<256x64xf32, #tpu.memory_space<vmem>>, vector<16xf32>,
        %parallel_loop3A_607 = arith.constant 8.000000e+00 : f32
        %parallel_loop3A_608 = vector.broadcast %parallel_loop3A_607 : f32 to vector<16xf32>
        %parallel_loop3A_609 = arith.mulf %parallel_loop3A_606, %parallel_loop3A_608 : vector<16xf32>
        %parallel_loop3A_610 = arith.index_cast %parallel_loop3A_550 : i32 to index
        %parallel_loop3A_611 = arith.constant 48 : index
        %parallel_loop3A_612 = tpu.vector_load %arg21[%parallel_loop3A_610, %parallel_loop3A_611] {strides = array<i32>} : memref<200x64xf32, #tpu.memory_space<vmem>>, vector<16xf32>,
        %parallel_loop3A_613 = arith.addf %parallel_loop3A_609, %parallel_loop3A_612 : vector<16xf32>
        %parallel_loop3A_614 = arith.constant 3 : i32
        %parallel_loop3A_615 = arith.addi %parallel_loop3A_334, %parallel_loop3A_614 : i32
        %parallel_loop3A_616 = arith.index_cast %parallel_loop3A_615 : i32 to index
        %parallel_loop3A_617 = arith.constant 48 : index
        %parallel_loop3A_618 = tpu.vector_load %arg10[%parallel_loop3A_616, %parallel_loop3A_617] {strides = array<i32>} : memref<256x64xf32, #tpu.memory_space<vmem>>, vector<16xf32>,
        tpu.vector_store %arg10[%parallel_loop3A_616, %parallel_loop3A_617], %parallel_loop3A_613 {strides = array<i32>} : memref<256x64xf32, #tpu.memory_space<vmem>>, vector<16xf32>,
        %parallel_loop3A_619 = vector.extract_strided_slice %parallel_loop3A_338 {offsets = [4], sizes = [1], strides = [1]} : vector<16xi32> to vector<1xi32>
        %parallel_loop3A_620 = vector.extract %parallel_loop3A_619[0] : i32 from vector<1xi32>
        %parallel_loop3A_621 = arith.constant 4 : i32
        %parallel_loop3A_622 = arith.addi %parallel_loop3A_334, %parallel_loop3A_621 : i32
        %parallel_loop3A_623 = arith.index_cast %parallel_loop3A_622 : i32 to index
        %parallel_loop3A_624 = arith.constant 0 : index
        %parallel_loop3A_625 = tpu.vector_load %arg9[%parallel_loop3A_623, %parallel_loop3A_624] {strides = array<i32>} : memref<256x64xf32, #tpu.memory_space<vmem>>, vector<16xf32>,
        %parallel_loop3A_626 = arith.constant 8.000000e+00 : f32
        %parallel_loop3A_627 = vector.broadcast %parallel_loop3A_626 : f32 to vector<16xf32>
        %parallel_loop3A_628 = arith.mulf %parallel_loop3A_625, %parallel_loop3A_627 : vector<16xf32>
        %parallel_loop3A_629 = arith.index_cast %parallel_loop3A_620 : i32 to index
        %parallel_loop3A_630 = arith.constant 0 : index
        %parallel_loop3A_631 = tpu.vector_load %arg21[%parallel_loop3A_629, %parallel_loop3A_630] {strides = array<i32>} : memref<200x64xf32, #tpu.memory_space<vmem>>, vector<16xf32>,
        %parallel_loop3A_632 = arith.addf %parallel_loop3A_628, %parallel_loop3A_631 : vector<16xf32>
        %parallel_loop3A_633 = arith.constant 4 : i32
        %parallel_loop3A_634 = arith.addi %parallel_loop3A_334, %parallel_loop3A_633 : i32
        %parallel_loop3A_635 = arith.index_cast %parallel_loop3A_634 : i32 to index
        %parallel_loop3A_636 = arith.constant 0 : index
        %parallel_loop3A_637 = tpu.vector_load %arg10[%parallel_loop3A_635, %parallel_loop3A_636] {strides = array<i32>} : memref<256x64xf32, #tpu.memory_space<vmem>>, vector<16xf32>,
        tpu.vector_store %arg10[%parallel_loop3A_635, %parallel_loop3A_636], %parallel_loop3A_632 {strides = array<i32>} : memref<256x64xf32, #tpu.memory_space<vmem>>, vector<16xf32>,
        %parallel_loop3A_638 = arith.constant 4 : i32
        %parallel_loop3A_639 = arith.addi %parallel_loop3A_334, %parallel_loop3A_638 : i32
        %parallel_loop3A_640 = arith.index_cast %parallel_loop3A_639 : i32 to index
        %parallel_loop3A_641 = arith.constant 16 : index
        %parallel_loop3A_642 = tpu.vector_load %arg9[%parallel_loop3A_640, %parallel_loop3A_641] {strides = array<i32>} : memref<256x64xf32, #tpu.memory_space<vmem>>, vector<16xf32>,
        %parallel_loop3A_643 = arith.constant 8.000000e+00 : f32
        %parallel_loop3A_644 = vector.broadcast %parallel_loop3A_643 : f32 to vector<16xf32>
        %parallel_loop3A_645 = arith.mulf %parallel_loop3A_642, %parallel_loop3A_644 : vector<16xf32>
        %parallel_loop3A_646 = arith.index_cast %parallel_loop3A_620 : i32 to index
        %parallel_loop3A_647 = arith.constant 16 : index
        %parallel_loop3A_648 = tpu.vector_load %arg21[%parallel_loop3A_646, %parallel_loop3A_647] {strides = array<i32>} : memref<200x64xf32, #tpu.memory_space<vmem>>, vector<16xf32>,
        %parallel_loop3A_649 = arith.addf %parallel_loop3A_645, %parallel_loop3A_648 : vector<16xf32>
        %parallel_loop3A_650 = arith.constant 4 : i32
        %parallel_loop3A_651 = arith.addi %parallel_loop3A_334, %parallel_loop3A_650 : i32
        %parallel_loop3A_652 = arith.index_cast %parallel_loop3A_651 : i32 to index
        %parallel_loop3A_653 = arith.constant 16 : index
        %parallel_loop3A_654 = tpu.vector_load %arg10[%parallel_loop3A_652, %parallel_loop3A_653] {strides = array<i32>} : memref<256x64xf32, #tpu.memory_space<vmem>>, vector<16xf32>,
        tpu.vector_store %arg10[%parallel_loop3A_652, %parallel_loop3A_653], %parallel_loop3A_649 {strides = array<i32>} : memref<256x64xf32, #tpu.memory_space<vmem>>, vector<16xf32>,
        %parallel_loop3A_655 = arith.constant 4 : i32
        %parallel_loop3A_656 = arith.addi %parallel_loop3A_334, %parallel_loop3A_655 : i32
        %parallel_loop3A_657 = arith.index_cast %parallel_loop3A_656 : i32 to index
        %parallel_loop3A_658 = arith.constant 32 : index
        %parallel_loop3A_659 = tpu.vector_load %arg9[%parallel_loop3A_657, %parallel_loop3A_658] {strides = array<i32>} : memref<256x64xf32, #tpu.memory_space<vmem>>, vector<16xf32>,
        %parallel_loop3A_660 = arith.constant 8.000000e+00 : f32
        %parallel_loop3A_661 = vector.broadcast %parallel_loop3A_660 : f32 to vector<16xf32>
        %parallel_loop3A_662 = arith.mulf %parallel_loop3A_659, %parallel_loop3A_661 : vector<16xf32>
        %parallel_loop3A_663 = arith.index_cast %parallel_loop3A_620 : i32 to index
        %parallel_loop3A_664 = arith.constant 32 : index
        %parallel_loop3A_665 = tpu.vector_load %arg21[%parallel_loop3A_663, %parallel_loop3A_664] {strides = array<i32>} : memref<200x64xf32, #tpu.memory_space<vmem>>, vector<16xf32>,
        %parallel_loop3A_666 = arith.addf %parallel_loop3A_662, %parallel_loop3A_665 : vector<16xf32>
        %parallel_loop3A_667 = arith.constant 4 : i32
        %parallel_loop3A_668 = arith.addi %parallel_loop3A_334, %parallel_loop3A_667 : i32
        %parallel_loop3A_669 = arith.index_cast %parallel_loop3A_668 : i32 to index
        %parallel_loop3A_670 = arith.constant 32 : index
        %parallel_loop3A_671 = tpu.vector_load %arg10[%parallel_loop3A_669, %parallel_loop3A_670] {strides = array<i32>} : memref<256x64xf32, #tpu.memory_space<vmem>>, vector<16xf32>,
        tpu.vector_store %arg10[%parallel_loop3A_669, %parallel_loop3A_670], %parallel_loop3A_666 {strides = array<i32>} : memref<256x64xf32, #tpu.memory_space<vmem>>, vector<16xf32>,
        %parallel_loop3A_672 = arith.constant 4 : i32
        %parallel_loop3A_673 = arith.addi %parallel_loop3A_334, %parallel_loop3A_672 : i32
        %parallel_loop3A_674 = arith.index_cast %parallel_loop3A_673 : i32 to index
        %parallel_loop3A_675 = arith.constant 48 : index
        %parallel_loop3A_676 = tpu.vector_load %arg9[%parallel_loop3A_674, %parallel_loop3A_675] {strides = array<i32>} : memref<256x64xf32, #tpu.memory_space<vmem>>, vector<16xf32>,
        %parallel_loop3A_677 = arith.constant 8.000000e+00 : f32
        %parallel_loop3A_678 = vector.broadcast %parallel_loop3A_677 : f32 to vector<16xf32>
        %parallel_loop3A_679 = arith.mulf %parallel_loop3A_676, %parallel_loop3A_678 : vector<16xf32>
        %parallel_loop3A_680 = arith.index_cast %parallel_loop3A_620 : i32 to index
        %parallel_loop3A_681 = arith.constant 48 : index
        %parallel_loop3A_682 = tpu.vector_load %arg21[%parallel_loop3A_680, %parallel_loop3A_681] {strides = array<i32>} : memref<200x64xf32, #tpu.memory_space<vmem>>, vector<16xf32>,
        %parallel_loop3A_683 = arith.addf %parallel_loop3A_679, %parallel_loop3A_682 : vector<16xf32>
        %parallel_loop3A_684 = arith.constant 4 : i32
        %parallel_loop3A_685 = arith.addi %parallel_loop3A_334, %parallel_loop3A_684 : i32
        %parallel_loop3A_686 = arith.index_cast %parallel_loop3A_685 : i32 to index
        %parallel_loop3A_687 = arith.constant 48 : index
        %parallel_loop3A_688 = tpu.vector_load %arg10[%parallel_loop3A_686, %parallel_loop3A_687] {strides = array<i32>} : memref<256x64xf32, #tpu.memory_space<vmem>>, vector<16xf32>,
        tpu.vector_store %arg10[%parallel_loop3A_686, %parallel_loop3A_687], %parallel_loop3A_683 {strides = array<i32>} : memref<256x64xf32, #tpu.memory_space<vmem>>, vector<16xf32>,
        %parallel_loop3A_689 = vector.extract_strided_slice %parallel_loop3A_338 {offsets = [5], sizes = [1], strides = [1]} : vector<16xi32> to vector<1xi32>
        %parallel_loop3A_690 = vector.extract %parallel_loop3A_689[0] : i32 from vector<1xi32>
        %parallel_loop3A_691 = arith.constant 5 : i32
        %parallel_loop3A_692 = arith.addi %parallel_loop3A_334, %parallel_loop3A_691 : i32
        %parallel_loop3A_693 = arith.index_cast %parallel_loop3A_692 : i32 to index
        %parallel_loop3A_694 = arith.constant 0 : index
        %parallel_loop3A_695 = tpu.vector_load %arg9[%parallel_loop3A_693, %parallel_loop3A_694] {strides = array<i32>} : memref<256x64xf32, #tpu.memory_space<vmem>>, vector<16xf32>,
        %parallel_loop3A_696 = arith.constant 8.000000e+00 : f32
        %parallel_loop3A_697 = vector.broadcast %parallel_loop3A_696 : f32 to vector<16xf32>
        %parallel_loop3A_698 = arith.mulf %parallel_loop3A_695, %parallel_loop3A_697 : vector<16xf32>
        %parallel_loop3A_699 = arith.index_cast %parallel_loop3A_690 : i32 to index
        %parallel_loop3A_700 = arith.constant 0 : index
        %parallel_loop3A_701 = tpu.vector_load %arg21[%parallel_loop3A_699, %parallel_loop3A_700] {strides = array<i32>} : memref<200x64xf32, #tpu.memory_space<vmem>>, vector<16xf32>,
        %parallel_loop3A_702 = arith.addf %parallel_loop3A_698, %parallel_loop3A_701 : vector<16xf32>
        %parallel_loop3A_703 = arith.constant 5 : i32
        %parallel_loop3A_704 = arith.addi %parallel_loop3A_334, %parallel_loop3A_703 : i32
        %parallel_loop3A_705 = arith.index_cast %parallel_loop3A_704 : i32 to index
        %parallel_loop3A_706 = arith.constant 0 : index
        %parallel_loop3A_707 = tpu.vector_load %arg10[%parallel_loop3A_705, %parallel_loop3A_706] {strides = array<i32>} : memref<256x64xf32, #tpu.memory_space<vmem>>, vector<16xf32>,
        tpu.vector_store %arg10[%parallel_loop3A_705, %parallel_loop3A_706], %parallel_loop3A_702 {strides = array<i32>} : memref<256x64xf32, #tpu.memory_space<vmem>>, vector<16xf32>,
        %parallel_loop3A_708 = arith.constant 5 : i32
        %parallel_loop3A_709 = arith.addi %parallel_loop3A_334, %parallel_loop3A_708 : i32
        %parallel_loop3A_710 = arith.index_cast %parallel_loop3A_709 : i32 to index
        %parallel_loop3A_711 = arith.constant 16 : index
        %parallel_loop3A_712 = tpu.vector_load %arg9[%parallel_loop3A_710, %parallel_loop3A_711] {strides = array<i32>} : memref<256x64xf32, #tpu.memory_space<vmem>>, vector<16xf32>,
        %parallel_loop3A_713 = arith.constant 8.000000e+00 : f32
        %parallel_loop3A_714 = vector.broadcast %parallel_loop3A_713 : f32 to vector<16xf32>
        %parallel_loop3A_715 = arith.mulf %parallel_loop3A_712, %parallel_loop3A_714 : vector<16xf32>
        %parallel_loop3A_716 = arith.index_cast %parallel_loop3A_690 : i32 to index
        %parallel_loop3A_717 = arith.constant 16 : index
        %parallel_loop3A_718 = tpu.vector_load %arg21[%parallel_loop3A_716, %parallel_loop3A_717] {strides = array<i32>} : memref<200x64xf32, #tpu.memory_space<vmem>>, vector<16xf32>,
        %parallel_loop3A_719 = arith.addf %parallel_loop3A_715, %parallel_loop3A_718 : vector<16xf32>
        %parallel_loop3A_720 = arith.constant 5 : i32
        %parallel_loop3A_721 = arith.addi %parallel_loop3A_334, %parallel_loop3A_720 : i32
        %parallel_loop3A_722 = arith.index_cast %parallel_loop3A_721 : i32 to index
        %parallel_loop3A_723 = arith.constant 16 : index
        %parallel_loop3A_724 = tpu.vector_load %arg10[%parallel_loop3A_722, %parallel_loop3A_723] {strides = array<i32>} : memref<256x64xf32, #tpu.memory_space<vmem>>, vector<16xf32>,
        tpu.vector_store %arg10[%parallel_loop3A_722, %parallel_loop3A_723], %parallel_loop3A_719 {strides = array<i32>} : memref<256x64xf32, #tpu.memory_space<vmem>>, vector<16xf32>,
        %parallel_loop3A_725 = arith.constant 5 : i32
        %parallel_loop3A_726 = arith.addi %parallel_loop3A_334, %parallel_loop3A_725 : i32
        %parallel_loop3A_727 = arith.index_cast %parallel_loop3A_726 : i32 to index
        %parallel_loop3A_728 = arith.constant 32 : index
        %parallel_loop3A_729 = tpu.vector_load %arg9[%parallel_loop3A_727, %parallel_loop3A_728] {strides = array<i32>} : memref<256x64xf32, #tpu.memory_space<vmem>>, vector<16xf32>,
        %parallel_loop3A_730 = arith.constant 8.000000e+00 : f32
        %parallel_loop3A_731 = vector.broadcast %parallel_loop3A_730 : f32 to vector<16xf32>
        %parallel_loop3A_732 = arith.mulf %parallel_loop3A_729, %parallel_loop3A_731 : vector<16xf32>
        %parallel_loop3A_733 = arith.index_cast %parallel_loop3A_690 : i32 to index
        %parallel_loop3A_734 = arith.constant 32 : index
        %parallel_loop3A_735 = tpu.vector_load %arg21[%parallel_loop3A_733, %parallel_loop3A_734] {strides = array<i32>} : memref<200x64xf32, #tpu.memory_space<vmem>>, vector<16xf32>,
        %parallel_loop3A_736 = arith.addf %parallel_loop3A_732, %parallel_loop3A_735 : vector<16xf32>
        %parallel_loop3A_737 = arith.constant 5 : i32
        %parallel_loop3A_738 = arith.addi %parallel_loop3A_334, %parallel_loop3A_737 : i32
        %parallel_loop3A_739 = arith.index_cast %parallel_loop3A_738 : i32 to index
        %parallel_loop3A_740 = arith.constant 32 : index
        %parallel_loop3A_741 = tpu.vector_load %arg10[%parallel_loop3A_739, %parallel_loop3A_740] {strides = array<i32>} : memref<256x64xf32, #tpu.memory_space<vmem>>, vector<16xf32>,
        tpu.vector_store %arg10[%parallel_loop3A_739, %parallel_loop3A_740], %parallel_loop3A_736 {strides = array<i32>} : memref<256x64xf32, #tpu.memory_space<vmem>>, vector<16xf32>,
        %parallel_loop3A_742 = arith.constant 5 : i32
        %parallel_loop3A_743 = arith.addi %parallel_loop3A_334, %parallel_loop3A_742 : i32
        %parallel_loop3A_744 = arith.index_cast %parallel_loop3A_743 : i32 to index
        %parallel_loop3A_745 = arith.constant 48 : index
        %parallel_loop3A_746 = tpu.vector_load %arg9[%parallel_loop3A_744, %parallel_loop3A_745] {strides = array<i32>} : memref<256x64xf32, #tpu.memory_space<vmem>>, vector<16xf32>,
        %parallel_loop3A_747 = arith.constant 8.000000e+00 : f32
        %parallel_loop3A_748 = vector.broadcast %parallel_loop3A_747 : f32 to vector<16xf32>
        %parallel_loop3A_749 = arith.mulf %parallel_loop3A_746, %parallel_loop3A_748 : vector<16xf32>
        %parallel_loop3A_750 = arith.index_cast %parallel_loop3A_690 : i32 to index
        %parallel_loop3A_751 = arith.constant 48 : index
        %parallel_loop3A_752 = tpu.vector_load %arg21[%parallel_loop3A_750, %parallel_loop3A_751] {strides = array<i32>} : memref<200x64xf32, #tpu.memory_space<vmem>>, vector<16xf32>,
        %parallel_loop3A_753 = arith.addf %parallel_loop3A_749, %parallel_loop3A_752 : vector<16xf32>
        %parallel_loop3A_754 = arith.constant 5 : i32
        %parallel_loop3A_755 = arith.addi %parallel_loop3A_334, %parallel_loop3A_754 : i32
        %parallel_loop3A_756 = arith.index_cast %parallel_loop3A_755 : i32 to index
        %parallel_loop3A_757 = arith.constant 48 : index
        %parallel_loop3A_758 = tpu.vector_load %arg10[%parallel_loop3A_756, %parallel_loop3A_757] {strides = array<i32>} : memref<256x64xf32, #tpu.memory_space<vmem>>, vector<16xf32>,
        tpu.vector_store %arg10[%parallel_loop3A_756, %parallel_loop3A_757], %parallel_loop3A_753 {strides = array<i32>} : memref<256x64xf32, #tpu.memory_space<vmem>>, vector<16xf32>,
        %parallel_loop3A_759 = vector.extract_strided_slice %parallel_loop3A_338 {offsets = [6], sizes = [1], strides = [1]} : vector<16xi32> to vector<1xi32>
        %parallel_loop3A_760 = vector.extract %parallel_loop3A_759[0] : i32 from vector<1xi32>
        %parallel_loop3A_761 = arith.constant 6 : i32
        %parallel_loop3A_762 = arith.addi %parallel_loop3A_334, %parallel_loop3A_761 : i32
        %parallel_loop3A_763 = arith.index_cast %parallel_loop3A_762 : i32 to index
        %parallel_loop3A_764 = arith.constant 0 : index
        %parallel_loop3A_765 = tpu.vector_load %arg9[%parallel_loop3A_763, %parallel_loop3A_764] {strides = array<i32>} : memref<256x64xf32, #tpu.memory_space<vmem>>, vector<16xf32>,
        %parallel_loop3A_766 = arith.constant 8.000000e+00 : f32
        %parallel_loop3A_767 = vector.broadcast %parallel_loop3A_766 : f32 to vector<16xf32>
        %parallel_loop3A_768 = arith.mulf %parallel_loop3A_765, %parallel_loop3A_767 : vector<16xf32>
        %parallel_loop3A_769 = arith.index_cast %parallel_loop3A_760 : i32 to index
        %parallel_loop3A_770 = arith.constant 0 : index
        %parallel_loop3A_771 = tpu.vector_load %arg21[%parallel_loop3A_769, %parallel_loop3A_770] {strides = array<i32>} : memref<200x64xf32, #tpu.memory_space<vmem>>, vector<16xf32>,
        %parallel_loop3A_772 = arith.addf %parallel_loop3A_768, %parallel_loop3A_771 : vector<16xf32>
        %parallel_loop3A_773 = arith.constant 6 : i32
        %parallel_loop3A_774 = arith.addi %parallel_loop3A_334, %parallel_loop3A_773 : i32
        %parallel_loop3A_775 = arith.index_cast %parallel_loop3A_774 : i32 to index
        %parallel_loop3A_776 = arith.constant 0 : index
        %parallel_loop3A_777 = tpu.vector_load %arg10[%parallel_loop3A_775, %parallel_loop3A_776] {strides = array<i32>} : memref<256x64xf32, #tpu.memory_space<vmem>>, vector<16xf32>,
        tpu.vector_store %arg10[%parallel_loop3A_775, %parallel_loop3A_776], %parallel_loop3A_772 {strides = array<i32>} : memref<256x64xf32, #tpu.memory_space<vmem>>, vector<16xf32>,
        %parallel_loop3A_778 = arith.constant 6 : i32
        %parallel_loop3A_779 = arith.addi %parallel_loop3A_334, %parallel_loop3A_778 : i32
        %parallel_loop3A_780 = arith.index_cast %parallel_loop3A_779 : i32 to index
        %parallel_loop3A_781 = arith.constant 16 : index
        %parallel_loop3A_782 = tpu.vector_load %arg9[%parallel_loop3A_780, %parallel_loop3A_781] {strides = array<i32>} : memref<256x64xf32, #tpu.memory_space<vmem>>, vector<16xf32>,
        %parallel_loop3A_783 = arith.constant 8.000000e+00 : f32
        %parallel_loop3A_784 = vector.broadcast %parallel_loop3A_783 : f32 to vector<16xf32>
        %parallel_loop3A_785 = arith.mulf %parallel_loop3A_782, %parallel_loop3A_784 : vector<16xf32>
        %parallel_loop3A_786 = arith.index_cast %parallel_loop3A_760 : i32 to index
        %parallel_loop3A_787 = arith.constant 16 : index
        %parallel_loop3A_788 = tpu.vector_load %arg21[%parallel_loop3A_786, %parallel_loop3A_787] {strides = array<i32>} : memref<200x64xf32, #tpu.memory_space<vmem>>, vector<16xf32>,
        %parallel_loop3A_789 = arith.addf %parallel_loop3A_785, %parallel_loop3A_788 : vector<16xf32>
        %parallel_loop3A_790 = arith.constant 6 : i32
        %parallel_loop3A_791 = arith.addi %parallel_loop3A_334, %parallel_loop3A_790 : i32
        %parallel_loop3A_792 = arith.index_cast %parallel_loop3A_791 : i32 to index
        %parallel_loop3A_793 = arith.constant 16 : index
        %parallel_loop3A_794 = tpu.vector_load %arg10[%parallel_loop3A_792, %parallel_loop3A_793] {strides = array<i32>} : memref<256x64xf32, #tpu.memory_space<vmem>>, vector<16xf32>,
        tpu.vector_store %arg10[%parallel_loop3A_792, %parallel_loop3A_793], %parallel_loop3A_789 {strides = array<i32>} : memref<256x64xf32, #tpu.memory_space<vmem>>, vector<16xf32>,
        %parallel_loop3A_795 = arith.constant 6 : i32
        %parallel_loop3A_796 = arith.addi %parallel_loop3A_334, %parallel_loop3A_795 : i32
        %parallel_loop3A_797 = arith.index_cast %parallel_loop3A_796 : i32 to index
        %parallel_loop3A_798 = arith.constant 32 : index
        %parallel_loop3A_799 = tpu.vector_load %arg9[%parallel_loop3A_797, %parallel_loop3A_798] {strides = array<i32>} : memref<256x64xf32, #tpu.memory_space<vmem>>, vector<16xf32>,
        %parallel_loop3A_800 = arith.constant 8.000000e+00 : f32
        %parallel_loop3A_801 = vector.broadcast %parallel_loop3A_800 : f32 to vector<16xf32>
        %parallel_loop3A_802 = arith.mulf %parallel_loop3A_799, %parallel_loop3A_801 : vector<16xf32>
        %parallel_loop3A_803 = arith.index_cast %parallel_loop3A_760 : i32 to index
        %parallel_loop3A_804 = arith.constant 32 : index
        %parallel_loop3A_805 = tpu.vector_load %arg21[%parallel_loop3A_803, %parallel_loop3A_804] {strides = array<i32>} : memref<200x64xf32, #tpu.memory_space<vmem>>, vector<16xf32>,
        %parallel_loop3A_806 = arith.addf %parallel_loop3A_802, %parallel_loop3A_805 : vector<16xf32>
        %parallel_loop3A_807 = arith.constant 6 : i32
        %parallel_loop3A_808 = arith.addi %parallel_loop3A_334, %parallel_loop3A_807 : i32
        %parallel_loop3A_809 = arith.index_cast %parallel_loop3A_808 : i32 to index
        %parallel_loop3A_810 = arith.constant 32 : index
        %parallel_loop3A_811 = tpu.vector_load %arg10[%parallel_loop3A_809, %parallel_loop3A_810] {strides = array<i32>} : memref<256x64xf32, #tpu.memory_space<vmem>>, vector<16xf32>,
        tpu.vector_store %arg10[%parallel_loop3A_809, %parallel_loop3A_810], %parallel_loop3A_806 {strides = array<i32>} : memref<256x64xf32, #tpu.memory_space<vmem>>, vector<16xf32>,
        %parallel_loop3A_812 = arith.constant 6 : i32
        %parallel_loop3A_813 = arith.addi %parallel_loop3A_334, %parallel_loop3A_812 : i32
        %parallel_loop3A_814 = arith.index_cast %parallel_loop3A_813 : i32 to index
        %parallel_loop3A_815 = arith.constant 48 : index
        %parallel_loop3A_816 = tpu.vector_load %arg9[%parallel_loop3A_814, %parallel_loop3A_815] {strides = array<i32>} : memref<256x64xf32, #tpu.memory_space<vmem>>, vector<16xf32>,
        %parallel_loop3A_817 = arith.constant 8.000000e+00 : f32
        %parallel_loop3A_818 = vector.broadcast %parallel_loop3A_817 : f32 to vector<16xf32>
        %parallel_loop3A_819 = arith.mulf %parallel_loop3A_816, %parallel_loop3A_818 : vector<16xf32>
        %parallel_loop3A_820 = arith.index_cast %parallel_loop3A_760 : i32 to index
        %parallel_loop3A_821 = arith.constant 48 : index
        %parallel_loop3A_822 = tpu.vector_load %arg21[%parallel_loop3A_820, %parallel_loop3A_821] {strides = array<i32>} : memref<200x64xf32, #tpu.memory_space<vmem>>, vector<16xf32>,
        %parallel_loop3A_823 = arith.addf %parallel_loop3A_819, %parallel_loop3A_822 : vector<16xf32>
        %parallel_loop3A_824 = arith.constant 6 : i32
        %parallel_loop3A_825 = arith.addi %parallel_loop3A_334, %parallel_loop3A_824 : i32
        %parallel_loop3A_826 = arith.index_cast %parallel_loop3A_825 : i32 to index
        %parallel_loop3A_827 = arith.constant 48 : index
        %parallel_loop3A_828 = tpu.vector_load %arg10[%parallel_loop3A_826, %parallel_loop3A_827] {strides = array<i32>} : memref<256x64xf32, #tpu.memory_space<vmem>>, vector<16xf32>,
        tpu.vector_store %arg10[%parallel_loop3A_826, %parallel_loop3A_827], %parallel_loop3A_823 {strides = array<i32>} : memref<256x64xf32, #tpu.memory_space<vmem>>, vector<16xf32>,
        %parallel_loop3A_829 = vector.extract_strided_slice %parallel_loop3A_338 {offsets = [7], sizes = [1], strides = [1]} : vector<16xi32> to vector<1xi32>
        %parallel_loop3A_830 = vector.extract %parallel_loop3A_829[0] : i32 from vector<1xi32>
        %parallel_loop3A_831 = arith.constant 7 : i32
        %parallel_loop3A_832 = arith.addi %parallel_loop3A_334, %parallel_loop3A_831 : i32
        %parallel_loop3A_833 = arith.index_cast %parallel_loop3A_832 : i32 to index
        %parallel_loop3A_834 = arith.constant 0 : index
        %parallel_loop3A_835 = tpu.vector_load %arg9[%parallel_loop3A_833, %parallel_loop3A_834] {strides = array<i32>} : memref<256x64xf32, #tpu.memory_space<vmem>>, vector<16xf32>,
        %parallel_loop3A_836 = arith.constant 8.000000e+00 : f32
        %parallel_loop3A_837 = vector.broadcast %parallel_loop3A_836 : f32 to vector<16xf32>
        %parallel_loop3A_838 = arith.mulf %parallel_loop3A_835, %parallel_loop3A_837 : vector<16xf32>
        %parallel_loop3A_839 = arith.index_cast %parallel_loop3A_830 : i32 to index
        %parallel_loop3A_840 = arith.constant 0 : index
        %parallel_loop3A_841 = tpu.vector_load %arg21[%parallel_loop3A_839, %parallel_loop3A_840] {strides = array<i32>} : memref<200x64xf32, #tpu.memory_space<vmem>>, vector<16xf32>,
        %parallel_loop3A_842 = arith.addf %parallel_loop3A_838, %parallel_loop3A_841 : vector<16xf32>
        %parallel_loop3A_843 = arith.constant 7 : i32
        %parallel_loop3A_844 = arith.addi %parallel_loop3A_334, %parallel_loop3A_843 : i32
        %parallel_loop3A_845 = arith.index_cast %parallel_loop3A_844 : i32 to index
        %parallel_loop3A_846 = arith.constant 0 : index
        %parallel_loop3A_847 = tpu.vector_load %arg10[%parallel_loop3A_845, %parallel_loop3A_846] {strides = array<i32>} : memref<256x64xf32, #tpu.memory_space<vmem>>, vector<16xf32>,
        tpu.vector_store %arg10[%parallel_loop3A_845, %parallel_loop3A_846], %parallel_loop3A_842 {strides = array<i32>} : memref<256x64xf32, #tpu.memory_space<vmem>>, vector<16xf32>,
        %parallel_loop3A_848 = arith.constant 7 : i32
        %parallel_loop3A_849 = arith.addi %parallel_loop3A_334, %parallel_loop3A_848 : i32
        %parallel_loop3A_850 = arith.index_cast %parallel_loop3A_849 : i32 to index
        %parallel_loop3A_851 = arith.constant 16 : index
        %parallel_loop3A_852 = tpu.vector_load %arg9[%parallel_loop3A_850, %parallel_loop3A_851] {strides = array<i32>} : memref<256x64xf32, #tpu.memory_space<vmem>>, vector<16xf32>,
        %parallel_loop3A_853 = arith.constant 8.000000e+00 : f32
        %parallel_loop3A_854 = vector.broadcast %parallel_loop3A_853 : f32 to vector<16xf32>
        %parallel_loop3A_855 = arith.mulf %parallel_loop3A_852, %parallel_loop3A_854 : vector<16xf32>
        %parallel_loop3A_856 = arith.index_cast %parallel_loop3A_830 : i32 to index
        %parallel_loop3A_857 = arith.constant 16 : index
        %parallel_loop3A_858 = tpu.vector_load %arg21[%parallel_loop3A_856, %parallel_loop3A_857] {strides = array<i32>} : memref<200x64xf32, #tpu.memory_space<vmem>>, vector<16xf32>,
        %parallel_loop3A_859 = arith.addf %parallel_loop3A_855, %parallel_loop3A_858 : vector<16xf32>
        %parallel_loop3A_860 = arith.constant 7 : i32
        %parallel_loop3A_861 = arith.addi %parallel_loop3A_334, %parallel_loop3A_860 : i32
        %parallel_loop3A_862 = arith.index_cast %parallel_loop3A_861 : i32 to index
        %parallel_loop3A_863 = arith.constant 16 : index
        %parallel_loop3A_864 = tpu.vector_load %arg10[%parallel_loop3A_862, %parallel_loop3A_863] {strides = array<i32>} : memref<256x64xf32, #tpu.memory_space<vmem>>, vector<16xf32>,
        tpu.vector_store %arg10[%parallel_loop3A_862, %parallel_loop3A_863], %parallel_loop3A_859 {strides = array<i32>} : memref<256x64xf32, #tpu.memory_space<vmem>>, vector<16xf32>,
        %parallel_loop3A_865 = arith.constant 7 : i32
        %parallel_loop3A_866 = arith.addi %parallel_loop3A_334, %parallel_loop3A_865 : i32
        %parallel_loop3A_867 = arith.index_cast %parallel_loop3A_866 : i32 to index
        %parallel_loop3A_868 = arith.constant 32 : index
        %parallel_loop3A_869 = tpu.vector_load %arg9[%parallel_loop3A_867, %parallel_loop3A_868] {strides = array<i32>} : memref<256x64xf32, #tpu.memory_space<vmem>>, vector<16xf32>,
        %parallel_loop3A_870 = arith.constant 8.000000e+00 : f32
        %parallel_loop3A_871 = vector.broadcast %parallel_loop3A_870 : f32 to vector<16xf32>
        %parallel_loop3A_872 = arith.mulf %parallel_loop3A_869, %parallel_loop3A_871 : vector<16xf32>
        %parallel_loop3A_873 = arith.index_cast %parallel_loop3A_830 : i32 to index
        %parallel_loop3A_874 = arith.constant 32 : index
        %parallel_loop3A_875 = tpu.vector_load %arg21[%parallel_loop3A_873, %parallel_loop3A_874] {strides = array<i32>} : memref<200x64xf32, #tpu.memory_space<vmem>>, vector<16xf32>,
        %parallel_loop3A_876 = arith.addf %parallel_loop3A_872, %parallel_loop3A_875 : vector<16xf32>
        %parallel_loop3A_877 = arith.constant 7 : i32
        %parallel_loop3A_878 = arith.addi %parallel_loop3A_334, %parallel_loop3A_877 : i32
        %parallel_loop3A_879 = arith.index_cast %parallel_loop3A_878 : i32 to index
        %parallel_loop3A_880 = arith.constant 32 : index
        %parallel_loop3A_881 = tpu.vector_load %arg10[%parallel_loop3A_879, %parallel_loop3A_880] {strides = array<i32>} : memref<256x64xf32, #tpu.memory_space<vmem>>, vector<16xf32>,
        tpu.vector_store %arg10[%parallel_loop3A_879, %parallel_loop3A_880], %parallel_loop3A_876 {strides = array<i32>} : memref<256x64xf32, #tpu.memory_space<vmem>>, vector<16xf32>,
        %parallel_loop3A_882 = arith.constant 7 : i32
        %parallel_loop3A_883 = arith.addi %parallel_loop3A_334, %parallel_loop3A_882 : i32
        %parallel_loop3A_884 = arith.index_cast %parallel_loop3A_883 : i32 to index
        %parallel_loop3A_885 = arith.constant 48 : index
        %parallel_loop3A_886 = tpu.vector_load %arg9[%parallel_loop3A_884, %parallel_loop3A_885] {strides = array<i32>} : memref<256x64xf32, #tpu.memory_space<vmem>>, vector<16xf32>,
        %parallel_loop3A_887 = arith.constant 8.000000e+00 : f32
        %parallel_loop3A_888 = vector.broadcast %parallel_loop3A_887 : f32 to vector<16xf32>
        %parallel_loop3A_889 = arith.mulf %parallel_loop3A_886, %parallel_loop3A_888 : vector<16xf32>
        %parallel_loop3A_890 = arith.index_cast %parallel_loop3A_830 : i32 to index
        %parallel_loop3A_891 = arith.constant 48 : index
        %parallel_loop3A_892 = tpu.vector_load %arg21[%parallel_loop3A_890, %parallel_loop3A_891] {strides = array<i32>} : memref<200x64xf32, #tpu.memory_space<vmem>>, vector<16xf32>,
        %parallel_loop3A_893 = arith.addf %parallel_loop3A_889, %parallel_loop3A_892 : vector<16xf32>
        %parallel_loop3A_894 = arith.constant 7 : i32
        %parallel_loop3A_895 = arith.addi %parallel_loop3A_334, %parallel_loop3A_894 : i32
        %parallel_loop3A_896 = arith.index_cast %parallel_loop3A_895 : i32 to index
        %parallel_loop3A_897 = arith.constant 48 : index
        %parallel_loop3A_898 = tpu.vector_load %arg10[%parallel_loop3A_896, %parallel_loop3A_897] {strides = array<i32>} : memref<256x64xf32, #tpu.memory_space<vmem>>, vector<16xf32>,
        tpu.vector_store %arg10[%parallel_loop3A_896, %parallel_loop3A_897], %parallel_loop3A_893 {strides = array<i32>} : memref<256x64xf32, #tpu.memory_space<vmem>>, vector<16xf32>,
        %parallel_loop3A_899 = vector.extract_strided_slice %parallel_loop3A_338 {offsets = [8], sizes = [1], strides = [1]} : vector<16xi32> to vector<1xi32>
        %parallel_loop3A_900 = vector.extract %parallel_loop3A_899[0] : i32 from vector<1xi32>
        %parallel_loop3A_901 = arith.constant 8 : i32
        %parallel_loop3A_902 = arith.addi %parallel_loop3A_334, %parallel_loop3A_901 : i32
        %parallel_loop3A_903 = arith.index_cast %parallel_loop3A_902 : i32 to index
        %parallel_loop3A_904 = arith.constant 0 : index
        %parallel_loop3A_905 = tpu.vector_load %arg9[%parallel_loop3A_903, %parallel_loop3A_904] {strides = array<i32>} : memref<256x64xf32, #tpu.memory_space<vmem>>, vector<16xf32>,
        %parallel_loop3A_906 = arith.constant 8.000000e+00 : f32
        %parallel_loop3A_907 = vector.broadcast %parallel_loop3A_906 : f32 to vector<16xf32>
        %parallel_loop3A_908 = arith.mulf %parallel_loop3A_905, %parallel_loop3A_907 : vector<16xf32>
        %parallel_loop3A_909 = arith.index_cast %parallel_loop3A_900 : i32 to index
        %parallel_loop3A_910 = arith.constant 0 : index
        %parallel_loop3A_911 = tpu.vector_load %arg21[%parallel_loop3A_909, %parallel_loop3A_910] {strides = array<i32>} : memref<200x64xf32, #tpu.memory_space<vmem>>, vector<16xf32>,
        %parallel_loop3A_912 = arith.addf %parallel_loop3A_908, %parallel_loop3A_911 : vector<16xf32>
        %parallel_loop3A_913 = arith.constant 8 : i32
        %parallel_loop3A_914 = arith.addi %parallel_loop3A_334, %parallel_loop3A_913 : i32
        %parallel_loop3A_915 = arith.index_cast %parallel_loop3A_914 : i32 to index
        %parallel_loop3A_916 = arith.constant 0 : index
        %parallel_loop3A_917 = tpu.vector_load %arg10[%parallel_loop3A_915, %parallel_loop3A_916] {strides = array<i32>} : memref<256x64xf32, #tpu.memory_space<vmem>>, vector<16xf32>,
        tpu.vector_store %arg10[%parallel_loop3A_915, %parallel_loop3A_916], %parallel_loop3A_912 {strides = array<i32>} : memref<256x64xf32, #tpu.memory_space<vmem>>, vector<16xf32>,
        %parallel_loop3A_918 = arith.constant 8 : i32
        %parallel_loop3A_919 = arith.addi %parallel_loop3A_334, %parallel_loop3A_918 : i32
        %parallel_loop3A_920 = arith.index_cast %parallel_loop3A_919 : i32 to index
        %parallel_loop3A_921 = arith.constant 16 : index
        %parallel_loop3A_922 = tpu.vector_load %arg9[%parallel_loop3A_920, %parallel_loop3A_921] {strides = array<i32>} : memref<256x64xf32, #tpu.memory_space<vmem>>, vector<16xf32>,
        %parallel_loop3A_923 = arith.constant 8.000000e+00 : f32
        %parallel_loop3A_924 = vector.broadcast %parallel_loop3A_923 : f32 to vector<16xf32>
        %parallel_loop3A_925 = arith.mulf %parallel_loop3A_922, %parallel_loop3A_924 : vector<16xf32>
        %parallel_loop3A_926 = arith.index_cast %parallel_loop3A_900 : i32 to index
        %parallel_loop3A_927 = arith.constant 16 : index
        %parallel_loop3A_928 = tpu.vector_load %arg21[%parallel_loop3A_926, %parallel_loop3A_927] {strides = array<i32>} : memref<200x64xf32, #tpu.memory_space<vmem>>, vector<16xf32>,
        %parallel_loop3A_929 = arith.addf %parallel_loop3A_925, %parallel_loop3A_928 : vector<16xf32>
        %parallel_loop3A_930 = arith.constant 8 : i32
        %parallel_loop3A_931 = arith.addi %parallel_loop3A_334, %parallel_loop3A_930 : i32
        %parallel_loop3A_932 = arith.index_cast %parallel_loop3A_931 : i32 to index
        %parallel_loop3A_933 = arith.constant 16 : index
        %parallel_loop3A_934 = tpu.vector_load %arg10[%parallel_loop3A_932, %parallel_loop3A_933] {strides = array<i32>} : memref<256x64xf32, #tpu.memory_space<vmem>>, vector<16xf32>,
        tpu.vector_store %arg10[%parallel_loop3A_932, %parallel_loop3A_933], %parallel_loop3A_929 {strides = array<i32>} : memref<256x64xf32, #tpu.memory_space<vmem>>, vector<16xf32>,
        %parallel_loop3A_935 = arith.constant 8 : i32
        %parallel_loop3A_936 = arith.addi %parallel_loop3A_334, %parallel_loop3A_935 : i32
        %parallel_loop3A_937 = arith.index_cast %parallel_loop3A_936 : i32 to index
        %parallel_loop3A_938 = arith.constant 32 : index
        %parallel_loop3A_939 = tpu.vector_load %arg9[%parallel_loop3A_937, %parallel_loop3A_938] {strides = array<i32>} : memref<256x64xf32, #tpu.memory_space<vmem>>, vector<16xf32>,
        %parallel_loop3A_940 = arith.constant 8.000000e+00 : f32
        %parallel_loop3A_941 = vector.broadcast %parallel_loop3A_940 : f32 to vector<16xf32>
        %parallel_loop3A_942 = arith.mulf %parallel_loop3A_939, %parallel_loop3A_941 : vector<16xf32>
        %parallel_loop3A_943 = arith.index_cast %parallel_loop3A_900 : i32 to index
        %parallel_loop3A_944 = arith.constant 32 : index
        %parallel_loop3A_945 = tpu.vector_load %arg21[%parallel_loop3A_943, %parallel_loop3A_944] {strides = array<i32>} : memref<200x64xf32, #tpu.memory_space<vmem>>, vector<16xf32>,
        %parallel_loop3A_946 = arith.addf %parallel_loop3A_942, %parallel_loop3A_945 : vector<16xf32>
        %parallel_loop3A_947 = arith.constant 8 : i32
        %parallel_loop3A_948 = arith.addi %parallel_loop3A_334, %parallel_loop3A_947 : i32
        %parallel_loop3A_949 = arith.index_cast %parallel_loop3A_948 : i32 to index
        %parallel_loop3A_950 = arith.constant 32 : index
        %parallel_loop3A_951 = tpu.vector_load %arg10[%parallel_loop3A_949, %parallel_loop3A_950] {strides = array<i32>} : memref<256x64xf32, #tpu.memory_space<vmem>>, vector<16xf32>,
        tpu.vector_store %arg10[%parallel_loop3A_949, %parallel_loop3A_950], %parallel_loop3A_946 {strides = array<i32>} : memref<256x64xf32, #tpu.memory_space<vmem>>, vector<16xf32>,
        %parallel_loop3A_952 = arith.constant 8 : i32
        %parallel_loop3A_953 = arith.addi %parallel_loop3A_334, %parallel_loop3A_952 : i32
        %parallel_loop3A_954 = arith.index_cast %parallel_loop3A_953 : i32 to index
        %parallel_loop3A_955 = arith.constant 48 : index
        %parallel_loop3A_956 = tpu.vector_load %arg9[%parallel_loop3A_954, %parallel_loop3A_955] {strides = array<i32>} : memref<256x64xf32, #tpu.memory_space<vmem>>, vector<16xf32>,
        %parallel_loop3A_957 = arith.constant 8.000000e+00 : f32
        %parallel_loop3A_958 = vector.broadcast %parallel_loop3A_957 : f32 to vector<16xf32>
        %parallel_loop3A_959 = arith.mulf %parallel_loop3A_956, %parallel_loop3A_958 : vector<16xf32>
        %parallel_loop3A_960 = arith.index_cast %parallel_loop3A_900 : i32 to index
        %parallel_loop3A_961 = arith.constant 48 : index
        %parallel_loop3A_962 = tpu.vector_load %arg21[%parallel_loop3A_960, %parallel_loop3A_961] {strides = array<i32>} : memref<200x64xf32, #tpu.memory_space<vmem>>, vector<16xf32>,
        %parallel_loop3A_963 = arith.addf %parallel_loop3A_959, %parallel_loop3A_962 : vector<16xf32>
        %parallel_loop3A_964 = arith.constant 8 : i32
        %parallel_loop3A_965 = arith.addi %parallel_loop3A_334, %parallel_loop3A_964 : i32
        %parallel_loop3A_966 = arith.index_cast %parallel_loop3A_965 : i32 to index
        %parallel_loop3A_967 = arith.constant 48 : index
        %parallel_loop3A_968 = tpu.vector_load %arg10[%parallel_loop3A_966, %parallel_loop3A_967] {strides = array<i32>} : memref<256x64xf32, #tpu.memory_space<vmem>>, vector<16xf32>,
        tpu.vector_store %arg10[%parallel_loop3A_966, %parallel_loop3A_967], %parallel_loop3A_963 {strides = array<i32>} : memref<256x64xf32, #tpu.memory_space<vmem>>, vector<16xf32>,
        %parallel_loop3A_969 = vector.extract_strided_slice %parallel_loop3A_338 {offsets = [9], sizes = [1], strides = [1]} : vector<16xi32> to vector<1xi32>
        %parallel_loop3A_970 = vector.extract %parallel_loop3A_969[0] : i32 from vector<1xi32>
        %parallel_loop3A_971 = arith.constant 9 : i32
        %parallel_loop3A_972 = arith.addi %parallel_loop3A_334, %parallel_loop3A_971 : i32
        %parallel_loop3A_973 = arith.index_cast %parallel_loop3A_972 : i32 to index
        %parallel_loop3A_974 = arith.constant 0 : index
        %parallel_loop3A_975 = tpu.vector_load %arg9[%parallel_loop3A_973, %parallel_loop3A_974] {strides = array<i32>} : memref<256x64xf32, #tpu.memory_space<vmem>>, vector<16xf32>,
        %parallel_loop3A_976 = arith.constant 8.000000e+00 : f32
        %parallel_loop3A_977 = vector.broadcast %parallel_loop3A_976 : f32 to vector<16xf32>
        %parallel_loop3A_978 = arith.mulf %parallel_loop3A_975, %parallel_loop3A_977 : vector<16xf32>
        %parallel_loop3A_979 = arith.index_cast %parallel_loop3A_970 : i32 to index
        %parallel_loop3A_980 = arith.constant 0 : index
        %parallel_loop3A_981 = tpu.vector_load %arg21[%parallel_loop3A_979, %parallel_loop3A_980] {strides = array<i32>} : memref<200x64xf32, #tpu.memory_space<vmem>>, vector<16xf32>,
        %parallel_loop3A_982 = arith.addf %parallel_loop3A_978, %parallel_loop3A_981 : vector<16xf32>
        %parallel_loop3A_983 = arith.constant 9 : i32
        %parallel_loop3A_984 = arith.addi %parallel_loop3A_334, %parallel_loop3A_983 : i32
        %parallel_loop3A_985 = arith.index_cast %parallel_loop3A_984 : i32 to index
        %parallel_loop3A_986 = arith.constant 0 : index
        %parallel_loop3A_987 = tpu.vector_load %arg10[%parallel_loop3A_985, %parallel_loop3A_986] {strides = array<i32>} : memref<256x64xf32, #tpu.memory_space<vmem>>, vector<16xf32>,
        tpu.vector_store %arg10[%parallel_loop3A_985, %parallel_loop3A_986], %parallel_loop3A_982 {strides = array<i32>} : memref<256x64xf32, #tpu.memory_space<vmem>>, vector<16xf32>,
        %parallel_loop3A_988 = arith.constant 9 : i32
        %parallel_loop3A_989 = arith.addi %parallel_loop3A_334, %parallel_loop3A_988 : i32
        %parallel_loop3A_990 = arith.index_cast %parallel_loop3A_989 : i32 to index
        %parallel_loop3A_991 = arith.constant 16 : index
        %parallel_loop3A_992 = tpu.vector_load %arg9[%parallel_loop3A_990, %parallel_loop3A_991] {strides = array<i32>} : memref<256x64xf32, #tpu.memory_space<vmem>>, vector<16xf32>,
        %parallel_loop3A_993 = arith.constant 8.000000e+00 : f32
        %parallel_loop3A_994 = vector.broadcast %parallel_loop3A_993 : f32 to vector<16xf32>
        %parallel_loop3A_995 = arith.mulf %parallel_loop3A_992, %parallel_loop3A_994 : vector<16xf32>
        %parallel_loop3A_996 = arith.index_cast %parallel_loop3A_970 : i32 to index
        %parallel_loop3A_997 = arith.constant 16 : index
        %parallel_loop3A_998 = tpu.vector_load %arg21[%parallel_loop3A_996, %parallel_loop3A_997] {strides = array<i32>} : memref<200x64xf32, #tpu.memory_space<vmem>>, vector<16xf32>,
        %parallel_loop3A_999 = arith.addf %parallel_loop3A_995, %parallel_loop3A_998 : vector<16xf32>
        %parallel_loop3A_1000 = arith.constant 9 : i32
        %parallel_loop3A_1001 = arith.addi %parallel_loop3A_334, %parallel_loop3A_1000 : i32
        %parallel_loop3A_1002 = arith.index_cast %parallel_loop3A_1001 : i32 to index
        %parallel_loop3A_1003 = arith.constant 16 : index
        %parallel_loop3A_1004 = tpu.vector_load %arg10[%parallel_loop3A_1002, %parallel_loop3A_1003] {strides = array<i32>} : memref<256x64xf32, #tpu.memory_space<vmem>>, vector<16xf32>,
        tpu.vector_store %arg10[%parallel_loop3A_1002, %parallel_loop3A_1003], %parallel_loop3A_999 {strides = array<i32>} : memref<256x64xf32, #tpu.memory_space<vmem>>, vector<16xf32>,
        %parallel_loop3A_1005 = arith.constant 9 : i32
        %parallel_loop3A_1006 = arith.addi %parallel_loop3A_334, %parallel_loop3A_1005 : i32
        %parallel_loop3A_1007 = arith.index_cast %parallel_loop3A_1006 : i32 to index
        %parallel_loop3A_1008 = arith.constant 32 : index
        %parallel_loop3A_1009 = tpu.vector_load %arg9[%parallel_loop3A_1007, %parallel_loop3A_1008] {strides = array<i32>} : memref<256x64xf32, #tpu.memory_space<vmem>>, vector<16xf32>,
        %parallel_loop3A_1010 = arith.constant 8.000000e+00 : f32
        %parallel_loop3A_1011 = vector.broadcast %parallel_loop3A_1010 : f32 to vector<16xf32>
        %parallel_loop3A_1012 = arith.mulf %parallel_loop3A_1009, %parallel_loop3A_1011 : vector<16xf32>
        %parallel_loop3A_1013 = arith.index_cast %parallel_loop3A_970 : i32 to index
        %parallel_loop3A_1014 = arith.constant 32 : index
        %parallel_loop3A_1015 = tpu.vector_load %arg21[%parallel_loop3A_1013, %parallel_loop3A_1014] {strides = array<i32>} : memref<200x64xf32, #tpu.memory_space<vmem>>, vector<16xf32>,
        %parallel_loop3A_1016 = arith.addf %parallel_loop3A_1012, %parallel_loop3A_1015 : vector<16xf32>
        %parallel_loop3A_1017 = arith.constant 9 : i32
        %parallel_loop3A_1018 = arith.addi %parallel_loop3A_334, %parallel_loop3A_1017 : i32
        %parallel_loop3A_1019 = arith.index_cast %parallel_loop3A_1018 : i32 to index
        %parallel_loop3A_1020 = arith.constant 32 : index
        %parallel_loop3A_1021 = tpu.vector_load %arg10[%parallel_loop3A_1019, %parallel_loop3A_1020] {strides = array<i32>} : memref<256x64xf32, #tpu.memory_space<vmem>>, vector<16xf32>,
        tpu.vector_store %arg10[%parallel_loop3A_1019, %parallel_loop3A_1020], %parallel_loop3A_1016 {strides = array<i32>} : memref<256x64xf32, #tpu.memory_space<vmem>>, vector<16xf32>,
        %parallel_loop3A_1022 = arith.constant 9 : i32
        %parallel_loop3A_1023 = arith.addi %parallel_loop3A_334, %parallel_loop3A_1022 : i32
        %parallel_loop3A_1024 = arith.index_cast %parallel_loop3A_1023 : i32 to index
        %parallel_loop3A_1025 = arith.constant 48 : index
        %parallel_loop3A_1026 = tpu.vector_load %arg9[%parallel_loop3A_1024, %parallel_loop3A_1025] {strides = array<i32>} : memref<256x64xf32, #tpu.memory_space<vmem>>, vector<16xf32>,
        %parallel_loop3A_1027 = arith.constant 8.000000e+00 : f32
        %parallel_loop3A_1028 = vector.broadcast %parallel_loop3A_1027 : f32 to vector<16xf32>
        %parallel_loop3A_1029 = arith.mulf %parallel_loop3A_1026, %parallel_loop3A_1028 : vector<16xf32>
        %parallel_loop3A_1030 = arith.index_cast %parallel_loop3A_970 : i32 to index
        %parallel_loop3A_1031 = arith.constant 48 : index
        %parallel_loop3A_1032 = tpu.vector_load %arg21[%parallel_loop3A_1030, %parallel_loop3A_1031] {strides = array<i32>} : memref<200x64xf32, #tpu.memory_space<vmem>>, vector<16xf32>,
        %parallel_loop3A_1033 = arith.addf %parallel_loop3A_1029, %parallel_loop3A_1032 : vector<16xf32>
        %parallel_loop3A_1034 = arith.constant 9 : i32
        %parallel_loop3A_1035 = arith.addi %parallel_loop3A_334, %parallel_loop3A_1034 : i32
        %parallel_loop3A_1036 = arith.index_cast %parallel_loop3A_1035 : i32 to index
        %parallel_loop3A_1037 = arith.constant 48 : index
        %parallel_loop3A_1038 = tpu.vector_load %arg10[%parallel_loop3A_1036, %parallel_loop3A_1037] {strides = array<i32>} : memref<256x64xf32, #tpu.memory_space<vmem>>, vector<16xf32>,
        tpu.vector_store %arg10[%parallel_loop3A_1036, %parallel_loop3A_1037], %parallel_loop3A_1033 {strides = array<i32>} : memref<256x64xf32, #tpu.memory_space<vmem>>, vector<16xf32>,
        %parallel_loop3A_1039 = vector.extract_strided_slice %parallel_loop3A_338 {offsets = [10], sizes = [1], strides = [1]} : vector<16xi32> to vector<1xi32>
        %parallel_loop3A_1040 = vector.extract %parallel_loop3A_1039[0] : i32 from vector<1xi32>
        %parallel_loop3A_1041 = arith.constant 10 : i32
        %parallel_loop3A_1042 = arith.addi %parallel_loop3A_334, %parallel_loop3A_1041 : i32
        %parallel_loop3A_1043 = arith.index_cast %parallel_loop3A_1042 : i32 to index
        %parallel_loop3A_1044 = arith.constant 0 : index
        %parallel_loop3A_1045 = tpu.vector_load %arg9[%parallel_loop3A_1043, %parallel_loop3A_1044] {strides = array<i32>} : memref<256x64xf32, #tpu.memory_space<vmem>>, vector<16xf32>,
        %parallel_loop3A_1046 = arith.constant 8.000000e+00 : f32
        %parallel_loop3A_1047 = vector.broadcast %parallel_loop3A_1046 : f32 to vector<16xf32>
        %parallel_loop3A_1048 = arith.mulf %parallel_loop3A_1045, %parallel_loop3A_1047 : vector<16xf32>
        %parallel_loop3A_1049 = arith.index_cast %parallel_loop3A_1040 : i32 to index
        %parallel_loop3A_1050 = arith.constant 0 : index
        %parallel_loop3A_1051 = tpu.vector_load %arg21[%parallel_loop3A_1049, %parallel_loop3A_1050] {strides = array<i32>} : memref<200x64xf32, #tpu.memory_space<vmem>>, vector<16xf32>,
        %parallel_loop3A_1052 = arith.addf %parallel_loop3A_1048, %parallel_loop3A_1051 : vector<16xf32>
        %parallel_loop3A_1053 = arith.constant 10 : i32
        %parallel_loop3A_1054 = arith.addi %parallel_loop3A_334, %parallel_loop3A_1053 : i32
        %parallel_loop3A_1055 = arith.index_cast %parallel_loop3A_1054 : i32 to index
        %parallel_loop3A_1056 = arith.constant 0 : index
        %parallel_loop3A_1057 = tpu.vector_load %arg10[%parallel_loop3A_1055, %parallel_loop3A_1056] {strides = array<i32>} : memref<256x64xf32, #tpu.memory_space<vmem>>, vector<16xf32>,
        tpu.vector_store %arg10[%parallel_loop3A_1055, %parallel_loop3A_1056], %parallel_loop3A_1052 {strides = array<i32>} : memref<256x64xf32, #tpu.memory_space<vmem>>, vector<16xf32>,
        %parallel_loop3A_1058 = arith.constant 10 : i32
        %parallel_loop3A_1059 = arith.addi %parallel_loop3A_334, %parallel_loop3A_1058 : i32
        %parallel_loop3A_1060 = arith.index_cast %parallel_loop3A_1059 : i32 to index
        %parallel_loop3A_1061 = arith.constant 16 : index
        %parallel_loop3A_1062 = tpu.vector_load %arg9[%parallel_loop3A_1060, %parallel_loop3A_1061] {strides = array<i32>} : memref<256x64xf32, #tpu.memory_space<vmem>>, vector<16xf32>,
        %parallel_loop3A_1063 = arith.constant 8.000000e+00 : f32
        %parallel_loop3A_1064 = vector.broadcast %parallel_loop3A_1063 : f32 to vector<16xf32>
        %parallel_loop3A_1065 = arith.mulf %parallel_loop3A_1062, %parallel_loop3A_1064 : vector<16xf32>
        %parallel_loop3A_1066 = arith.index_cast %parallel_loop3A_1040 : i32 to index
        %parallel_loop3A_1067 = arith.constant 16 : index
        %parallel_loop3A_1068 = tpu.vector_load %arg21[%parallel_loop3A_1066, %parallel_loop3A_1067] {strides = array<i32>} : memref<200x64xf32, #tpu.memory_space<vmem>>, vector<16xf32>,
        %parallel_loop3A_1069 = arith.addf %parallel_loop3A_1065, %parallel_loop3A_1068 : vector<16xf32>
        %parallel_loop3A_1070 = arith.constant 10 : i32
        %parallel_loop3A_1071 = arith.addi %parallel_loop3A_334, %parallel_loop3A_1070 : i32
        %parallel_loop3A_1072 = arith.index_cast %parallel_loop3A_1071 : i32 to index
        %parallel_loop3A_1073 = arith.constant 16 : index
        %parallel_loop3A_1074 = tpu.vector_load %arg10[%parallel_loop3A_1072, %parallel_loop3A_1073] {strides = array<i32>} : memref<256x64xf32, #tpu.memory_space<vmem>>, vector<16xf32>,
        tpu.vector_store %arg10[%parallel_loop3A_1072, %parallel_loop3A_1073], %parallel_loop3A_1069 {strides = array<i32>} : memref<256x64xf32, #tpu.memory_space<vmem>>, vector<16xf32>,
        %parallel_loop3A_1075 = arith.constant 10 : i32
        %parallel_loop3A_1076 = arith.addi %parallel_loop3A_334, %parallel_loop3A_1075 : i32
        %parallel_loop3A_1077 = arith.index_cast %parallel_loop3A_1076 : i32 to index
        %parallel_loop3A_1078 = arith.constant 32 : index
        %parallel_loop3A_1079 = tpu.vector_load %arg9[%parallel_loop3A_1077, %parallel_loop3A_1078] {strides = array<i32>} : memref<256x64xf32, #tpu.memory_space<vmem>>, vector<16xf32>,
        %parallel_loop3A_1080 = arith.constant 8.000000e+00 : f32
        %parallel_loop3A_1081 = vector.broadcast %parallel_loop3A_1080 : f32 to vector<16xf32>
        %parallel_loop3A_1082 = arith.mulf %parallel_loop3A_1079, %parallel_loop3A_1081 : vector<16xf32>
        %parallel_loop3A_1083 = arith.index_cast %parallel_loop3A_1040 : i32 to index
        %parallel_loop3A_1084 = arith.constant 32 : index
        %parallel_loop3A_1085 = tpu.vector_load %arg21[%parallel_loop3A_1083, %parallel_loop3A_1084] {strides = array<i32>} : memref<200x64xf32, #tpu.memory_space<vmem>>, vector<16xf32>,
        %parallel_loop3A_1086 = arith.addf %parallel_loop3A_1082, %parallel_loop3A_1085 : vector<16xf32>
        %parallel_loop3A_1087 = arith.constant 10 : i32
        %parallel_loop3A_1088 = arith.addi %parallel_loop3A_334, %parallel_loop3A_1087 : i32
        %parallel_loop3A_1089 = arith.index_cast %parallel_loop3A_1088 : i32 to index
        %parallel_loop3A_1090 = arith.constant 32 : index
        %parallel_loop3A_1091 = tpu.vector_load %arg10[%parallel_loop3A_1089, %parallel_loop3A_1090] {strides = array<i32>} : memref<256x64xf32, #tpu.memory_space<vmem>>, vector<16xf32>,
        tpu.vector_store %arg10[%parallel_loop3A_1089, %parallel_loop3A_1090], %parallel_loop3A_1086 {strides = array<i32>} : memref<256x64xf32, #tpu.memory_space<vmem>>, vector<16xf32>,
        %parallel_loop3A_1092 = arith.constant 10 : i32
        %parallel_loop3A_1093 = arith.addi %parallel_loop3A_334, %parallel_loop3A_1092 : i32
        %parallel_loop3A_1094 = arith.index_cast %parallel_loop3A_1093 : i32 to index
        %parallel_loop3A_1095 = arith.constant 48 : index
        %parallel_loop3A_1096 = tpu.vector_load %arg9[%parallel_loop3A_1094, %parallel_loop3A_1095] {strides = array<i32>} : memref<256x64xf32, #tpu.memory_space<vmem>>, vector<16xf32>,
        %parallel_loop3A_1097 = arith.constant 8.000000e+00 : f32
        %parallel_loop3A_1098 = vector.broadcast %parallel_loop3A_1097 : f32 to vector<16xf32>
        %parallel_loop3A_1099 = arith.mulf %parallel_loop3A_1096, %parallel_loop3A_1098 : vector<16xf32>
        %parallel_loop3A_1100 = arith.index_cast %parallel_loop3A_1040 : i32 to index
        %parallel_loop3A_1101 = arith.constant 48 : index
        %parallel_loop3A_1102 = tpu.vector_load %arg21[%parallel_loop3A_1100, %parallel_loop3A_1101] {strides = array<i32>} : memref<200x64xf32, #tpu.memory_space<vmem>>, vector<16xf32>,
        %parallel_loop3A_1103 = arith.addf %parallel_loop3A_1099, %parallel_loop3A_1102 : vector<16xf32>
        %parallel_loop3A_1104 = arith.constant 10 : i32
        %parallel_loop3A_1105 = arith.addi %parallel_loop3A_334, %parallel_loop3A_1104 : i32
        %parallel_loop3A_1106 = arith.index_cast %parallel_loop3A_1105 : i32 to index
        %parallel_loop3A_1107 = arith.constant 48 : index
        %parallel_loop3A_1108 = tpu.vector_load %arg10[%parallel_loop3A_1106, %parallel_loop3A_1107] {strides = array<i32>} : memref<256x64xf32, #tpu.memory_space<vmem>>, vector<16xf32>,
        tpu.vector_store %arg10[%parallel_loop3A_1106, %parallel_loop3A_1107], %parallel_loop3A_1103 {strides = array<i32>} : memref<256x64xf32, #tpu.memory_space<vmem>>, vector<16xf32>,
        %parallel_loop3A_1109 = vector.extract_strided_slice %parallel_loop3A_338 {offsets = [11], sizes = [1], strides = [1]} : vector<16xi32> to vector<1xi32>
        %parallel_loop3A_1110 = vector.extract %parallel_loop3A_1109[0] : i32 from vector<1xi32>
        %parallel_loop3A_1111 = arith.constant 11 : i32
        %parallel_loop3A_1112 = arith.addi %parallel_loop3A_334, %parallel_loop3A_1111 : i32
        %parallel_loop3A_1113 = arith.index_cast %parallel_loop3A_1112 : i32 to index
        %parallel_loop3A_1114 = arith.constant 0 : index
        %parallel_loop3A_1115 = tpu.vector_load %arg9[%parallel_loop3A_1113, %parallel_loop3A_1114] {strides = array<i32>} : memref<256x64xf32, #tpu.memory_space<vmem>>, vector<16xf32>,
        %parallel_loop3A_1116 = arith.constant 8.000000e+00 : f32
        %parallel_loop3A_1117 = vector.broadcast %parallel_loop3A_1116 : f32 to vector<16xf32>
        %parallel_loop3A_1118 = arith.mulf %parallel_loop3A_1115, %parallel_loop3A_1117 : vector<16xf32>
        %parallel_loop3A_1119 = arith.index_cast %parallel_loop3A_1110 : i32 to index
        %parallel_loop3A_1120 = arith.constant 0 : index
        %parallel_loop3A_1121 = tpu.vector_load %arg21[%parallel_loop3A_1119, %parallel_loop3A_1120] {strides = array<i32>} : memref<200x64xf32, #tpu.memory_space<vmem>>, vector<16xf32>,
        %parallel_loop3A_1122 = arith.addf %parallel_loop3A_1118, %parallel_loop3A_1121 : vector<16xf32>
        %parallel_loop3A_1123 = arith.constant 11 : i32
        %parallel_loop3A_1124 = arith.addi %parallel_loop3A_334, %parallel_loop3A_1123 : i32
        %parallel_loop3A_1125 = arith.index_cast %parallel_loop3A_1124 : i32 to index
        %parallel_loop3A_1126 = arith.constant 0 : index
        %parallel_loop3A_1127 = tpu.vector_load %arg10[%parallel_loop3A_1125, %parallel_loop3A_1126] {strides = array<i32>} : memref<256x64xf32, #tpu.memory_space<vmem>>, vector<16xf32>,
        tpu.vector_store %arg10[%parallel_loop3A_1125, %parallel_loop3A_1126], %parallel_loop3A_1122 {strides = array<i32>} : memref<256x64xf32, #tpu.memory_space<vmem>>, vector<16xf32>,
        %parallel_loop3A_1128 = arith.constant 11 : i32
        %parallel_loop3A_1129 = arith.addi %parallel_loop3A_334, %parallel_loop3A_1128 : i32
        %parallel_loop3A_1130 = arith.index_cast %parallel_loop3A_1129 : i32 to index
        %parallel_loop3A_1131 = arith.constant 16 : index
        %parallel_loop3A_1132 = tpu.vector_load %arg9[%parallel_loop3A_1130, %parallel_loop3A_1131] {strides = array<i32>} : memref<256x64xf32, #tpu.memory_space<vmem>>, vector<16xf32>,
        %parallel_loop3A_1133 = arith.constant 8.000000e+00 : f32
        %parallel_loop3A_1134 = vector.broadcast %parallel_loop3A_1133 : f32 to vector<16xf32>
        %parallel_loop3A_1135 = arith.mulf %parallel_loop3A_1132, %parallel_loop3A_1134 : vector<16xf32>
        %parallel_loop3A_1136 = arith.index_cast %parallel_loop3A_1110 : i32 to index
        %parallel_loop3A_1137 = arith.constant 16 : index
        %parallel_loop3A_1138 = tpu.vector_load %arg21[%parallel_loop3A_1136, %parallel_loop3A_1137] {strides = array<i32>} : memref<200x64xf32, #tpu.memory_space<vmem>>, vector<16xf32>,
        %parallel_loop3A_1139 = arith.addf %parallel_loop3A_1135, %parallel_loop3A_1138 : vector<16xf32>
        %parallel_loop3A_1140 = arith.constant 11 : i32
        %parallel_loop3A_1141 = arith.addi %parallel_loop3A_334, %parallel_loop3A_1140 : i32
        %parallel_loop3A_1142 = arith.index_cast %parallel_loop3A_1141 : i32 to index
        %parallel_loop3A_1143 = arith.constant 16 : index
        %parallel_loop3A_1144 = tpu.vector_load %arg10[%parallel_loop3A_1142, %parallel_loop3A_1143] {strides = array<i32>} : memref<256x64xf32, #tpu.memory_space<vmem>>, vector<16xf32>,
        tpu.vector_store %arg10[%parallel_loop3A_1142, %parallel_loop3A_1143], %parallel_loop3A_1139 {strides = array<i32>} : memref<256x64xf32, #tpu.memory_space<vmem>>, vector<16xf32>,
        %parallel_loop3A_1145 = arith.constant 11 : i32
        %parallel_loop3A_1146 = arith.addi %parallel_loop3A_334, %parallel_loop3A_1145 : i32
        %parallel_loop3A_1147 = arith.index_cast %parallel_loop3A_1146 : i32 to index
        %parallel_loop3A_1148 = arith.constant 32 : index
        %parallel_loop3A_1149 = tpu.vector_load %arg9[%parallel_loop3A_1147, %parallel_loop3A_1148] {strides = array<i32>} : memref<256x64xf32, #tpu.memory_space<vmem>>, vector<16xf32>,
        %parallel_loop3A_1150 = arith.constant 8.000000e+00 : f32
        %parallel_loop3A_1151 = vector.broadcast %parallel_loop3A_1150 : f32 to vector<16xf32>
        %parallel_loop3A_1152 = arith.mulf %parallel_loop3A_1149, %parallel_loop3A_1151 : vector<16xf32>
        %parallel_loop3A_1153 = arith.index_cast %parallel_loop3A_1110 : i32 to index
        %parallel_loop3A_1154 = arith.constant 32 : index
        %parallel_loop3A_1155 = tpu.vector_load %arg21[%parallel_loop3A_1153, %parallel_loop3A_1154] {strides = array<i32>} : memref<200x64xf32, #tpu.memory_space<vmem>>, vector<16xf32>,
        %parallel_loop3A_1156 = arith.addf %parallel_loop3A_1152, %parallel_loop3A_1155 : vector<16xf32>
        %parallel_loop3A_1157 = arith.constant 11 : i32
        %parallel_loop3A_1158 = arith.addi %parallel_loop3A_334, %parallel_loop3A_1157 : i32
        %parallel_loop3A_1159 = arith.index_cast %parallel_loop3A_1158 : i32 to index
        %parallel_loop3A_1160 = arith.constant 32 : index
        %parallel_loop3A_1161 = tpu.vector_load %arg10[%parallel_loop3A_1159, %parallel_loop3A_1160] {strides = array<i32>} : memref<256x64xf32, #tpu.memory_space<vmem>>, vector<16xf32>,
        tpu.vector_store %arg10[%parallel_loop3A_1159, %parallel_loop3A_1160], %parallel_loop3A_1156 {strides = array<i32>} : memref<256x64xf32, #tpu.memory_space<vmem>>, vector<16xf32>,
        %parallel_loop3A_1162 = arith.constant 11 : i32
        %parallel_loop3A_1163 = arith.addi %parallel_loop3A_334, %parallel_loop3A_1162 : i32
        %parallel_loop3A_1164 = arith.index_cast %parallel_loop3A_1163 : i32 to index
        %parallel_loop3A_1165 = arith.constant 48 : index
        %parallel_loop3A_1166 = tpu.vector_load %arg9[%parallel_loop3A_1164, %parallel_loop3A_1165] {strides = array<i32>} : memref<256x64xf32, #tpu.memory_space<vmem>>, vector<16xf32>,
        %parallel_loop3A_1167 = arith.constant 8.000000e+00 : f32
        %parallel_loop3A_1168 = vector.broadcast %parallel_loop3A_1167 : f32 to vector<16xf32>
        %parallel_loop3A_1169 = arith.mulf %parallel_loop3A_1166, %parallel_loop3A_1168 : vector<16xf32>
        %parallel_loop3A_1170 = arith.index_cast %parallel_loop3A_1110 : i32 to index
        %parallel_loop3A_1171 = arith.constant 48 : index
        %parallel_loop3A_1172 = tpu.vector_load %arg21[%parallel_loop3A_1170, %parallel_loop3A_1171] {strides = array<i32>} : memref<200x64xf32, #tpu.memory_space<vmem>>, vector<16xf32>,
        %parallel_loop3A_1173 = arith.addf %parallel_loop3A_1169, %parallel_loop3A_1172 : vector<16xf32>
        %parallel_loop3A_1174 = arith.constant 11 : i32
        %parallel_loop3A_1175 = arith.addi %parallel_loop3A_334, %parallel_loop3A_1174 : i32
        %parallel_loop3A_1176 = arith.index_cast %parallel_loop3A_1175 : i32 to index
        %parallel_loop3A_1177 = arith.constant 48 : index
        %parallel_loop3A_1178 = tpu.vector_load %arg10[%parallel_loop3A_1176, %parallel_loop3A_1177] {strides = array<i32>} : memref<256x64xf32, #tpu.memory_space<vmem>>, vector<16xf32>,
        tpu.vector_store %arg10[%parallel_loop3A_1176, %parallel_loop3A_1177], %parallel_loop3A_1173 {strides = array<i32>} : memref<256x64xf32, #tpu.memory_space<vmem>>, vector<16xf32>,
        %parallel_loop3A_1179 = vector.extract_strided_slice %parallel_loop3A_338 {offsets = [12], sizes = [1], strides = [1]} : vector<16xi32> to vector<1xi32>
        %parallel_loop3A_1180 = vector.extract %parallel_loop3A_1179[0] : i32 from vector<1xi32>
        %parallel_loop3A_1181 = arith.constant 12 : i32
        %parallel_loop3A_1182 = arith.addi %parallel_loop3A_334, %parallel_loop3A_1181 : i32
        %parallel_loop3A_1183 = arith.index_cast %parallel_loop3A_1182 : i32 to index
        %parallel_loop3A_1184 = arith.constant 0 : index
        %parallel_loop3A_1185 = tpu.vector_load %arg9[%parallel_loop3A_1183, %parallel_loop3A_1184] {strides = array<i32>} : memref<256x64xf32, #tpu.memory_space<vmem>>, vector<16xf32>,
        %parallel_loop3A_1186 = arith.constant 8.000000e+00 : f32
        %parallel_loop3A_1187 = vector.broadcast %parallel_loop3A_1186 : f32 to vector<16xf32>
        %parallel_loop3A_1188 = arith.mulf %parallel_loop3A_1185, %parallel_loop3A_1187 : vector<16xf32>
        %parallel_loop3A_1189 = arith.index_cast %parallel_loop3A_1180 : i32 to index
        %parallel_loop3A_1190 = arith.constant 0 : index
        %parallel_loop3A_1191 = tpu.vector_load %arg21[%parallel_loop3A_1189, %parallel_loop3A_1190] {strides = array<i32>} : memref<200x64xf32, #tpu.memory_space<vmem>>, vector<16xf32>,
        %parallel_loop3A_1192 = arith.addf %parallel_loop3A_1188, %parallel_loop3A_1191 : vector<16xf32>
        %parallel_loop3A_1193 = arith.constant 12 : i32
        %parallel_loop3A_1194 = arith.addi %parallel_loop3A_334, %parallel_loop3A_1193 : i32
        %parallel_loop3A_1195 = arith.index_cast %parallel_loop3A_1194 : i32 to index
        %parallel_loop3A_1196 = arith.constant 0 : index
        %parallel_loop3A_1197 = tpu.vector_load %arg10[%parallel_loop3A_1195, %parallel_loop3A_1196] {strides = array<i32>} : memref<256x64xf32, #tpu.memory_space<vmem>>, vector<16xf32>,
        tpu.vector_store %arg10[%parallel_loop3A_1195, %parallel_loop3A_1196], %parallel_loop3A_1192 {strides = array<i32>} : memref<256x64xf32, #tpu.memory_space<vmem>>, vector<16xf32>,
        %parallel_loop3A_1198 = arith.constant 12 : i32
        %parallel_loop3A_1199 = arith.addi %parallel_loop3A_334, %parallel_loop3A_1198 : i32
        %parallel_loop3A_1200 = arith.index_cast %parallel_loop3A_1199 : i32 to index
        %parallel_loop3A_1201 = arith.constant 16 : index
        %parallel_loop3A_1202 = tpu.vector_load %arg9[%parallel_loop3A_1200, %parallel_loop3A_1201] {strides = array<i32>} : memref<256x64xf32, #tpu.memory_space<vmem>>, vector<16xf32>,
        %parallel_loop3A_1203 = arith.constant 8.000000e+00 : f32
        %parallel_loop3A_1204 = vector.broadcast %parallel_loop3A_1203 : f32 to vector<16xf32>
        %parallel_loop3A_1205 = arith.mulf %parallel_loop3A_1202, %parallel_loop3A_1204 : vector<16xf32>
        %parallel_loop3A_1206 = arith.index_cast %parallel_loop3A_1180 : i32 to index
        %parallel_loop3A_1207 = arith.constant 16 : index
        %parallel_loop3A_1208 = tpu.vector_load %arg21[%parallel_loop3A_1206, %parallel_loop3A_1207] {strides = array<i32>} : memref<200x64xf32, #tpu.memory_space<vmem>>, vector<16xf32>,
        %parallel_loop3A_1209 = arith.addf %parallel_loop3A_1205, %parallel_loop3A_1208 : vector<16xf32>
        %parallel_loop3A_1210 = arith.constant 12 : i32
        %parallel_loop3A_1211 = arith.addi %parallel_loop3A_334, %parallel_loop3A_1210 : i32
        %parallel_loop3A_1212 = arith.index_cast %parallel_loop3A_1211 : i32 to index
        %parallel_loop3A_1213 = arith.constant 16 : index
        %parallel_loop3A_1214 = tpu.vector_load %arg10[%parallel_loop3A_1212, %parallel_loop3A_1213] {strides = array<i32>} : memref<256x64xf32, #tpu.memory_space<vmem>>, vector<16xf32>,
        tpu.vector_store %arg10[%parallel_loop3A_1212, %parallel_loop3A_1213], %parallel_loop3A_1209 {strides = array<i32>} : memref<256x64xf32, #tpu.memory_space<vmem>>, vector<16xf32>,
        %parallel_loop3A_1215 = arith.constant 12 : i32
        %parallel_loop3A_1216 = arith.addi %parallel_loop3A_334, %parallel_loop3A_1215 : i32
        %parallel_loop3A_1217 = arith.index_cast %parallel_loop3A_1216 : i32 to index
        %parallel_loop3A_1218 = arith.constant 32 : index
        %parallel_loop3A_1219 = tpu.vector_load %arg9[%parallel_loop3A_1217, %parallel_loop3A_1218] {strides = array<i32>} : memref<256x64xf32, #tpu.memory_space<vmem>>, vector<16xf32>,
        %parallel_loop3A_1220 = arith.constant 8.000000e+00 : f32
        %parallel_loop3A_1221 = vector.broadcast %parallel_loop3A_1220 : f32 to vector<16xf32>
        %parallel_loop3A_1222 = arith.mulf %parallel_loop3A_1219, %parallel_loop3A_1221 : vector<16xf32>
        %parallel_loop3A_1223 = arith.index_cast %parallel_loop3A_1180 : i32 to index
        %parallel_loop3A_1224 = arith.constant 32 : index
        %parallel_loop3A_1225 = tpu.vector_load %arg21[%parallel_loop3A_1223, %parallel_loop3A_1224] {strides = array<i32>} : memref<200x64xf32, #tpu.memory_space<vmem>>, vector<16xf32>,
        %parallel_loop3A_1226 = arith.addf %parallel_loop3A_1222, %parallel_loop3A_1225 : vector<16xf32>
        %parallel_loop3A_1227 = arith.constant 12 : i32
        %parallel_loop3A_1228 = arith.addi %parallel_loop3A_334, %parallel_loop3A_1227 : i32
        %parallel_loop3A_1229 = arith.index_cast %parallel_loop3A_1228 : i32 to index
        %parallel_loop3A_1230 = arith.constant 32 : index
        %parallel_loop3A_1231 = tpu.vector_load %arg10[%parallel_loop3A_1229, %parallel_loop3A_1230] {strides = array<i32>} : memref<256x64xf32, #tpu.memory_space<vmem>>, vector<16xf32>,
        tpu.vector_store %arg10[%parallel_loop3A_1229, %parallel_loop3A_1230], %parallel_loop3A_1226 {strides = array<i32>} : memref<256x64xf32, #tpu.memory_space<vmem>>, vector<16xf32>,
        %parallel_loop3A_1232 = arith.constant 12 : i32
        %parallel_loop3A_1233 = arith.addi %parallel_loop3A_334, %parallel_loop3A_1232 : i32
        %parallel_loop3A_1234 = arith.index_cast %parallel_loop3A_1233 : i32 to index
        %parallel_loop3A_1235 = arith.constant 48 : index
        %parallel_loop3A_1236 = tpu.vector_load %arg9[%parallel_loop3A_1234, %parallel_loop3A_1235] {strides = array<i32>} : memref<256x64xf32, #tpu.memory_space<vmem>>, vector<16xf32>,
        %parallel_loop3A_1237 = arith.constant 8.000000e+00 : f32
        %parallel_loop3A_1238 = vector.broadcast %parallel_loop3A_1237 : f32 to vector<16xf32>
        %parallel_loop3A_1239 = arith.mulf %parallel_loop3A_1236, %parallel_loop3A_1238 : vector<16xf32>
        %parallel_loop3A_1240 = arith.index_cast %parallel_loop3A_1180 : i32 to index
        %parallel_loop3A_1241 = arith.constant 48 : index
        %parallel_loop3A_1242 = tpu.vector_load %arg21[%parallel_loop3A_1240, %parallel_loop3A_1241] {strides = array<i32>} : memref<200x64xf32, #tpu.memory_space<vmem>>, vector<16xf32>,
        %parallel_loop3A_1243 = arith.addf %parallel_loop3A_1239, %parallel_loop3A_1242 : vector<16xf32>
        %parallel_loop3A_1244 = arith.constant 12 : i32
        %parallel_loop3A_1245 = arith.addi %parallel_loop3A_334, %parallel_loop3A_1244 : i32
        %parallel_loop3A_1246 = arith.index_cast %parallel_loop3A_1245 : i32 to index
        %parallel_loop3A_1247 = arith.constant 48 : index
        %parallel_loop3A_1248 = tpu.vector_load %arg10[%parallel_loop3A_1246, %parallel_loop3A_1247] {strides = array<i32>} : memref<256x64xf32, #tpu.memory_space<vmem>>, vector<16xf32>,
        tpu.vector_store %arg10[%parallel_loop3A_1246, %parallel_loop3A_1247], %parallel_loop3A_1243 {strides = array<i32>} : memref<256x64xf32, #tpu.memory_space<vmem>>, vector<16xf32>,
        %parallel_loop3A_1249 = vector.extract_strided_slice %parallel_loop3A_338 {offsets = [13], sizes = [1], strides = [1]} : vector<16xi32> to vector<1xi32>
        %parallel_loop3A_1250 = vector.extract %parallel_loop3A_1249[0] : i32 from vector<1xi32>
        %parallel_loop3A_1251 = arith.constant 13 : i32
        %parallel_loop3A_1252 = arith.addi %parallel_loop3A_334, %parallel_loop3A_1251 : i32
        %parallel_loop3A_1253 = arith.index_cast %parallel_loop3A_1252 : i32 to index
        %parallel_loop3A_1254 = arith.constant 0 : index
        %parallel_loop3A_1255 = tpu.vector_load %arg9[%parallel_loop3A_1253, %parallel_loop3A_1254] {strides = array<i32>} : memref<256x64xf32, #tpu.memory_space<vmem>>, vector<16xf32>,
        %parallel_loop3A_1256 = arith.constant 8.000000e+00 : f32
        %parallel_loop3A_1257 = vector.broadcast %parallel_loop3A_1256 : f32 to vector<16xf32>
        %parallel_loop3A_1258 = arith.mulf %parallel_loop3A_1255, %parallel_loop3A_1257 : vector<16xf32>
        %parallel_loop3A_1259 = arith.index_cast %parallel_loop3A_1250 : i32 to index
        %parallel_loop3A_1260 = arith.constant 0 : index
        %parallel_loop3A_1261 = tpu.vector_load %arg21[%parallel_loop3A_1259, %parallel_loop3A_1260] {strides = array<i32>} : memref<200x64xf32, #tpu.memory_space<vmem>>, vector<16xf32>,
        %parallel_loop3A_1262 = arith.addf %parallel_loop3A_1258, %parallel_loop3A_1261 : vector<16xf32>
        %parallel_loop3A_1263 = arith.constant 13 : i32
        %parallel_loop3A_1264 = arith.addi %parallel_loop3A_334, %parallel_loop3A_1263 : i32
        %parallel_loop3A_1265 = arith.index_cast %parallel_loop3A_1264 : i32 to index
        %parallel_loop3A_1266 = arith.constant 0 : index
        %parallel_loop3A_1267 = tpu.vector_load %arg10[%parallel_loop3A_1265, %parallel_loop3A_1266] {strides = array<i32>} : memref<256x64xf32, #tpu.memory_space<vmem>>, vector<16xf32>,
        tpu.vector_store %arg10[%parallel_loop3A_1265, %parallel_loop3A_1266], %parallel_loop3A_1262 {strides = array<i32>} : memref<256x64xf32, #tpu.memory_space<vmem>>, vector<16xf32>,
        %parallel_loop3A_1268 = arith.constant 13 : i32
        %parallel_loop3A_1269 = arith.addi %parallel_loop3A_334, %parallel_loop3A_1268 : i32
        %parallel_loop3A_1270 = arith.index_cast %parallel_loop3A_1269 : i32 to index
        %parallel_loop3A_1271 = arith.constant 16 : index
        %parallel_loop3A_1272 = tpu.vector_load %arg9[%parallel_loop3A_1270, %parallel_loop3A_1271] {strides = array<i32>} : memref<256x64xf32, #tpu.memory_space<vmem>>, vector<16xf32>,
        %parallel_loop3A_1273 = arith.constant 8.000000e+00 : f32
        %parallel_loop3A_1274 = vector.broadcast %parallel_loop3A_1273 : f32 to vector<16xf32>
        %parallel_loop3A_1275 = arith.mulf %parallel_loop3A_1272, %parallel_loop3A_1274 : vector<16xf32>
        %parallel_loop3A_1276 = arith.index_cast %parallel_loop3A_1250 : i32 to index
        %parallel_loop3A_1277 = arith.constant 16 : index
        %parallel_loop3A_1278 = tpu.vector_load %arg21[%parallel_loop3A_1276, %parallel_loop3A_1277] {strides = array<i32>} : memref<200x64xf32, #tpu.memory_space<vmem>>, vector<16xf32>,
        %parallel_loop3A_1279 = arith.addf %parallel_loop3A_1275, %parallel_loop3A_1278 : vector<16xf32>
        %parallel_loop3A_1280 = arith.constant 13 : i32
        %parallel_loop3A_1281 = arith.addi %parallel_loop3A_334, %parallel_loop3A_1280 : i32
        %parallel_loop3A_1282 = arith.index_cast %parallel_loop3A_1281 : i32 to index
        %parallel_loop3A_1283 = arith.constant 16 : index
        %parallel_loop3A_1284 = tpu.vector_load %arg10[%parallel_loop3A_1282, %parallel_loop3A_1283] {strides = array<i32>} : memref<256x64xf32, #tpu.memory_space<vmem>>, vector<16xf32>,
        tpu.vector_store %arg10[%parallel_loop3A_1282, %parallel_loop3A_1283], %parallel_loop3A_1279 {strides = array<i32>} : memref<256x64xf32, #tpu.memory_space<vmem>>, vector<16xf32>,
        %parallel_loop3A_1285 = arith.constant 13 : i32
        %parallel_loop3A_1286 = arith.addi %parallel_loop3A_334, %parallel_loop3A_1285 : i32
        %parallel_loop3A_1287 = arith.index_cast %parallel_loop3A_1286 : i32 to index
        %parallel_loop3A_1288 = arith.constant 32 : index
        %parallel_loop3A_1289 = tpu.vector_load %arg9[%parallel_loop3A_1287, %parallel_loop3A_1288] {strides = array<i32>} : memref<256x64xf32, #tpu.memory_space<vmem>>, vector<16xf32>,
        %parallel_loop3A_1290 = arith.constant 8.000000e+00 : f32
        %parallel_loop3A_1291 = vector.broadcast %parallel_loop3A_1290 : f32 to vector<16xf32>
        %parallel_loop3A_1292 = arith.mulf %parallel_loop3A_1289, %parallel_loop3A_1291 : vector<16xf32>
        %parallel_loop3A_1293 = arith.index_cast %parallel_loop3A_1250 : i32 to index
        %parallel_loop3A_1294 = arith.constant 32 : index
        %parallel_loop3A_1295 = tpu.vector_load %arg21[%parallel_loop3A_1293, %parallel_loop3A_1294] {strides = array<i32>} : memref<200x64xf32, #tpu.memory_space<vmem>>, vector<16xf32>,
        %parallel_loop3A_1296 = arith.addf %parallel_loop3A_1292, %parallel_loop3A_1295 : vector<16xf32>
        %parallel_loop3A_1297 = arith.constant 13 : i32
        %parallel_loop3A_1298 = arith.addi %parallel_loop3A_334, %parallel_loop3A_1297 : i32
        %parallel_loop3A_1299 = arith.index_cast %parallel_loop3A_1298 : i32 to index
        %parallel_loop3A_1300 = arith.constant 32 : index
        %parallel_loop3A_1301 = tpu.vector_load %arg10[%parallel_loop3A_1299, %parallel_loop3A_1300] {strides = array<i32>} : memref<256x64xf32, #tpu.memory_space<vmem>>, vector<16xf32>,
        tpu.vector_store %arg10[%parallel_loop3A_1299, %parallel_loop3A_1300], %parallel_loop3A_1296 {strides = array<i32>} : memref<256x64xf32, #tpu.memory_space<vmem>>, vector<16xf32>,
        %parallel_loop3A_1302 = arith.constant 13 : i32
        %parallel_loop3A_1303 = arith.addi %parallel_loop3A_334, %parallel_loop3A_1302 : i32
        %parallel_loop3A_1304 = arith.index_cast %parallel_loop3A_1303 : i32 to index
        %parallel_loop3A_1305 = arith.constant 48 : index
        %parallel_loop3A_1306 = tpu.vector_load %arg9[%parallel_loop3A_1304, %parallel_loop3A_1305] {strides = array<i32>} : memref<256x64xf32, #tpu.memory_space<vmem>>, vector<16xf32>,
        %parallel_loop3A_1307 = arith.constant 8.000000e+00 : f32
        %parallel_loop3A_1308 = vector.broadcast %parallel_loop3A_1307 : f32 to vector<16xf32>
        %parallel_loop3A_1309 = arith.mulf %parallel_loop3A_1306, %parallel_loop3A_1308 : vector<16xf32>
        %parallel_loop3A_1310 = arith.index_cast %parallel_loop3A_1250 : i32 to index
        %parallel_loop3A_1311 = arith.constant 48 : index
        %parallel_loop3A_1312 = tpu.vector_load %arg21[%parallel_loop3A_1310, %parallel_loop3A_1311] {strides = array<i32>} : memref<200x64xf32, #tpu.memory_space<vmem>>, vector<16xf32>,
        %parallel_loop3A_1313 = arith.addf %parallel_loop3A_1309, %parallel_loop3A_1312 : vector<16xf32>
        %parallel_loop3A_1314 = arith.constant 13 : i32
        %parallel_loop3A_1315 = arith.addi %parallel_loop3A_334, %parallel_loop3A_1314 : i32
        %parallel_loop3A_1316 = arith.index_cast %parallel_loop3A_1315 : i32 to index
        %parallel_loop3A_1317 = arith.constant 48 : index
        %parallel_loop3A_1318 = tpu.vector_load %arg10[%parallel_loop3A_1316, %parallel_loop3A_1317] {strides = array<i32>} : memref<256x64xf32, #tpu.memory_space<vmem>>, vector<16xf32>,
        tpu.vector_store %arg10[%parallel_loop3A_1316, %parallel_loop3A_1317], %parallel_loop3A_1313 {strides = array<i32>} : memref<256x64xf32, #tpu.memory_space<vmem>>, vector<16xf32>,
        %parallel_loop3A_1319 = vector.extract_strided_slice %parallel_loop3A_338 {offsets = [14], sizes = [1], strides = [1]} : vector<16xi32> to vector<1xi32>
        %parallel_loop3A_1320 = vector.extract %parallel_loop3A_1319[0] : i32 from vector<1xi32>
        %parallel_loop3A_1321 = arith.constant 14 : i32
        %parallel_loop3A_1322 = arith.addi %parallel_loop3A_334, %parallel_loop3A_1321 : i32
        %parallel_loop3A_1323 = arith.index_cast %parallel_loop3A_1322 : i32 to index
        %parallel_loop3A_1324 = arith.constant 0 : index
        %parallel_loop3A_1325 = tpu.vector_load %arg9[%parallel_loop3A_1323, %parallel_loop3A_1324] {strides = array<i32>} : memref<256x64xf32, #tpu.memory_space<vmem>>, vector<16xf32>,
        %parallel_loop3A_1326 = arith.constant 8.000000e+00 : f32
        %parallel_loop3A_1327 = vector.broadcast %parallel_loop3A_1326 : f32 to vector<16xf32>
        %parallel_loop3A_1328 = arith.mulf %parallel_loop3A_1325, %parallel_loop3A_1327 : vector<16xf32>
        %parallel_loop3A_1329 = arith.index_cast %parallel_loop3A_1320 : i32 to index
        %parallel_loop3A_1330 = arith.constant 0 : index
        %parallel_loop3A_1331 = tpu.vector_load %arg21[%parallel_loop3A_1329, %parallel_loop3A_1330] {strides = array<i32>} : memref<200x64xf32, #tpu.memory_space<vmem>>, vector<16xf32>,
        %parallel_loop3A_1332 = arith.addf %parallel_loop3A_1328, %parallel_loop3A_1331 : vector<16xf32>
        %parallel_loop3A_1333 = arith.constant 14 : i32
        %parallel_loop3A_1334 = arith.addi %parallel_loop3A_334, %parallel_loop3A_1333 : i32
        %parallel_loop3A_1335 = arith.index_cast %parallel_loop3A_1334 : i32 to index
        %parallel_loop3A_1336 = arith.constant 0 : index
        %parallel_loop3A_1337 = tpu.vector_load %arg10[%parallel_loop3A_1335, %parallel_loop3A_1336] {strides = array<i32>} : memref<256x64xf32, #tpu.memory_space<vmem>>, vector<16xf32>,
        tpu.vector_store %arg10[%parallel_loop3A_1335, %parallel_loop3A_1336], %parallel_loop3A_1332 {strides = array<i32>} : memref<256x64xf32, #tpu.memory_space<vmem>>, vector<16xf32>,
        %parallel_loop3A_1338 = arith.constant 14 : i32
        %parallel_loop3A_1339 = arith.addi %parallel_loop3A_334, %parallel_loop3A_1338 : i32
        %parallel_loop3A_1340 = arith.index_cast %parallel_loop3A_1339 : i32 to index
        %parallel_loop3A_1341 = arith.constant 16 : index
        %parallel_loop3A_1342 = tpu.vector_load %arg9[%parallel_loop3A_1340, %parallel_loop3A_1341] {strides = array<i32>} : memref<256x64xf32, #tpu.memory_space<vmem>>, vector<16xf32>,
        %parallel_loop3A_1343 = arith.constant 8.000000e+00 : f32
        %parallel_loop3A_1344 = vector.broadcast %parallel_loop3A_1343 : f32 to vector<16xf32>
        %parallel_loop3A_1345 = arith.mulf %parallel_loop3A_1342, %parallel_loop3A_1344 : vector<16xf32>
        %parallel_loop3A_1346 = arith.index_cast %parallel_loop3A_1320 : i32 to index
        %parallel_loop3A_1347 = arith.constant 16 : index
        %parallel_loop3A_1348 = tpu.vector_load %arg21[%parallel_loop3A_1346, %parallel_loop3A_1347] {strides = array<i32>} : memref<200x64xf32, #tpu.memory_space<vmem>>, vector<16xf32>,
        %parallel_loop3A_1349 = arith.addf %parallel_loop3A_1345, %parallel_loop3A_1348 : vector<16xf32>
        %parallel_loop3A_1350 = arith.constant 14 : i32
        %parallel_loop3A_1351 = arith.addi %parallel_loop3A_334, %parallel_loop3A_1350 : i32
        %parallel_loop3A_1352 = arith.index_cast %parallel_loop3A_1351 : i32 to index
        %parallel_loop3A_1353 = arith.constant 16 : index
        %parallel_loop3A_1354 = tpu.vector_load %arg10[%parallel_loop3A_1352, %parallel_loop3A_1353] {strides = array<i32>} : memref<256x64xf32, #tpu.memory_space<vmem>>, vector<16xf32>,
        tpu.vector_store %arg10[%parallel_loop3A_1352, %parallel_loop3A_1353], %parallel_loop3A_1349 {strides = array<i32>} : memref<256x64xf32, #tpu.memory_space<vmem>>, vector<16xf32>,
        %parallel_loop3A_1355 = arith.constant 14 : i32
        %parallel_loop3A_1356 = arith.addi %parallel_loop3A_334, %parallel_loop3A_1355 : i32
        %parallel_loop3A_1357 = arith.index_cast %parallel_loop3A_1356 : i32 to index
        %parallel_loop3A_1358 = arith.constant 32 : index
        %parallel_loop3A_1359 = tpu.vector_load %arg9[%parallel_loop3A_1357, %parallel_loop3A_1358] {strides = array<i32>} : memref<256x64xf32, #tpu.memory_space<vmem>>, vector<16xf32>,
        %parallel_loop3A_1360 = arith.constant 8.000000e+00 : f32
        %parallel_loop3A_1361 = vector.broadcast %parallel_loop3A_1360 : f32 to vector<16xf32>
        %parallel_loop3A_1362 = arith.mulf %parallel_loop3A_1359, %parallel_loop3A_1361 : vector<16xf32>
        %parallel_loop3A_1363 = arith.index_cast %parallel_loop3A_1320 : i32 to index
        %parallel_loop3A_1364 = arith.constant 32 : index
        %parallel_loop3A_1365 = tpu.vector_load %arg21[%parallel_loop3A_1363, %parallel_loop3A_1364] {strides = array<i32>} : memref<200x64xf32, #tpu.memory_space<vmem>>, vector<16xf32>,
        %parallel_loop3A_1366 = arith.addf %parallel_loop3A_1362, %parallel_loop3A_1365 : vector<16xf32>
        %parallel_loop3A_1367 = arith.constant 14 : i32
        %parallel_loop3A_1368 = arith.addi %parallel_loop3A_334, %parallel_loop3A_1367 : i32
        %parallel_loop3A_1369 = arith.index_cast %parallel_loop3A_1368 : i32 to index
        %parallel_loop3A_1370 = arith.constant 32 : index
        %parallel_loop3A_1371 = tpu.vector_load %arg10[%parallel_loop3A_1369, %parallel_loop3A_1370] {strides = array<i32>} : memref<256x64xf32, #tpu.memory_space<vmem>>, vector<16xf32>,
        tpu.vector_store %arg10[%parallel_loop3A_1369, %parallel_loop3A_1370], %parallel_loop3A_1366 {strides = array<i32>} : memref<256x64xf32, #tpu.memory_space<vmem>>, vector<16xf32>,
        %parallel_loop3A_1372 = arith.constant 14 : i32
        %parallel_loop3A_1373 = arith.addi %parallel_loop3A_334, %parallel_loop3A_1372 : i32
        %parallel_loop3A_1374 = arith.index_cast %parallel_loop3A_1373 : i32 to index
        %parallel_loop3A_1375 = arith.constant 48 : index
        %parallel_loop3A_1376 = tpu.vector_load %arg9[%parallel_loop3A_1374, %parallel_loop3A_1375] {strides = array<i32>} : memref<256x64xf32, #tpu.memory_space<vmem>>, vector<16xf32>,
        %parallel_loop3A_1377 = arith.constant 8.000000e+00 : f32
        %parallel_loop3A_1378 = vector.broadcast %parallel_loop3A_1377 : f32 to vector<16xf32>
        %parallel_loop3A_1379 = arith.mulf %parallel_loop3A_1376, %parallel_loop3A_1378 : vector<16xf32>
        %parallel_loop3A_1380 = arith.index_cast %parallel_loop3A_1320 : i32 to index
        %parallel_loop3A_1381 = arith.constant 48 : index
        %parallel_loop3A_1382 = tpu.vector_load %arg21[%parallel_loop3A_1380, %parallel_loop3A_1381] {strides = array<i32>} : memref<200x64xf32, #tpu.memory_space<vmem>>, vector<16xf32>,
        %parallel_loop3A_1383 = arith.addf %parallel_loop3A_1379, %parallel_loop3A_1382 : vector<16xf32>
        %parallel_loop3A_1384 = arith.constant 14 : i32
        %parallel_loop3A_1385 = arith.addi %parallel_loop3A_334, %parallel_loop3A_1384 : i32
        %parallel_loop3A_1386 = arith.index_cast %parallel_loop3A_1385 : i32 to index
        %parallel_loop3A_1387 = arith.constant 48 : index
        %parallel_loop3A_1388 = tpu.vector_load %arg10[%parallel_loop3A_1386, %parallel_loop3A_1387] {strides = array<i32>} : memref<256x64xf32, #tpu.memory_space<vmem>>, vector<16xf32>,
        tpu.vector_store %arg10[%parallel_loop3A_1386, %parallel_loop3A_1387], %parallel_loop3A_1383 {strides = array<i32>} : memref<256x64xf32, #tpu.memory_space<vmem>>, vector<16xf32>,
        %parallel_loop3A_1389 = vector.extract_strided_slice %parallel_loop3A_338 {offsets = [15], sizes = [1], strides = [1]} : vector<16xi32> to vector<1xi32>
        %parallel_loop3A_1390 = vector.extract %parallel_loop3A_1389[0] : i32 from vector<1xi32>
        %parallel_loop3A_1391 = arith.constant 15 : i32
        %parallel_loop3A_1392 = arith.addi %parallel_loop3A_334, %parallel_loop3A_1391 : i32
        %parallel_loop3A_1393 = arith.index_cast %parallel_loop3A_1392 : i32 to index
        %parallel_loop3A_1394 = arith.constant 0 : index
        %parallel_loop3A_1395 = tpu.vector_load %arg9[%parallel_loop3A_1393, %parallel_loop3A_1394] {strides = array<i32>} : memref<256x64xf32, #tpu.memory_space<vmem>>, vector<16xf32>,
        %parallel_loop3A_1396 = arith.constant 8.000000e+00 : f32
        %parallel_loop3A_1397 = vector.broadcast %parallel_loop3A_1396 : f32 to vector<16xf32>
        %parallel_loop3A_1398 = arith.mulf %parallel_loop3A_1395, %parallel_loop3A_1397 : vector<16xf32>
        %parallel_loop3A_1399 = arith.index_cast %parallel_loop3A_1390 : i32 to index
        %parallel_loop3A_1400 = arith.constant 0 : index
        %parallel_loop3A_1401 = tpu.vector_load %arg21[%parallel_loop3A_1399, %parallel_loop3A_1400] {strides = array<i32>} : memref<200x64xf32, #tpu.memory_space<vmem>>, vector<16xf32>,
        %parallel_loop3A_1402 = arith.addf %parallel_loop3A_1398, %parallel_loop3A_1401 : vector<16xf32>
        %parallel_loop3A_1403 = arith.constant 15 : i32
        %parallel_loop3A_1404 = arith.addi %parallel_loop3A_334, %parallel_loop3A_1403 : i32
        %parallel_loop3A_1405 = arith.index_cast %parallel_loop3A_1404 : i32 to index
        %parallel_loop3A_1406 = arith.constant 0 : index
        %parallel_loop3A_1407 = tpu.vector_load %arg10[%parallel_loop3A_1405, %parallel_loop3A_1406] {strides = array<i32>} : memref<256x64xf32, #tpu.memory_space<vmem>>, vector<16xf32>,
        tpu.vector_store %arg10[%parallel_loop3A_1405, %parallel_loop3A_1406], %parallel_loop3A_1402 {strides = array<i32>} : memref<256x64xf32, #tpu.memory_space<vmem>>, vector<16xf32>,
        %parallel_loop3A_1408 = arith.constant 15 : i32
        %parallel_loop3A_1409 = arith.addi %parallel_loop3A_334, %parallel_loop3A_1408 : i32
        %parallel_loop3A_1410 = arith.index_cast %parallel_loop3A_1409 : i32 to index
        %parallel_loop3A_1411 = arith.constant 16 : index
        %parallel_loop3A_1412 = tpu.vector_load %arg9[%parallel_loop3A_1410, %parallel_loop3A_1411] {strides = array<i32>} : memref<256x64xf32, #tpu.memory_space<vmem>>, vector<16xf32>,
        %parallel_loop3A_1413 = arith.constant 8.000000e+00 : f32
        %parallel_loop3A_1414 = vector.broadcast %parallel_loop3A_1413 : f32 to vector<16xf32>
        %parallel_loop3A_1415 = arith.mulf %parallel_loop3A_1412, %parallel_loop3A_1414 : vector<16xf32>
        %parallel_loop3A_1416 = arith.index_cast %parallel_loop3A_1390 : i32 to index
        %parallel_loop3A_1417 = arith.constant 16 : index
        %parallel_loop3A_1418 = tpu.vector_load %arg21[%parallel_loop3A_1416, %parallel_loop3A_1417] {strides = array<i32>} : memref<200x64xf32, #tpu.memory_space<vmem>>, vector<16xf32>,
        %parallel_loop3A_1419 = arith.addf %parallel_loop3A_1415, %parallel_loop3A_1418 : vector<16xf32>
        %parallel_loop3A_1420 = arith.constant 15 : i32
        %parallel_loop3A_1421 = arith.addi %parallel_loop3A_334, %parallel_loop3A_1420 : i32
        %parallel_loop3A_1422 = arith.index_cast %parallel_loop3A_1421 : i32 to index
        %parallel_loop3A_1423 = arith.constant 16 : index
        %parallel_loop3A_1424 = tpu.vector_load %arg10[%parallel_loop3A_1422, %parallel_loop3A_1423] {strides = array<i32>} : memref<256x64xf32, #tpu.memory_space<vmem>>, vector<16xf32>,
        tpu.vector_store %arg10[%parallel_loop3A_1422, %parallel_loop3A_1423], %parallel_loop3A_1419 {strides = array<i32>} : memref<256x64xf32, #tpu.memory_space<vmem>>, vector<16xf32>,
        %parallel_loop3A_1425 = arith.constant 15 : i32
        %parallel_loop3A_1426 = arith.addi %parallel_loop3A_334, %parallel_loop3A_1425 : i32
        %parallel_loop3A_1427 = arith.index_cast %parallel_loop3A_1426 : i32 to index
        %parallel_loop3A_1428 = arith.constant 32 : index
        %parallel_loop3A_1429 = tpu.vector_load %arg9[%parallel_loop3A_1427, %parallel_loop3A_1428] {strides = array<i32>} : memref<256x64xf32, #tpu.memory_space<vmem>>, vector<16xf32>,
        %parallel_loop3A_1430 = arith.constant 8.000000e+00 : f32
        %parallel_loop3A_1431 = vector.broadcast %parallel_loop3A_1430 : f32 to vector<16xf32>
        %parallel_loop3A_1432 = arith.mulf %parallel_loop3A_1429, %parallel_loop3A_1431 : vector<16xf32>
        %parallel_loop3A_1433 = arith.index_cast %parallel_loop3A_1390 : i32 to index
        %parallel_loop3A_1434 = arith.constant 32 : index
        %parallel_loop3A_1435 = tpu.vector_load %arg21[%parallel_loop3A_1433, %parallel_loop3A_1434] {strides = array<i32>} : memref<200x64xf32, #tpu.memory_space<vmem>>, vector<16xf32>,
        %parallel_loop3A_1436 = arith.addf %parallel_loop3A_1432, %parallel_loop3A_1435 : vector<16xf32>
        %parallel_loop3A_1437 = arith.constant 15 : i32
        %parallel_loop3A_1438 = arith.addi %parallel_loop3A_334, %parallel_loop3A_1437 : i32
        %parallel_loop3A_1439 = arith.index_cast %parallel_loop3A_1438 : i32 to index
        %parallel_loop3A_1440 = arith.constant 32 : index
        %parallel_loop3A_1441 = tpu.vector_load %arg10[%parallel_loop3A_1439, %parallel_loop3A_1440] {strides = array<i32>} : memref<256x64xf32, #tpu.memory_space<vmem>>, vector<16xf32>,
        tpu.vector_store %arg10[%parallel_loop3A_1439, %parallel_loop3A_1440], %parallel_loop3A_1436 {strides = array<i32>} : memref<256x64xf32, #tpu.memory_space<vmem>>, vector<16xf32>,
        %parallel_loop3A_1442 = arith.constant 15 : i32
        %parallel_loop3A_1443 = arith.addi %parallel_loop3A_334, %parallel_loop3A_1442 : i32
        %parallel_loop3A_1444 = arith.index_cast %parallel_loop3A_1443 : i32 to index
        %parallel_loop3A_1445 = arith.constant 48 : index
        %parallel_loop3A_1446 = tpu.vector_load %arg9[%parallel_loop3A_1444, %parallel_loop3A_1445] {strides = array<i32>} : memref<256x64xf32, #tpu.memory_space<vmem>>, vector<16xf32>,
        %parallel_loop3A_1447 = arith.constant 8.000000e+00 : f32
        %parallel_loop3A_1448 = vector.broadcast %parallel_loop3A_1447 : f32 to vector<16xf32>
        %parallel_loop3A_1449 = arith.mulf %parallel_loop3A_1446, %parallel_loop3A_1448 : vector<16xf32>
        %parallel_loop3A_1450 = arith.index_cast %parallel_loop3A_1390 : i32 to index
        %parallel_loop3A_1451 = arith.constant 48 : index
        %parallel_loop3A_1452 = tpu.vector_load %arg21[%parallel_loop3A_1450, %parallel_loop3A_1451] {strides = array<i32>} : memref<200x64xf32, #tpu.memory_space<vmem>>, vector<16xf32>,
        %parallel_loop3A_1453 = arith.addf %parallel_loop3A_1449, %parallel_loop3A_1452 : vector<16xf32>
        %parallel_loop3A_1454 = arith.constant 15 : i32
        %parallel_loop3A_1455 = arith.addi %parallel_loop3A_334, %parallel_loop3A_1454 : i32
        %parallel_loop3A_1456 = arith.index_cast %parallel_loop3A_1455 : i32 to index
        %parallel_loop3A_1457 = arith.constant 48 : index
        %parallel_loop3A_1458 = tpu.vector_load %arg10[%parallel_loop3A_1456, %parallel_loop3A_1457] {strides = array<i32>} : memref<256x64xf32, #tpu.memory_space<vmem>>, vector<16xf32>,
        tpu.vector_store %arg10[%parallel_loop3A_1456, %parallel_loop3A_1457], %parallel_loop3A_1453 {strides = array<i32>} : memref<256x64xf32, #tpu.memory_space<vmem>>, vector<16xf32>,
      } {sc.loop_unroll_factor = 1 : i64, sc.parallel_access}
      %jit3A_197 = arith.constant 16 : i32
      %div3A_198 = arith.divsi %add3A_138, %jit3A_197 : i32
      %sign3A_199 = arith.constant 0 : i32
      %sign3A_200 = arith.cmpi sgt, %add3A_138, %sign3A_199 : i32
      %sign3A_201 = arith.extui %sign3A_200 : i1 to i32
      %sign3A_202 = arith.constant 0 : i32
      %sign3A_203 = arith.cmpi slt, %add3A_138, %sign3A_202 : i32
      %sign3A_204 = arith.extui %sign3A_203 : i1 to i32
      %sign3A_205 = arith.subi %sign3A_201, %sign3A_204 : i32
      %sign3A_206 = arith.constant 0 : i32
      %sign3A_207 = arith.cmpi sgt, %jit3A_197, %sign3A_206 : i32
      %sign3A_208 = arith.extui %sign3A_207 : i1 to i32
      %sign3A_209 = arith.constant 0 : i32
      %sign3A_210 = arith.cmpi slt, %jit3A_197, %sign3A_209 : i32
      %sign3A_211 = arith.extui %sign3A_210 : i1 to i32
      %sign3A_212 = arith.subi %sign3A_208, %sign3A_211 : i32
      %ne3A_213 = arith.cmpi ne, %sign3A_205, %sign3A_212 : i32
      %rem3A_214 = arith.remsi %add3A_138, %jit3A_197 : i32
      %ne3A_215 = arith.constant 0 : i32
      %ne3A_216 = arith.cmpi ne, %rem3A_214, %ne3A_215 : i32
      %and3A_217 = arith.andi %ne3A_213, %ne3A_216 : i1
      %sub3A_218 = arith.constant 1 : i32
      %sub3A_219 = arith.subi %div3A_198, %sub3A_218 : i32
      %select_n3A_220 = arith.select %and3A_217, %sub3A_219, %div3A_198 : i32
      %jit3A_221 = arith.constant 16 : i32
      %eq3A_222 = arith.constant 0 : i32
      %eq3A_223 = arith.cmpi eq, %jit3A_221, %eq3A_222 : i32
      %jit3A_224 = arith.constant 1 : i32
      %select_n3A_225 = arith.select %eq3A_223, %jit3A_224, %jit3A_221 : i32
      %rem3A_226 = arith.remsi %add3A_138, %select_n3A_225 : i32
      %ne3A_227 = arith.constant 0 : i32
      %ne3A_228 = arith.cmpi ne, %rem3A_226, %ne3A_227 : i32
      %lt3A_229 = arith.constant 0 : i32
      %lt3A_230 = arith.cmpi slt, %rem3A_226, %lt3A_229 : i32
      %lt3A_231 = arith.constant 0 : i32
      %lt3A_232 = arith.cmpi slt, %select_n3A_225, %lt3A_231 : i32
      %ne3A_233 = arith.xori %lt3A_230, %lt3A_232 : i1
      %and3A_234 = arith.andi %ne3A_233, %ne3A_228 : i1
      %add3A_235 = arith.addi %rem3A_226, %select_n3A_225 : i32
      %select_n3A_236 = arith.select %and3A_234, %add3A_235, %rem3A_226 : i32
      %mul3A_237 = arith.constant 256 : i32
      %mul3A_238 = arith.muli %select_n3A_236, %mul3A_237 : i32
      %multiple_of3A_239 = tpu.assume_multiple %mul3A_238, 256 : i32
      %mul3A_240 = arith.constant 64 : i32
      %mul3A_241 = arith.muli %select_n3A_220, %mul3A_240 : i32
      %multiple_of3A_242 = tpu.assume_multiple %mul3A_241, 64 : i32
      %dma_start3A_243 = tpu.memref_slice %arg6[%multiple_of3A_239, %multiple_of3A_242] : memref<4096x12800xf32, #tpu.memory_space<hbm>> -> memref<256x64xf32, #tpu.memory_space<hbm>>
      %dma_start3A_244 = tpu.memref_slice %arg6[%multiple_of3A_239, %multiple_of3A_242] : memref<4096x12800xf32, #tpu.memory_space<hbm>> -> memref<256x64xf32, #tpu.memory_space<hbm>>
      tpu.enqueue_dma source(%arg10 : memref<256x64xf32, #tpu.memory_space<vmem>>) target(%dma_start3A_244 : memref<256x64xf32, #tpu.memory_space<hbm>>) target_semaphore(%arg13 : memref<!tpu.dma_semaphore, #tpu.memory_space<semaphore_mem>>)
      %lt3A_245 = arith.constant 49 : i32
      %lt3A_246 = arith.cmpi slt, %scan3A_135, %lt3A_245 : i32
      %convert_element_type3A_247 = arith.extui %lt3A_246 : i1 to i32
      %cond3A_248 = arith.constant 0 : i32
      %cond3A_249 = arith.cmpi ne, %convert_element_type3A_247, %cond3A_248 : i32
      scf.if %cond3A_249 {
        %add3A_331 = arith.constant 2 : i32
        %add3A_332 = arith.addi %add3A_138, %add3A_331 : i32
        %jit3A_333 = arith.constant 16 : i32
        %div3A_334 = arith.divsi %add3A_332, %jit3A_333 : i32
        %sign3A_335 = arith.constant 0 : i32
        %sign3A_336 = arith.cmpi sgt, %add3A_332, %sign3A_335 : i32
        %sign3A_337 = arith.extui %sign3A_336 : i1 to i32
        %sign3A_338 = arith.constant 0 : i32
        %sign3A_339 = arith.cmpi slt, %add3A_332, %sign3A_338 : i32
        %sign3A_340 = arith.extui %sign3A_339 : i1 to i32
        %sign3A_341 = arith.subi %sign3A_337, %sign3A_340 : i32
        %sign3A_342 = arith.constant 0 : i32
        %sign3A_343 = arith.cmpi sgt, %jit3A_333, %sign3A_342 : i32
        %sign3A_344 = arith.extui %sign3A_343 : i1 to i32
        %sign3A_345 = arith.constant 0 : i32
        %sign3A_346 = arith.cmpi slt, %jit3A_333, %sign3A_345 : i32
        %sign3A_347 = arith.extui %sign3A_346 : i1 to i32
        %sign3A_348 = arith.subi %sign3A_344, %sign3A_347 : i32
        %ne3A_349 = arith.cmpi ne, %sign3A_341, %sign3A_348 : i32
        %rem3A_350 = arith.remsi %add3A_332, %jit3A_333 : i32
        %ne3A_351 = arith.constant 0 : i32
        %ne3A_352 = arith.cmpi ne, %rem3A_350, %ne3A_351 : i32
        %and3A_353 = arith.andi %ne3A_349, %ne3A_352 : i1
        %sub3A_354 = arith.constant 1 : i32
        %sub3A_355 = arith.subi %div3A_334, %sub3A_354 : i32
        %select_n3A_356 = arith.select %and3A_353, %sub3A_355, %div3A_334 : i32
        %jit3A_357 = arith.constant 16 : i32
        %eq3A_358 = arith.constant 0 : i32
        %eq3A_359 = arith.cmpi eq, %jit3A_357, %eq3A_358 : i32
        %jit3A_360 = arith.constant 1 : i32
        %select_n3A_361 = arith.select %eq3A_359, %jit3A_360, %jit3A_357 : i32
        %rem3A_362 = arith.remsi %add3A_332, %select_n3A_361 : i32
        %ne3A_363 = arith.constant 0 : i32
        %ne3A_364 = arith.cmpi ne, %rem3A_362, %ne3A_363 : i32
        %lt3A_365 = arith.constant 0 : i32
        %lt3A_366 = arith.cmpi slt, %rem3A_362, %lt3A_365 : i32
        %lt3A_367 = arith.constant 0 : i32
        %lt3A_368 = arith.cmpi slt, %select_n3A_361, %lt3A_367 : i32
        %ne3A_369 = arith.xori %lt3A_366, %lt3A_368 : i1
        %and3A_370 = arith.andi %ne3A_369, %ne3A_364 : i1
        %add3A_371 = arith.addi %rem3A_362, %select_n3A_361 : i32
        %select_n3A_372 = arith.select %and3A_370, %add3A_371, %rem3A_362 : i32
        %mul3A_373 = arith.constant 256 : i32
        %mul3A_374 = arith.muli %select_n3A_372, %mul3A_373 : i32
        %multiple_of3A_375 = tpu.assume_multiple %mul3A_374, 256 : i32
        %dma_start3A_376 = tpu.memref_slice %arg2[%select_n3A_356, %multiple_of3A_375] : memref<200x4096xi32, #tpu.memory_space<hbm>> -> memref<1x256xi32, #tpu.memory_space<hbm>>
        %dma_start3A_377 = tpu.memref_slice %arg2[%select_n3A_356, %multiple_of3A_375] : memref<200x4096xi32, #tpu.memory_space<hbm>> -> memref<1x256xi32, #tpu.memory_space<hbm>>
        tpu.enqueue_dma source(%dma_start3A_377 : memref<1x256xi32, #tpu.memory_space<hbm>>) target(%arg7 : memref<1x256xi32, #tpu.memory_space<vmem>>) target_semaphore(%arg11 : memref<!tpu.dma_semaphore, #tpu.memory_space<semaphore_mem>>)
        %dma_start3A_378 = tpu.memref_slice %arg3[%select_n3A_356, %multiple_of3A_375] : memref<200x4096xi32, #tpu.memory_space<hbm>> -> memref<1x256xi32, #tpu.memory_space<hbm>>
        %dma_start3A_379 = tpu.memref_slice %arg3[%select_n3A_356, %multiple_of3A_375] : memref<200x4096xi32, #tpu.memory_space<hbm>> -> memref<1x256xi32, #tpu.memory_space<hbm>>
        tpu.enqueue_dma source(%dma_start3A_379 : memref<1x256xi32, #tpu.memory_space<hbm>>) target(%arg8 : memref<1x256xi32, #tpu.memory_space<vmem>>) target_semaphore(%arg11 : memref<!tpu.dma_semaphore, #tpu.memory_space<semaphore_mem>>)
      } else {
      }
      %dma_wait3A_250 = arith.constant 0 : i32
      %dma_wait3A_251 = arith.constant 0 : i32
      %dma_wait3A_252 = arith.constant 0 : i32
      %dma_wait3A_253 = tpu.memref_slice %arg16[%dma_wait3A_251, %dma_wait3A_252] : memref<256x64xf32, #tpu.memory_space<vmem>> -> memref<128x64xf32, #tpu.memory_space<vmem>>
      %dma_wait3A_254 = arith.constant 0 : i32
      %dma_wait3A_255 = tpu.memref_slice %arg14[%dma_wait3A_250, %dma_wait3A_254] : memref<1x256xi32, #tpu.memory_space<vmem>> -> memref<1x128xi32, #tpu.memory_space<vmem>>
      %dma_wait3A_256 = tpu.memref_squeeze %dma_wait3A_255 : memref<1x128xi32, #tpu.memory_space<vmem>> -> memref<128xi32, #tpu.memory_space<vmem>>
      %dma_wait3A_257 = arith.constant 0 : i32
      %dma_wait3A_258 = arith.constant 0 : i32
      %dma_wait3A_259 = tpu.memref_slice %arg4[%dma_wait3A_257, %dma_wait3A_258] : memref<1000000x64xf32, #tpu.memory_space<hbm>> -> memref<1000000x64xf32, #tpu.memory_space<hbm>>
      tpu.wait_indirect_dma semaphore(%arg19 : memref<!tpu.dma_semaphore, #tpu.memory_space<semaphore_mem>>) src(%dma_wait3A_259 : memref<1000000x64xf32, #tpu.memory_space<hbm>>) dst(%dma_wait3A_253 : memref<128x64xf32, #tpu.memory_space<vmem>>)
      %dma_wait3A_260 = arith.constant 0 : i32
      %dma_wait3A_261 = arith.constant 128 : i32
      %dma_wait3A_262 = arith.constant 0 : i32
      %dma_wait3A_263 = tpu.memref_slice %arg16[%dma_wait3A_261, %dma_wait3A_262] : memref<256x64xf32, #tpu.memory_space<vmem>> -> memref<128x64xf32, #tpu.memory_space<vmem>>
      %dma_wait3A_264 = arith.constant 128 : i32
      %dma_wait3A_265 = tpu.memref_slice %arg14[%dma_wait3A_260, %dma_wait3A_264] : memref<1x256xi32, #tpu.memory_space<vmem>> -> memref<1x128xi32, #tpu.memory_space<vmem>>
      %dma_wait3A_266 = tpu.memref_squeeze %dma_wait3A_265 : memref<1x128xi32, #tpu.memory_space<vmem>> -> memref<128xi32, #tpu.memory_space<vmem>>
      %dma_wait3A_267 = arith.constant 0 : i32
      %dma_wait3A_268 = arith.constant 0 : i32
      %dma_wait3A_269 = tpu.memref_slice %arg4[%dma_wait3A_267, %dma_wait3A_268] : memref<1000000x64xf32, #tpu.memory_space<hbm>> -> memref<1000000x64xf32, #tpu.memory_space<hbm>>
      tpu.wait_indirect_dma semaphore(%arg19 : memref<!tpu.dma_semaphore, #tpu.memory_space<semaphore_mem>>) src(%dma_wait3A_269 : memref<1000000x64xf32, #tpu.memory_space<hbm>>) dst(%dma_wait3A_263 : memref<128x64xf32, #tpu.memory_space<vmem>>)
      %gt3A_270 = arith.constant 0 : i32
      %gt3A_271 = arith.cmpi sgt, %scan3A_135, %gt3A_270 : i32
      %convert_element_type3A_272 = arith.extui %gt3A_271 : i1 to i32
      %cond3A_273 = arith.constant 0 : i32
      %cond3A_274 = arith.cmpi ne, %convert_element_type3A_272, %cond3A_273 : i32
      scf.if %cond3A_274 {
        %dma_wait3A_331 = arith.constant 0 : i32
        %dma_wait3A_332 = arith.constant 0 : i32
        %dma_wait3A_333 = tpu.memref_slice %arg6[%dma_wait3A_331, %dma_wait3A_332] : memref<4096x12800xf32, #tpu.memory_space<hbm>> -> memref<256x64xf32, #tpu.memory_space<hbm>>
        %dma_wait3A_334 = arith.constant 0 : i32
        %dma_wait3A_335 = arith.constant 0 : i32
        %dma_wait3A_336 = tpu.memref_slice %arg6[%dma_wait3A_334, %dma_wait3A_335] : memref<4096x12800xf32, #tpu.memory_space<hbm>> -> memref<256x64xf32, #tpu.memory_space<hbm>>
        tpu.wait_dma2 semaphore(%arg20 : memref<!tpu.dma_semaphore, #tpu.memory_space<semaphore_mem>>) src(%arg17 : memref<256x64xf32, #tpu.memory_space<vmem>>) dst(%dma_wait3A_336 : memref<256x64xf32, #tpu.memory_space<hbm>>)
      } else {
      }
      %parallel_loop3A_275 = arith.constant 0 : i32
      %parallel_loop3A_276 = arith.constant 16 : i32
      %parallel_loop3A_277 = arith.constant 1 : i32
      scf.for %parallel_loop3A_331 = %parallel_loop3A_275 to %parallel_loop3A_276 step %parallel_loop3A_277  : i32 {
        %parallel_loop3A_332 = arith.constant 16 : i32
        %parallel_loop3A_333 = arith.muli %parallel_loop3A_331, %parallel_loop3A_332 : i32
        %parallel_loop3A_334 = tpu.assume_multiple %parallel_loop3A_333, 16 : i32
        %parallel_loop3A_335 = arith.constant 0 : i32
        %parallel_loop3A_336 = arith.index_cast %parallel_loop3A_335 : i32 to index
        %parallel_loop3A_337 = arith.index_cast %parallel_loop3A_334 : i32 to index
        %parallel_loop3A_338 = tpu.vector_load %arg15[%parallel_loop3A_336, %parallel_loop3A_337] {strides = array<i32>} : memref<1x256xi32, #tpu.memory_space<vmem>>, vector<16xi32>,
        %parallel_loop3A_339 = vector.extract_strided_slice %parallel_loop3A_338 {offsets = [0], sizes = [1], strides = [1]} : vector<16xi32> to vector<1xi32>
        %parallel_loop3A_340 = vector.extract %parallel_loop3A_339[0] : i32 from vector<1xi32>
        %parallel_loop3A_341 = arith.constant 0 : i32
        %parallel_loop3A_342 = arith.addi %parallel_loop3A_334, %parallel_loop3A_341 : i32
        %parallel_loop3A_343 = arith.index_cast %parallel_loop3A_342 : i32 to index
        %parallel_loop3A_344 = arith.constant 0 : index
        %parallel_loop3A_345 = tpu.vector_load %arg16[%parallel_loop3A_343, %parallel_loop3A_344] {strides = array<i32>} : memref<256x64xf32, #tpu.memory_space<vmem>>, vector<16xf32>,
        %parallel_loop3A_346 = arith.constant 8.000000e+00 : f32
        %parallel_loop3A_347 = vector.broadcast %parallel_loop3A_346 : f32 to vector<16xf32>
        %parallel_loop3A_348 = arith.mulf %parallel_loop3A_345, %parallel_loop3A_347 : vector<16xf32>
        %parallel_loop3A_349 = arith.index_cast %parallel_loop3A_340 : i32 to index
        %parallel_loop3A_350 = arith.constant 0 : index
        %parallel_loop3A_351 = tpu.vector_load %arg21[%parallel_loop3A_349, %parallel_loop3A_350] {strides = array<i32>} : memref<200x64xf32, #tpu.memory_space<vmem>>, vector<16xf32>,
        %parallel_loop3A_352 = arith.addf %parallel_loop3A_348, %parallel_loop3A_351 : vector<16xf32>
        %parallel_loop3A_353 = arith.constant 0 : i32
        %parallel_loop3A_354 = arith.addi %parallel_loop3A_334, %parallel_loop3A_353 : i32
        %parallel_loop3A_355 = arith.index_cast %parallel_loop3A_354 : i32 to index
        %parallel_loop3A_356 = arith.constant 0 : index
        %parallel_loop3A_357 = tpu.vector_load %arg17[%parallel_loop3A_355, %parallel_loop3A_356] {strides = array<i32>} : memref<256x64xf32, #tpu.memory_space<vmem>>, vector<16xf32>,
        tpu.vector_store %arg17[%parallel_loop3A_355, %parallel_loop3A_356], %parallel_loop3A_352 {strides = array<i32>} : memref<256x64xf32, #tpu.memory_space<vmem>>, vector<16xf32>,
        %parallel_loop3A_358 = arith.constant 0 : i32
        %parallel_loop3A_359 = arith.addi %parallel_loop3A_334, %parallel_loop3A_358 : i32
        %parallel_loop3A_360 = arith.index_cast %parallel_loop3A_359 : i32 to index
        %parallel_loop3A_361 = arith.constant 16 : index
        %parallel_loop3A_362 = tpu.vector_load %arg16[%parallel_loop3A_360, %parallel_loop3A_361] {strides = array<i32>} : memref<256x64xf32, #tpu.memory_space<vmem>>, vector<16xf32>,
        %parallel_loop3A_363 = arith.constant 8.000000e+00 : f32
        %parallel_loop3A_364 = vector.broadcast %parallel_loop3A_363 : f32 to vector<16xf32>
        %parallel_loop3A_365 = arith.mulf %parallel_loop3A_362, %parallel_loop3A_364 : vector<16xf32>
        %parallel_loop3A_366 = arith.index_cast %parallel_loop3A_340 : i32 to index
        %parallel_loop3A_367 = arith.constant 16 : index
        %parallel_loop3A_368 = tpu.vector_load %arg21[%parallel_loop3A_366, %parallel_loop3A_367] {strides = array<i32>} : memref<200x64xf32, #tpu.memory_space<vmem>>, vector<16xf32>,
        %parallel_loop3A_369 = arith.addf %parallel_loop3A_365, %parallel_loop3A_368 : vector<16xf32>
        %parallel_loop3A_370 = arith.constant 0 : i32
        %parallel_loop3A_371 = arith.addi %parallel_loop3A_334, %parallel_loop3A_370 : i32
        %parallel_loop3A_372 = arith.index_cast %parallel_loop3A_371 : i32 to index
        %parallel_loop3A_373 = arith.constant 16 : index
        %parallel_loop3A_374 = tpu.vector_load %arg17[%parallel_loop3A_372, %parallel_loop3A_373] {strides = array<i32>} : memref<256x64xf32, #tpu.memory_space<vmem>>, vector<16xf32>,
        tpu.vector_store %arg17[%parallel_loop3A_372, %parallel_loop3A_373], %parallel_loop3A_369 {strides = array<i32>} : memref<256x64xf32, #tpu.memory_space<vmem>>, vector<16xf32>,
        %parallel_loop3A_375 = arith.constant 0 : i32
        %parallel_loop3A_376 = arith.addi %parallel_loop3A_334, %parallel_loop3A_375 : i32
        %parallel_loop3A_377 = arith.index_cast %parallel_loop3A_376 : i32 to index
        %parallel_loop3A_378 = arith.constant 32 : index
        %parallel_loop3A_379 = tpu.vector_load %arg16[%parallel_loop3A_377, %parallel_loop3A_378] {strides = array<i32>} : memref<256x64xf32, #tpu.memory_space<vmem>>, vector<16xf32>,
        %parallel_loop3A_380 = arith.constant 8.000000e+00 : f32
        %parallel_loop3A_381 = vector.broadcast %parallel_loop3A_380 : f32 to vector<16xf32>
        %parallel_loop3A_382 = arith.mulf %parallel_loop3A_379, %parallel_loop3A_381 : vector<16xf32>
        %parallel_loop3A_383 = arith.index_cast %parallel_loop3A_340 : i32 to index
        %parallel_loop3A_384 = arith.constant 32 : index
        %parallel_loop3A_385 = tpu.vector_load %arg21[%parallel_loop3A_383, %parallel_loop3A_384] {strides = array<i32>} : memref<200x64xf32, #tpu.memory_space<vmem>>, vector<16xf32>,
        %parallel_loop3A_386 = arith.addf %parallel_loop3A_382, %parallel_loop3A_385 : vector<16xf32>
        %parallel_loop3A_387 = arith.constant 0 : i32
        %parallel_loop3A_388 = arith.addi %parallel_loop3A_334, %parallel_loop3A_387 : i32
        %parallel_loop3A_389 = arith.index_cast %parallel_loop3A_388 : i32 to index
        %parallel_loop3A_390 = arith.constant 32 : index
        %parallel_loop3A_391 = tpu.vector_load %arg17[%parallel_loop3A_389, %parallel_loop3A_390] {strides = array<i32>} : memref<256x64xf32, #tpu.memory_space<vmem>>, vector<16xf32>,
        tpu.vector_store %arg17[%parallel_loop3A_389, %parallel_loop3A_390], %parallel_loop3A_386 {strides = array<i32>} : memref<256x64xf32, #tpu.memory_space<vmem>>, vector<16xf32>,
        %parallel_loop3A_392 = arith.constant 0 : i32
        %parallel_loop3A_393 = arith.addi %parallel_loop3A_334, %parallel_loop3A_392 : i32
        %parallel_loop3A_394 = arith.index_cast %parallel_loop3A_393 : i32 to index
        %parallel_loop3A_395 = arith.constant 48 : index
        %parallel_loop3A_396 = tpu.vector_load %arg16[%parallel_loop3A_394, %parallel_loop3A_395] {strides = array<i32>} : memref<256x64xf32, #tpu.memory_space<vmem>>, vector<16xf32>,
        %parallel_loop3A_397 = arith.constant 8.000000e+00 : f32
        %parallel_loop3A_398 = vector.broadcast %parallel_loop3A_397 : f32 to vector<16xf32>
        %parallel_loop3A_399 = arith.mulf %parallel_loop3A_396, %parallel_loop3A_398 : vector<16xf32>
        %parallel_loop3A_400 = arith.index_cast %parallel_loop3A_340 : i32 to index
        %parallel_loop3A_401 = arith.constant 48 : index
        %parallel_loop3A_402 = tpu.vector_load %arg21[%parallel_loop3A_400, %parallel_loop3A_401] {strides = array<i32>} : memref<200x64xf32, #tpu.memory_space<vmem>>, vector<16xf32>,
        %parallel_loop3A_403 = arith.addf %parallel_loop3A_399, %parallel_loop3A_402 : vector<16xf32>
        %parallel_loop3A_404 = arith.constant 0 : i32
        %parallel_loop3A_405 = arith.addi %parallel_loop3A_334, %parallel_loop3A_404 : i32
        %parallel_loop3A_406 = arith.index_cast %parallel_loop3A_405 : i32 to index
        %parallel_loop3A_407 = arith.constant 48 : index
        %parallel_loop3A_408 = tpu.vector_load %arg17[%parallel_loop3A_406, %parallel_loop3A_407] {strides = array<i32>} : memref<256x64xf32, #tpu.memory_space<vmem>>, vector<16xf32>,
        tpu.vector_store %arg17[%parallel_loop3A_406, %parallel_loop3A_407], %parallel_loop3A_403 {strides = array<i32>} : memref<256x64xf32, #tpu.memory_space<vmem>>, vector<16xf32>,
        %parallel_loop3A_409 = vector.extract_strided_slice %parallel_loop3A_338 {offsets = [1], sizes = [1], strides = [1]} : vector<16xi32> to vector<1xi32>
        %parallel_loop3A_410 = vector.extract %parallel_loop3A_409[0] : i32 from vector<1xi32>
        %parallel_loop3A_411 = arith.constant 1 : i32
        %parallel_loop3A_412 = arith.addi %parallel_loop3A_334, %parallel_loop3A_411 : i32
        %parallel_loop3A_413 = arith.index_cast %parallel_loop3A_412 : i32 to index
        %parallel_loop3A_414 = arith.constant 0 : index
        %parallel_loop3A_415 = tpu.vector_load %arg16[%parallel_loop3A_413, %parallel_loop3A_414] {strides = array<i32>} : memref<256x64xf32, #tpu.memory_space<vmem>>, vector<16xf32>,
        %parallel_loop3A_416 = arith.constant 8.000000e+00 : f32
        %parallel_loop3A_417 = vector.broadcast %parallel_loop3A_416 : f32 to vector<16xf32>
        %parallel_loop3A_418 = arith.mulf %parallel_loop3A_415, %parallel_loop3A_417 : vector<16xf32>
        %parallel_loop3A_419 = arith.index_cast %parallel_loop3A_410 : i32 to index
        %parallel_loop3A_420 = arith.constant 0 : index
        %parallel_loop3A_421 = tpu.vector_load %arg21[%parallel_loop3A_419, %parallel_loop3A_420] {strides = array<i32>} : memref<200x64xf32, #tpu.memory_space<vmem>>, vector<16xf32>,
        %parallel_loop3A_422 = arith.addf %parallel_loop3A_418, %parallel_loop3A_421 : vector<16xf32>
        %parallel_loop3A_423 = arith.constant 1 : i32
        %parallel_loop3A_424 = arith.addi %parallel_loop3A_334, %parallel_loop3A_423 : i32
        %parallel_loop3A_425 = arith.index_cast %parallel_loop3A_424 : i32 to index
        %parallel_loop3A_426 = arith.constant 0 : index
        %parallel_loop3A_427 = tpu.vector_load %arg17[%parallel_loop3A_425, %parallel_loop3A_426] {strides = array<i32>} : memref<256x64xf32, #tpu.memory_space<vmem>>, vector<16xf32>,
        tpu.vector_store %arg17[%parallel_loop3A_425, %parallel_loop3A_426], %parallel_loop3A_422 {strides = array<i32>} : memref<256x64xf32, #tpu.memory_space<vmem>>, vector<16xf32>,
        %parallel_loop3A_428 = arith.constant 1 : i32
        %parallel_loop3A_429 = arith.addi %parallel_loop3A_334, %parallel_loop3A_428 : i32
        %parallel_loop3A_430 = arith.index_cast %parallel_loop3A_429 : i32 to index
        %parallel_loop3A_431 = arith.constant 16 : index
        %parallel_loop3A_432 = tpu.vector_load %arg16[%parallel_loop3A_430, %parallel_loop3A_431] {strides = array<i32>} : memref<256x64xf32, #tpu.memory_space<vmem>>, vector<16xf32>,
        %parallel_loop3A_433 = arith.constant 8.000000e+00 : f32
        %parallel_loop3A_434 = vector.broadcast %parallel_loop3A_433 : f32 to vector<16xf32>
        %parallel_loop3A_435 = arith.mulf %parallel_loop3A_432, %parallel_loop3A_434 : vector<16xf32>
        %parallel_loop3A_436 = arith.index_cast %parallel_loop3A_410 : i32 to index
        %parallel_loop3A_437 = arith.constant 16 : index
        %parallel_loop3A_438 = tpu.vector_load %arg21[%parallel_loop3A_436, %parallel_loop3A_437] {strides = array<i32>} : memref<200x64xf32, #tpu.memory_space<vmem>>, vector<16xf32>,
        %parallel_loop3A_439 = arith.addf %parallel_loop3A_435, %parallel_loop3A_438 : vector<16xf32>
        %parallel_loop3A_440 = arith.constant 1 : i32
        %parallel_loop3A_441 = arith.addi %parallel_loop3A_334, %parallel_loop3A_440 : i32
        %parallel_loop3A_442 = arith.index_cast %parallel_loop3A_441 : i32 to index
        %parallel_loop3A_443 = arith.constant 16 : index
        %parallel_loop3A_444 = tpu.vector_load %arg17[%parallel_loop3A_442, %parallel_loop3A_443] {strides = array<i32>} : memref<256x64xf32, #tpu.memory_space<vmem>>, vector<16xf32>,
        tpu.vector_store %arg17[%parallel_loop3A_442, %parallel_loop3A_443], %parallel_loop3A_439 {strides = array<i32>} : memref<256x64xf32, #tpu.memory_space<vmem>>, vector<16xf32>,
        %parallel_loop3A_445 = arith.constant 1 : i32
        %parallel_loop3A_446 = arith.addi %parallel_loop3A_334, %parallel_loop3A_445 : i32
        %parallel_loop3A_447 = arith.index_cast %parallel_loop3A_446 : i32 to index
        %parallel_loop3A_448 = arith.constant 32 : index
        %parallel_loop3A_449 = tpu.vector_load %arg16[%parallel_loop3A_447, %parallel_loop3A_448] {strides = array<i32>} : memref<256x64xf32, #tpu.memory_space<vmem>>, vector<16xf32>,
        %parallel_loop3A_450 = arith.constant 8.000000e+00 : f32
        %parallel_loop3A_451 = vector.broadcast %parallel_loop3A_450 : f32 to vector<16xf32>
        %parallel_loop3A_452 = arith.mulf %parallel_loop3A_449, %parallel_loop3A_451 : vector<16xf32>
        %parallel_loop3A_453 = arith.index_cast %parallel_loop3A_410 : i32 to index
        %parallel_loop3A_454 = arith.constant 32 : index
        %parallel_loop3A_455 = tpu.vector_load %arg21[%parallel_loop3A_453, %parallel_loop3A_454] {strides = array<i32>} : memref<200x64xf32, #tpu.memory_space<vmem>>, vector<16xf32>,
        %parallel_loop3A_456 = arith.addf %parallel_loop3A_452, %parallel_loop3A_455 : vector<16xf32>
        %parallel_loop3A_457 = arith.constant 1 : i32
        %parallel_loop3A_458 = arith.addi %parallel_loop3A_334, %parallel_loop3A_457 : i32
        %parallel_loop3A_459 = arith.index_cast %parallel_loop3A_458 : i32 to index
        %parallel_loop3A_460 = arith.constant 32 : index
        %parallel_loop3A_461 = tpu.vector_load %arg17[%parallel_loop3A_459, %parallel_loop3A_460] {strides = array<i32>} : memref<256x64xf32, #tpu.memory_space<vmem>>, vector<16xf32>,
        tpu.vector_store %arg17[%parallel_loop3A_459, %parallel_loop3A_460], %parallel_loop3A_456 {strides = array<i32>} : memref<256x64xf32, #tpu.memory_space<vmem>>, vector<16xf32>,
        %parallel_loop3A_462 = arith.constant 1 : i32
        %parallel_loop3A_463 = arith.addi %parallel_loop3A_334, %parallel_loop3A_462 : i32
        %parallel_loop3A_464 = arith.index_cast %parallel_loop3A_463 : i32 to index
        %parallel_loop3A_465 = arith.constant 48 : index
        %parallel_loop3A_466 = tpu.vector_load %arg16[%parallel_loop3A_464, %parallel_loop3A_465] {strides = array<i32>} : memref<256x64xf32, #tpu.memory_space<vmem>>, vector<16xf32>,
        %parallel_loop3A_467 = arith.constant 8.000000e+00 : f32
        %parallel_loop3A_468 = vector.broadcast %parallel_loop3A_467 : f32 to vector<16xf32>
        %parallel_loop3A_469 = arith.mulf %parallel_loop3A_466, %parallel_loop3A_468 : vector<16xf32>
        %parallel_loop3A_470 = arith.index_cast %parallel_loop3A_410 : i32 to index
        %parallel_loop3A_471 = arith.constant 48 : index
        %parallel_loop3A_472 = tpu.vector_load %arg21[%parallel_loop3A_470, %parallel_loop3A_471] {strides = array<i32>} : memref<200x64xf32, #tpu.memory_space<vmem>>, vector<16xf32>,
        %parallel_loop3A_473 = arith.addf %parallel_loop3A_469, %parallel_loop3A_472 : vector<16xf32>
        %parallel_loop3A_474 = arith.constant 1 : i32
        %parallel_loop3A_475 = arith.addi %parallel_loop3A_334, %parallel_loop3A_474 : i32
        %parallel_loop3A_476 = arith.index_cast %parallel_loop3A_475 : i32 to index
        %parallel_loop3A_477 = arith.constant 48 : index
        %parallel_loop3A_478 = tpu.vector_load %arg17[%parallel_loop3A_476, %parallel_loop3A_477] {strides = array<i32>} : memref<256x64xf32, #tpu.memory_space<vmem>>, vector<16xf32>,
        tpu.vector_store %arg17[%parallel_loop3A_476, %parallel_loop3A_477], %parallel_loop3A_473 {strides = array<i32>} : memref<256x64xf32, #tpu.memory_space<vmem>>, vector<16xf32>,
        %parallel_loop3A_479 = vector.extract_strided_slice %parallel_loop3A_338 {offsets = [2], sizes = [1], strides = [1]} : vector<16xi32> to vector<1xi32>
        %parallel_loop3A_480 = vector.extract %parallel_loop3A_479[0] : i32 from vector<1xi32>
        %parallel_loop3A_481 = arith.constant 2 : i32
        %parallel_loop3A_482 = arith.addi %parallel_loop3A_334, %parallel_loop3A_481 : i32
        %parallel_loop3A_483 = arith.index_cast %parallel_loop3A_482 : i32 to index
        %parallel_loop3A_484 = arith.constant 0 : index
        %parallel_loop3A_485 = tpu.vector_load %arg16[%parallel_loop3A_483, %parallel_loop3A_484] {strides = array<i32>} : memref<256x64xf32, #tpu.memory_space<vmem>>, vector<16xf32>,
        %parallel_loop3A_486 = arith.constant 8.000000e+00 : f32
        %parallel_loop3A_487 = vector.broadcast %parallel_loop3A_486 : f32 to vector<16xf32>
        %parallel_loop3A_488 = arith.mulf %parallel_loop3A_485, %parallel_loop3A_487 : vector<16xf32>
        %parallel_loop3A_489 = arith.index_cast %parallel_loop3A_480 : i32 to index
        %parallel_loop3A_490 = arith.constant 0 : index
        %parallel_loop3A_491 = tpu.vector_load %arg21[%parallel_loop3A_489, %parallel_loop3A_490] {strides = array<i32>} : memref<200x64xf32, #tpu.memory_space<vmem>>, vector<16xf32>,
        %parallel_loop3A_492 = arith.addf %parallel_loop3A_488, %parallel_loop3A_491 : vector<16xf32>
        %parallel_loop3A_493 = arith.constant 2 : i32
        %parallel_loop3A_494 = arith.addi %parallel_loop3A_334, %parallel_loop3A_493 : i32
        %parallel_loop3A_495 = arith.index_cast %parallel_loop3A_494 : i32 to index
        %parallel_loop3A_496 = arith.constant 0 : index
        %parallel_loop3A_497 = tpu.vector_load %arg17[%parallel_loop3A_495, %parallel_loop3A_496] {strides = array<i32>} : memref<256x64xf32, #tpu.memory_space<vmem>>, vector<16xf32>,
        tpu.vector_store %arg17[%parallel_loop3A_495, %parallel_loop3A_496], %parallel_loop3A_492 {strides = array<i32>} : memref<256x64xf32, #tpu.memory_space<vmem>>, vector<16xf32>,
        %parallel_loop3A_498 = arith.constant 2 : i32
        %parallel_loop3A_499 = arith.addi %parallel_loop3A_334, %parallel_loop3A_498 : i32
        %parallel_loop3A_500 = arith.index_cast %parallel_loop3A_499 : i32 to index
        %parallel_loop3A_501 = arith.constant 16 : index
        %parallel_loop3A_502 = tpu.vector_load %arg16[%parallel_loop3A_500, %parallel_loop3A_501] {strides = array<i32>} : memref<256x64xf32, #tpu.memory_space<vmem>>, vector<16xf32>,
        %parallel_loop3A_503 = arith.constant 8.000000e+00 : f32
        %parallel_loop3A_504 = vector.broadcast %parallel_loop3A_503 : f32 to vector<16xf32>
        %parallel_loop3A_505 = arith.mulf %parallel_loop3A_502, %parallel_loop3A_504 : vector<16xf32>
        %parallel_loop3A_506 = arith.index_cast %parallel_loop3A_480 : i32 to index
        %parallel_loop3A_507 = arith.constant 16 : index
        %parallel_loop3A_508 = tpu.vector_load %arg21[%parallel_loop3A_506, %parallel_loop3A_507] {strides = array<i32>} : memref<200x64xf32, #tpu.memory_space<vmem>>, vector<16xf32>,
        %parallel_loop3A_509 = arith.addf %parallel_loop3A_505, %parallel_loop3A_508 : vector<16xf32>
        %parallel_loop3A_510 = arith.constant 2 : i32
        %parallel_loop3A_511 = arith.addi %parallel_loop3A_334, %parallel_loop3A_510 : i32
        %parallel_loop3A_512 = arith.index_cast %parallel_loop3A_511 : i32 to index
        %parallel_loop3A_513 = arith.constant 16 : index
        %parallel_loop3A_514 = tpu.vector_load %arg17[%parallel_loop3A_512, %parallel_loop3A_513] {strides = array<i32>} : memref<256x64xf32, #tpu.memory_space<vmem>>, vector<16xf32>,
        tpu.vector_store %arg17[%parallel_loop3A_512, %parallel_loop3A_513], %parallel_loop3A_509 {strides = array<i32>} : memref<256x64xf32, #tpu.memory_space<vmem>>, vector<16xf32>,
        %parallel_loop3A_515 = arith.constant 2 : i32
        %parallel_loop3A_516 = arith.addi %parallel_loop3A_334, %parallel_loop3A_515 : i32
        %parallel_loop3A_517 = arith.index_cast %parallel_loop3A_516 : i32 to index
        %parallel_loop3A_518 = arith.constant 32 : index
        %parallel_loop3A_519 = tpu.vector_load %arg16[%parallel_loop3A_517, %parallel_loop3A_518] {strides = array<i32>} : memref<256x64xf32, #tpu.memory_space<vmem>>, vector<16xf32>,
        %parallel_loop3A_520 = arith.constant 8.000000e+00 : f32
        %parallel_loop3A_521 = vector.broadcast %parallel_loop3A_520 : f32 to vector<16xf32>
        %parallel_loop3A_522 = arith.mulf %parallel_loop3A_519, %parallel_loop3A_521 : vector<16xf32>
        %parallel_loop3A_523 = arith.index_cast %parallel_loop3A_480 : i32 to index
        %parallel_loop3A_524 = arith.constant 32 : index
        %parallel_loop3A_525 = tpu.vector_load %arg21[%parallel_loop3A_523, %parallel_loop3A_524] {strides = array<i32>} : memref<200x64xf32, #tpu.memory_space<vmem>>, vector<16xf32>,
        %parallel_loop3A_526 = arith.addf %parallel_loop3A_522, %parallel_loop3A_525 : vector<16xf32>
        %parallel_loop3A_527 = arith.constant 2 : i32
        %parallel_loop3A_528 = arith.addi %parallel_loop3A_334, %parallel_loop3A_527 : i32
        %parallel_loop3A_529 = arith.index_cast %parallel_loop3A_528 : i32 to index
        %parallel_loop3A_530 = arith.constant 32 : index
        %parallel_loop3A_531 = tpu.vector_load %arg17[%parallel_loop3A_529, %parallel_loop3A_530] {strides = array<i32>} : memref<256x64xf32, #tpu.memory_space<vmem>>, vector<16xf32>,
        tpu.vector_store %arg17[%parallel_loop3A_529, %parallel_loop3A_530], %parallel_loop3A_526 {strides = array<i32>} : memref<256x64xf32, #tpu.memory_space<vmem>>, vector<16xf32>,
        %parallel_loop3A_532 = arith.constant 2 : i32
        %parallel_loop3A_533 = arith.addi %parallel_loop3A_334, %parallel_loop3A_532 : i32
        %parallel_loop3A_534 = arith.index_cast %parallel_loop3A_533 : i32 to index
        %parallel_loop3A_535 = arith.constant 48 : index
        %parallel_loop3A_536 = tpu.vector_load %arg16[%parallel_loop3A_534, %parallel_loop3A_535] {strides = array<i32>} : memref<256x64xf32, #tpu.memory_space<vmem>>, vector<16xf32>,
        %parallel_loop3A_537 = arith.constant 8.000000e+00 : f32
        %parallel_loop3A_538 = vector.broadcast %parallel_loop3A_537 : f32 to vector<16xf32>
        %parallel_loop3A_539 = arith.mulf %parallel_loop3A_536, %parallel_loop3A_538 : vector<16xf32>
        %parallel_loop3A_540 = arith.index_cast %parallel_loop3A_480 : i32 to index
        %parallel_loop3A_541 = arith.constant 48 : index
        %parallel_loop3A_542 = tpu.vector_load %arg21[%parallel_loop3A_540, %parallel_loop3A_541] {strides = array<i32>} : memref<200x64xf32, #tpu.memory_space<vmem>>, vector<16xf32>,
        %parallel_loop3A_543 = arith.addf %parallel_loop3A_539, %parallel_loop3A_542 : vector<16xf32>
        %parallel_loop3A_544 = arith.constant 2 : i32
        %parallel_loop3A_545 = arith.addi %parallel_loop3A_334, %parallel_loop3A_544 : i32
        %parallel_loop3A_546 = arith.index_cast %parallel_loop3A_545 : i32 to index
        %parallel_loop3A_547 = arith.constant 48 : index
        %parallel_loop3A_548 = tpu.vector_load %arg17[%parallel_loop3A_546, %parallel_loop3A_547] {strides = array<i32>} : memref<256x64xf32, #tpu.memory_space<vmem>>, vector<16xf32>,
        tpu.vector_store %arg17[%parallel_loop3A_546, %parallel_loop3A_547], %parallel_loop3A_543 {strides = array<i32>} : memref<256x64xf32, #tpu.memory_space<vmem>>, vector<16xf32>,
        %parallel_loop3A_549 = vector.extract_strided_slice %parallel_loop3A_338 {offsets = [3], sizes = [1], strides = [1]} : vector<16xi32> to vector<1xi32>
        %parallel_loop3A_550 = vector.extract %parallel_loop3A_549[0] : i32 from vector<1xi32>
        %parallel_loop3A_551 = arith.constant 3 : i32
        %parallel_loop3A_552 = arith.addi %parallel_loop3A_334, %parallel_loop3A_551 : i32
        %parallel_loop3A_553 = arith.index_cast %parallel_loop3A_552 : i32 to index
        %parallel_loop3A_554 = arith.constant 0 : index
        %parallel_loop3A_555 = tpu.vector_load %arg16[%parallel_loop3A_553, %parallel_loop3A_554] {strides = array<i32>} : memref<256x64xf32, #tpu.memory_space<vmem>>, vector<16xf32>,
        %parallel_loop3A_556 = arith.constant 8.000000e+00 : f32
        %parallel_loop3A_557 = vector.broadcast %parallel_loop3A_556 : f32 to vector<16xf32>
        %parallel_loop3A_558 = arith.mulf %parallel_loop3A_555, %parallel_loop3A_557 : vector<16xf32>
        %parallel_loop3A_559 = arith.index_cast %parallel_loop3A_550 : i32 to index
        %parallel_loop3A_560 = arith.constant 0 : index
        %parallel_loop3A_561 = tpu.vector_load %arg21[%parallel_loop3A_559, %parallel_loop3A_560] {strides = array<i32>} : memref<200x64xf32, #tpu.memory_space<vmem>>, vector<16xf32>,
        %parallel_loop3A_562 = arith.addf %parallel_loop3A_558, %parallel_loop3A_561 : vector<16xf32>
        %parallel_loop3A_563 = arith.constant 3 : i32
        %parallel_loop3A_564 = arith.addi %parallel_loop3A_334, %parallel_loop3A_563 : i32
        %parallel_loop3A_565 = arith.index_cast %parallel_loop3A_564 : i32 to index
        %parallel_loop3A_566 = arith.constant 0 : index
        %parallel_loop3A_567 = tpu.vector_load %arg17[%parallel_loop3A_565, %parallel_loop3A_566] {strides = array<i32>} : memref<256x64xf32, #tpu.memory_space<vmem>>, vector<16xf32>,
        tpu.vector_store %arg17[%parallel_loop3A_565, %parallel_loop3A_566], %parallel_loop3A_562 {strides = array<i32>} : memref<256x64xf32, #tpu.memory_space<vmem>>, vector<16xf32>,
        %parallel_loop3A_568 = arith.constant 3 : i32
        %parallel_loop3A_569 = arith.addi %parallel_loop3A_334, %parallel_loop3A_568 : i32
        %parallel_loop3A_570 = arith.index_cast %parallel_loop3A_569 : i32 to index
        %parallel_loop3A_571 = arith.constant 16 : index
        %parallel_loop3A_572 = tpu.vector_load %arg16[%parallel_loop3A_570, %parallel_loop3A_571] {strides = array<i32>} : memref<256x64xf32, #tpu.memory_space<vmem>>, vector<16xf32>,
        %parallel_loop3A_573 = arith.constant 8.000000e+00 : f32
        %parallel_loop3A_574 = vector.broadcast %parallel_loop3A_573 : f32 to vector<16xf32>
        %parallel_loop3A_575 = arith.mulf %parallel_loop3A_572, %parallel_loop3A_574 : vector<16xf32>
        %parallel_loop3A_576 = arith.index_cast %parallel_loop3A_550 : i32 to index
        %parallel_loop3A_577 = arith.constant 16 : index
        %parallel_loop3A_578 = tpu.vector_load %arg21[%parallel_loop3A_576, %parallel_loop3A_577] {strides = array<i32>} : memref<200x64xf32, #tpu.memory_space<vmem>>, vector<16xf32>,
        %parallel_loop3A_579 = arith.addf %parallel_loop3A_575, %parallel_loop3A_578 : vector<16xf32>
        %parallel_loop3A_580 = arith.constant 3 : i32
        %parallel_loop3A_581 = arith.addi %parallel_loop3A_334, %parallel_loop3A_580 : i32
        %parallel_loop3A_582 = arith.index_cast %parallel_loop3A_581 : i32 to index
        %parallel_loop3A_583 = arith.constant 16 : index
        %parallel_loop3A_584 = tpu.vector_load %arg17[%parallel_loop3A_582, %parallel_loop3A_583] {strides = array<i32>} : memref<256x64xf32, #tpu.memory_space<vmem>>, vector<16xf32>,
        tpu.vector_store %arg17[%parallel_loop3A_582, %parallel_loop3A_583], %parallel_loop3A_579 {strides = array<i32>} : memref<256x64xf32, #tpu.memory_space<vmem>>, vector<16xf32>,
        %parallel_loop3A_585 = arith.constant 3 : i32
        %parallel_loop3A_586 = arith.addi %parallel_loop3A_334, %parallel_loop3A_585 : i32
        %parallel_loop3A_587 = arith.index_cast %parallel_loop3A_586 : i32 to index
        %parallel_loop3A_588 = arith.constant 32 : index
        %parallel_loop3A_589 = tpu.vector_load %arg16[%parallel_loop3A_587, %parallel_loop3A_588] {strides = array<i32>} : memref<256x64xf32, #tpu.memory_space<vmem>>, vector<16xf32>,
        %parallel_loop3A_590 = arith.constant 8.000000e+00 : f32
        %parallel_loop3A_591 = vector.broadcast %parallel_loop3A_590 : f32 to vector<16xf32>
        %parallel_loop3A_592 = arith.mulf %parallel_loop3A_589, %parallel_loop3A_591 : vector<16xf32>
        %parallel_loop3A_593 = arith.index_cast %parallel_loop3A_550 : i32 to index
        %parallel_loop3A_594 = arith.constant 32 : index
        %parallel_loop3A_595 = tpu.vector_load %arg21[%parallel_loop3A_593, %parallel_loop3A_594] {strides = array<i32>} : memref<200x64xf32, #tpu.memory_space<vmem>>, vector<16xf32>,
        %parallel_loop3A_596 = arith.addf %parallel_loop3A_592, %parallel_loop3A_595 : vector<16xf32>
        %parallel_loop3A_597 = arith.constant 3 : i32
        %parallel_loop3A_598 = arith.addi %parallel_loop3A_334, %parallel_loop3A_597 : i32
        %parallel_loop3A_599 = arith.index_cast %parallel_loop3A_598 : i32 to index
        %parallel_loop3A_600 = arith.constant 32 : index
        %parallel_loop3A_601 = tpu.vector_load %arg17[%parallel_loop3A_599, %parallel_loop3A_600] {strides = array<i32>} : memref<256x64xf32, #tpu.memory_space<vmem>>, vector<16xf32>,
        tpu.vector_store %arg17[%parallel_loop3A_599, %parallel_loop3A_600], %parallel_loop3A_596 {strides = array<i32>} : memref<256x64xf32, #tpu.memory_space<vmem>>, vector<16xf32>,
        %parallel_loop3A_602 = arith.constant 3 : i32
        %parallel_loop3A_603 = arith.addi %parallel_loop3A_334, %parallel_loop3A_602 : i32
        %parallel_loop3A_604 = arith.index_cast %parallel_loop3A_603 : i32 to index
        %parallel_loop3A_605 = arith.constant 48 : index
        %parallel_loop3A_606 = tpu.vector_load %arg16[%parallel_loop3A_604, %parallel_loop3A_605] {strides = array<i32>} : memref<256x64xf32, #tpu.memory_space<vmem>>, vector<16xf32>,
        %parallel_loop3A_607 = arith.constant 8.000000e+00 : f32
        %parallel_loop3A_608 = vector.broadcast %parallel_loop3A_607 : f32 to vector<16xf32>
        %parallel_loop3A_609 = arith.mulf %parallel_loop3A_606, %parallel_loop3A_608 : vector<16xf32>
        %parallel_loop3A_610 = arith.index_cast %parallel_loop3A_550 : i32 to index
        %parallel_loop3A_611 = arith.constant 48 : index
        %parallel_loop3A_612 = tpu.vector_load %arg21[%parallel_loop3A_610, %parallel_loop3A_611] {strides = array<i32>} : memref<200x64xf32, #tpu.memory_space<vmem>>, vector<16xf32>,
        %parallel_loop3A_613 = arith.addf %parallel_loop3A_609, %parallel_loop3A_612 : vector<16xf32>
        %parallel_loop3A_614 = arith.constant 3 : i32
        %parallel_loop3A_615 = arith.addi %parallel_loop3A_334, %parallel_loop3A_614 : i32
        %parallel_loop3A_616 = arith.index_cast %parallel_loop3A_615 : i32 to index
        %parallel_loop3A_617 = arith.constant 48 : index
        %parallel_loop3A_618 = tpu.vector_load %arg17[%parallel_loop3A_616, %parallel_loop3A_617] {strides = array<i32>} : memref<256x64xf32, #tpu.memory_space<vmem>>, vector<16xf32>,
        tpu.vector_store %arg17[%parallel_loop3A_616, %parallel_loop3A_617], %parallel_loop3A_613 {strides = array<i32>} : memref<256x64xf32, #tpu.memory_space<vmem>>, vector<16xf32>,
        %parallel_loop3A_619 = vector.extract_strided_slice %parallel_loop3A_338 {offsets = [4], sizes = [1], strides = [1]} : vector<16xi32> to vector<1xi32>
        %parallel_loop3A_620 = vector.extract %parallel_loop3A_619[0] : i32 from vector<1xi32>
        %parallel_loop3A_621 = arith.constant 4 : i32
        %parallel_loop3A_622 = arith.addi %parallel_loop3A_334, %parallel_loop3A_621 : i32
        %parallel_loop3A_623 = arith.index_cast %parallel_loop3A_622 : i32 to index
        %parallel_loop3A_624 = arith.constant 0 : index
        %parallel_loop3A_625 = tpu.vector_load %arg16[%parallel_loop3A_623, %parallel_loop3A_624] {strides = array<i32>} : memref<256x64xf32, #tpu.memory_space<vmem>>, vector<16xf32>,
        %parallel_loop3A_626 = arith.constant 8.000000e+00 : f32
        %parallel_loop3A_627 = vector.broadcast %parallel_loop3A_626 : f32 to vector<16xf32>
        %parallel_loop3A_628 = arith.mulf %parallel_loop3A_625, %parallel_loop3A_627 : vector<16xf32>
        %parallel_loop3A_629 = arith.index_cast %parallel_loop3A_620 : i32 to index
        %parallel_loop3A_630 = arith.constant 0 : index
        %parallel_loop3A_631 = tpu.vector_load %arg21[%parallel_loop3A_629, %parallel_loop3A_630] {strides = array<i32>} : memref<200x64xf32, #tpu.memory_space<vmem>>, vector<16xf32>,
        %parallel_loop3A_632 = arith.addf %parallel_loop3A_628, %parallel_loop3A_631 : vector<16xf32>
        %parallel_loop3A_633 = arith.constant 4 : i32
        %parallel_loop3A_634 = arith.addi %parallel_loop3A_334, %parallel_loop3A_633 : i32
        %parallel_loop3A_635 = arith.index_cast %parallel_loop3A_634 : i32 to index
        %parallel_loop3A_636 = arith.constant 0 : index
        %parallel_loop3A_637 = tpu.vector_load %arg17[%parallel_loop3A_635, %parallel_loop3A_636] {strides = array<i32>} : memref<256x64xf32, #tpu.memory_space<vmem>>, vector<16xf32>,
        tpu.vector_store %arg17[%parallel_loop3A_635, %parallel_loop3A_636], %parallel_loop3A_632 {strides = array<i32>} : memref<256x64xf32, #tpu.memory_space<vmem>>, vector<16xf32>,
        %parallel_loop3A_638 = arith.constant 4 : i32
        %parallel_loop3A_639 = arith.addi %parallel_loop3A_334, %parallel_loop3A_638 : i32
        %parallel_loop3A_640 = arith.index_cast %parallel_loop3A_639 : i32 to index
        %parallel_loop3A_641 = arith.constant 16 : index
        %parallel_loop3A_642 = tpu.vector_load %arg16[%parallel_loop3A_640, %parallel_loop3A_641] {strides = array<i32>} : memref<256x64xf32, #tpu.memory_space<vmem>>, vector<16xf32>,
        %parallel_loop3A_643 = arith.constant 8.000000e+00 : f32
        %parallel_loop3A_644 = vector.broadcast %parallel_loop3A_643 : f32 to vector<16xf32>
        %parallel_loop3A_645 = arith.mulf %parallel_loop3A_642, %parallel_loop3A_644 : vector<16xf32>
        %parallel_loop3A_646 = arith.index_cast %parallel_loop3A_620 : i32 to index
        %parallel_loop3A_647 = arith.constant 16 : index
        %parallel_loop3A_648 = tpu.vector_load %arg21[%parallel_loop3A_646, %parallel_loop3A_647] {strides = array<i32>} : memref<200x64xf32, #tpu.memory_space<vmem>>, vector<16xf32>,
        %parallel_loop3A_649 = arith.addf %parallel_loop3A_645, %parallel_loop3A_648 : vector<16xf32>
        %parallel_loop3A_650 = arith.constant 4 : i32
        %parallel_loop3A_651 = arith.addi %parallel_loop3A_334, %parallel_loop3A_650 : i32
        %parallel_loop3A_652 = arith.index_cast %parallel_loop3A_651 : i32 to index
        %parallel_loop3A_653 = arith.constant 16 : index
        %parallel_loop3A_654 = tpu.vector_load %arg17[%parallel_loop3A_652, %parallel_loop3A_653] {strides = array<i32>} : memref<256x64xf32, #tpu.memory_space<vmem>>, vector<16xf32>,
        tpu.vector_store %arg17[%parallel_loop3A_652, %parallel_loop3A_653], %parallel_loop3A_649 {strides = array<i32>} : memref<256x64xf32, #tpu.memory_space<vmem>>, vector<16xf32>,
        %parallel_loop3A_655 = arith.constant 4 : i32
        %parallel_loop3A_656 = arith.addi %parallel_loop3A_334, %parallel_loop3A_655 : i32
        %parallel_loop3A_657 = arith.index_cast %parallel_loop3A_656 : i32 to index
        %parallel_loop3A_658 = arith.constant 32 : index
        %parallel_loop3A_659 = tpu.vector_load %arg16[%parallel_loop3A_657, %parallel_loop3A_658] {strides = array<i32>} : memref<256x64xf32, #tpu.memory_space<vmem>>, vector<16xf32>,
        %parallel_loop3A_660 = arith.constant 8.000000e+00 : f32
        %parallel_loop3A_661 = vector.broadcast %parallel_loop3A_660 : f32 to vector<16xf32>
        %parallel_loop3A_662 = arith.mulf %parallel_loop3A_659, %parallel_loop3A_661 : vector<16xf32>
        %parallel_loop3A_663 = arith.index_cast %parallel_loop3A_620 : i32 to index
        %parallel_loop3A_664 = arith.constant 32 : index
        %parallel_loop3A_665 = tpu.vector_load %arg21[%parallel_loop3A_663, %parallel_loop3A_664] {strides = array<i32>} : memref<200x64xf32, #tpu.memory_space<vmem>>, vector<16xf32>,
        %parallel_loop3A_666 = arith.addf %parallel_loop3A_662, %parallel_loop3A_665 : vector<16xf32>
        %parallel_loop3A_667 = arith.constant 4 : i32
        %parallel_loop3A_668 = arith.addi %parallel_loop3A_334, %parallel_loop3A_667 : i32
        %parallel_loop3A_669 = arith.index_cast %parallel_loop3A_668 : i32 to index
        %parallel_loop3A_670 = arith.constant 32 : index
        %parallel_loop3A_671 = tpu.vector_load %arg17[%parallel_loop3A_669, %parallel_loop3A_670] {strides = array<i32>} : memref<256x64xf32, #tpu.memory_space<vmem>>, vector<16xf32>,
        tpu.vector_store %arg17[%parallel_loop3A_669, %parallel_loop3A_670], %parallel_loop3A_666 {strides = array<i32>} : memref<256x64xf32, #tpu.memory_space<vmem>>, vector<16xf32>,
        %parallel_loop3A_672 = arith.constant 4 : i32
        %parallel_loop3A_673 = arith.addi %parallel_loop3A_334, %parallel_loop3A_672 : i32
        %parallel_loop3A_674 = arith.index_cast %parallel_loop3A_673 : i32 to index
        %parallel_loop3A_675 = arith.constant 48 : index
        %parallel_loop3A_676 = tpu.vector_load %arg16[%parallel_loop3A_674, %parallel_loop3A_675] {strides = array<i32>} : memref<256x64xf32, #tpu.memory_space<vmem>>, vector<16xf32>,
        %parallel_loop3A_677 = arith.constant 8.000000e+00 : f32
        %parallel_loop3A_678 = vector.broadcast %parallel_loop3A_677 : f32 to vector<16xf32>
        %parallel_loop3A_679 = arith.mulf %parallel_loop3A_676, %parallel_loop3A_678 : vector<16xf32>
        %parallel_loop3A_680 = arith.index_cast %parallel_loop3A_620 : i32 to index
        %parallel_loop3A_681 = arith.constant 48 : index
        %parallel_loop3A_682 = tpu.vector_load %arg21[%parallel_loop3A_680, %parallel_loop3A_681] {strides = array<i32>} : memref<200x64xf32, #tpu.memory_space<vmem>>, vector<16xf32>,
        %parallel_loop3A_683 = arith.addf %parallel_loop3A_679, %parallel_loop3A_682 : vector<16xf32>
        %parallel_loop3A_684 = arith.constant 4 : i32
        %parallel_loop3A_685 = arith.addi %parallel_loop3A_334, %parallel_loop3A_684 : i32
        %parallel_loop3A_686 = arith.index_cast %parallel_loop3A_685 : i32 to index
        %parallel_loop3A_687 = arith.constant 48 : index
        %parallel_loop3A_688 = tpu.vector_load %arg17[%parallel_loop3A_686, %parallel_loop3A_687] {strides = array<i32>} : memref<256x64xf32, #tpu.memory_space<vmem>>, vector<16xf32>,
        tpu.vector_store %arg17[%parallel_loop3A_686, %parallel_loop3A_687], %parallel_loop3A_683 {strides = array<i32>} : memref<256x64xf32, #tpu.memory_space<vmem>>, vector<16xf32>,
        %parallel_loop3A_689 = vector.extract_strided_slice %parallel_loop3A_338 {offsets = [5], sizes = [1], strides = [1]} : vector<16xi32> to vector<1xi32>
        %parallel_loop3A_690 = vector.extract %parallel_loop3A_689[0] : i32 from vector<1xi32>
        %parallel_loop3A_691 = arith.constant 5 : i32
        %parallel_loop3A_692 = arith.addi %parallel_loop3A_334, %parallel_loop3A_691 : i32
        %parallel_loop3A_693 = arith.index_cast %parallel_loop3A_692 : i32 to index
        %parallel_loop3A_694 = arith.constant 0 : index
        %parallel_loop3A_695 = tpu.vector_load %arg16[%parallel_loop3A_693, %parallel_loop3A_694] {strides = array<i32>} : memref<256x64xf32, #tpu.memory_space<vmem>>, vector<16xf32>,
        %parallel_loop3A_696 = arith.constant 8.000000e+00 : f32
        %parallel_loop3A_697 = vector.broadcast %parallel_loop3A_696 : f32 to vector<16xf32>
        %parallel_loop3A_698 = arith.mulf %parallel_loop3A_695, %parallel_loop3A_697 : vector<16xf32>
        %parallel_loop3A_699 = arith.index_cast %parallel_loop3A_690 : i32 to index
        %parallel_loop3A_700 = arith.constant 0 : index
        %parallel_loop3A_701 = tpu.vector_load %arg21[%parallel_loop3A_699, %parallel_loop3A_700] {strides = array<i32>} : memref<200x64xf32, #tpu.memory_space<vmem>>, vector<16xf32>,
        %parallel_loop3A_702 = arith.addf %parallel_loop3A_698, %parallel_loop3A_701 : vector<16xf32>
        %parallel_loop3A_703 = arith.constant 5 : i32
        %parallel_loop3A_704 = arith.addi %parallel_loop3A_334, %parallel_loop3A_703 : i32
        %parallel_loop3A_705 = arith.index_cast %parallel_loop3A_704 : i32 to index
        %parallel_loop3A_706 = arith.constant 0 : index
        %parallel_loop3A_707 = tpu.vector_load %arg17[%parallel_loop3A_705, %parallel_loop3A_706] {strides = array<i32>} : memref<256x64xf32, #tpu.memory_space<vmem>>, vector<16xf32>,
        tpu.vector_store %arg17[%parallel_loop3A_705, %parallel_loop3A_706], %parallel_loop3A_702 {strides = array<i32>} : memref<256x64xf32, #tpu.memory_space<vmem>>, vector<16xf32>,
        %parallel_loop3A_708 = arith.constant 5 : i32
        %parallel_loop3A_709 = arith.addi %parallel_loop3A_334, %parallel_loop3A_708 : i32
        %parallel_loop3A_710 = arith.index_cast %parallel_loop3A_709 : i32 to index
        %parallel_loop3A_711 = arith.constant 16 : index
        %parallel_loop3A_712 = tpu.vector_load %arg16[%parallel_loop3A_710, %parallel_loop3A_711] {strides = array<i32>} : memref<256x64xf32, #tpu.memory_space<vmem>>, vector<16xf32>,
        %parallel_loop3A_713 = arith.constant 8.000000e+00 : f32
        %parallel_loop3A_714 = vector.broadcast %parallel_loop3A_713 : f32 to vector<16xf32>
        %parallel_loop3A_715 = arith.mulf %parallel_loop3A_712, %parallel_loop3A_714 : vector<16xf32>
        %parallel_loop3A_716 = arith.index_cast %parallel_loop3A_690 : i32 to index
        %parallel_loop3A_717 = arith.constant 16 : index
        %parallel_loop3A_718 = tpu.vector_load %arg21[%parallel_loop3A_716, %parallel_loop3A_717] {strides = array<i32>} : memref<200x64xf32, #tpu.memory_space<vmem>>, vector<16xf32>,
        %parallel_loop3A_719 = arith.addf %parallel_loop3A_715, %parallel_loop3A_718 : vector<16xf32>
        %parallel_loop3A_720 = arith.constant 5 : i32
        %parallel_loop3A_721 = arith.addi %parallel_loop3A_334, %parallel_loop3A_720 : i32
        %parallel_loop3A_722 = arith.index_cast %parallel_loop3A_721 : i32 to index
        %parallel_loop3A_723 = arith.constant 16 : index
        %parallel_loop3A_724 = tpu.vector_load %arg17[%parallel_loop3A_722, %parallel_loop3A_723] {strides = array<i32>} : memref<256x64xf32, #tpu.memory_space<vmem>>, vector<16xf32>,
        tpu.vector_store %arg17[%parallel_loop3A_722, %parallel_loop3A_723], %parallel_loop3A_719 {strides = array<i32>} : memref<256x64xf32, #tpu.memory_space<vmem>>, vector<16xf32>,
        %parallel_loop3A_725 = arith.constant 5 : i32
        %parallel_loop3A_726 = arith.addi %parallel_loop3A_334, %parallel_loop3A_725 : i32
        %parallel_loop3A_727 = arith.index_cast %parallel_loop3A_726 : i32 to index
        %parallel_loop3A_728 = arith.constant 32 : index
        %parallel_loop3A_729 = tpu.vector_load %arg16[%parallel_loop3A_727, %parallel_loop3A_728] {strides = array<i32>} : memref<256x64xf32, #tpu.memory_space<vmem>>, vector<16xf32>,
        %parallel_loop3A_730 = arith.constant 8.000000e+00 : f32
        %parallel_loop3A_731 = vector.broadcast %parallel_loop3A_730 : f32 to vector<16xf32>
        %parallel_loop3A_732 = arith.mulf %parallel_loop3A_729, %parallel_loop3A_731 : vector<16xf32>
        %parallel_loop3A_733 = arith.index_cast %parallel_loop3A_690 : i32 to index
        %parallel_loop3A_734 = arith.constant 32 : index
        %parallel_loop3A_735 = tpu.vector_load %arg21[%parallel_loop3A_733, %parallel_loop3A_734] {strides = array<i32>} : memref<200x64xf32, #tpu.memory_space<vmem>>, vector<16xf32>,
        %parallel_loop3A_736 = arith.addf %parallel_loop3A_732, %parallel_loop3A_735 : vector<16xf32>
        %parallel_loop3A_737 = arith.constant 5 : i32
        %parallel_loop3A_738 = arith.addi %parallel_loop3A_334, %parallel_loop3A_737 : i32
        %parallel_loop3A_739 = arith.index_cast %parallel_loop3A_738 : i32 to index
        %parallel_loop3A_740 = arith.constant 32 : index
        %parallel_loop3A_741 = tpu.vector_load %arg17[%parallel_loop3A_739, %parallel_loop3A_740] {strides = array<i32>} : memref<256x64xf32, #tpu.memory_space<vmem>>, vector<16xf32>,
        tpu.vector_store %arg17[%parallel_loop3A_739, %parallel_loop3A_740], %parallel_loop3A_736 {strides = array<i32>} : memref<256x64xf32, #tpu.memory_space<vmem>>, vector<16xf32>,
        %parallel_loop3A_742 = arith.constant 5 : i32
        %parallel_loop3A_743 = arith.addi %parallel_loop3A_334, %parallel_loop3A_742 : i32
        %parallel_loop3A_744 = arith.index_cast %parallel_loop3A_743 : i32 to index
        %parallel_loop3A_745 = arith.constant 48 : index
        %parallel_loop3A_746 = tpu.vector_load %arg16[%parallel_loop3A_744, %parallel_loop3A_745] {strides = array<i32>} : memref<256x64xf32, #tpu.memory_space<vmem>>, vector<16xf32>,
        %parallel_loop3A_747 = arith.constant 8.000000e+00 : f32
        %parallel_loop3A_748 = vector.broadcast %parallel_loop3A_747 : f32 to vector<16xf32>
        %parallel_loop3A_749 = arith.mulf %parallel_loop3A_746, %parallel_loop3A_748 : vector<16xf32>
        %parallel_loop3A_750 = arith.index_cast %parallel_loop3A_690 : i32 to index
        %parallel_loop3A_751 = arith.constant 48 : index
        %parallel_loop3A_752 = tpu.vector_load %arg21[%parallel_loop3A_750, %parallel_loop3A_751] {strides = array<i32>} : memref<200x64xf32, #tpu.memory_space<vmem>>, vector<16xf32>,
        %parallel_loop3A_753 = arith.addf %parallel_loop3A_749, %parallel_loop3A_752 : vector<16xf32>
        %parallel_loop3A_754 = arith.constant 5 : i32
        %parallel_loop3A_755 = arith.addi %parallel_loop3A_334, %parallel_loop3A_754 : i32
        %parallel_loop3A_756 = arith.index_cast %parallel_loop3A_755 : i32 to index
        %parallel_loop3A_757 = arith.constant 48 : index
        %parallel_loop3A_758 = tpu.vector_load %arg17[%parallel_loop3A_756, %parallel_loop3A_757] {strides = array<i32>} : memref<256x64xf32, #tpu.memory_space<vmem>>, vector<16xf32>,
        tpu.vector_store %arg17[%parallel_loop3A_756, %parallel_loop3A_757], %parallel_loop3A_753 {strides = array<i32>} : memref<256x64xf32, #tpu.memory_space<vmem>>, vector<16xf32>,
        %parallel_loop3A_759 = vector.extract_strided_slice %parallel_loop3A_338 {offsets = [6], sizes = [1], strides = [1]} : vector<16xi32> to vector<1xi32>
        %parallel_loop3A_760 = vector.extract %parallel_loop3A_759[0] : i32 from vector<1xi32>
        %parallel_loop3A_761 = arith.constant 6 : i32
        %parallel_loop3A_762 = arith.addi %parallel_loop3A_334, %parallel_loop3A_761 : i32
        %parallel_loop3A_763 = arith.index_cast %parallel_loop3A_762 : i32 to index
        %parallel_loop3A_764 = arith.constant 0 : index
        %parallel_loop3A_765 = tpu.vector_load %arg16[%parallel_loop3A_763, %parallel_loop3A_764] {strides = array<i32>} : memref<256x64xf32, #tpu.memory_space<vmem>>, vector<16xf32>,
        %parallel_loop3A_766 = arith.constant 8.000000e+00 : f32
        %parallel_loop3A_767 = vector.broadcast %parallel_loop3A_766 : f32 to vector<16xf32>
        %parallel_loop3A_768 = arith.mulf %parallel_loop3A_765, %parallel_loop3A_767 : vector<16xf32>
        %parallel_loop3A_769 = arith.index_cast %parallel_loop3A_760 : i32 to index
        %parallel_loop3A_770 = arith.constant 0 : index
        %parallel_loop3A_771 = tpu.vector_load %arg21[%parallel_loop3A_769, %parallel_loop3A_770] {strides = array<i32>} : memref<200x64xf32, #tpu.memory_space<vmem>>, vector<16xf32>,
        %parallel_loop3A_772 = arith.addf %parallel_loop3A_768, %parallel_loop3A_771 : vector<16xf32>
        %parallel_loop3A_773 = arith.constant 6 : i32
        %parallel_loop3A_774 = arith.addi %parallel_loop3A_334, %parallel_loop3A_773 : i32
        %parallel_loop3A_775 = arith.index_cast %parallel_loop3A_774 : i32 to index
        %parallel_loop3A_776 = arith.constant 0 : index
        %parallel_loop3A_777 = tpu.vector_load %arg17[%parallel_loop3A_775, %parallel_loop3A_776] {strides = array<i32>} : memref<256x64xf32, #tpu.memory_space<vmem>>, vector<16xf32>,
        tpu.vector_store %arg17[%parallel_loop3A_775, %parallel_loop3A_776], %parallel_loop3A_772 {strides = array<i32>} : memref<256x64xf32, #tpu.memory_space<vmem>>, vector<16xf32>,
        %parallel_loop3A_778 = arith.constant 6 : i32
        %parallel_loop3A_779 = arith.addi %parallel_loop3A_334, %parallel_loop3A_778 : i32
        %parallel_loop3A_780 = arith.index_cast %parallel_loop3A_779 : i32 to index
        %parallel_loop3A_781 = arith.constant 16 : index
        %parallel_loop3A_782 = tpu.vector_load %arg16[%parallel_loop3A_780, %parallel_loop3A_781] {strides = array<i32>} : memref<256x64xf32, #tpu.memory_space<vmem>>, vector<16xf32>,
        %parallel_loop3A_783 = arith.constant 8.000000e+00 : f32
        %parallel_loop3A_784 = vector.broadcast %parallel_loop3A_783 : f32 to vector<16xf32>
        %parallel_loop3A_785 = arith.mulf %parallel_loop3A_782, %parallel_loop3A_784 : vector<16xf32>
        %parallel_loop3A_786 = arith.index_cast %parallel_loop3A_760 : i32 to index
        %parallel_loop3A_787 = arith.constant 16 : index
        %parallel_loop3A_788 = tpu.vector_load %arg21[%parallel_loop3A_786, %parallel_loop3A_787] {strides = array<i32>} : memref<200x64xf32, #tpu.memory_space<vmem>>, vector<16xf32>,
        %parallel_loop3A_789 = arith.addf %parallel_loop3A_785, %parallel_loop3A_788 : vector<16xf32>
        %parallel_loop3A_790 = arith.constant 6 : i32
        %parallel_loop3A_791 = arith.addi %parallel_loop3A_334, %parallel_loop3A_790 : i32
        %parallel_loop3A_792 = arith.index_cast %parallel_loop3A_791 : i32 to index
        %parallel_loop3A_793 = arith.constant 16 : index
        %parallel_loop3A_794 = tpu.vector_load %arg17[%parallel_loop3A_792, %parallel_loop3A_793] {strides = array<i32>} : memref<256x64xf32, #tpu.memory_space<vmem>>, vector<16xf32>,
        tpu.vector_store %arg17[%parallel_loop3A_792, %parallel_loop3A_793], %parallel_loop3A_789 {strides = array<i32>} : memref<256x64xf32, #tpu.memory_space<vmem>>, vector<16xf32>,
        %parallel_loop3A_795 = arith.constant 6 : i32
        %parallel_loop3A_796 = arith.addi %parallel_loop3A_334, %parallel_loop3A_795 : i32
        %parallel_loop3A_797 = arith.index_cast %parallel_loop3A_796 : i32 to index
        %parallel_loop3A_798 = arith.constant 32 : index
        %parallel_loop3A_799 = tpu.vector_load %arg16[%parallel_loop3A_797, %parallel_loop3A_798] {strides = array<i32>} : memref<256x64xf32, #tpu.memory_space<vmem>>, vector<16xf32>,
        %parallel_loop3A_800 = arith.constant 8.000000e+00 : f32
        %parallel_loop3A_801 = vector.broadcast %parallel_loop3A_800 : f32 to vector<16xf32>
        %parallel_loop3A_802 = arith.mulf %parallel_loop3A_799, %parallel_loop3A_801 : vector<16xf32>
        %parallel_loop3A_803 = arith.index_cast %parallel_loop3A_760 : i32 to index
        %parallel_loop3A_804 = arith.constant 32 : index
        %parallel_loop3A_805 = tpu.vector_load %arg21[%parallel_loop3A_803, %parallel_loop3A_804] {strides = array<i32>} : memref<200x64xf32, #tpu.memory_space<vmem>>, vector<16xf32>,
        %parallel_loop3A_806 = arith.addf %parallel_loop3A_802, %parallel_loop3A_805 : vector<16xf32>
        %parallel_loop3A_807 = arith.constant 6 : i32
        %parallel_loop3A_808 = arith.addi %parallel_loop3A_334, %parallel_loop3A_807 : i32
        %parallel_loop3A_809 = arith.index_cast %parallel_loop3A_808 : i32 to index
        %parallel_loop3A_810 = arith.constant 32 : index
        %parallel_loop3A_811 = tpu.vector_load %arg17[%parallel_loop3A_809, %parallel_loop3A_810] {strides = array<i32>} : memref<256x64xf32, #tpu.memory_space<vmem>>, vector<16xf32>,
        tpu.vector_store %arg17[%parallel_loop3A_809, %parallel_loop3A_810], %parallel_loop3A_806 {strides = array<i32>} : memref<256x64xf32, #tpu.memory_space<vmem>>, vector<16xf32>,
        %parallel_loop3A_812 = arith.constant 6 : i32
        %parallel_loop3A_813 = arith.addi %parallel_loop3A_334, %parallel_loop3A_812 : i32
        %parallel_loop3A_814 = arith.index_cast %parallel_loop3A_813 : i32 to index
        %parallel_loop3A_815 = arith.constant 48 : index
        %parallel_loop3A_816 = tpu.vector_load %arg16[%parallel_loop3A_814, %parallel_loop3A_815] {strides = array<i32>} : memref<256x64xf32, #tpu.memory_space<vmem>>, vector<16xf32>,
        %parallel_loop3A_817 = arith.constant 8.000000e+00 : f32
        %parallel_loop3A_818 = vector.broadcast %parallel_loop3A_817 : f32 to vector<16xf32>
        %parallel_loop3A_819 = arith.mulf %parallel_loop3A_816, %parallel_loop3A_818 : vector<16xf32>
        %parallel_loop3A_820 = arith.index_cast %parallel_loop3A_760 : i32 to index
        %parallel_loop3A_821 = arith.constant 48 : index
        %parallel_loop3A_822 = tpu.vector_load %arg21[%parallel_loop3A_820, %parallel_loop3A_821] {strides = array<i32>} : memref<200x64xf32, #tpu.memory_space<vmem>>, vector<16xf32>,
        %parallel_loop3A_823 = arith.addf %parallel_loop3A_819, %parallel_loop3A_822 : vector<16xf32>
        %parallel_loop3A_824 = arith.constant 6 : i32
        %parallel_loop3A_825 = arith.addi %parallel_loop3A_334, %parallel_loop3A_824 : i32
        %parallel_loop3A_826 = arith.index_cast %parallel_loop3A_825 : i32 to index
        %parallel_loop3A_827 = arith.constant 48 : index
        %parallel_loop3A_828 = tpu.vector_load %arg17[%parallel_loop3A_826, %parallel_loop3A_827] {strides = array<i32>} : memref<256x64xf32, #tpu.memory_space<vmem>>, vector<16xf32>,
        tpu.vector_store %arg17[%parallel_loop3A_826, %parallel_loop3A_827], %parallel_loop3A_823 {strides = array<i32>} : memref<256x64xf32, #tpu.memory_space<vmem>>, vector<16xf32>,
        %parallel_loop3A_829 = vector.extract_strided_slice %parallel_loop3A_338 {offsets = [7], sizes = [1], strides = [1]} : vector<16xi32> to vector<1xi32>
        %parallel_loop3A_830 = vector.extract %parallel_loop3A_829[0] : i32 from vector<1xi32>
        %parallel_loop3A_831 = arith.constant 7 : i32
        %parallel_loop3A_832 = arith.addi %parallel_loop3A_334, %parallel_loop3A_831 : i32
        %parallel_loop3A_833 = arith.index_cast %parallel_loop3A_832 : i32 to index
        %parallel_loop3A_834 = arith.constant 0 : index
        %parallel_loop3A_835 = tpu.vector_load %arg16[%parallel_loop3A_833, %parallel_loop3A_834] {strides = array<i32>} : memref<256x64xf32, #tpu.memory_space<vmem>>, vector<16xf32>,
        %parallel_loop3A_836 = arith.constant 8.000000e+00 : f32
        %parallel_loop3A_837 = vector.broadcast %parallel_loop3A_836 : f32 to vector<16xf32>
        %parallel_loop3A_838 = arith.mulf %parallel_loop3A_835, %parallel_loop3A_837 : vector<16xf32>
        %parallel_loop3A_839 = arith.index_cast %parallel_loop3A_830 : i32 to index
        %parallel_loop3A_840 = arith.constant 0 : index
        %parallel_loop3A_841 = tpu.vector_load %arg21[%parallel_loop3A_839, %parallel_loop3A_840] {strides = array<i32>} : memref<200x64xf32, #tpu.memory_space<vmem>>, vector<16xf32>,
        %parallel_loop3A_842 = arith.addf %parallel_loop3A_838, %parallel_loop3A_841 : vector<16xf32>
        %parallel_loop3A_843 = arith.constant 7 : i32
        %parallel_loop3A_844 = arith.addi %parallel_loop3A_334, %parallel_loop3A_843 : i32
        %parallel_loop3A_845 = arith.index_cast %parallel_loop3A_844 : i32 to index
        %parallel_loop3A_846 = arith.constant 0 : index
        %parallel_loop3A_847 = tpu.vector_load %arg17[%parallel_loop3A_845, %parallel_loop3A_846] {strides = array<i32>} : memref<256x64xf32, #tpu.memory_space<vmem>>, vector<16xf32>,
        tpu.vector_store %arg17[%parallel_loop3A_845, %parallel_loop3A_846], %parallel_loop3A_842 {strides = array<i32>} : memref<256x64xf32, #tpu.memory_space<vmem>>, vector<16xf32>,
        %parallel_loop3A_848 = arith.constant 7 : i32
        %parallel_loop3A_849 = arith.addi %parallel_loop3A_334, %parallel_loop3A_848 : i32
        %parallel_loop3A_850 = arith.index_cast %parallel_loop3A_849 : i32 to index
        %parallel_loop3A_851 = arith.constant 16 : index
        %parallel_loop3A_852 = tpu.vector_load %arg16[%parallel_loop3A_850, %parallel_loop3A_851] {strides = array<i32>} : memref<256x64xf32, #tpu.memory_space<vmem>>, vector<16xf32>,
        %parallel_loop3A_853 = arith.constant 8.000000e+00 : f32
        %parallel_loop3A_854 = vector.broadcast %parallel_loop3A_853 : f32 to vector<16xf32>
        %parallel_loop3A_855 = arith.mulf %parallel_loop3A_852, %parallel_loop3A_854 : vector<16xf32>
        %parallel_loop3A_856 = arith.index_cast %parallel_loop3A_830 : i32 to index
        %parallel_loop3A_857 = arith.constant 16 : index
        %parallel_loop3A_858 = tpu.vector_load %arg21[%parallel_loop3A_856, %parallel_loop3A_857] {strides = array<i32>} : memref<200x64xf32, #tpu.memory_space<vmem>>, vector<16xf32>,
        %parallel_loop3A_859 = arith.addf %parallel_loop3A_855, %parallel_loop3A_858 : vector<16xf32>
        %parallel_loop3A_860 = arith.constant 7 : i32
        %parallel_loop3A_861 = arith.addi %parallel_loop3A_334, %parallel_loop3A_860 : i32
        %parallel_loop3A_862 = arith.index_cast %parallel_loop3A_861 : i32 to index
        %parallel_loop3A_863 = arith.constant 16 : index
        %parallel_loop3A_864 = tpu.vector_load %arg17[%parallel_loop3A_862, %parallel_loop3A_863] {strides = array<i32>} : memref<256x64xf32, #tpu.memory_space<vmem>>, vector<16xf32>,
        tpu.vector_store %arg17[%parallel_loop3A_862, %parallel_loop3A_863], %parallel_loop3A_859 {strides = array<i32>} : memref<256x64xf32, #tpu.memory_space<vmem>>, vector<16xf32>,
        %parallel_loop3A_865 = arith.constant 7 : i32
        %parallel_loop3A_866 = arith.addi %parallel_loop3A_334, %parallel_loop3A_865 : i32
        %parallel_loop3A_867 = arith.index_cast %parallel_loop3A_866 : i32 to index
        %parallel_loop3A_868 = arith.constant 32 : index
        %parallel_loop3A_869 = tpu.vector_load %arg16[%parallel_loop3A_867, %parallel_loop3A_868] {strides = array<i32>} : memref<256x64xf32, #tpu.memory_space<vmem>>, vector<16xf32>,
        %parallel_loop3A_870 = arith.constant 8.000000e+00 : f32
        %parallel_loop3A_871 = vector.broadcast %parallel_loop3A_870 : f32 to vector<16xf32>
        %parallel_loop3A_872 = arith.mulf %parallel_loop3A_869, %parallel_loop3A_871 : vector<16xf32>
        %parallel_loop3A_873 = arith.index_cast %parallel_loop3A_830 : i32 to index
        %parallel_loop3A_874 = arith.constant 32 : index
        %parallel_loop3A_875 = tpu.vector_load %arg21[%parallel_loop3A_873, %parallel_loop3A_874] {strides = array<i32>} : memref<200x64xf32, #tpu.memory_space<vmem>>, vector<16xf32>,
        %parallel_loop3A_876 = arith.addf %parallel_loop3A_872, %parallel_loop3A_875 : vector<16xf32>
        %parallel_loop3A_877 = arith.constant 7 : i32
        %parallel_loop3A_878 = arith.addi %parallel_loop3A_334, %parallel_loop3A_877 : i32
        %parallel_loop3A_879 = arith.index_cast %parallel_loop3A_878 : i32 to index
        %parallel_loop3A_880 = arith.constant 32 : index
        %parallel_loop3A_881 = tpu.vector_load %arg17[%parallel_loop3A_879, %parallel_loop3A_880] {strides = array<i32>} : memref<256x64xf32, #tpu.memory_space<vmem>>, vector<16xf32>,
        tpu.vector_store %arg17[%parallel_loop3A_879, %parallel_loop3A_880], %parallel_loop3A_876 {strides = array<i32>} : memref<256x64xf32, #tpu.memory_space<vmem>>, vector<16xf32>,
        %parallel_loop3A_882 = arith.constant 7 : i32
        %parallel_loop3A_883 = arith.addi %parallel_loop3A_334, %parallel_loop3A_882 : i32
        %parallel_loop3A_884 = arith.index_cast %parallel_loop3A_883 : i32 to index
        %parallel_loop3A_885 = arith.constant 48 : index
        %parallel_loop3A_886 = tpu.vector_load %arg16[%parallel_loop3A_884, %parallel_loop3A_885] {strides = array<i32>} : memref<256x64xf32, #tpu.memory_space<vmem>>, vector<16xf32>,
        %parallel_loop3A_887 = arith.constant 8.000000e+00 : f32
        %parallel_loop3A_888 = vector.broadcast %parallel_loop3A_887 : f32 to vector<16xf32>
        %parallel_loop3A_889 = arith.mulf %parallel_loop3A_886, %parallel_loop3A_888 : vector<16xf32>
        %parallel_loop3A_890 = arith.index_cast %parallel_loop3A_830 : i32 to index
        %parallel_loop3A_891 = arith.constant 48 : index
        %parallel_loop3A_892 = tpu.vector_load %arg21[%parallel_loop3A_890, %parallel_loop3A_891] {strides = array<i32>} : memref<200x64xf32, #tpu.memory_space<vmem>>, vector<16xf32>,
        %parallel_loop3A_893 = arith.addf %parallel_loop3A_889, %parallel_loop3A_892 : vector<16xf32>
        %parallel_loop3A_894 = arith.constant 7 : i32
        %parallel_loop3A_895 = arith.addi %parallel_loop3A_334, %parallel_loop3A_894 : i32
        %parallel_loop3A_896 = arith.index_cast %parallel_loop3A_895 : i32 to index
        %parallel_loop3A_897 = arith.constant 48 : index
        %parallel_loop3A_898 = tpu.vector_load %arg17[%parallel_loop3A_896, %parallel_loop3A_897] {strides = array<i32>} : memref<256x64xf32, #tpu.memory_space<vmem>>, vector<16xf32>,
        tpu.vector_store %arg17[%parallel_loop3A_896, %parallel_loop3A_897], %parallel_loop3A_893 {strides = array<i32>} : memref<256x64xf32, #tpu.memory_space<vmem>>, vector<16xf32>,
        %parallel_loop3A_899 = vector.extract_strided_slice %parallel_loop3A_338 {offsets = [8], sizes = [1], strides = [1]} : vector<16xi32> to vector<1xi32>
        %parallel_loop3A_900 = vector.extract %parallel_loop3A_899[0] : i32 from vector<1xi32>
        %parallel_loop3A_901 = arith.constant 8 : i32
        %parallel_loop3A_902 = arith.addi %parallel_loop3A_334, %parallel_loop3A_901 : i32
        %parallel_loop3A_903 = arith.index_cast %parallel_loop3A_902 : i32 to index
        %parallel_loop3A_904 = arith.constant 0 : index
        %parallel_loop3A_905 = tpu.vector_load %arg16[%parallel_loop3A_903, %parallel_loop3A_904] {strides = array<i32>} : memref<256x64xf32, #tpu.memory_space<vmem>>, vector<16xf32>,
        %parallel_loop3A_906 = arith.constant 8.000000e+00 : f32
        %parallel_loop3A_907 = vector.broadcast %parallel_loop3A_906 : f32 to vector<16xf32>
        %parallel_loop3A_908 = arith.mulf %parallel_loop3A_905, %parallel_loop3A_907 : vector<16xf32>
        %parallel_loop3A_909 = arith.index_cast %parallel_loop3A_900 : i32 to index
        %parallel_loop3A_910 = arith.constant 0 : index
        %parallel_loop3A_911 = tpu.vector_load %arg21[%parallel_loop3A_909, %parallel_loop3A_910] {strides = array<i32>} : memref<200x64xf32, #tpu.memory_space<vmem>>, vector<16xf32>,
        %parallel_loop3A_912 = arith.addf %parallel_loop3A_908, %parallel_loop3A_911 : vector<16xf32>
        %parallel_loop3A_913 = arith.constant 8 : i32
        %parallel_loop3A_914 = arith.addi %parallel_loop3A_334, %parallel_loop3A_913 : i32
        %parallel_loop3A_915 = arith.index_cast %parallel_loop3A_914 : i32 to index
        %parallel_loop3A_916 = arith.constant 0 : index
        %parallel_loop3A_917 = tpu.vector_load %arg17[%parallel_loop3A_915, %parallel_loop3A_916] {strides = array<i32>} : memref<256x64xf32, #tpu.memory_space<vmem>>, vector<16xf32>,
        tpu.vector_store %arg17[%parallel_loop3A_915, %parallel_loop3A_916], %parallel_loop3A_912 {strides = array<i32>} : memref<256x64xf32, #tpu.memory_space<vmem>>, vector<16xf32>,
        %parallel_loop3A_918 = arith.constant 8 : i32
        %parallel_loop3A_919 = arith.addi %parallel_loop3A_334, %parallel_loop3A_918 : i32
        %parallel_loop3A_920 = arith.index_cast %parallel_loop3A_919 : i32 to index
        %parallel_loop3A_921 = arith.constant 16 : index
        %parallel_loop3A_922 = tpu.vector_load %arg16[%parallel_loop3A_920, %parallel_loop3A_921] {strides = array<i32>} : memref<256x64xf32, #tpu.memory_space<vmem>>, vector<16xf32>,
        %parallel_loop3A_923 = arith.constant 8.000000e+00 : f32
        %parallel_loop3A_924 = vector.broadcast %parallel_loop3A_923 : f32 to vector<16xf32>
        %parallel_loop3A_925 = arith.mulf %parallel_loop3A_922, %parallel_loop3A_924 : vector<16xf32>
        %parallel_loop3A_926 = arith.index_cast %parallel_loop3A_900 : i32 to index
        %parallel_loop3A_927 = arith.constant 16 : index
        %parallel_loop3A_928 = tpu.vector_load %arg21[%parallel_loop3A_926, %parallel_loop3A_927] {strides = array<i32>} : memref<200x64xf32, #tpu.memory_space<vmem>>, vector<16xf32>,
        %parallel_loop3A_929 = arith.addf %parallel_loop3A_925, %parallel_loop3A_928 : vector<16xf32>
        %parallel_loop3A_930 = arith.constant 8 : i32
        %parallel_loop3A_931 = arith.addi %parallel_loop3A_334, %parallel_loop3A_930 : i32
        %parallel_loop3A_932 = arith.index_cast %parallel_loop3A_931 : i32 to index
        %parallel_loop3A_933 = arith.constant 16 : index
        %parallel_loop3A_934 = tpu.vector_load %arg17[%parallel_loop3A_932, %parallel_loop3A_933] {strides = array<i32>} : memref<256x64xf32, #tpu.memory_space<vmem>>, vector<16xf32>,
        tpu.vector_store %arg17[%parallel_loop3A_932, %parallel_loop3A_933], %parallel_loop3A_929 {strides = array<i32>} : memref<256x64xf32, #tpu.memory_space<vmem>>, vector<16xf32>,
        %parallel_loop3A_935 = arith.constant 8 : i32
        %parallel_loop3A_936 = arith.addi %parallel_loop3A_334, %parallel_loop3A_935 : i32
        %parallel_loop3A_937 = arith.index_cast %parallel_loop3A_936 : i32 to index
        %parallel_loop3A_938 = arith.constant 32 : index
        %parallel_loop3A_939 = tpu.vector_load %arg16[%parallel_loop3A_937, %parallel_loop3A_938] {strides = array<i32>} : memref<256x64xf32, #tpu.memory_space<vmem>>, vector<16xf32>,
        %parallel_loop3A_940 = arith.constant 8.000000e+00 : f32
        %parallel_loop3A_941 = vector.broadcast %parallel_loop3A_940 : f32 to vector<16xf32>
        %parallel_loop3A_942 = arith.mulf %parallel_loop3A_939, %parallel_loop3A_941 : vector<16xf32>
        %parallel_loop3A_943 = arith.index_cast %parallel_loop3A_900 : i32 to index
        %parallel_loop3A_944 = arith.constant 32 : index
        %parallel_loop3A_945 = tpu.vector_load %arg21[%parallel_loop3A_943, %parallel_loop3A_944] {strides = array<i32>} : memref<200x64xf32, #tpu.memory_space<vmem>>, vector<16xf32>,
        %parallel_loop3A_946 = arith.addf %parallel_loop3A_942, %parallel_loop3A_945 : vector<16xf32>
        %parallel_loop3A_947 = arith.constant 8 : i32
        %parallel_loop3A_948 = arith.addi %parallel_loop3A_334, %parallel_loop3A_947 : i32
        %parallel_loop3A_949 = arith.index_cast %parallel_loop3A_948 : i32 to index
        %parallel_loop3A_950 = arith.constant 32 : index
        %parallel_loop3A_951 = tpu.vector_load %arg17[%parallel_loop3A_949, %parallel_loop3A_950] {strides = array<i32>} : memref<256x64xf32, #tpu.memory_space<vmem>>, vector<16xf32>,
        tpu.vector_store %arg17[%parallel_loop3A_949, %parallel_loop3A_950], %parallel_loop3A_946 {strides = array<i32>} : memref<256x64xf32, #tpu.memory_space<vmem>>, vector<16xf32>,
        %parallel_loop3A_952 = arith.constant 8 : i32
        %parallel_loop3A_953 = arith.addi %parallel_loop3A_334, %parallel_loop3A_952 : i32
        %parallel_loop3A_954 = arith.index_cast %parallel_loop3A_953 : i32 to index
        %parallel_loop3A_955 = arith.constant 48 : index
        %parallel_loop3A_956 = tpu.vector_load %arg16[%parallel_loop3A_954, %parallel_loop3A_955] {strides = array<i32>} : memref<256x64xf32, #tpu.memory_space<vmem>>, vector<16xf32>,
        %parallel_loop3A_957 = arith.constant 8.000000e+00 : f32
        %parallel_loop3A_958 = vector.broadcast %parallel_loop3A_957 : f32 to vector<16xf32>
        %parallel_loop3A_959 = arith.mulf %parallel_loop3A_956, %parallel_loop3A_958 : vector<16xf32>
        %parallel_loop3A_960 = arith.index_cast %parallel_loop3A_900 : i32 to index
        %parallel_loop3A_961 = arith.constant 48 : index
        %parallel_loop3A_962 = tpu.vector_load %arg21[%parallel_loop3A_960, %parallel_loop3A_961] {strides = array<i32>} : memref<200x64xf32, #tpu.memory_space<vmem>>, vector<16xf32>,
        %parallel_loop3A_963 = arith.addf %parallel_loop3A_959, %parallel_loop3A_962 : vector<16xf32>
        %parallel_loop3A_964 = arith.constant 8 : i32
        %parallel_loop3A_965 = arith.addi %parallel_loop3A_334, %parallel_loop3A_964 : i32
        %parallel_loop3A_966 = arith.index_cast %parallel_loop3A_965 : i32 to index
        %parallel_loop3A_967 = arith.constant 48 : index
        %parallel_loop3A_968 = tpu.vector_load %arg17[%parallel_loop3A_966, %parallel_loop3A_967] {strides = array<i32>} : memref<256x64xf32, #tpu.memory_space<vmem>>, vector<16xf32>,
        tpu.vector_store %arg17[%parallel_loop3A_966, %parallel_loop3A_967], %parallel_loop3A_963 {strides = array<i32>} : memref<256x64xf32, #tpu.memory_space<vmem>>, vector<16xf32>,
        %parallel_loop3A_969 = vector.extract_strided_slice %parallel_loop3A_338 {offsets = [9], sizes = [1], strides = [1]} : vector<16xi32> to vector<1xi32>
        %parallel_loop3A_970 = vector.extract %parallel_loop3A_969[0] : i32 from vector<1xi32>
        %parallel_loop3A_971 = arith.constant 9 : i32
        %parallel_loop3A_972 = arith.addi %parallel_loop3A_334, %parallel_loop3A_971 : i32
        %parallel_loop3A_973 = arith.index_cast %parallel_loop3A_972 : i32 to index
        %parallel_loop3A_974 = arith.constant 0 : index
        %parallel_loop3A_975 = tpu.vector_load %arg16[%parallel_loop3A_973, %parallel_loop3A_974] {strides = array<i32>} : memref<256x64xf32, #tpu.memory_space<vmem>>, vector<16xf32>,
        %parallel_loop3A_976 = arith.constant 8.000000e+00 : f32
        %parallel_loop3A_977 = vector.broadcast %parallel_loop3A_976 : f32 to vector<16xf32>
        %parallel_loop3A_978 = arith.mulf %parallel_loop3A_975, %parallel_loop3A_977 : vector<16xf32>
        %parallel_loop3A_979 = arith.index_cast %parallel_loop3A_970 : i32 to index
        %parallel_loop3A_980 = arith.constant 0 : index
        %parallel_loop3A_981 = tpu.vector_load %arg21[%parallel_loop3A_979, %parallel_loop3A_980] {strides = array<i32>} : memref<200x64xf32, #tpu.memory_space<vmem>>, vector<16xf32>,
        %parallel_loop3A_982 = arith.addf %parallel_loop3A_978, %parallel_loop3A_981 : vector<16xf32>
        %parallel_loop3A_983 = arith.constant 9 : i32
        %parallel_loop3A_984 = arith.addi %parallel_loop3A_334, %parallel_loop3A_983 : i32
        %parallel_loop3A_985 = arith.index_cast %parallel_loop3A_984 : i32 to index
        %parallel_loop3A_986 = arith.constant 0 : index
        %parallel_loop3A_987 = tpu.vector_load %arg17[%parallel_loop3A_985, %parallel_loop3A_986] {strides = array<i32>} : memref<256x64xf32, #tpu.memory_space<vmem>>, vector<16xf32>,
        tpu.vector_store %arg17[%parallel_loop3A_985, %parallel_loop3A_986], %parallel_loop3A_982 {strides = array<i32>} : memref<256x64xf32, #tpu.memory_space<vmem>>, vector<16xf32>,
        %parallel_loop3A_988 = arith.constant 9 : i32
        %parallel_loop3A_989 = arith.addi %parallel_loop3A_334, %parallel_loop3A_988 : i32
        %parallel_loop3A_990 = arith.index_cast %parallel_loop3A_989 : i32 to index
        %parallel_loop3A_991 = arith.constant 16 : index
        %parallel_loop3A_992 = tpu.vector_load %arg16[%parallel_loop3A_990, %parallel_loop3A_991] {strides = array<i32>} : memref<256x64xf32, #tpu.memory_space<vmem>>, vector<16xf32>,
        %parallel_loop3A_993 = arith.constant 8.000000e+00 : f32
        %parallel_loop3A_994 = vector.broadcast %parallel_loop3A_993 : f32 to vector<16xf32>
        %parallel_loop3A_995 = arith.mulf %parallel_loop3A_992, %parallel_loop3A_994 : vector<16xf32>
        %parallel_loop3A_996 = arith.index_cast %parallel_loop3A_970 : i32 to index
        %parallel_loop3A_997 = arith.constant 16 : index
        %parallel_loop3A_998 = tpu.vector_load %arg21[%parallel_loop3A_996, %parallel_loop3A_997] {strides = array<i32>} : memref<200x64xf32, #tpu.memory_space<vmem>>, vector<16xf32>,
        %parallel_loop3A_999 = arith.addf %parallel_loop3A_995, %parallel_loop3A_998 : vector<16xf32>
        %parallel_loop3A_1000 = arith.constant 9 : i32
        %parallel_loop3A_1001 = arith.addi %parallel_loop3A_334, %parallel_loop3A_1000 : i32
        %parallel_loop3A_1002 = arith.index_cast %parallel_loop3A_1001 : i32 to index
        %parallel_loop3A_1003 = arith.constant 16 : index
        %parallel_loop3A_1004 = tpu.vector_load %arg17[%parallel_loop3A_1002, %parallel_loop3A_1003] {strides = array<i32>} : memref<256x64xf32, #tpu.memory_space<vmem>>, vector<16xf32>,
        tpu.vector_store %arg17[%parallel_loop3A_1002, %parallel_loop3A_1003], %parallel_loop3A_999 {strides = array<i32>} : memref<256x64xf32, #tpu.memory_space<vmem>>, vector<16xf32>,
        %parallel_loop3A_1005 = arith.constant 9 : i32
        %parallel_loop3A_1006 = arith.addi %parallel_loop3A_334, %parallel_loop3A_1005 : i32
        %parallel_loop3A_1007 = arith.index_cast %parallel_loop3A_1006 : i32 to index
        %parallel_loop3A_1008 = arith.constant 32 : index
        %parallel_loop3A_1009 = tpu.vector_load %arg16[%parallel_loop3A_1007, %parallel_loop3A_1008] {strides = array<i32>} : memref<256x64xf32, #tpu.memory_space<vmem>>, vector<16xf32>,
        %parallel_loop3A_1010 = arith.constant 8.000000e+00 : f32
        %parallel_loop3A_1011 = vector.broadcast %parallel_loop3A_1010 : f32 to vector<16xf32>
        %parallel_loop3A_1012 = arith.mulf %parallel_loop3A_1009, %parallel_loop3A_1011 : vector<16xf32>
        %parallel_loop3A_1013 = arith.index_cast %parallel_loop3A_970 : i32 to index
        %parallel_loop3A_1014 = arith.constant 32 : index
        %parallel_loop3A_1015 = tpu.vector_load %arg21[%parallel_loop3A_1013, %parallel_loop3A_1014] {strides = array<i32>} : memref<200x64xf32, #tpu.memory_space<vmem>>, vector<16xf32>,
        %parallel_loop3A_1016 = arith.addf %parallel_loop3A_1012, %parallel_loop3A_1015 : vector<16xf32>
        %parallel_loop3A_1017 = arith.constant 9 : i32
        %parallel_loop3A_1018 = arith.addi %parallel_loop3A_334, %parallel_loop3A_1017 : i32
        %parallel_loop3A_1019 = arith.index_cast %parallel_loop3A_1018 : i32 to index
        %parallel_loop3A_1020 = arith.constant 32 : index
        %parallel_loop3A_1021 = tpu.vector_load %arg17[%parallel_loop3A_1019, %parallel_loop3A_1020] {strides = array<i32>} : memref<256x64xf32, #tpu.memory_space<vmem>>, vector<16xf32>,
        tpu.vector_store %arg17[%parallel_loop3A_1019, %parallel_loop3A_1020], %parallel_loop3A_1016 {strides = array<i32>} : memref<256x64xf32, #tpu.memory_space<vmem>>, vector<16xf32>,
        %parallel_loop3A_1022 = arith.constant 9 : i32
        %parallel_loop3A_1023 = arith.addi %parallel_loop3A_334, %parallel_loop3A_1022 : i32
        %parallel_loop3A_1024 = arith.index_cast %parallel_loop3A_1023 : i32 to index
        %parallel_loop3A_1025 = arith.constant 48 : index
        %parallel_loop3A_1026 = tpu.vector_load %arg16[%parallel_loop3A_1024, %parallel_loop3A_1025] {strides = array<i32>} : memref<256x64xf32, #tpu.memory_space<vmem>>, vector<16xf32>,
        %parallel_loop3A_1027 = arith.constant 8.000000e+00 : f32
        %parallel_loop3A_1028 = vector.broadcast %parallel_loop3A_1027 : f32 to vector<16xf32>
        %parallel_loop3A_1029 = arith.mulf %parallel_loop3A_1026, %parallel_loop3A_1028 : vector<16xf32>
        %parallel_loop3A_1030 = arith.index_cast %parallel_loop3A_970 : i32 to index
        %parallel_loop3A_1031 = arith.constant 48 : index
        %parallel_loop3A_1032 = tpu.vector_load %arg21[%parallel_loop3A_1030, %parallel_loop3A_1031] {strides = array<i32>} : memref<200x64xf32, #tpu.memory_space<vmem>>, vector<16xf32>,
        %parallel_loop3A_1033 = arith.addf %parallel_loop3A_1029, %parallel_loop3A_1032 : vector<16xf32>
        %parallel_loop3A_1034 = arith.constant 9 : i32
        %parallel_loop3A_1035 = arith.addi %parallel_loop3A_334, %parallel_loop3A_1034 : i32
        %parallel_loop3A_1036 = arith.index_cast %parallel_loop3A_1035 : i32 to index
        %parallel_loop3A_1037 = arith.constant 48 : index
        %parallel_loop3A_1038 = tpu.vector_load %arg17[%parallel_loop3A_1036, %parallel_loop3A_1037] {strides = array<i32>} : memref<256x64xf32, #tpu.memory_space<vmem>>, vector<16xf32>,
        tpu.vector_store %arg17[%parallel_loop3A_1036, %parallel_loop3A_1037], %parallel_loop3A_1033 {strides = array<i32>} : memref<256x64xf32, #tpu.memory_space<vmem>>, vector<16xf32>,
        %parallel_loop3A_1039 = vector.extract_strided_slice %parallel_loop3A_338 {offsets = [10], sizes = [1], strides = [1]} : vector<16xi32> to vector<1xi32>
        %parallel_loop3A_1040 = vector.extract %parallel_loop3A_1039[0] : i32 from vector<1xi32>
        %parallel_loop3A_1041 = arith.constant 10 : i32
        %parallel_loop3A_1042 = arith.addi %parallel_loop3A_334, %parallel_loop3A_1041 : i32
        %parallel_loop3A_1043 = arith.index_cast %parallel_loop3A_1042 : i32 to index
        %parallel_loop3A_1044 = arith.constant 0 : index
        %parallel_loop3A_1045 = tpu.vector_load %arg16[%parallel_loop3A_1043, %parallel_loop3A_1044] {strides = array<i32>} : memref<256x64xf32, #tpu.memory_space<vmem>>, vector<16xf32>,
        %parallel_loop3A_1046 = arith.constant 8.000000e+00 : f32
        %parallel_loop3A_1047 = vector.broadcast %parallel_loop3A_1046 : f32 to vector<16xf32>
        %parallel_loop3A_1048 = arith.mulf %parallel_loop3A_1045, %parallel_loop3A_1047 : vector<16xf32>
        %parallel_loop3A_1049 = arith.index_cast %parallel_loop3A_1040 : i32 to index
        %parallel_loop3A_1050 = arith.constant 0 : index
        %parallel_loop3A_1051 = tpu.vector_load %arg21[%parallel_loop3A_1049, %parallel_loop3A_1050] {strides = array<i32>} : memref<200x64xf32, #tpu.memory_space<vmem>>, vector<16xf32>,
        %parallel_loop3A_1052 = arith.addf %parallel_loop3A_1048, %parallel_loop3A_1051 : vector<16xf32>
        %parallel_loop3A_1053 = arith.constant 10 : i32
        %parallel_loop3A_1054 = arith.addi %parallel_loop3A_334, %parallel_loop3A_1053 : i32
        %parallel_loop3A_1055 = arith.index_cast %parallel_loop3A_1054 : i32 to index
        %parallel_loop3A_1056 = arith.constant 0 : index
        %parallel_loop3A_1057 = tpu.vector_load %arg17[%parallel_loop3A_1055, %parallel_loop3A_1056] {strides = array<i32>} : memref<256x64xf32, #tpu.memory_space<vmem>>, vector<16xf32>,
        tpu.vector_store %arg17[%parallel_loop3A_1055, %parallel_loop3A_1056], %parallel_loop3A_1052 {strides = array<i32>} : memref<256x64xf32, #tpu.memory_space<vmem>>, vector<16xf32>,
        %parallel_loop3A_1058 = arith.constant 10 : i32
        %parallel_loop3A_1059 = arith.addi %parallel_loop3A_334, %parallel_loop3A_1058 : i32
        %parallel_loop3A_1060 = arith.index_cast %parallel_loop3A_1059 : i32 to index
        %parallel_loop3A_1061 = arith.constant 16 : index
        %parallel_loop3A_1062 = tpu.vector_load %arg16[%parallel_loop3A_1060, %parallel_loop3A_1061] {strides = array<i32>} : memref<256x64xf32, #tpu.memory_space<vmem>>, vector<16xf32>,
        %parallel_loop3A_1063 = arith.constant 8.000000e+00 : f32
        %parallel_loop3A_1064 = vector.broadcast %parallel_loop3A_1063 : f32 to vector<16xf32>
        %parallel_loop3A_1065 = arith.mulf %parallel_loop3A_1062, %parallel_loop3A_1064 : vector<16xf32>
        %parallel_loop3A_1066 = arith.index_cast %parallel_loop3A_1040 : i32 to index
        %parallel_loop3A_1067 = arith.constant 16 : index
        %parallel_loop3A_1068 = tpu.vector_load %arg21[%parallel_loop3A_1066, %parallel_loop3A_1067] {strides = array<i32>} : memref<200x64xf32, #tpu.memory_space<vmem>>, vector<16xf32>,
        %parallel_loop3A_1069 = arith.addf %parallel_loop3A_1065, %parallel_loop3A_1068 : vector<16xf32>
        %parallel_loop3A_1070 = arith.constant 10 : i32
        %parallel_loop3A_1071 = arith.addi %parallel_loop3A_334, %parallel_loop3A_1070 : i32
        %parallel_loop3A_1072 = arith.index_cast %parallel_loop3A_1071 : i32 to index
        %parallel_loop3A_1073 = arith.constant 16 : index
        %parallel_loop3A_1074 = tpu.vector_load %arg17[%parallel_loop3A_1072, %parallel_loop3A_1073] {strides = array<i32>} : memref<256x64xf32, #tpu.memory_space<vmem>>, vector<16xf32>,
        tpu.vector_store %arg17[%parallel_loop3A_1072, %parallel_loop3A_1073], %parallel_loop3A_1069 {strides = array<i32>} : memref<256x64xf32, #tpu.memory_space<vmem>>, vector<16xf32>,
        %parallel_loop3A_1075 = arith.constant 10 : i32
        %parallel_loop3A_1076 = arith.addi %parallel_loop3A_334, %parallel_loop3A_1075 : i32
        %parallel_loop3A_1077 = arith.index_cast %parallel_loop3A_1076 : i32 to index
        %parallel_loop3A_1078 = arith.constant 32 : index
        %parallel_loop3A_1079 = tpu.vector_load %arg16[%parallel_loop3A_1077, %parallel_loop3A_1078] {strides = array<i32>} : memref<256x64xf32, #tpu.memory_space<vmem>>, vector<16xf32>,
        %parallel_loop3A_1080 = arith.constant 8.000000e+00 : f32
        %parallel_loop3A_1081 = vector.broadcast %parallel_loop3A_1080 : f32 to vector<16xf32>
        %parallel_loop3A_1082 = arith.mulf %parallel_loop3A_1079, %parallel_loop3A_1081 : vector<16xf32>
        %parallel_loop3A_1083 = arith.index_cast %parallel_loop3A_1040 : i32 to index
        %parallel_loop3A_1084 = arith.constant 32 : index
        %parallel_loop3A_1085 = tpu.vector_load %arg21[%parallel_loop3A_1083, %parallel_loop3A_1084] {strides = array<i32>} : memref<200x64xf32, #tpu.memory_space<vmem>>, vector<16xf32>,
        %parallel_loop3A_1086 = arith.addf %parallel_loop3A_1082, %parallel_loop3A_1085 : vector<16xf32>
        %parallel_loop3A_1087 = arith.constant 10 : i32
        %parallel_loop3A_1088 = arith.addi %parallel_loop3A_334, %parallel_loop3A_1087 : i32
        %parallel_loop3A_1089 = arith.index_cast %parallel_loop3A_1088 : i32 to index
        %parallel_loop3A_1090 = arith.constant 32 : index
        %parallel_loop3A_1091 = tpu.vector_load %arg17[%parallel_loop3A_1089, %parallel_loop3A_1090] {strides = array<i32>} : memref<256x64xf32, #tpu.memory_space<vmem>>, vector<16xf32>,
        tpu.vector_store %arg17[%parallel_loop3A_1089, %parallel_loop3A_1090], %parallel_loop3A_1086 {strides = array<i32>} : memref<256x64xf32, #tpu.memory_space<vmem>>, vector<16xf32>,
        %parallel_loop3A_1092 = arith.constant 10 : i32
        %parallel_loop3A_1093 = arith.addi %parallel_loop3A_334, %parallel_loop3A_1092 : i32
        %parallel_loop3A_1094 = arith.index_cast %parallel_loop3A_1093 : i32 to index
        %parallel_loop3A_1095 = arith.constant 48 : index
        %parallel_loop3A_1096 = tpu.vector_load %arg16[%parallel_loop3A_1094, %parallel_loop3A_1095] {strides = array<i32>} : memref<256x64xf32, #tpu.memory_space<vmem>>, vector<16xf32>,
        %parallel_loop3A_1097 = arith.constant 8.000000e+00 : f32
        %parallel_loop3A_1098 = vector.broadcast %parallel_loop3A_1097 : f32 to vector<16xf32>
        %parallel_loop3A_1099 = arith.mulf %parallel_loop3A_1096, %parallel_loop3A_1098 : vector<16xf32>
        %parallel_loop3A_1100 = arith.index_cast %parallel_loop3A_1040 : i32 to index
        %parallel_loop3A_1101 = arith.constant 48 : index
        %parallel_loop3A_1102 = tpu.vector_load %arg21[%parallel_loop3A_1100, %parallel_loop3A_1101] {strides = array<i32>} : memref<200x64xf32, #tpu.memory_space<vmem>>, vector<16xf32>,
        %parallel_loop3A_1103 = arith.addf %parallel_loop3A_1099, %parallel_loop3A_1102 : vector<16xf32>
        %parallel_loop3A_1104 = arith.constant 10 : i32
        %parallel_loop3A_1105 = arith.addi %parallel_loop3A_334, %parallel_loop3A_1104 : i32
        %parallel_loop3A_1106 = arith.index_cast %parallel_loop3A_1105 : i32 to index
        %parallel_loop3A_1107 = arith.constant 48 : index
        %parallel_loop3A_1108 = tpu.vector_load %arg17[%parallel_loop3A_1106, %parallel_loop3A_1107] {strides = array<i32>} : memref<256x64xf32, #tpu.memory_space<vmem>>, vector<16xf32>,
        tpu.vector_store %arg17[%parallel_loop3A_1106, %parallel_loop3A_1107], %parallel_loop3A_1103 {strides = array<i32>} : memref<256x64xf32, #tpu.memory_space<vmem>>, vector<16xf32>,
        %parallel_loop3A_1109 = vector.extract_strided_slice %parallel_loop3A_338 {offsets = [11], sizes = [1], strides = [1]} : vector<16xi32> to vector<1xi32>
        %parallel_loop3A_1110 = vector.extract %parallel_loop3A_1109[0] : i32 from vector<1xi32>
        %parallel_loop3A_1111 = arith.constant 11 : i32
        %parallel_loop3A_1112 = arith.addi %parallel_loop3A_334, %parallel_loop3A_1111 : i32
        %parallel_loop3A_1113 = arith.index_cast %parallel_loop3A_1112 : i32 to index
        %parallel_loop3A_1114 = arith.constant 0 : index
        %parallel_loop3A_1115 = tpu.vector_load %arg16[%parallel_loop3A_1113, %parallel_loop3A_1114] {strides = array<i32>} : memref<256x64xf32, #tpu.memory_space<vmem>>, vector<16xf32>,
        %parallel_loop3A_1116 = arith.constant 8.000000e+00 : f32
        %parallel_loop3A_1117 = vector.broadcast %parallel_loop3A_1116 : f32 to vector<16xf32>
        %parallel_loop3A_1118 = arith.mulf %parallel_loop3A_1115, %parallel_loop3A_1117 : vector<16xf32>
        %parallel_loop3A_1119 = arith.index_cast %parallel_loop3A_1110 : i32 to index
        %parallel_loop3A_1120 = arith.constant 0 : index
        %parallel_loop3A_1121 = tpu.vector_load %arg21[%parallel_loop3A_1119, %parallel_loop3A_1120] {strides = array<i32>} : memref<200x64xf32, #tpu.memory_space<vmem>>, vector<16xf32>,
        %parallel_loop3A_1122 = arith.addf %parallel_loop3A_1118, %parallel_loop3A_1121 : vector<16xf32>
        %parallel_loop3A_1123 = arith.constant 11 : i32
        %parallel_loop3A_1124 = arith.addi %parallel_loop3A_334, %parallel_loop3A_1123 : i32
        %parallel_loop3A_1125 = arith.index_cast %parallel_loop3A_1124 : i32 to index
        %parallel_loop3A_1126 = arith.constant 0 : index
        %parallel_loop3A_1127 = tpu.vector_load %arg17[%parallel_loop3A_1125, %parallel_loop3A_1126] {strides = array<i32>} : memref<256x64xf32, #tpu.memory_space<vmem>>, vector<16xf32>,
        tpu.vector_store %arg17[%parallel_loop3A_1125, %parallel_loop3A_1126], %parallel_loop3A_1122 {strides = array<i32>} : memref<256x64xf32, #tpu.memory_space<vmem>>, vector<16xf32>,
        %parallel_loop3A_1128 = arith.constant 11 : i32
        %parallel_loop3A_1129 = arith.addi %parallel_loop3A_334, %parallel_loop3A_1128 : i32
        %parallel_loop3A_1130 = arith.index_cast %parallel_loop3A_1129 : i32 to index
        %parallel_loop3A_1131 = arith.constant 16 : index
        %parallel_loop3A_1132 = tpu.vector_load %arg16[%parallel_loop3A_1130, %parallel_loop3A_1131] {strides = array<i32>} : memref<256x64xf32, #tpu.memory_space<vmem>>, vector<16xf32>,
        %parallel_loop3A_1133 = arith.constant 8.000000e+00 : f32
        %parallel_loop3A_1134 = vector.broadcast %parallel_loop3A_1133 : f32 to vector<16xf32>
        %parallel_loop3A_1135 = arith.mulf %parallel_loop3A_1132, %parallel_loop3A_1134 : vector<16xf32>
        %parallel_loop3A_1136 = arith.index_cast %parallel_loop3A_1110 : i32 to index
        %parallel_loop3A_1137 = arith.constant 16 : index
        %parallel_loop3A_1138 = tpu.vector_load %arg21[%parallel_loop3A_1136, %parallel_loop3A_1137] {strides = array<i32>} : memref<200x64xf32, #tpu.memory_space<vmem>>, vector<16xf32>,
        %parallel_loop3A_1139 = arith.addf %parallel_loop3A_1135, %parallel_loop3A_1138 : vector<16xf32>
        %parallel_loop3A_1140 = arith.constant 11 : i32
        %parallel_loop3A_1141 = arith.addi %parallel_loop3A_334, %parallel_loop3A_1140 : i32
        %parallel_loop3A_1142 = arith.index_cast %parallel_loop3A_1141 : i32 to index
        %parallel_loop3A_1143 = arith.constant 16 : index
        %parallel_loop3A_1144 = tpu.vector_load %arg17[%parallel_loop3A_1142, %parallel_loop3A_1143] {strides = array<i32>} : memref<256x64xf32, #tpu.memory_space<vmem>>, vector<16xf32>,
        tpu.vector_store %arg17[%parallel_loop3A_1142, %parallel_loop3A_1143], %parallel_loop3A_1139 {strides = array<i32>} : memref<256x64xf32, #tpu.memory_space<vmem>>, vector<16xf32>,
        %parallel_loop3A_1145 = arith.constant 11 : i32
        %parallel_loop3A_1146 = arith.addi %parallel_loop3A_334, %parallel_loop3A_1145 : i32
        %parallel_loop3A_1147 = arith.index_cast %parallel_loop3A_1146 : i32 to index
        %parallel_loop3A_1148 = arith.constant 32 : index
        %parallel_loop3A_1149 = tpu.vector_load %arg16[%parallel_loop3A_1147, %parallel_loop3A_1148] {strides = array<i32>} : memref<256x64xf32, #tpu.memory_space<vmem>>, vector<16xf32>,
        %parallel_loop3A_1150 = arith.constant 8.000000e+00 : f32
        %parallel_loop3A_1151 = vector.broadcast %parallel_loop3A_1150 : f32 to vector<16xf32>
        %parallel_loop3A_1152 = arith.mulf %parallel_loop3A_1149, %parallel_loop3A_1151 : vector<16xf32>
        %parallel_loop3A_1153 = arith.index_cast %parallel_loop3A_1110 : i32 to index
        %parallel_loop3A_1154 = arith.constant 32 : index
        %parallel_loop3A_1155 = tpu.vector_load %arg21[%parallel_loop3A_1153, %parallel_loop3A_1154] {strides = array<i32>} : memref<200x64xf32, #tpu.memory_space<vmem>>, vector<16xf32>,
        %parallel_loop3A_1156 = arith.addf %parallel_loop3A_1152, %parallel_loop3A_1155 : vector<16xf32>
        %parallel_loop3A_1157 = arith.constant 11 : i32
        %parallel_loop3A_1158 = arith.addi %parallel_loop3A_334, %parallel_loop3A_1157 : i32
        %parallel_loop3A_1159 = arith.index_cast %parallel_loop3A_1158 : i32 to index
        %parallel_loop3A_1160 = arith.constant 32 : index
        %parallel_loop3A_1161 = tpu.vector_load %arg17[%parallel_loop3A_1159, %parallel_loop3A_1160] {strides = array<i32>} : memref<256x64xf32, #tpu.memory_space<vmem>>, vector<16xf32>,
        tpu.vector_store %arg17[%parallel_loop3A_1159, %parallel_loop3A_1160], %parallel_loop3A_1156 {strides = array<i32>} : memref<256x64xf32, #tpu.memory_space<vmem>>, vector<16xf32>,
        %parallel_loop3A_1162 = arith.constant 11 : i32
        %parallel_loop3A_1163 = arith.addi %parallel_loop3A_334, %parallel_loop3A_1162 : i32
        %parallel_loop3A_1164 = arith.index_cast %parallel_loop3A_1163 : i32 to index
        %parallel_loop3A_1165 = arith.constant 48 : index
        %parallel_loop3A_1166 = tpu.vector_load %arg16[%parallel_loop3A_1164, %parallel_loop3A_1165] {strides = array<i32>} : memref<256x64xf32, #tpu.memory_space<vmem>>, vector<16xf32>,
        %parallel_loop3A_1167 = arith.constant 8.000000e+00 : f32
        %parallel_loop3A_1168 = vector.broadcast %parallel_loop3A_1167 : f32 to vector<16xf32>
        %parallel_loop3A_1169 = arith.mulf %parallel_loop3A_1166, %parallel_loop3A_1168 : vector<16xf32>
        %parallel_loop3A_1170 = arith.index_cast %parallel_loop3A_1110 : i32 to index
        %parallel_loop3A_1171 = arith.constant 48 : index
        %parallel_loop3A_1172 = tpu.vector_load %arg21[%parallel_loop3A_1170, %parallel_loop3A_1171] {strides = array<i32>} : memref<200x64xf32, #tpu.memory_space<vmem>>, vector<16xf32>,
        %parallel_loop3A_1173 = arith.addf %parallel_loop3A_1169, %parallel_loop3A_1172 : vector<16xf32>
        %parallel_loop3A_1174 = arith.constant 11 : i32
        %parallel_loop3A_1175 = arith.addi %parallel_loop3A_334, %parallel_loop3A_1174 : i32
        %parallel_loop3A_1176 = arith.index_cast %parallel_loop3A_1175 : i32 to index
        %parallel_loop3A_1177 = arith.constant 48 : index
        %parallel_loop3A_1178 = tpu.vector_load %arg17[%parallel_loop3A_1176, %parallel_loop3A_1177] {strides = array<i32>} : memref<256x64xf32, #tpu.memory_space<vmem>>, vector<16xf32>,
        tpu.vector_store %arg17[%parallel_loop3A_1176, %parallel_loop3A_1177], %parallel_loop3A_1173 {strides = array<i32>} : memref<256x64xf32, #tpu.memory_space<vmem>>, vector<16xf32>,
        %parallel_loop3A_1179 = vector.extract_strided_slice %parallel_loop3A_338 {offsets = [12], sizes = [1], strides = [1]} : vector<16xi32> to vector<1xi32>
        %parallel_loop3A_1180 = vector.extract %parallel_loop3A_1179[0] : i32 from vector<1xi32>
        %parallel_loop3A_1181 = arith.constant 12 : i32
        %parallel_loop3A_1182 = arith.addi %parallel_loop3A_334, %parallel_loop3A_1181 : i32
        %parallel_loop3A_1183 = arith.index_cast %parallel_loop3A_1182 : i32 to index
        %parallel_loop3A_1184 = arith.constant 0 : index
        %parallel_loop3A_1185 = tpu.vector_load %arg16[%parallel_loop3A_1183, %parallel_loop3A_1184] {strides = array<i32>} : memref<256x64xf32, #tpu.memory_space<vmem>>, vector<16xf32>,
        %parallel_loop3A_1186 = arith.constant 8.000000e+00 : f32
        %parallel_loop3A_1187 = vector.broadcast %parallel_loop3A_1186 : f32 to vector<16xf32>
        %parallel_loop3A_1188 = arith.mulf %parallel_loop3A_1185, %parallel_loop3A_1187 : vector<16xf32>
        %parallel_loop3A_1189 = arith.index_cast %parallel_loop3A_1180 : i32 to index
        %parallel_loop3A_1190 = arith.constant 0 : index
        %parallel_loop3A_1191 = tpu.vector_load %arg21[%parallel_loop3A_1189, %parallel_loop3A_1190] {strides = array<i32>} : memref<200x64xf32, #tpu.memory_space<vmem>>, vector<16xf32>,
        %parallel_loop3A_1192 = arith.addf %parallel_loop3A_1188, %parallel_loop3A_1191 : vector<16xf32>
        %parallel_loop3A_1193 = arith.constant 12 : i32
        %parallel_loop3A_1194 = arith.addi %parallel_loop3A_334, %parallel_loop3A_1193 : i32
        %parallel_loop3A_1195 = arith.index_cast %parallel_loop3A_1194 : i32 to index
        %parallel_loop3A_1196 = arith.constant 0 : index
        %parallel_loop3A_1197 = tpu.vector_load %arg17[%parallel_loop3A_1195, %parallel_loop3A_1196] {strides = array<i32>} : memref<256x64xf32, #tpu.memory_space<vmem>>, vector<16xf32>,
        tpu.vector_store %arg17[%parallel_loop3A_1195, %parallel_loop3A_1196], %parallel_loop3A_1192 {strides = array<i32>} : memref<256x64xf32, #tpu.memory_space<vmem>>, vector<16xf32>,
        %parallel_loop3A_1198 = arith.constant 12 : i32
        %parallel_loop3A_1199 = arith.addi %parallel_loop3A_334, %parallel_loop3A_1198 : i32
        %parallel_loop3A_1200 = arith.index_cast %parallel_loop3A_1199 : i32 to index
        %parallel_loop3A_1201 = arith.constant 16 : index
        %parallel_loop3A_1202 = tpu.vector_load %arg16[%parallel_loop3A_1200, %parallel_loop3A_1201] {strides = array<i32>} : memref<256x64xf32, #tpu.memory_space<vmem>>, vector<16xf32>,
        %parallel_loop3A_1203 = arith.constant 8.000000e+00 : f32
        %parallel_loop3A_1204 = vector.broadcast %parallel_loop3A_1203 : f32 to vector<16xf32>
        %parallel_loop3A_1205 = arith.mulf %parallel_loop3A_1202, %parallel_loop3A_1204 : vector<16xf32>
        %parallel_loop3A_1206 = arith.index_cast %parallel_loop3A_1180 : i32 to index
        %parallel_loop3A_1207 = arith.constant 16 : index
        %parallel_loop3A_1208 = tpu.vector_load %arg21[%parallel_loop3A_1206, %parallel_loop3A_1207] {strides = array<i32>} : memref<200x64xf32, #tpu.memory_space<vmem>>, vector<16xf32>,
        %parallel_loop3A_1209 = arith.addf %parallel_loop3A_1205, %parallel_loop3A_1208 : vector<16xf32>
        %parallel_loop3A_1210 = arith.constant 12 : i32
        %parallel_loop3A_1211 = arith.addi %parallel_loop3A_334, %parallel_loop3A_1210 : i32
        %parallel_loop3A_1212 = arith.index_cast %parallel_loop3A_1211 : i32 to index
        %parallel_loop3A_1213 = arith.constant 16 : index
        %parallel_loop3A_1214 = tpu.vector_load %arg17[%parallel_loop3A_1212, %parallel_loop3A_1213] {strides = array<i32>} : memref<256x64xf32, #tpu.memory_space<vmem>>, vector<16xf32>,
        tpu.vector_store %arg17[%parallel_loop3A_1212, %parallel_loop3A_1213], %parallel_loop3A_1209 {strides = array<i32>} : memref<256x64xf32, #tpu.memory_space<vmem>>, vector<16xf32>,
        %parallel_loop3A_1215 = arith.constant 12 : i32
        %parallel_loop3A_1216 = arith.addi %parallel_loop3A_334, %parallel_loop3A_1215 : i32
        %parallel_loop3A_1217 = arith.index_cast %parallel_loop3A_1216 : i32 to index
        %parallel_loop3A_1218 = arith.constant 32 : index
        %parallel_loop3A_1219 = tpu.vector_load %arg16[%parallel_loop3A_1217, %parallel_loop3A_1218] {strides = array<i32>} : memref<256x64xf32, #tpu.memory_space<vmem>>, vector<16xf32>,
        %parallel_loop3A_1220 = arith.constant 8.000000e+00 : f32
        %parallel_loop3A_1221 = vector.broadcast %parallel_loop3A_1220 : f32 to vector<16xf32>
        %parallel_loop3A_1222 = arith.mulf %parallel_loop3A_1219, %parallel_loop3A_1221 : vector<16xf32>
        %parallel_loop3A_1223 = arith.index_cast %parallel_loop3A_1180 : i32 to index
        %parallel_loop3A_1224 = arith.constant 32 : index
        %parallel_loop3A_1225 = tpu.vector_load %arg21[%parallel_loop3A_1223, %parallel_loop3A_1224] {strides = array<i32>} : memref<200x64xf32, #tpu.memory_space<vmem>>, vector<16xf32>,
        %parallel_loop3A_1226 = arith.addf %parallel_loop3A_1222, %parallel_loop3A_1225 : vector<16xf32>
        %parallel_loop3A_1227 = arith.constant 12 : i32
        %parallel_loop3A_1228 = arith.addi %parallel_loop3A_334, %parallel_loop3A_1227 : i32
        %parallel_loop3A_1229 = arith.index_cast %parallel_loop3A_1228 : i32 to index
        %parallel_loop3A_1230 = arith.constant 32 : index
        %parallel_loop3A_1231 = tpu.vector_load %arg17[%parallel_loop3A_1229, %parallel_loop3A_1230] {strides = array<i32>} : memref<256x64xf32, #tpu.memory_space<vmem>>, vector<16xf32>,
        tpu.vector_store %arg17[%parallel_loop3A_1229, %parallel_loop3A_1230], %parallel_loop3A_1226 {strides = array<i32>} : memref<256x64xf32, #tpu.memory_space<vmem>>, vector<16xf32>,
        %parallel_loop3A_1232 = arith.constant 12 : i32
        %parallel_loop3A_1233 = arith.addi %parallel_loop3A_334, %parallel_loop3A_1232 : i32
        %parallel_loop3A_1234 = arith.index_cast %parallel_loop3A_1233 : i32 to index
        %parallel_loop3A_1235 = arith.constant 48 : index
        %parallel_loop3A_1236 = tpu.vector_load %arg16[%parallel_loop3A_1234, %parallel_loop3A_1235] {strides = array<i32>} : memref<256x64xf32, #tpu.memory_space<vmem>>, vector<16xf32>,
        %parallel_loop3A_1237 = arith.constant 8.000000e+00 : f32
        %parallel_loop3A_1238 = vector.broadcast %parallel_loop3A_1237 : f32 to vector<16xf32>
        %parallel_loop3A_1239 = arith.mulf %parallel_loop3A_1236, %parallel_loop3A_1238 : vector<16xf32>
        %parallel_loop3A_1240 = arith.index_cast %parallel_loop3A_1180 : i32 to index
        %parallel_loop3A_1241 = arith.constant 48 : index
        %parallel_loop3A_1242 = tpu.vector_load %arg21[%parallel_loop3A_1240, %parallel_loop3A_1241] {strides = array<i32>} : memref<200x64xf32, #tpu.memory_space<vmem>>, vector<16xf32>,
        %parallel_loop3A_1243 = arith.addf %parallel_loop3A_1239, %parallel_loop3A_1242 : vector<16xf32>
        %parallel_loop3A_1244 = arith.constant 12 : i32
        %parallel_loop3A_1245 = arith.addi %parallel_loop3A_334, %parallel_loop3A_1244 : i32
        %parallel_loop3A_1246 = arith.index_cast %parallel_loop3A_1245 : i32 to index
        %parallel_loop3A_1247 = arith.constant 48 : index
        %parallel_loop3A_1248 = tpu.vector_load %arg17[%parallel_loop3A_1246, %parallel_loop3A_1247] {strides = array<i32>} : memref<256x64xf32, #tpu.memory_space<vmem>>, vector<16xf32>,
        tpu.vector_store %arg17[%parallel_loop3A_1246, %parallel_loop3A_1247], %parallel_loop3A_1243 {strides = array<i32>} : memref<256x64xf32, #tpu.memory_space<vmem>>, vector<16xf32>,
        %parallel_loop3A_1249 = vector.extract_strided_slice %parallel_loop3A_338 {offsets = [13], sizes = [1], strides = [1]} : vector<16xi32> to vector<1xi32>
        %parallel_loop3A_1250 = vector.extract %parallel_loop3A_1249[0] : i32 from vector<1xi32>
        %parallel_loop3A_1251 = arith.constant 13 : i32
        %parallel_loop3A_1252 = arith.addi %parallel_loop3A_334, %parallel_loop3A_1251 : i32
        %parallel_loop3A_1253 = arith.index_cast %parallel_loop3A_1252 : i32 to index
        %parallel_loop3A_1254 = arith.constant 0 : index
        %parallel_loop3A_1255 = tpu.vector_load %arg16[%parallel_loop3A_1253, %parallel_loop3A_1254] {strides = array<i32>} : memref<256x64xf32, #tpu.memory_space<vmem>>, vector<16xf32>,
        %parallel_loop3A_1256 = arith.constant 8.000000e+00 : f32
        %parallel_loop3A_1257 = vector.broadcast %parallel_loop3A_1256 : f32 to vector<16xf32>
        %parallel_loop3A_1258 = arith.mulf %parallel_loop3A_1255, %parallel_loop3A_1257 : vector<16xf32>
        %parallel_loop3A_1259 = arith.index_cast %parallel_loop3A_1250 : i32 to index
        %parallel_loop3A_1260 = arith.constant 0 : index
        %parallel_loop3A_1261 = tpu.vector_load %arg21[%parallel_loop3A_1259, %parallel_loop3A_1260] {strides = array<i32>} : memref<200x64xf32, #tpu.memory_space<vmem>>, vector<16xf32>,
        %parallel_loop3A_1262 = arith.addf %parallel_loop3A_1258, %parallel_loop3A_1261 : vector<16xf32>
        %parallel_loop3A_1263 = arith.constant 13 : i32
        %parallel_loop3A_1264 = arith.addi %parallel_loop3A_334, %parallel_loop3A_1263 : i32
        %parallel_loop3A_1265 = arith.index_cast %parallel_loop3A_1264 : i32 to index
        %parallel_loop3A_1266 = arith.constant 0 : index
        %parallel_loop3A_1267 = tpu.vector_load %arg17[%parallel_loop3A_1265, %parallel_loop3A_1266] {strides = array<i32>} : memref<256x64xf32, #tpu.memory_space<vmem>>, vector<16xf32>,
        tpu.vector_store %arg17[%parallel_loop3A_1265, %parallel_loop3A_1266], %parallel_loop3A_1262 {strides = array<i32>} : memref<256x64xf32, #tpu.memory_space<vmem>>, vector<16xf32>,
        %parallel_loop3A_1268 = arith.constant 13 : i32
        %parallel_loop3A_1269 = arith.addi %parallel_loop3A_334, %parallel_loop3A_1268 : i32
        %parallel_loop3A_1270 = arith.index_cast %parallel_loop3A_1269 : i32 to index
        %parallel_loop3A_1271 = arith.constant 16 : index
        %parallel_loop3A_1272 = tpu.vector_load %arg16[%parallel_loop3A_1270, %parallel_loop3A_1271] {strides = array<i32>} : memref<256x64xf32, #tpu.memory_space<vmem>>, vector<16xf32>,
        %parallel_loop3A_1273 = arith.constant 8.000000e+00 : f32
        %parallel_loop3A_1274 = vector.broadcast %parallel_loop3A_1273 : f32 to vector<16xf32>
        %parallel_loop3A_1275 = arith.mulf %parallel_loop3A_1272, %parallel_loop3A_1274 : vector<16xf32>
        %parallel_loop3A_1276 = arith.index_cast %parallel_loop3A_1250 : i32 to index
        %parallel_loop3A_1277 = arith.constant 16 : index
        %parallel_loop3A_1278 = tpu.vector_load %arg21[%parallel_loop3A_1276, %parallel_loop3A_1277] {strides = array<i32>} : memref<200x64xf32, #tpu.memory_space<vmem>>, vector<16xf32>,
        %parallel_loop3A_1279 = arith.addf %parallel_loop3A_1275, %parallel_loop3A_1278 : vector<16xf32>
        %parallel_loop3A_1280 = arith.constant 13 : i32
        %parallel_loop3A_1281 = arith.addi %parallel_loop3A_334, %parallel_loop3A_1280 : i32
        %parallel_loop3A_1282 = arith.index_cast %parallel_loop3A_1281 : i32 to index
        %parallel_loop3A_1283 = arith.constant 16 : index
        %parallel_loop3A_1284 = tpu.vector_load %arg17[%parallel_loop3A_1282, %parallel_loop3A_1283] {strides = array<i32>} : memref<256x64xf32, #tpu.memory_space<vmem>>, vector<16xf32>,
        tpu.vector_store %arg17[%parallel_loop3A_1282, %parallel_loop3A_1283], %parallel_loop3A_1279 {strides = array<i32>} : memref<256x64xf32, #tpu.memory_space<vmem>>, vector<16xf32>,
        %parallel_loop3A_1285 = arith.constant 13 : i32
        %parallel_loop3A_1286 = arith.addi %parallel_loop3A_334, %parallel_loop3A_1285 : i32
        %parallel_loop3A_1287 = arith.index_cast %parallel_loop3A_1286 : i32 to index
        %parallel_loop3A_1288 = arith.constant 32 : index
        %parallel_loop3A_1289 = tpu.vector_load %arg16[%parallel_loop3A_1287, %parallel_loop3A_1288] {strides = array<i32>} : memref<256x64xf32, #tpu.memory_space<vmem>>, vector<16xf32>,
        %parallel_loop3A_1290 = arith.constant 8.000000e+00 : f32
        %parallel_loop3A_1291 = vector.broadcast %parallel_loop3A_1290 : f32 to vector<16xf32>
        %parallel_loop3A_1292 = arith.mulf %parallel_loop3A_1289, %parallel_loop3A_1291 : vector<16xf32>
        %parallel_loop3A_1293 = arith.index_cast %parallel_loop3A_1250 : i32 to index
        %parallel_loop3A_1294 = arith.constant 32 : index
        %parallel_loop3A_1295 = tpu.vector_load %arg21[%parallel_loop3A_1293, %parallel_loop3A_1294] {strides = array<i32>} : memref<200x64xf32, #tpu.memory_space<vmem>>, vector<16xf32>,
        %parallel_loop3A_1296 = arith.addf %parallel_loop3A_1292, %parallel_loop3A_1295 : vector<16xf32>
        %parallel_loop3A_1297 = arith.constant 13 : i32
        %parallel_loop3A_1298 = arith.addi %parallel_loop3A_334, %parallel_loop3A_1297 : i32
        %parallel_loop3A_1299 = arith.index_cast %parallel_loop3A_1298 : i32 to index
        %parallel_loop3A_1300 = arith.constant 32 : index
        %parallel_loop3A_1301 = tpu.vector_load %arg17[%parallel_loop3A_1299, %parallel_loop3A_1300] {strides = array<i32>} : memref<256x64xf32, #tpu.memory_space<vmem>>, vector<16xf32>,
        tpu.vector_store %arg17[%parallel_loop3A_1299, %parallel_loop3A_1300], %parallel_loop3A_1296 {strides = array<i32>} : memref<256x64xf32, #tpu.memory_space<vmem>>, vector<16xf32>,
        %parallel_loop3A_1302 = arith.constant 13 : i32
        %parallel_loop3A_1303 = arith.addi %parallel_loop3A_334, %parallel_loop3A_1302 : i32
        %parallel_loop3A_1304 = arith.index_cast %parallel_loop3A_1303 : i32 to index
        %parallel_loop3A_1305 = arith.constant 48 : index
        %parallel_loop3A_1306 = tpu.vector_load %arg16[%parallel_loop3A_1304, %parallel_loop3A_1305] {strides = array<i32>} : memref<256x64xf32, #tpu.memory_space<vmem>>, vector<16xf32>,
        %parallel_loop3A_1307 = arith.constant 8.000000e+00 : f32
        %parallel_loop3A_1308 = vector.broadcast %parallel_loop3A_1307 : f32 to vector<16xf32>
        %parallel_loop3A_1309 = arith.mulf %parallel_loop3A_1306, %parallel_loop3A_1308 : vector<16xf32>
        %parallel_loop3A_1310 = arith.index_cast %parallel_loop3A_1250 : i32 to index
        %parallel_loop3A_1311 = arith.constant 48 : index
        %parallel_loop3A_1312 = tpu.vector_load %arg21[%parallel_loop3A_1310, %parallel_loop3A_1311] {strides = array<i32>} : memref<200x64xf32, #tpu.memory_space<vmem>>, vector<16xf32>,
        %parallel_loop3A_1313 = arith.addf %parallel_loop3A_1309, %parallel_loop3A_1312 : vector<16xf32>
        %parallel_loop3A_1314 = arith.constant 13 : i32
        %parallel_loop3A_1315 = arith.addi %parallel_loop3A_334, %parallel_loop3A_1314 : i32
        %parallel_loop3A_1316 = arith.index_cast %parallel_loop3A_1315 : i32 to index
        %parallel_loop3A_1317 = arith.constant 48 : index
        %parallel_loop3A_1318 = tpu.vector_load %arg17[%parallel_loop3A_1316, %parallel_loop3A_1317] {strides = array<i32>} : memref<256x64xf32, #tpu.memory_space<vmem>>, vector<16xf32>,
        tpu.vector_store %arg17[%parallel_loop3A_1316, %parallel_loop3A_1317], %parallel_loop3A_1313 {strides = array<i32>} : memref<256x64xf32, #tpu.memory_space<vmem>>, vector<16xf32>,
        %parallel_loop3A_1319 = vector.extract_strided_slice %parallel_loop3A_338 {offsets = [14], sizes = [1], strides = [1]} : vector<16xi32> to vector<1xi32>
        %parallel_loop3A_1320 = vector.extract %parallel_loop3A_1319[0] : i32 from vector<1xi32>
        %parallel_loop3A_1321 = arith.constant 14 : i32
        %parallel_loop3A_1322 = arith.addi %parallel_loop3A_334, %parallel_loop3A_1321 : i32
        %parallel_loop3A_1323 = arith.index_cast %parallel_loop3A_1322 : i32 to index
        %parallel_loop3A_1324 = arith.constant 0 : index
        %parallel_loop3A_1325 = tpu.vector_load %arg16[%parallel_loop3A_1323, %parallel_loop3A_1324] {strides = array<i32>} : memref<256x64xf32, #tpu.memory_space<vmem>>, vector<16xf32>,
        %parallel_loop3A_1326 = arith.constant 8.000000e+00 : f32
        %parallel_loop3A_1327 = vector.broadcast %parallel_loop3A_1326 : f32 to vector<16xf32>
        %parallel_loop3A_1328 = arith.mulf %parallel_loop3A_1325, %parallel_loop3A_1327 : vector<16xf32>
        %parallel_loop3A_1329 = arith.index_cast %parallel_loop3A_1320 : i32 to index
        %parallel_loop3A_1330 = arith.constant 0 : index
        %parallel_loop3A_1331 = tpu.vector_load %arg21[%parallel_loop3A_1329, %parallel_loop3A_1330] {strides = array<i32>} : memref<200x64xf32, #tpu.memory_space<vmem>>, vector<16xf32>,
        %parallel_loop3A_1332 = arith.addf %parallel_loop3A_1328, %parallel_loop3A_1331 : vector<16xf32>
        %parallel_loop3A_1333 = arith.constant 14 : i32
        %parallel_loop3A_1334 = arith.addi %parallel_loop3A_334, %parallel_loop3A_1333 : i32
        %parallel_loop3A_1335 = arith.index_cast %parallel_loop3A_1334 : i32 to index
        %parallel_loop3A_1336 = arith.constant 0 : index
        %parallel_loop3A_1337 = tpu.vector_load %arg17[%parallel_loop3A_1335, %parallel_loop3A_1336] {strides = array<i32>} : memref<256x64xf32, #tpu.memory_space<vmem>>, vector<16xf32>,
        tpu.vector_store %arg17[%parallel_loop3A_1335, %parallel_loop3A_1336], %parallel_loop3A_1332 {strides = array<i32>} : memref<256x64xf32, #tpu.memory_space<vmem>>, vector<16xf32>,
        %parallel_loop3A_1338 = arith.constant 14 : i32
        %parallel_loop3A_1339 = arith.addi %parallel_loop3A_334, %parallel_loop3A_1338 : i32
        %parallel_loop3A_1340 = arith.index_cast %parallel_loop3A_1339 : i32 to index
        %parallel_loop3A_1341 = arith.constant 16 : index
        %parallel_loop3A_1342 = tpu.vector_load %arg16[%parallel_loop3A_1340, %parallel_loop3A_1341] {strides = array<i32>} : memref<256x64xf32, #tpu.memory_space<vmem>>, vector<16xf32>,
        %parallel_loop3A_1343 = arith.constant 8.000000e+00 : f32
        %parallel_loop3A_1344 = vector.broadcast %parallel_loop3A_1343 : f32 to vector<16xf32>
        %parallel_loop3A_1345 = arith.mulf %parallel_loop3A_1342, %parallel_loop3A_1344 : vector<16xf32>
        %parallel_loop3A_1346 = arith.index_cast %parallel_loop3A_1320 : i32 to index
        %parallel_loop3A_1347 = arith.constant 16 : index
        %parallel_loop3A_1348 = tpu.vector_load %arg21[%parallel_loop3A_1346, %parallel_loop3A_1347] {strides = array<i32>} : memref<200x64xf32, #tpu.memory_space<vmem>>, vector<16xf32>,
        %parallel_loop3A_1349 = arith.addf %parallel_loop3A_1345, %parallel_loop3A_1348 : vector<16xf32>
        %parallel_loop3A_1350 = arith.constant 14 : i32
        %parallel_loop3A_1351 = arith.addi %parallel_loop3A_334, %parallel_loop3A_1350 : i32
        %parallel_loop3A_1352 = arith.index_cast %parallel_loop3A_1351 : i32 to index
        %parallel_loop3A_1353 = arith.constant 16 : index
        %parallel_loop3A_1354 = tpu.vector_load %arg17[%parallel_loop3A_1352, %parallel_loop3A_1353] {strides = array<i32>} : memref<256x64xf32, #tpu.memory_space<vmem>>, vector<16xf32>,
        tpu.vector_store %arg17[%parallel_loop3A_1352, %parallel_loop3A_1353], %parallel_loop3A_1349 {strides = array<i32>} : memref<256x64xf32, #tpu.memory_space<vmem>>, vector<16xf32>,
        %parallel_loop3A_1355 = arith.constant 14 : i32
        %parallel_loop3A_1356 = arith.addi %parallel_loop3A_334, %parallel_loop3A_1355 : i32
        %parallel_loop3A_1357 = arith.index_cast %parallel_loop3A_1356 : i32 to index
        %parallel_loop3A_1358 = arith.constant 32 : index
        %parallel_loop3A_1359 = tpu.vector_load %arg16[%parallel_loop3A_1357, %parallel_loop3A_1358] {strides = array<i32>} : memref<256x64xf32, #tpu.memory_space<vmem>>, vector<16xf32>,
        %parallel_loop3A_1360 = arith.constant 8.000000e+00 : f32
        %parallel_loop3A_1361 = vector.broadcast %parallel_loop3A_1360 : f32 to vector<16xf32>
        %parallel_loop3A_1362 = arith.mulf %parallel_loop3A_1359, %parallel_loop3A_1361 : vector<16xf32>
        %parallel_loop3A_1363 = arith.index_cast %parallel_loop3A_1320 : i32 to index
        %parallel_loop3A_1364 = arith.constant 32 : index
        %parallel_loop3A_1365 = tpu.vector_load %arg21[%parallel_loop3A_1363, %parallel_loop3A_1364] {strides = array<i32>} : memref<200x64xf32, #tpu.memory_space<vmem>>, vector<16xf32>,
        %parallel_loop3A_1366 = arith.addf %parallel_loop3A_1362, %parallel_loop3A_1365 : vector<16xf32>
        %parallel_loop3A_1367 = arith.constant 14 : i32
        %parallel_loop3A_1368 = arith.addi %parallel_loop3A_334, %parallel_loop3A_1367 : i32
        %parallel_loop3A_1369 = arith.index_cast %parallel_loop3A_1368 : i32 to index
        %parallel_loop3A_1370 = arith.constant 32 : index
        %parallel_loop3A_1371 = tpu.vector_load %arg17[%parallel_loop3A_1369, %parallel_loop3A_1370] {strides = array<i32>} : memref<256x64xf32, #tpu.memory_space<vmem>>, vector<16xf32>,
        tpu.vector_store %arg17[%parallel_loop3A_1369, %parallel_loop3A_1370], %parallel_loop3A_1366 {strides = array<i32>} : memref<256x64xf32, #tpu.memory_space<vmem>>, vector<16xf32>,
        %parallel_loop3A_1372 = arith.constant 14 : i32
        %parallel_loop3A_1373 = arith.addi %parallel_loop3A_334, %parallel_loop3A_1372 : i32
        %parallel_loop3A_1374 = arith.index_cast %parallel_loop3A_1373 : i32 to index
        %parallel_loop3A_1375 = arith.constant 48 : index
        %parallel_loop3A_1376 = tpu.vector_load %arg16[%parallel_loop3A_1374, %parallel_loop3A_1375] {strides = array<i32>} : memref<256x64xf32, #tpu.memory_space<vmem>>, vector<16xf32>,
        %parallel_loop3A_1377 = arith.constant 8.000000e+00 : f32
        %parallel_loop3A_1378 = vector.broadcast %parallel_loop3A_1377 : f32 to vector<16xf32>
        %parallel_loop3A_1379 = arith.mulf %parallel_loop3A_1376, %parallel_loop3A_1378 : vector<16xf32>
        %parallel_loop3A_1380 = arith.index_cast %parallel_loop3A_1320 : i32 to index
        %parallel_loop3A_1381 = arith.constant 48 : index
        %parallel_loop3A_1382 = tpu.vector_load %arg21[%parallel_loop3A_1380, %parallel_loop3A_1381] {strides = array<i32>} : memref<200x64xf32, #tpu.memory_space<vmem>>, vector<16xf32>,
        %parallel_loop3A_1383 = arith.addf %parallel_loop3A_1379, %parallel_loop3A_1382 : vector<16xf32>
        %parallel_loop3A_1384 = arith.constant 14 : i32
        %parallel_loop3A_1385 = arith.addi %parallel_loop3A_334, %parallel_loop3A_1384 : i32
        %parallel_loop3A_1386 = arith.index_cast %parallel_loop3A_1385 : i32 to index
        %parallel_loop3A_1387 = arith.constant 48 : index
        %parallel_loop3A_1388 = tpu.vector_load %arg17[%parallel_loop3A_1386, %parallel_loop3A_1387] {strides = array<i32>} : memref<256x64xf32, #tpu.memory_space<vmem>>, vector<16xf32>,
        tpu.vector_store %arg17[%parallel_loop3A_1386, %parallel_loop3A_1387], %parallel_loop3A_1383 {strides = array<i32>} : memref<256x64xf32, #tpu.memory_space<vmem>>, vector<16xf32>,
        %parallel_loop3A_1389 = vector.extract_strided_slice %parallel_loop3A_338 {offsets = [15], sizes = [1], strides = [1]} : vector<16xi32> to vector<1xi32>
        %parallel_loop3A_1390 = vector.extract %parallel_loop3A_1389[0] : i32 from vector<1xi32>
        %parallel_loop3A_1391 = arith.constant 15 : i32
        %parallel_loop3A_1392 = arith.addi %parallel_loop3A_334, %parallel_loop3A_1391 : i32
        %parallel_loop3A_1393 = arith.index_cast %parallel_loop3A_1392 : i32 to index
        %parallel_loop3A_1394 = arith.constant 0 : index
        %parallel_loop3A_1395 = tpu.vector_load %arg16[%parallel_loop3A_1393, %parallel_loop3A_1394] {strides = array<i32>} : memref<256x64xf32, #tpu.memory_space<vmem>>, vector<16xf32>,
        %parallel_loop3A_1396 = arith.constant 8.000000e+00 : f32
        %parallel_loop3A_1397 = vector.broadcast %parallel_loop3A_1396 : f32 to vector<16xf32>
        %parallel_loop3A_1398 = arith.mulf %parallel_loop3A_1395, %parallel_loop3A_1397 : vector<16xf32>
        %parallel_loop3A_1399 = arith.index_cast %parallel_loop3A_1390 : i32 to index
        %parallel_loop3A_1400 = arith.constant 0 : index
        %parallel_loop3A_1401 = tpu.vector_load %arg21[%parallel_loop3A_1399, %parallel_loop3A_1400] {strides = array<i32>} : memref<200x64xf32, #tpu.memory_space<vmem>>, vector<16xf32>,
        %parallel_loop3A_1402 = arith.addf %parallel_loop3A_1398, %parallel_loop3A_1401 : vector<16xf32>
        %parallel_loop3A_1403 = arith.constant 15 : i32
        %parallel_loop3A_1404 = arith.addi %parallel_loop3A_334, %parallel_loop3A_1403 : i32
        %parallel_loop3A_1405 = arith.index_cast %parallel_loop3A_1404 : i32 to index
        %parallel_loop3A_1406 = arith.constant 0 : index
        %parallel_loop3A_1407 = tpu.vector_load %arg17[%parallel_loop3A_1405, %parallel_loop3A_1406] {strides = array<i32>} : memref<256x64xf32, #tpu.memory_space<vmem>>, vector<16xf32>,
        tpu.vector_store %arg17[%parallel_loop3A_1405, %parallel_loop3A_1406], %parallel_loop3A_1402 {strides = array<i32>} : memref<256x64xf32, #tpu.memory_space<vmem>>, vector<16xf32>,
        %parallel_loop3A_1408 = arith.constant 15 : i32
        %parallel_loop3A_1409 = arith.addi %parallel_loop3A_334, %parallel_loop3A_1408 : i32
        %parallel_loop3A_1410 = arith.index_cast %parallel_loop3A_1409 : i32 to index
        %parallel_loop3A_1411 = arith.constant 16 : index
        %parallel_loop3A_1412 = tpu.vector_load %arg16[%parallel_loop3A_1410, %parallel_loop3A_1411] {strides = array<i32>} : memref<256x64xf32, #tpu.memory_space<vmem>>, vector<16xf32>,
        %parallel_loop3A_1413 = arith.constant 8.000000e+00 : f32
        %parallel_loop3A_1414 = vector.broadcast %parallel_loop3A_1413 : f32 to vector<16xf32>
        %parallel_loop3A_1415 = arith.mulf %parallel_loop3A_1412, %parallel_loop3A_1414 : vector<16xf32>
        %parallel_loop3A_1416 = arith.index_cast %parallel_loop3A_1390 : i32 to index
        %parallel_loop3A_1417 = arith.constant 16 : index
        %parallel_loop3A_1418 = tpu.vector_load %arg21[%parallel_loop3A_1416, %parallel_loop3A_1417] {strides = array<i32>} : memref<200x64xf32, #tpu.memory_space<vmem>>, vector<16xf32>,
        %parallel_loop3A_1419 = arith.addf %parallel_loop3A_1415, %parallel_loop3A_1418 : vector<16xf32>
        %parallel_loop3A_1420 = arith.constant 15 : i32
        %parallel_loop3A_1421 = arith.addi %parallel_loop3A_334, %parallel_loop3A_1420 : i32
        %parallel_loop3A_1422 = arith.index_cast %parallel_loop3A_1421 : i32 to index
        %parallel_loop3A_1423 = arith.constant 16 : index
        %parallel_loop3A_1424 = tpu.vector_load %arg17[%parallel_loop3A_1422, %parallel_loop3A_1423] {strides = array<i32>} : memref<256x64xf32, #tpu.memory_space<vmem>>, vector<16xf32>,
        tpu.vector_store %arg17[%parallel_loop3A_1422, %parallel_loop3A_1423], %parallel_loop3A_1419 {strides = array<i32>} : memref<256x64xf32, #tpu.memory_space<vmem>>, vector<16xf32>,
        %parallel_loop3A_1425 = arith.constant 15 : i32
        %parallel_loop3A_1426 = arith.addi %parallel_loop3A_334, %parallel_loop3A_1425 : i32
        %parallel_loop3A_1427 = arith.index_cast %parallel_loop3A_1426 : i32 to index
        %parallel_loop3A_1428 = arith.constant 32 : index
        %parallel_loop3A_1429 = tpu.vector_load %arg16[%parallel_loop3A_1427, %parallel_loop3A_1428] {strides = array<i32>} : memref<256x64xf32, #tpu.memory_space<vmem>>, vector<16xf32>,
        %parallel_loop3A_1430 = arith.constant 8.000000e+00 : f32
        %parallel_loop3A_1431 = vector.broadcast %parallel_loop3A_1430 : f32 to vector<16xf32>
        %parallel_loop3A_1432 = arith.mulf %parallel_loop3A_1429, %parallel_loop3A_1431 : vector<16xf32>
        %parallel_loop3A_1433 = arith.index_cast %parallel_loop3A_1390 : i32 to index
        %parallel_loop3A_1434 = arith.constant 32 : index
        %parallel_loop3A_1435 = tpu.vector_load %arg21[%parallel_loop3A_1433, %parallel_loop3A_1434] {strides = array<i32>} : memref<200x64xf32, #tpu.memory_space<vmem>>, vector<16xf32>,
        %parallel_loop3A_1436 = arith.addf %parallel_loop3A_1432, %parallel_loop3A_1435 : vector<16xf32>
        %parallel_loop3A_1437 = arith.constant 15 : i32
        %parallel_loop3A_1438 = arith.addi %parallel_loop3A_334, %parallel_loop3A_1437 : i32
        %parallel_loop3A_1439 = arith.index_cast %parallel_loop3A_1438 : i32 to index
        %parallel_loop3A_1440 = arith.constant 32 : index
        %parallel_loop3A_1441 = tpu.vector_load %arg17[%parallel_loop3A_1439, %parallel_loop3A_1440] {strides = array<i32>} : memref<256x64xf32, #tpu.memory_space<vmem>>, vector<16xf32>,
        tpu.vector_store %arg17[%parallel_loop3A_1439, %parallel_loop3A_1440], %parallel_loop3A_1436 {strides = array<i32>} : memref<256x64xf32, #tpu.memory_space<vmem>>, vector<16xf32>,
        %parallel_loop3A_1442 = arith.constant 15 : i32
        %parallel_loop3A_1443 = arith.addi %parallel_loop3A_334, %parallel_loop3A_1442 : i32
        %parallel_loop3A_1444 = arith.index_cast %parallel_loop3A_1443 : i32 to index
        %parallel_loop3A_1445 = arith.constant 48 : index
        %parallel_loop3A_1446 = tpu.vector_load %arg16[%parallel_loop3A_1444, %parallel_loop3A_1445] {strides = array<i32>} : memref<256x64xf32, #tpu.memory_space<vmem>>, vector<16xf32>,
        %parallel_loop3A_1447 = arith.constant 8.000000e+00 : f32
        %parallel_loop3A_1448 = vector.broadcast %parallel_loop3A_1447 : f32 to vector<16xf32>
        %parallel_loop3A_1449 = arith.mulf %parallel_loop3A_1446, %parallel_loop3A_1448 : vector<16xf32>
        %parallel_loop3A_1450 = arith.index_cast %parallel_loop3A_1390 : i32 to index
        %parallel_loop3A_1451 = arith.constant 48 : index
        %parallel_loop3A_1452 = tpu.vector_load %arg21[%parallel_loop3A_1450, %parallel_loop3A_1451] {strides = array<i32>} : memref<200x64xf32, #tpu.memory_space<vmem>>, vector<16xf32>,
        %parallel_loop3A_1453 = arith.addf %parallel_loop3A_1449, %parallel_loop3A_1452 : vector<16xf32>
        %parallel_loop3A_1454 = arith.constant 15 : i32
        %parallel_loop3A_1455 = arith.addi %parallel_loop3A_334, %parallel_loop3A_1454 : i32
        %parallel_loop3A_1456 = arith.index_cast %parallel_loop3A_1455 : i32 to index
        %parallel_loop3A_1457 = arith.constant 48 : index
        %parallel_loop3A_1458 = tpu.vector_load %arg17[%parallel_loop3A_1456, %parallel_loop3A_1457] {strides = array<i32>} : memref<256x64xf32, #tpu.memory_space<vmem>>, vector<16xf32>,
        tpu.vector_store %arg17[%parallel_loop3A_1456, %parallel_loop3A_1457], %parallel_loop3A_1453 {strides = array<i32>} : memref<256x64xf32, #tpu.memory_space<vmem>>, vector<16xf32>,
      } {sc.loop_unroll_factor = 1 : i64, sc.parallel_access}
      %jit3A_278 = arith.constant 16 : i32
      %div3A_279 = arith.divsi %add3A_140, %jit3A_278 : i32
      %sign3A_280 = arith.constant 0 : i32
      %sign3A_281 = arith.cmpi sgt, %add3A_140, %sign3A_280 : i32
      %sign3A_282 = arith.extui %sign3A_281 : i1 to i32
      %sign3A_283 = arith.constant 0 : i32
      %sign3A_284 = arith.cmpi slt, %add3A_140, %sign3A_283 : i32
      %sign3A_285 = arith.extui %sign3A_284 : i1 to i32
      %sign3A_286 = arith.subi %sign3A_282, %sign3A_285 : i32
      %sign3A_287 = arith.constant 0 : i32
      %sign3A_288 = arith.cmpi sgt, %jit3A_278, %sign3A_287 : i32
      %sign3A_289 = arith.extui %sign3A_288 : i1 to i32
      %sign3A_290 = arith.constant 0 : i32
      %sign3A_291 = arith.cmpi slt, %jit3A_278, %sign3A_290 : i32
      %sign3A_292 = arith.extui %sign3A_291 : i1 to i32
      %sign3A_293 = arith.subi %sign3A_289, %sign3A_292 : i32
      %ne3A_294 = arith.cmpi ne, %sign3A_286, %sign3A_293 : i32
      %rem3A_295 = arith.remsi %add3A_140, %jit3A_278 : i32
      %ne3A_296 = arith.constant 0 : i32
      %ne3A_297 = arith.cmpi ne, %rem3A_295, %ne3A_296 : i32
      %and3A_298 = arith.andi %ne3A_294, %ne3A_297 : i1
      %sub3A_299 = arith.constant 1 : i32
      %sub3A_300 = arith.subi %div3A_279, %sub3A_299 : i32
      %select_n3A_301 = arith.select %and3A_298, %sub3A_300, %div3A_279 : i32
      %jit3A_302 = arith.constant 16 : i32
      %eq3A_303 = arith.constant 0 : i32
      %eq3A_304 = arith.cmpi eq, %jit3A_302, %eq3A_303 : i32
      %jit3A_305 = arith.constant 1 : i32
      %select_n3A_306 = arith.select %eq3A_304, %jit3A_305, %jit3A_302 : i32
      %rem3A_307 = arith.remsi %add3A_140, %select_n3A_306 : i32
      %ne3A_308 = arith.constant 0 : i32
      %ne3A_309 = arith.cmpi ne, %rem3A_307, %ne3A_308 : i32
      %lt3A_310 = arith.constant 0 : i32
      %lt3A_311 = arith.cmpi slt, %rem3A_307, %lt3A_310 : i32
      %lt3A_312 = arith.constant 0 : i32
      %lt3A_313 = arith.cmpi slt, %select_n3A_306, %lt3A_312 : i32
      %ne3A_314 = arith.xori %lt3A_311, %lt3A_313 : i1
      %and3A_315 = arith.andi %ne3A_314, %ne3A_309 : i1
      %add3A_316 = arith.addi %rem3A_307, %select_n3A_306 : i32
      %select_n3A_317 = arith.select %and3A_315, %add3A_316, %rem3A_307 : i32
      %mul3A_318 = arith.constant 256 : i32
      %mul3A_319 = arith.muli %select_n3A_317, %mul3A_318 : i32
      %multiple_of3A_320 = tpu.assume_multiple %mul3A_319, 256 : i32
      %mul3A_321 = arith.constant 64 : i32
      %mul3A_322 = arith.muli %select_n3A_301, %mul3A_321 : i32
      %multiple_of3A_323 = tpu.assume_multiple %mul3A_322, 64 : i32
      %dma_start3A_324 = tpu.memref_slice %arg6[%multiple_of3A_320, %multiple_of3A_323] : memref<4096x12800xf32, #tpu.memory_space<hbm>> -> memref<256x64xf32, #tpu.memory_space<hbm>>
      %dma_start3A_325 = tpu.memref_slice %arg6[%multiple_of3A_320, %multiple_of3A_323] : memref<4096x12800xf32, #tpu.memory_space<hbm>> -> memref<256x64xf32, #tpu.memory_space<hbm>>
      tpu.enqueue_dma source(%arg17 : memref<256x64xf32, #tpu.memory_space<vmem>>) target(%dma_start3A_325 : memref<256x64xf32, #tpu.memory_space<hbm>>) target_semaphore(%arg20 : memref<!tpu.dma_semaphore, #tpu.memory_space<semaphore_mem>>)
      %lt3A_326 = arith.constant 49 : i32
      %lt3A_327 = arith.cmpi slt, %scan3A_135, %lt3A_326 : i32
      %convert_element_type3A_328 = arith.extui %lt3A_327 : i1 to i32
      %cond3A_329 = arith.constant 0 : i32
      %cond3A_330 = arith.cmpi ne, %convert_element_type3A_328, %cond3A_329 : i32
      scf.if %cond3A_330 {
        %dma_wait3A_331 = arith.constant 0 : i32
        %dma_wait3A_332 = arith.constant 0 : i32
        %dma_wait3A_333 = tpu.memref_slice %arg2[%dma_wait3A_331, %dma_wait3A_332] : memref<200x4096xi32, #tpu.memory_space<hbm>> -> memref<1x256xi32, #tpu.memory_space<hbm>>
        %dma_wait3A_334 = arith.constant 0 : i32
        %dma_wait3A_335 = arith.constant 0 : i32
        %dma_wait3A_336 = tpu.memref_slice %arg2[%dma_wait3A_334, %dma_wait3A_335] : memref<200x4096xi32, #tpu.memory_space<hbm>> -> memref<1x256xi32, #tpu.memory_space<hbm>>
        tpu.wait_dma2 semaphore(%arg11 : memref<!tpu.dma_semaphore, #tpu.memory_space<semaphore_mem>>) src(%dma_wait3A_336 : memref<1x256xi32, #tpu.memory_space<hbm>>) dst(%arg7 : memref<1x256xi32, #tpu.memory_space<vmem>>)
        %dma_wait3A_337 = arith.constant 0 : i32
        %dma_wait3A_338 = arith.constant 0 : i32
        %dma_wait3A_339 = tpu.memref_slice %arg3[%dma_wait3A_337, %dma_wait3A_338] : memref<200x4096xi32, #tpu.memory_space<hbm>> -> memref<1x256xi32, #tpu.memory_space<hbm>>
        %dma_wait3A_340 = arith.constant 0 : i32
        %dma_wait3A_341 = arith.constant 0 : i32
        %dma_wait3A_342 = tpu.memref_slice %arg3[%dma_wait3A_340, %dma_wait3A_341] : memref<200x4096xi32, #tpu.memory_space<hbm>> -> memref<1x256xi32, #tpu.memory_space<hbm>>
        tpu.wait_dma2 semaphore(%arg11 : memref<!tpu.dma_semaphore, #tpu.memory_space<semaphore_mem>>) src(%dma_wait3A_342 : memref<1x256xi32, #tpu.memory_space<hbm>>) dst(%arg8 : memref<1x256xi32, #tpu.memory_space<vmem>>)
        %dma_start3A_343 = arith.constant 0 : i32
        %dma_start3A_344 = arith.constant 0 : i32
        %dma_start3A_345 = arith.constant 0 : i32
        %dma_start3A_346 = tpu.memref_slice %arg9[%dma_start3A_344, %dma_start3A_345] : memref<256x64xf32, #tpu.memory_space<vmem>> -> memref<128x64xf32, #tpu.memory_space<vmem>>
        %dma_start3A_347 = arith.constant 0 : i32
        %dma_start3A_348 = tpu.memref_slice %arg7[%dma_start3A_343, %dma_start3A_347] : memref<1x256xi32, #tpu.memory_space<vmem>> -> memref<1x128xi32, #tpu.memory_space<vmem>>
        %dma_start3A_349 = tpu.memref_squeeze %dma_start3A_348 : memref<1x128xi32, #tpu.memory_space<vmem>> -> memref<128xi32, #tpu.memory_space<vmem>>
        %dma_start3A_350 = arith.constant 0 : i32
        %dma_start3A_351 = arith.constant 0 : i32
        %dma_start3A_352 = tpu.memref_slice %arg4[%dma_start3A_350, %dma_start3A_351] : memref<1000000x64xf32, #tpu.memory_space<hbm>> -> memref<1000000x64xf32, #tpu.memory_space<hbm>>
        tpu.enqueue_indirect_dma source(%dma_start3A_352 : memref<1000000x64xf32, #tpu.memory_space<hbm>>) target(%dma_start3A_346 : memref<128x64xf32, #tpu.memory_space<vmem>>) offsets(%dma_start3A_349 : memref<128xi32, #tpu.memory_space<vmem>>) semaphore(%arg12 : memref<!tpu.dma_semaphore, #tpu.memory_space<semaphore_mem>>)
        %dma_start3A_353 = arith.constant 0 : i32
        %dma_start3A_354 = arith.constant 128 : i32
        %dma_start3A_355 = arith.constant 0 : i32
        %dma_start3A_356 = tpu.memref_slice %arg9[%dma_start3A_354, %dma_start3A_355] : memref<256x64xf32, #tpu.memory_space<vmem>> -> memref<128x64xf32, #tpu.memory_space<vmem>>
        %dma_start3A_357 = arith.constant 128 : i32
        %dma_start3A_358 = tpu.memref_slice %arg7[%dma_start3A_353, %dma_start3A_357] : memref<1x256xi32, #tpu.memory_space<vmem>> -> memref<1x128xi32, #tpu.memory_space<vmem>>
        %dma_start3A_359 = tpu.memref_squeeze %dma_start3A_358 : memref<1x128xi32, #tpu.memory_space<vmem>> -> memref<128xi32, #tpu.memory_space<vmem>>
        %dma_start3A_360 = arith.constant 0 : i32
        %dma_start3A_361 = arith.constant 0 : i32
        %dma_start3A_362 = tpu.memref_slice %arg4[%dma_start3A_360, %dma_start3A_361] : memref<1000000x64xf32, #tpu.memory_space<hbm>> -> memref<1000000x64xf32, #tpu.memory_space<hbm>>
        tpu.enqueue_indirect_dma source(%dma_start3A_362 : memref<1000000x64xf32, #tpu.memory_space<hbm>>) target(%dma_start3A_356 : memref<128x64xf32, #tpu.memory_space<vmem>>) offsets(%dma_start3A_359 : memref<128xi32, #tpu.memory_space<vmem>>) semaphore(%arg12 : memref<!tpu.dma_semaphore, #tpu.memory_space<semaphore_mem>>)
        %add3A_363 = arith.constant 2 : i32
        %add3A_364 = arith.addi %add3A_140, %add3A_363 : i32
        %jit3A_365 = arith.constant 16 : i32
        %div3A_366 = arith.divsi %add3A_364, %jit3A_365 : i32
        %sign3A_367 = arith.constant 0 : i32
        %sign3A_368 = arith.cmpi sgt, %add3A_364, %sign3A_367 : i32
        %sign3A_369 = arith.extui %sign3A_368 : i1 to i32
        %sign3A_370 = arith.constant 0 : i32
        %sign3A_371 = arith.cmpi slt, %add3A_364, %sign3A_370 : i32
        %sign3A_372 = arith.extui %sign3A_371 : i1 to i32
        %sign3A_373 = arith.subi %sign3A_369, %sign3A_372 : i32
        %sign3A_374 = arith.constant 0 : i32
        %sign3A_375 = arith.cmpi sgt, %jit3A_365, %sign3A_374 : i32
        %sign3A_376 = arith.extui %sign3A_375 : i1 to i32
        %sign3A_377 = arith.constant 0 : i32
        %sign3A_378 = arith.cmpi slt, %jit3A_365, %sign3A_377 : i32
        %sign3A_379 = arith.extui %sign3A_378 : i1 to i32
        %sign3A_380 = arith.subi %sign3A_376, %sign3A_379 : i32
        %ne3A_381 = arith.cmpi ne, %sign3A_373, %sign3A_380 : i32
        %rem3A_382 = arith.remsi %add3A_364, %jit3A_365 : i32
        %ne3A_383 = arith.constant 0 : i32
        %ne3A_384 = arith.cmpi ne, %rem3A_382, %ne3A_383 : i32
        %and3A_385 = arith.andi %ne3A_381, %ne3A_384 : i1
        %sub3A_386 = arith.constant 1 : i32
        %sub3A_387 = arith.subi %div3A_366, %sub3A_386 : i32
        %select_n3A_388 = arith.select %and3A_385, %sub3A_387, %div3A_366 : i32
        %jit3A_389 = arith.constant 16 : i32
        %eq3A_390 = arith.constant 0 : i32
        %eq3A_391 = arith.cmpi eq, %jit3A_389, %eq3A_390 : i32
        %jit3A_392 = arith.constant 1 : i32
        %select_n3A_393 = arith.select %eq3A_391, %jit3A_392, %jit3A_389 : i32
        %rem3A_394 = arith.remsi %add3A_364, %select_n3A_393 : i32
        %ne3A_395 = arith.constant 0 : i32
        %ne3A_396 = arith.cmpi ne, %rem3A_394, %ne3A_395 : i32
        %lt3A_397 = arith.constant 0 : i32
        %lt3A_398 = arith.cmpi slt, %rem3A_394, %lt3A_397 : i32
        %lt3A_399 = arith.constant 0 : i32
        %lt3A_400 = arith.cmpi slt, %select_n3A_393, %lt3A_399 : i32
        %ne3A_401 = arith.xori %lt3A_398, %lt3A_400 : i1
        %and3A_402 = arith.andi %ne3A_401, %ne3A_396 : i1
        %add3A_403 = arith.addi %rem3A_394, %select_n3A_393 : i32
        %select_n3A_404 = arith.select %and3A_402, %add3A_403, %rem3A_394 : i32
        %mul3A_405 = arith.constant 256 : i32
        %mul3A_406 = arith.muli %select_n3A_404, %mul3A_405 : i32
        %multiple_of3A_407 = tpu.assume_multiple %mul3A_406, 256 : i32
        %dma_start3A_408 = tpu.memref_slice %arg2[%select_n3A_388, %multiple_of3A_407] : memref<200x4096xi32, #tpu.memory_space<hbm>> -> memref<1x256xi32, #tpu.memory_space<hbm>>
        %dma_start3A_409 = tpu.memref_slice %arg2[%select_n3A_388, %multiple_of3A_407] : memref<200x4096xi32, #tpu.memory_space<hbm>> -> memref<1x256xi32, #tpu.memory_space<hbm>>
        tpu.enqueue_dma source(%dma_start3A_409 : memref<1x256xi32, #tpu.memory_space<hbm>>) target(%arg14 : memref<1x256xi32, #tpu.memory_space<vmem>>) target_semaphore(%arg18 : memref<!tpu.dma_semaphore, #tpu.memory_space<semaphore_mem>>)
        %dma_start3A_410 = tpu.memref_slice %arg3[%select_n3A_388, %multiple_of3A_407] : memref<200x4096xi32, #tpu.memory_space<hbm>> -> memref<1x256xi32, #tpu.memory_space<hbm>>
        %dma_start3A_411 = tpu.memref_slice %arg3[%select_n3A_388, %multiple_of3A_407] : memref<200x4096xi32, #tpu.memory_space<hbm>> -> memref<1x256xi32, #tpu.memory_space<hbm>>
        tpu.enqueue_dma source(%dma_start3A_411 : memref<1x256xi32, #tpu.memory_space<hbm>>) target(%arg15 : memref<1x256xi32, #tpu.memory_space<vmem>>) target_semaphore(%arg18 : memref<!tpu.dma_semaphore, #tpu.memory_space<semaphore_mem>>)
      } else {
      }
    }
    %scan3A_122 = arith.constant 50 : i32
    %dma_wait3A_123 = arith.constant 0 : i32
    %dma_wait3A_124 = arith.constant 0 : i32
    %dma_wait3A_125 = tpu.memref_slice %arg6[%dma_wait3A_123, %dma_wait3A_124] : memref<4096x12800xf32, #tpu.memory_space<hbm>> -> memref<256x64xf32, #tpu.memory_space<hbm>>
    %dma_wait3A_126 = arith.constant 0 : i32
    %dma_wait3A_127 = arith.constant 0 : i32
    %dma_wait3A_128 = tpu.memref_slice %arg6[%dma_wait3A_126, %dma_wait3A_127] : memref<4096x12800xf32, #tpu.memory_space<hbm>> -> memref<256x64xf32, #tpu.memory_space<hbm>>
    tpu.wait_dma2 semaphore(%arg13 : memref<!tpu.dma_semaphore, #tpu.memory_space<semaphore_mem>>) src(%arg10 : memref<256x64xf32, #tpu.memory_space<vmem>>) dst(%dma_wait3A_128 : memref<256x64xf32, #tpu.memory_space<hbm>>)
    %dma_wait3A_129 = arith.constant 0 : i32
    %dma_wait3A_130 = arith.constant 0 : i32
    %dma_wait3A_131 = tpu.memref_slice %arg6[%dma_wait3A_129, %dma_wait3A_130] : memref<4096x12800xf32, #tpu.memory_space<hbm>> -> memref<256x64xf32, #tpu.memory_space<hbm>>
    %dma_wait3A_132 = arith.constant 0 : i32
    %dma_wait3A_133 = arith.constant 0 : i32
    %dma_wait3A_134 = tpu.memref_slice %arg6[%dma_wait3A_132, %dma_wait3A_133] : memref<4096x12800xf32, #tpu.memory_space<hbm>> -> memref<256x64xf32, #tpu.memory_space<hbm>>
    tpu.wait_dma2 semaphore(%arg20 : memref<!tpu.dma_semaphore, #tpu.memory_space<semaphore_mem>>) src(%arg17 : memref<256x64xf32, #tpu.memory_space<vmem>>) dst(%dma_wait3A_134 : memref<256x64xf32, #tpu.memory_space<hbm>>)
    return
  }
}

</mosaic_0001>

<sc_bundles>
// kernel: kernel.3.cloned.1.call-start
scs
__scs_entry_jumppad:
0x0: {  	(pc) =	sbr.rel $0x88, $3  }
0x1: {  	(tag) =	ssettag $0x0;
	lr =	simm.s32 $0x1  }
0x2: {  	[smem:$0x3F9D] =	sst lr;
	_ =	strace $0xD0000000  }
0x3: {  	_ = 	snop  }
0x4: {  	_ = 	snop  }
0x5: {  	_ = 	snop  }
0x6: {  	_ = 	snop  }
0x7: {  	_ = 	snop  }
__scs_overlays_trampoline_lowered:
0x8: {  	[smem:$0x3FAC] =	sst s0  }
0x9: {  	[smem:$0x3FAD] =	sst s1  }
0xa: {  	[smem:$0x3FAE] =	sst s2  }
0xb: {  	[smem:$0x3FAF] =	sst s3  }
0xc: {  	[smem:$0x3FB0] =	sst s4  }
0xd: {  	[smem:$0x3FB1] =	sst s5  }
0xe: {  	[smem:$0x3FB2] =	sst s6  }
0xf: {  	[smem:$0x3FB3] =	sst s7  }
0x10: {  	[smem:$0x3FB4] =	sst s8  }
0x11: {  	[smem:$0x3FB5] =	sst s9;
	s0 =	simm.s32 @!p0 $0x0  }
0x12: {  	s1 =	sld [smem:$0x3F9B];
	s0 =	simm.s32 @p0 $0x1  }
0x13: {  	[smem:$0x3FB6] =	sst s0;
	s0 =	simm.s32 @!p1 $0x0  }
0x14: {  	s2 =	sld [smem:$0x3F9A];
	s0 =	simm.s32 @p1 $0x1  }
0x15: {  	[smem:$0x3FB7] =	sst s0;
	s0 =	simm.s32 @!p2 $0x0  }
0x16: {  	s3 =	sld [smem:$0x3FDB];
	s0 =	simm.s32 @p2 $0x1  }
0x17: {  	s4 =	simm.s32 $0x1BF5;
	[smem:$0x3FB9] =	sst s0  }
0x18: {  	s0 =	sld [smem:$0x3F9C];
	_ =	swait.ge [sflag:s4], $0x0  }
0x19: {  	s7 =	sld [smem:$0x3F9D]  }
0x1a: {  	s8 =	sadd.s32 $0xFFFFE003, lr  }
0x1b: {  	s9 =	sadd.s32 $0xFFFFFEF7, lr;
	s5 =	simm.s32 $0xFFFFFFFF;
	p2 =	slt.u32 s8, $0xFFFFF086  }
0x1c: {  	p1 =	slt.u32 s9, $0xF7A;
	s5 =	simm.s32 @!p2 $0x0  }
0x1d: {  	s5 =	simm.s32 @p1 $0x1;
	p0 =	seq.s32 s7, s2  }
0x1e: {  	s7 =	smul.u32 @!p0 $0xF7A, s2;
	p2 =	seq.s32 @!p0 s5, $0x0  }
0x1f: {  	s9 =	smul.u32 $0xF7A, s1;
	s8 =	simm.s32 @!p0 $0x1BF5;
	p2 =	por !p2, p0  }
0x20: {  	[sflag:s8] =	ssyncset.s32 @!p0 $0xFFFFF086;
	s6 =	sadd.s32 @!p0 s3, s7;
	s7 =	simm.s32 @!p0 $0x108  }
0x21: {  	s3 =	sadd.s32 s3, s9;
	s6 =	sadd.s32 @!p0 $0x88, s6;
	s7 =	simm.s32 @p2 $0x1082  }
0x22: {  	[simem:s7], [sflag:s8] =	dma.local @!p0 [hbm:s6], $0xF7A  }
0x23: {  	s9 =	sor.u32 $0xD0000000, s2;
	s6 =	simm.s32 $0x108;
	_ =	swait.ge @!p0 [sflag:s8], $0x0  }
0x24: {  	s3 =	sadd.s32 $0x88, s3;
	s6 =	simm.s32 @!p1 $0x1082;
	[sflag:s4] =	ssyncset.s32 $0xFFFFF086  }
0x25: {  	[simem:s6], [sflag:s4] =	dma.local [hbm:s3], $0xF7A  }
0x26: {  	[smem:$0x3F9D] =	sst s1;
	(tag) =	ssettag s2;
	_ =	strace s9  }
0x27: {  	s1 =	sld [smem:$0x3FAD]  }
0x28: {  	s2 =	sld [smem:$0x3FAE]  }
0x29: {  	s4 =	sld [smem:$0x3FB0]  }
0x2a: {  	p0 =	seq.s32 s5, $0x0;
	s5 =	sld [smem:$0x3FB1]  }
0x2b: {  	s6 =	sld [smem:$0x3FB2]  }
0x2c: {  	s7 =	sld [smem:$0x3FB3]  }
0x2d: {  	s3 =	simm.s32 $0x108;
	s8 =	sld [smem:$0x3FB4]  }
0x2e: {  	s3 =	simm.s32 @!p0 $0x1082;
	s9 =	sld [smem:$0x3FB5]  }
0x2f: {  	lr =	sadd.s32 s0, s3;
	s0 =	sld [smem:$0x3FAC]  }
0x30: {  	s3 =	sld [smem:$0x3FAF]  }
0x31: {  	[smem:$0x3FB8] =	sst s10  }
0x32: {  	s10 =	sld [smem:$0x3FB6];
	_ =	sdelay $0x3  }
0x33: {  	p0 =	seq.s32 s10, $0x1;
	s10 =	sld [smem:$0x3FB8];
	_ =	sdelay $0x3  }
0x34: {  	[smem:$0x3FB8] =	sst s10  }
0x35: {  	s10 =	sld [smem:$0x3FB7];
	_ =	sdelay $0x3  }
0x36: {  	p1 =	seq.s32 s10, $0x1;
	s10 =	sld [smem:$0x3FB8];
	_ =	sdelay $0x3  }
0x37: {  	[smem:$0x3FB8] =	sst s10  }
0x38: {  	s10 =	sld [smem:$0x3FB9]  }
0x39: {  	_ = 	snop;
	(pc) =	sbr.ind lr, $3  }
0x3a: {  	_ = 	snop  }
0x3b: {  	_ = 	snop  }
0x3c: {  	p2 =	seq.s32 s10, $0x1;
	s10 =	sld [smem:$0x3FB8]  }
0x3d: {  	_ =	shalt  }
0x3e: {  	_ =	shalt  }
0x3f: {  	_ =	shalt  }
0x40: {  	_ =	shalt  }
0x41: {  	_ =	shalt  }
0x42: {  	_ =	shalt  }
0x43: {  	_ =	shalt  }
0x44: {  	_ =	shalt  }
0x45: {  	_ =	shalt  }
0x46: {  	_ =	shalt  }
0x47: {  	_ =	shalt  }
0x48: {  	_ =	shalt  }
0x49: {  	_ =	shalt  }
0x4a: {  	_ =	shalt  }
0x4b: {  	_ =	shalt  }
0x4c: {  	_ =	shalt  }
0x4d: {  	_ =	shalt  }
0x4e: {  	_ =	shalt  }
0x4f: {  	_ =	shalt  }
0x50: {  	_ =	shalt  }
0x51: {  	_ =	shalt  }
0x52: {  	_ =	shalt  }
0x53: {  	_ =	shalt  }
0x54: {  	_ =	shalt  }
0x55: {  	_ =	shalt  }
0x56: {  	_ =	shalt  }
0x57: {  	_ =	shalt  }
0x58: {  	_ =	shalt  }
0x59: {  	_ =	shalt  }
0x5a: {  	_ =	shalt  }
0x5b: {  	_ =	shalt  }
0x5c: {  	_ =	shalt  }
0x5d: {  	_ =	shalt  }
0x5e: {  	_ =	shalt  }
0x5f: {  	_ =	shalt  }
0x60: {  	_ =	shalt  }
0x61: {  	_ =	shalt  }
0x62: {  	_ =	shalt  }
0x63: {  	_ =	shalt  }
0x64: {  	_ =	shalt  }
0x65: {  	_ =	shalt  }
0x66: {  	_ =	shalt  }
0x67: {  	_ =	shalt  }
0x68: {  	_ =	shalt  }
0x69: {  	_ =	shalt  }
0x6a: {  	_ =	shalt  }
0x6b: {  	_ =	shalt  }
0x6c: {  	_ =	shalt  }
0x6d: {  	_ =	shalt  }
0x6e: {  	_ =	shalt  }
0x6f: {  	_ =	shalt  }
0x70: {  	_ =	shalt  }
0x71: {  	_ =	shalt  }
0x72: {  	_ =	shalt  }
0x73: {  	_ =	shalt  }
0x74: {  	_ =	shalt  }
0x75: {  	_ =	shalt  }
0x76: {  	_ =	shalt  }
0x77: {  	_ =	shalt  }
0x78: {  	_ =	shalt  }
0x79: {  	_ =	shalt  }
0x7a: {  	_ =	shalt  }
0x7b: {  	_ =	shalt  }
0x7c: {  	_ =	shalt  }
0x7d: {  	_ =	shalt  }
0x7e: {  	_ =	shalt  }
0x7f: {  	_ =	shalt  }
0x80: {  	_ =	shalt  }
0x81: {  	_ =	shalt  }
0x82: {  	_ =	shalt  }
0x83: {  	_ =	shalt  }
0x84: {  	_ =	shalt  }
0x85: {  	_ =	shalt  }
0x86: {  	_ =	shalt  }
0x87: {  	_ =	shalt  }
.Lfunc_end0:
.L_simem_size_0:
called_computation.1_lowered:
.L_overlay_start_0:
0x88: {  	s2 =	sld [smem:$0x3FD9]  }
0x89: {  	s3 =	sld [smem:$0x3FFE];
	_ =	sdelay $0x1  }
0x8a: {  	s1 =	srdreg.scid  }
0x8b: {  	s0 =	sand.u32 $0x1, s1  }
0x8c: {  	s17 =	sshll.u32 s0, $0xA;
	s2 =	sadd.s32 s3, s2  }
0x8d: {  	s2 =	sadd.s32 s2, s17  }
0x8e: {  	[smem:$0x3FC4] =	sst s2  }
0x8f: {  	_ = 	snop  }
0x90: {  	s2 =	sld [smem:$0x3FD0];
	(tm) =	ssettm $0x1  }
0x91: {  	s18 =	sld [smem:$0x3FFB];
	_ =	sdelay $0x3  }
0x92: {  	_ =	strace s18  }
0x93: {  	s3 =	sld [smem:$0x3FFC];
	_ =	sdelay $0x3  }
0x94: {  	_ =	strace s3  }
0x95: {  	s3 =	sld [smem:$0x3FFD];
	_ =	sdelay $0x3  }
0x96: {  	_ =	strace s3  }
0x97: {  	_ =	strace $0x8FFFFFFF  }
0x98: {  	s19 =	sld [smem:$0x3FDB];
	_ =	sdelay $0x1  }
0x99: {  	s4 =	simm.s32 $_scs_section_size  }
0x9a: {  	s5 =	simm.s32 $_size__tile_overlayer_lowered;
	s6 =	simm.s32 $_tile_overlayer_lowered  }
0x9b: {  	s22 =	simm.s32 $0x1BFF;
	s21 =	sshll.u32 s6, $0x1;
	s3 =	sadd.s32 s4, s19  }
0x9c: {  	s7 =	simm.s32 $0x0;
	s20 =	sshll.u32 s5, $0x1;
	s5 =	sadd.s32 s21, s3  }
0x9d: {  	[timem:s7], [sflag:s22] =	dma.local [hbm:s5], s20  }
0x9e: {  	_ =	swait.ge [sflag:s22], s20  }
0x9f: {  	s4 =	ssub.s32 $0x0, s20;
	[sflag:s22] =	ssyncset.done $0x0  }
0xa0: {  	[sflag:s22] =	ssyncadd.s32 s4;
	_ =	sdelay $0x1  }
0xa1: {  	s23 =	simm.s32 $0x1B8B  }
0xa2: {  	_ =	swait.ge [sflag:s23], $0x1  }
0xa3: {  	[sflag:s23] =	ssyncset.done $0x0  }
0xa4: {  	s25 =	simm.s32 $0x1B8E;
	s24 =	sld [smem:$0x3FFE];
	[sflag:s23] =	ssyncadd.s32 $0xFFFFFFFF  }
0xa5: {  	s26 =	simm.s32 $execute0_lowered;
	[smem:$0x3FD2] =	sst s25  }
0xa6: {  	s5 =	sshll.u32 s26, $0x1;
	_ =	strace $0x80000046;
	[dreg:$0x1] =	wrdreg $0xFFFFFFFF  }
0xa7: {  	s28 =	simm.s32 $_size_execute0_lowered;
	s3 =	sadd.s32 s3, s5;
	[dreg:$0x0] =	wrdreg $0x0  }
0xa8: {  	s5 =	sshll.u32 s28, $0x1;
	[dreg:$0x2] =	wrdreg s3  }
0xa9: {  	[dreg:$0x3] =	wrdreg s5  }
0xaa: {  	[dreg:$0x4] =	wrdreg $0xC0  }
0xab: {  	_ =	task [dreg:s7], $0x5FFFF  }
0xac: {  	[dreg:$0x1] =	wrdreg $0xFFFFFFFF  }
0xad: {  	[dreg:$0x0] =	wrdreg $0x60  }
0xae: {  	[dreg:$0x2] =	wrdreg s24  }
0xaf: {  	[dreg:$0x3] =	wrdreg s2  }
0xb0: {  	[dreg:$0x4] =	wrdreg $0x9  }
0xb1: {  	_ =	task.clear_ibuf [dreg:s7], $0x5FFFF;
	_ =	strace $0x90000046  }
0xb2: {  	s29 =	simm.s32 $0x9;
	_ =	strace $0x80000048  }
0xb3: {  	_ =	swait.ge [sflag:s29], $0x1  }
0xb4: {  	[sflag:s29] =	ssyncadd.s32 $0xFFFFFFFF  }
0xb5: {  	_ =	strace $0x90000048  }
0xb6: {  	_ =	sfence  }
0xb7: {  	s30 =	sld [smem:$0x0];
	_ =	sdelay $0x2  }
0xb8: {  	s31 =	sshll.u32 s1, $0xD;
	s1 =	sshrl.u32 s1, $0x2  }
0xb9: {  	s3 =	sand.u32 $0x4000, s31;
	s1 =	sadd.s32 s1, s30  }
0xba: {  	s0 =	sor.u32 s3, s0;
	s1 =	sshll.u32 s1, $0x11  }
0xbb: {  	s0 =	sor.u32 s1, s0  }
0xbc: {  	s0 =	sadd.s32 $0x8F2B, s0  }
0xbd: {  	[sflag:s0] =	ssyncadd.remote.s32 $0x1  }
0xbe: {  	_ =	sfence.sel $0xFFFF  }
0xbf: {  	[dreg:$0x0] =	wrdreg $0xFFFFFFFF;
	(pc) =	sbr.abs _section_cstart, $3  }
0xc0: {  	[dreg:$0x1] =	wrdreg $0xFFFFFFFF  }
0xc1: {  	_ =	task.clear_ibuf [dreg:s7], $0x2FFFF;
	_ =	strace $0x9FFFFFFF  }
0xc2: {  	(tm) =	ssettm $0x7FFFFFFF  }
0xc3: {  	_ =	shalt  }
tec
execute0_lowered:
.L_overlay_start_1:
0x0: {  	(tag) =	ssettag $0x1  }
0x1: {  	s0 =	rddreg [dreg:$0x0]  }
0x2: {  	s1 =	srdreg.scid;
	s2 =	stileid.u32  }
0x3: {  	s3 =	simm.s32 $0x0;
	s17 =	simm.s32 $0x1;
	s18 =	simm.s32 $0x80  }
0x4: {  	s28 =	simm.s32 $0x2;
	s31 =	simm.s32 $0x40;
	s1 =	sand.u32 $0x1, s1  }
0x5: {  	s2 =	sshll.u32 s2, $0x1;
	[smem:$0x7FF] =	sst s3;
	s4 =	sadd.s32 $0x19E00, s0  }
0x6: {  	s5 =	sadd.s32 $0xE00, s0;
	s2 =	sor.u32 s1, s2;
	_ =	strace $0x80000047  }
0x7: {  	s1 =	ssub.s32 $0x2, s1;
	s6 =	smul.u32 $0x6400, s2;
	s7 =	sshll.u32 s2, $0xA  }
0x8: {  	s23 =	sshrl.u32 s1, $0x1;
	s24 =	smul.u32 $0x64, s2;
	s7 =	sand.u32 $0xC00, s7  }
0x9: {  	s8 =	sand.u32 $0xFF000, s6;
	s6 =	sadd.s32 $0xF43200, s0;
	s0 =	sadd.s32 $0x32E00, s0  }
0xa: {  	s7 =	sor.u32 s7, s8;
	[dreg:$0x3] =	wrdreg s0;
	s0 =	ssub.s32 s1, s23  }
0xb: {  	[dreg:$0x4] =	wrdreg s24;
	s7 =	sshrl.u32 s7, $0x3;
	s0 =	smax.u32 s0, $0x1  }
.Ltmp0:
0xc: {  	s26 =	sadd.s32 s4, s7;
	[dreg:$0x9] =	wrdreg s0;
	(pc) =	sbr.rel .LBB2_1-.Ltmp0, $4  }
0xd: {  	s25 =	sor.u32 $0x20, s7;
	s29 =	sadd.s32 s5, s7;
	[dreg:$0x5] =	wrdreg s26  }
0xe: {  	s3 =	simm.s32 $0x0;
	[dreg:$0x6] =	wrdreg s29;
	s30 =	sadd.s32 s4, s25  }
0xf: {  	s23 =	simm.s32 $0x4;
	s1 =	sadd.s32 s5, s25;
	[dreg:$0x7] =	wrdreg s30  }
0x10: {  	s7 =	simm.s32 $0x8200;
	[dreg:$0x8] =	wrdreg s1;
	s1 =	simm.s32 $0x5  }
.LBB2_8:
0x11: {  	s0 =	simm.s32 $0x3  }
0x12: {  	_ =	swait.ge [sflag:s0], $0x4000  }
0x13: {  	[sflag:s0] =	ssyncset.done $0x0  }
0x14: {  	s2 =	simm.s32 $0x6;
	[sflag:s0] =	ssyncadd.s32 $0xFFFFC000  }
0x15: {  	_ =	swait.ge [sflag:s2], $0x4000  }
0x16: {  	s3 =	rddreg [dreg:$0xa]  }
0x17: {  	s30 =	rddreg [dreg:$0x9];
	s3 =	sadd.s32 $0x1, s3  }
0x18: {  	p0 =	sne.s32 s3, s30  }
.Ltmp1:
0x19: {  	_ = 	snop;
	(pc) =	sbr.rel @!p0 .LBB2_9-.Ltmp1, $3  }
0x1a: {  	_ =	sdelay $0x1  }
0x1b: {  	[sflag:s2] =	ssyncset.done $0x0  }
0x1c: {  	s7 =	simm.s32 $0x8200;
	[sflag:s2] =	ssyncadd.s32 $0xFFFFC000  }
.LBB2_1:
0x1d: {  	[dreg:$0xa] =	wrdreg s3;
	s0 =	simm.s32 $0x0  }
0x1e: {  	s2 =	rddreg [dreg:$0x3];
	s16 =	simm.s32 $0x10400;
	s19 =	simm.s32 $0x7  }
0x1f: {  	[tilespmem:s16], [sflag:$0x7] =	stream.linear.gather [hbm4b:s2+s0], $0x3200, $0x38;
	[tilespmem:$0x13600] =	vst v63  }
0x20: {  	_ =	swait.ge [sflag:s19], $0x3200  }
0x21: {  	[sflag:s19] =	ssyncset.done $0x0  }
0x22: {  	s20 =	rddreg [dreg:$0x5];
	[sflag:s19] =	ssyncadd.s32 $0xFFFFCE00  }
0x23: {  	[tilespmem:s0], [sflag:$0x1] =	stream.linear.gather [hbm4b:s20+s0], $0x100, $0x38;
	[tilespmem:$0x13600] =	vst v63  }
0x24: {  	s22 =	simm.s32 $0x100;
	s21 =	rddreg [dreg:$0x6]  }
0x25: {  	[tilespmem:s22], [sflag:$0x1] =	stream.linear.gather [hbm4b:s21+s0], $0x100, $0x38;
	[tilespmem:$0x13600] =	vst v63  }
0x26: {  	_ =	swait.ge [sflag:s17], $0x100  }
0x27: {  	[sflag:s17] =	ssyncset.done $0x0  }
0x28: {  	[sflag:s17] =	ssyncadd.s32 $0xFFFFFF00  }
0x29: {  	_ =	swait.ge [sflag:s17], $0x100  }
0x2a: {  	[sflag:s17] =	ssyncset.done $0x0  }
0x2b: {  	s24 =	simm.s32 $0x200;
	[sflag:s17] =	ssyncadd.s32 $0xFFFFFF00  }
0x2c: {  	[tilespmem:s24], [sflag:$0x2] =	stream.indirect.gather [hbm4b:s6+s18], $0x40, s0, s18, $0xb8;
	[tilespmem:$0x13600] =	vst v63  }
0x2d: {  	s25 =	simm.s32 $0x2200  }
0x2e: {  	[tilespmem:s25], [sflag:$0x2] =	stream.indirect.gather [hbm4b:s6+s18], $0x40, s18, s18, $0xb8;
	[tilespmem:$0x13600] =	vst v63  }
0x2f: {  	s26 =	rddreg [dreg:$0x7]  }
0x30: {  	[tilespmem:s7], [sflag:$0x4] =	stream.linear.gather [hbm4b:s26+s0], $0x100, $0x38;
	[tilespmem:$0x13600] =	vst v63  }
0x31: {  	s30 =	simm.s32 $0x8300;
	s9 =	simm.s32 $0x0;
	s29 =	rddreg [dreg:$0x8]  }
0x32: {  	[tilespmem:s30], [sflag:$0x4] =	stream.linear.gather [hbm4b:s29+s0], $0x100, $0x38;
	[tilespmem:$0x13600] =	vst v63  }
.LBB2_2:
0x33: {  	_ =	swait.ge [sflag:s23], $0x100  }
0x34: {  	[sflag:s23] =	ssyncset.done $0x0  }
0x35: {  	[sflag:s23] =	ssyncadd.s32 $0xFFFFFF00  }
0x36: {  	_ =	swait.ge [sflag:s23], $0x100  }
0x37: {  	[sflag:s23] =	ssyncset.done $0x0  }
0x38: {  	s0 =	simm.s32 $0x8400;
	[sflag:s23] =	ssyncadd.s32 $0xFFFFFF00  }
0x39: {  	[tilespmem:s0], [sflag:$0x5] =	stream.indirect.gather [hbm4b:s6+s18], $0x40, s7, s18, $0xb8;
	[tilespmem:$0x13600] =	vst v63  }
0x3a: {  	s19 =	simm.s32 $0x8280;
	s2 =	simm.s32 $0xA400  }
0x3b: {  	[tilespmem:s2], [sflag:$0x5] =	stream.indirect.gather [hbm4b:s6+s18], $0x40, s19, s18, $0xb8;
	[tilespmem:$0x13600] =	vst v63  }
0x3c: {  	_ =	swait.ge [sflag:s28], $0x2000  }
0x3d: {  	[sflag:s28] =	ssyncset.done $0x0  }
0x3e: {  	[sflag:s28] =	ssyncadd.s32 $0xFFFFE000  }
0x3f: {  	_ =	swait.ge [sflag:s28], $0x2000  }
0x40: {  	p0 =	seq.s32 s9, $0x0;
	[sflag:s28] =	ssyncset.done $0x0  }
0x41: {  	s0 =	simm.s32 @!p0 $0x3;
	[sflag:s28] =	ssyncadd.s32 $0xFFFFE000  }
0x42: {  	_ =	swait.ge @!p0 [sflag:s0], $0x4000  }
0x43: {  	[sflag:s0] =	ssyncset.done @!p0 $0x0  }
0x44: {  	s20 =	simm.s32 $0x100;
	[sflag:s0] =	ssyncadd.s32 @!p0 $0xFFFFC000  }
0x45: {  	v0 =	vld [tilespmem:s20+$0x0];
	_ =	sdelay $0x4  }
0x46: {  	v0 =	vshll.u32 v0, $0x8  }
0x47: {  	v4 =	vshra.s32 v0, $0x2  }
0x48: {  	(v2sf) =	vpush v4, $0x0;
	_ =	sdelay $0xc  }
0x49: {  	s15 =	simm.s32 $0x0  }
0x4a: {  	v0 =	vld [tilespmem:s15+$0x200]  }
0x4b: {  	s21 =	spop (v2sf)  }
0x4c: {  	v1 =	vld [tilespmem:s21+$0x10400];
	_ =	sdelay $0x2  }
0x4d: {  	v0 =	vmul.f32 $8.000000000e+00, v0;
	_ =	sdelay $0x1  }
0x4e: {  	v0 =	vadd.f32 v1, v0  }
0x4f: {  	v1 =	vld [tilespmem:s15+$0x210]  }
0x50: {  	[tilespmem:s15+$0x4200] =	vst v0  }
0x51: {  	v0 =	vld [tilespmem:s21+$0x10410];
	_ =	sdelay $0x2  }
0x52: {  	v1 =	vmul.f32 $8.000000000e+00, v1;
	_ =	sdelay $0x1  }
0x53: {  	v0 =	vadd.f32 v0, v1  }
0x54: {  	v1 =	vld [tilespmem:s15+$0x220]  }
0x55: {  	[tilespmem:s15+$0x4210] =	vst v0  }
0x56: {  	(v2sf) =	vpush v4, $0x1;
	v0 =	vld [tilespmem:s21+$0x10420];
	_ =	sdelay $0x2  }
0x57: {  	v1 =	vmul.f32 $8.000000000e+00, v1;
	_ =	sdelay $0x1  }
0x58: {  	v0 =	vadd.f32 v0, v1  }
0x59: {  	v1 =	vld [tilespmem:s15+$0x230]  }
0x5a: {  	[tilespmem:s15+$0x4220] =	vst v0  }
0x5b: {  	v0 =	vld [tilespmem:s21+$0x10430];
	_ =	sdelay $0x2  }
0x5c: {  	v1 =	vmul.f32 $8.000000000e+00, v1;
	_ =	sdelay $0x1  }
0x5d: {  	v0 =	vadd.f32 v0, v1  }
0x5e: {  	v1 =	vld [tilespmem:s15+$0x240]  }
0x5f: {  	s22 =	spop (v2sf);
	[tilespmem:s15+$0x4230] =	vst v0  }
0x60: {  	v0 =	vld [tilespmem:s22+$0x10400];
	_ =	sdelay $0x2  }
0x61: {  	v1 =	vmul.f32 $8.000000000e+00, v1;
	_ =	sdelay $0x1  }
0x62: {  	v0 =	vadd.f32 v0, v1  }
0x63: {  	v1 =	vld [tilespmem:s15+$0x250]  }
0x64: {  	[tilespmem:s15+$0x4240] =	vst v0  }
0x65: {  	v0 =	vld [tilespmem:s22+$0x10410];
	_ =	sdelay $0x2  }
0x66: {  	v1 =	vmul.f32 $8.000000000e+00, v1;
	_ =	sdelay $0x1  }
0x67: {  	v0 =	vadd.f32 v0, v1  }
0x68: {  	v1 =	vld [tilespmem:s15+$0x260]  }
0x69: {  	[tilespmem:s15+$0x4250] =	vst v0  }
0x6a: {  	(v2sf) =	vpush v4, $0x2;
	v0 =	vld [tilespmem:s22+$0x10420];
	_ =	sdelay $0x2  }
0x6b: {  	v1 =	vmul.f32 $8.000000000e+00, v1;
	_ =	sdelay $0x1  }
0x6c: {  	v0 =	vadd.f32 v0, v1  }
0x6d: {  	v1 =	vld [tilespmem:s15+$0x270]  }
0x6e: {  	[tilespmem:s15+$0x4260] =	vst v0  }
0x6f: {  	v0 =	vld [tilespmem:s22+$0x10430];
	_ =	sdelay $0x2  }
0x70: {  	v1 =	vmul.f32 $8.000000000e+00, v1;
	_ =	sdelay $0x1  }
0x71: {  	v0 =	vadd.f32 v0, v1  }
0x72: {  	v1 =	vld [tilespmem:s15+$0x280]  }
0x73: {  	s24 =	spop (v2sf);
	[tilespmem:s15+$0x4270] =	vst v0  }
0x74: {  	v0 =	vld [tilespmem:s24+$0x10400];
	_ =	sdelay $0x2  }
0x75: {  	v1 =	vmul.f32 $8.000000000e+00, v1;
	_ =	sdelay $0x1  }
0x76: {  	v0 =	vadd.f32 v0, v1  }
0x77: {  	v1 =	vld [tilespmem:s15+$0x290]  }
0x78: {  	[tilespmem:s15+$0x4280] =	vst v0  }
0x79: {  	v0 =	vld [tilespmem:s24+$0x10410];
	_ =	sdelay $0x2  }
0x7a: {  	v1 =	vmul.f32 $8.000000000e+00, v1;
	_ =	sdelay $0x1  }
0x7b: {  	v0 =	vadd.f32 v0, v1  }
0x7c: {  	v1 =	vld [tilespmem:s15+$0x2A0]  }
0x7d: {  	[tilespmem:s15+$0x4290] =	vst v0  }
0x7e: {  	(v2sf) =	vpush v4, $0x3;
	v0 =	vld [tilespmem:s24+$0x10420];
	_ =	sdelay $0x2  }
0x7f: {  	v1 =	vmul.f32 $8.000000000e+00, v1;
	_ =	sdelay $0x1  }
0x80: {  	v0 =	vadd.f32 v0, v1  }
0x81: {  	v1 =	vld [tilespmem:s15+$0x2B0]  }
0x82: {  	[tilespmem:s15+$0x42A0] =	vst v0  }
0x83: {  	v0 =	vld [tilespmem:s24+$0x10430];
	_ =	sdelay $0x2  }
0x84: {  	v1 =	vmul.f32 $8.000000000e+00, v1;
	_ =	sdelay $0x1  }
0x85: {  	v0 =	vadd.f32 v0, v1  }
0x86: {  	v1 =	vld [tilespmem:s15+$0x2C0]  }
0x87: {  	s25 =	spop (v2sf);
	[tilespmem:s15+$0x42B0] =	vst v0  }
0x88: {  	v0 =	vld [tilespmem:s25+$0x10400];
	_ =	sdelay $0x2  }
0x89: {  	v1 =	vmul.f32 $8.000000000e+00, v1;
	_ =	sdelay $0x1  }
0x8a: {  	v0 =	vadd.f32 v0, v1  }
0x8b: {  	v1 =	vld [tilespmem:s15+$0x2D0]  }
0x8c: {  	[tilespmem:s15+$0x42C0] =	vst v0  }
0x8d: {  	v0 =	vld [tilespmem:s25+$0x10410]  }
0x8e: {  	s26 =	simm.s32 $0x110  }
0x8f: {  	v2 =	vld [tilespmem:s26+$0x0]  }
0x90: {  	v1 =	vmul.f32 $8.000000000e+00, v1;
	_ =	sdelay $0x1  }
0x91: {  	v0 =	vadd.f32 v0, v1  }
0x92: {  	v1 =	vld [tilespmem:s15+$0x2E0]  }
0x93: {  	v2 =	vshll.u32 v2, $0x8;
	[tilespmem:s15+$0x42D0] =	vst v0  }
0x94: {  	(v2sf) =	vpush v4, $0x4;
	v0 =	vshra.s32 v2, $0x2;
	v2 =	vld [tilespmem:s25+$0x10420]  }
0x95: {  	(v2sf) =	vpush v0, $0x0;
	_ =	sdelay $0x1  }
0x96: {  	v1 =	vmul.f32 $8.000000000e+00, v1;
	_ =	sdelay $0x1  }
0x97: {  	v1 =	vadd.f32 v2, v1  }
0x98: {  	v2 =	vld [tilespmem:s15+$0x2F0]  }
0x99: {  	[tilespmem:s15+$0x42E0] =	vst v1  }
0x9a: {  	v1 =	vld [tilespmem:s25+$0x10430];
	_ =	sdelay $0x2  }
0x9b: {  	v2 =	vmul.f32 $8.000000000e+00, v2;
	_ =	sdelay $0x1  }
0x9c: {  	v1 =	vadd.f32 v1, v2  }
0x9d: {  	s11 =	simm.s32 $0x400;
	v2 =	vld [tilespmem:s15+$0x300]  }
0x9e: {  	v3 =	vld [tilespmem:s11+$0x200];
	s29 =	spop (v2sf);
	[tilespmem:s15+$0x42F0] =	vst v1  }
0x9f: {  	s30 =	spop (v2sf);
	v1 =	vld [tilespmem:s29+$0x10400]  }
0xa0: {  	v5 =	vld [tilespmem:s30+$0x10400];
	_ =	sdelay $0x1  }
0xa1: {  	v2 =	vmul.f32 $8.000000000e+00, v2  }
0xa2: {  	v3 =	vmul.f32 $8.000000000e+00, v3  }
0xa3: {  	v1 =	vadd.f32 v1, v2  }
0xa4: {  	v2 =	vld [tilespmem:s15+$0x310];
	v3 =	vadd.f32 v5, v3  }
0xa5: {  	v5 =	vld [tilespmem:s11+$0x210];
	[tilespmem:s15+$0x4300] =	vst v1  }
0xa6: {  	[tilespmem:s11+$0x4200] =	vst v3;
	v1 =	vld [tilespmem:s29+$0x10410]  }
0xa7: {  	v3 =	vld [tilespmem:s30+$0x10410];
	_ =	sdelay $0x1  }
0xa8: {  	v2 =	vmul.f32 $8.000000000e+00, v2  }
0xa9: {  	v5 =	vmul.f32 $8.000000000e+00, v5  }
0xaa: {  	v1 =	vadd.f32 v1, v2  }
0xab: {  	v2 =	vld [tilespmem:s15+$0x320];
	v3 =	vadd.f32 v3, v5  }
0xac: {  	v5 =	vld [tilespmem:s11+$0x220];
	[tilespmem:s15+$0x4310] =	vst v1  }
0xad: {  	(v2sf) =	vpush v4, $0x5;
	[tilespmem:s11+$0x4210] =	vst v3;
	v1 =	vld [tilespmem:s29+$0x10420]  }
0xae: {  	(v2sf) =	vpush v0, $0x1;
	v3 =	vld [tilespmem:s30+$0x10420];
	_ =	sdelay $0x1  }
0xaf: {  	v2 =	vmul.f32 $8.000000000e+00, v2  }
0xb0: {  	v5 =	vmul.f32 $8.000000000e+00, v5  }
0xb1: {  	v1 =	vadd.f32 v1, v2  }
0xb2: {  	v2 =	vld [tilespmem:s15+$0x330];
	v3 =	vadd.f32 v3, v5  }
0xb3: {  	v5 =	vld [tilespmem:s11+$0x230];
	[tilespmem:s15+$0x4320] =	vst v1  }
0xb4: {  	[tilespmem:s11+$0x4220] =	vst v3;
	v1 =	vld [tilespmem:s29+$0x10430]  }
0xb5: {  	v3 =	vld [tilespmem:s30+$0x10430];
	_ =	sdelay $0x1  }
0xb6: {  	v2 =	vmul.f32 $8.000000000e+00, v2  }
0xb7: {  	v5 =	vmul.f32 $8.000000000e+00, v5  }
0xb8: {  	v1 =	vadd.f32 v1, v2  }
0xb9: {  	v2 =	vld [tilespmem:s15+$0x340];
	v3 =	vadd.f32 v3, v5  }
0xba: {  	s2 =	spop (v2sf);
	v5 =	vld [tilespmem:s11+$0x240];
	[tilespmem:s15+$0x4330] =	vst v1  }
0xbb: {  	s3 =	spop (v2sf);
	[tilespmem:s11+$0x4230] =	vst v3;
	v1 =	vld [tilespmem:s2+$0x10400]  }
0xbc: {  	v3 =	vld [tilespmem:s3+$0x10400];
	_ =	sdelay $0x1  }
0xbd: {  	v2 =	vmul.f32 $8.000000000e+00, v2  }
0xbe: {  	v5 =	vmul.f32 $8.000000000e+00, v5  }
0xbf: {  	v1 =	vadd.f32 v1, v2  }
0xc0: {  	v2 =	vld [tilespmem:s15+$0x350];
	v3 =	vadd.f32 v3, v5  }
0xc1: {  	v5 =	vld [tilespmem:s11+$0x250];
	[tilespmem:s15+$0x4340] =	vst v1  }
0xc2: {  	[tilespmem:s11+$0x4240] =	vst v3;
	v1 =	vld [tilespmem:s2+$0x10410]  }
0xc3: {  	v3 =	vld [tilespmem:s3+$0x10410];
	_ =	sdelay $0x1  }
0xc4: {  	v2 =	vmul.f32 $8.000000000e+00, v2  }
0xc5: {  	v5 =	vmul.f32 $8.000000000e+00, v5  }
0xc6: {  	v1 =	vadd.f32 v1, v2  }
0xc7: {  	v2 =	vld [tilespmem:s15+$0x360];
	v3 =	vadd.f32 v3, v5  }
0xc8: {  	v5 =	vld [tilespmem:s11+$0x260];
	[tilespmem:s15+$0x4350] =	vst v1  }
0xc9: {  	(v2sf) =	vpush v4, $0x6;
	[tilespmem:s11+$0x4250] =	vst v3;
	v1 =	vld [tilespmem:s2+$0x10420]  }
0xca: {  	(v2sf) =	vpush v0, $0x2;
	v3 =	vld [tilespmem:s3+$0x10420];
	_ =	sdelay $0x1  }
0xcb: {  	v2 =	vmul.f32 $8.000000000e+00, v2  }
0xcc: {  	v5 =	vmul.f32 $8.000000000e+00, v5  }
0xcd: {  	v1 =	vadd.f32 v1, v2  }
0xce: {  	v2 =	vld [tilespmem:s15+$0x370];
	v3 =	vadd.f32 v3, v5  }
0xcf: {  	v5 =	vld [tilespmem:s11+$0x270];
	[tilespmem:s15+$0x4360] =	vst v1  }
0xd0: {  	[tilespmem:s11+$0x4260] =	vst v3;
	v1 =	vld [tilespmem:s2+$0x10430]  }
0xd1: {  	v3 =	vld [tilespmem:s3+$0x10430];
	_ =	sdelay $0x1  }
0xd2: {  	v2 =	vmul.f32 $8.000000000e+00, v2  }
0xd3: {  	v5 =	vmul.f32 $8.000000000e+00, v5  }
0xd4: {  	v1 =	vadd.f32 v1, v2  }
0xd5: {  	v2 =	vld [tilespmem:s15+$0x380];
	v3 =	vadd.f32 v3, v5  }
0xd6: {  	s7 =	spop (v2sf);
	v5 =	vld [tilespmem:s11+$0x280];
	[tilespmem:s15+$0x4370] =	vst v1  }
0xd7: {  	s8 =	spop (v2sf);
	[tilespmem:s11+$0x4270] =	vst v3;
	v1 =	vld [tilespmem:s7+$0x10400]  }
0xd8: {  	v3 =	vld [tilespmem:s8+$0x10400];
	_ =	sdelay $0x1  }
0xd9: {  	v2 =	vmul.f32 $8.000000000e+00, v2  }
0xda: {  	v5 =	vmul.f32 $8.000000000e+00, v5  }
0xdb: {  	v1 =	vadd.f32 v1, v2  }
0xdc: {  	v2 =	vld [tilespmem:s15+$0x390];
	v3 =	vadd.f32 v3, v5  }
0xdd: {  	v5 =	vld [tilespmem:s11+$0x290];
	[tilespmem:s15+$0x4380] =	vst v1  }
0xde: {  	[tilespmem:s11+$0x4280] =	vst v3;
	v1 =	vld [tilespmem:s7+$0x10410]  }
0xdf: {  	v3 =	vld [tilespmem:s8+$0x10410];
	_ =	sdelay $0x1  }
0xe0: {  	v2 =	vmul.f32 $8.000000000e+00, v2  }
0xe1: {  	v5 =	vmul.f32 $8.000000000e+00, v5  }
0xe2: {  	v1 =	vadd.f32 v1, v2  }
0xe3: {  	v2 =	vld [tilespmem:s15+$0x3A0];
	v3 =	vadd.f32 v3, v5  }
0xe4: {  	v5 =	vld [tilespmem:s11+$0x2A0];
	[tilespmem:s15+$0x4390] =	vst v1  }
0xe5: {  	(v2sf) =	vpush v4, $0x7;
	[tilespmem:s11+$0x4290] =	vst v3;
	v1 =	vld [tilespmem:s7+$0x10420]  }
0xe6: {  	(v2sf) =	vpush v0, $0x3;
	v3 =	vld [tilespmem:s8+$0x10420];
	_ =	sdelay $0x1  }
0xe7: {  	v2 =	vmul.f32 $8.000000000e+00, v2  }
0xe8: {  	v5 =	vmul.f32 $8.000000000e+00, v5  }
0xe9: {  	v1 =	vadd.f32 v1, v2  }
0xea: {  	v2 =	vld [tilespmem:s15+$0x3B0];
	v3 =	vadd.f32 v3, v5  }
0xeb: {  	v5 =	vld [tilespmem:s11+$0x2B0];
	[tilespmem:s15+$0x43A0] =	vst v1  }
0xec: {  	[tilespmem:s11+$0x42A0] =	vst v3;
	v1 =	vld [tilespmem:s7+$0x10430]  }
0xed: {  	v3 =	vld [tilespmem:s8+$0x10430];
	_ =	sdelay $0x1  }
0xee: {  	v2 =	vmul.f32 $8.000000000e+00, v2  }
0xef: {  	v5 =	vmul.f32 $8.000000000e+00, v5  }
0xf0: {  	v1 =	vadd.f32 v1, v2  }
0xf1: {  	v2 =	vld [tilespmem:s15+$0x3C0];
	v3 =	vadd.f32 v3, v5  }
0xf2: {  	s10 =	spop (v2sf);
	v5 =	vld [tilespmem:s11+$0x2C0];
	[tilespmem:s15+$0x43B0] =	vst v1  }
0xf3: {  	s12 =	spop (v2sf);
	[tilespmem:s11+$0x42B0] =	vst v3;
	v1 =	vld [tilespmem:s10+$0x10400]  }
0xf4: {  	v3 =	vld [tilespmem:s12+$0x10400];
	_ =	sdelay $0x1  }
0xf5: {  	v2 =	vmul.f32 $8.000000000e+00, v2  }
0xf6: {  	v5 =	vmul.f32 $8.000000000e+00, v5  }
0xf7: {  	v1 =	vadd.f32 v1, v2  }
0xf8: {  	v2 =	vld [tilespmem:s15+$0x3D0];
	v3 =	vadd.f32 v3, v5  }
0xf9: {  	v5 =	vld [tilespmem:s11+$0x2D0];
	[tilespmem:s15+$0x43C0] =	vst v1  }
0xfa: {  	[tilespmem:s11+$0x42C0] =	vst v3;
	v1 =	vld [tilespmem:s10+$0x10410]  }
0xfb: {  	v3 =	vld [tilespmem:s12+$0x10410]  }
0xfc: {  	s13 =	simm.s32 $0x120  }
0xfd: {  	v6 =	vld [tilespmem:s13+$0x0];
	v2 =	vmul.f32 $8.000000000e+00, v2  }
0xfe: {  	v5 =	vmul.f32 $8.000000000e+00, v5  }
0xff: {  	v1 =	vadd.f32 v1, v2  }
0x100: {  	v2 =	vld [tilespmem:s15+$0x3E0];
	v3 =	vadd.f32 v3, v5  }
0x101: {  	v5 =	vld [tilespmem:s11+$0x2E0];
	[tilespmem:s15+$0x43D0] =	vst v1  }
0x102: {  	(v2sf) =	vpush v4, $0x8;
	v1 =	vshll.u32 v6, $0x8;
	[tilespmem:s11+$0x42D0] =	vst v3;
	v3 =	vld [tilespmem:s10+$0x10420]  }
0x103: {  	(v2sf) =	vpush v0, $0x4;
	v1 =	vshra.s32 v1, $0x2;
	v6 =	vld [tilespmem:s12+$0x10420]  }
0x104: {  	(v2sf) =	vpush v1, $0x0  }
0x105: {  	v2 =	vmul.f32 $8.000000000e+00, v2  }
0x106: {  	v5 =	vmul.f32 $8.000000000e+00, v5  }
0x107: {  	v2 =	vadd.f32 v3, v2  }
0x108: {  	v3 =	vld [tilespmem:s15+$0x3F0];
	v5 =	vadd.f32 v6, v5  }
0x109: {  	v6 =	vld [tilespmem:s11+$0x2F0];
	[tilespmem:s15+$0x43E0] =	vst v2  }
0x10a: {  	[tilespmem:s11+$0x42E0] =	vst v5;
	v2 =	vld [tilespmem:s10+$0x10430]  }
0x10b: {  	v5 =	vld [tilespmem:s12+$0x10430];
	_ =	sdelay $0x1  }
0x10c: {  	v3 =	vmul.f32 $8.000000000e+00, v3  }
0x10d: {  	v6 =	vmul.f32 $8.000000000e+00, v6  }
0x10e: {  	v7 =	vld [tilespmem:s15+$0x400];
	v2 =	vadd.f32 v2, v3  }
0x10f: {  	s12 =	simm.s32 $0x800;
	v3 =	vld [tilespmem:s11+$0x300];
	v5 =	vadd.f32 v5, v6  }
0x110: {  	s14 =	spop (v2sf);
	v6 =	vld [tilespmem:s12+$0x200];
	[tilespmem:s15+$0x43F0] =	vst v2  }
0x111: {  	s16 =	spop (v2sf);
	[tilespmem:s11+$0x42F0] =	vst v5;
	v2 =	vld [tilespmem:s14+$0x10400]  }
0x112: {  	s19 =	spop (v2sf);
	v5 =	vld [tilespmem:s16+$0x10400]  }
0x113: {  	v8 =	vld [tilespmem:s19+$0x10400]  }
0x114: {  	v7 =	vmul.f32 $8.000000000e+00, v7  }
0x115: {  	v3 =	vmul.f32 $8.000000000e+00, v3  }
0x116: {  	v9 =	vld [tilespmem:s15+$0x410];
	v6 =	vmul.f32 $8.000000000e+00, v6;
	v2 =	vadd.f32 v2, v7  }
0x117: {  	v7 =	vld [tilespmem:s11+$0x310];
	v3 =	vadd.f32 v5, v3  }
0x118: {  	v5 =	vld [tilespmem:s12+$0x210];
	v6 =	vadd.f32 v8, v6;
	[tilespmem:s15+$0x4400] =	vst v2  }
0x119: {  	[tilespmem:s11+$0x4300] =	vst v3;
	v2 =	vld [tilespmem:s14+$0x10410]  }
0x11a: {  	[tilespmem:s12+$0x4200] =	vst v6;
	v3 =	vld [tilespmem:s16+$0x10410]  }
0x11b: {  	v6 =	vld [tilespmem:s19+$0x10410]  }
0x11c: {  	v8 =	vmul.f32 $8.000000000e+00, v9  }
0x11d: {  	v7 =	vmul.f32 $8.000000000e+00, v7  }
0x11e: {  	v9 =	vld [tilespmem:s15+$0x420];
	v5 =	vmul.f32 $8.000000000e+00, v5;
	v2 =	vadd.f32 v2, v8  }
0x11f: {  	v8 =	vld [tilespmem:s11+$0x320];
	v3 =	vadd.f32 v3, v7  }
0x120: {  	v7 =	vld [tilespmem:s12+$0x220];
	v5 =	vadd.f32 v6, v5;
	[tilespmem:s15+$0x4410] =	vst v2  }
0x121: {  	(v2sf) =	vpush v4, $0x9;
	[tilespmem:s11+$0x4310] =	vst v3;
	v2 =	vld [tilespmem:s14+$0x10420]  }
0x122: {  	(v2sf) =	vpush v0, $0x5;
	[tilespmem:s12+$0x4210] =	vst v5;
	v3 =	vld [tilespmem:s16+$0x10420]  }
0x123: {  	(v2sf) =	vpush v1, $0x1;
	v5 =	vld [tilespmem:s19+$0x10420]  }
0x124: {  	v6 =	vmul.f32 $8.000000000e+00, v9  }
0x125: {  	v8 =	vmul.f32 $8.000000000e+00, v8  }
0x126: {  	v9 =	vld [tilespmem:s15+$0x430];
	v7 =	vmul.f32 $8.000000000e+00, v7;
	v2 =	vadd.f32 v2, v6  }
0x127: {  	v6 =	vld [tilespmem:s11+$0x330];
	v3 =	vadd.f32 v3, v8  }
0x128: {  	v8 =	vld [tilespmem:s12+$0x230];
	v5 =	vadd.f32 v5, v7;
	[tilespmem:s15+$0x4420] =	vst v2  }
0x129: {  	[tilespmem:s11+$0x4320] =	vst v3;
	v2 =	vld [tilespmem:s14+$0x10430]  }
0x12a: {  	[tilespmem:s12+$0x4220] =	vst v5;
	v3 =	vld [tilespmem:s16+$0x10430]  }
0x12b: {  	v5 =	vld [tilespmem:s19+$0x10430]  }
0x12c: {  	v7 =	vmul.f32 $8.000000000e+00, v9  }
0x12d: {  	v6 =	vmul.f32 $8.000000000e+00, v6  }
0x12e: {  	v9 =	vld [tilespmem:s15+$0x440];
	v8 =	vmul.f32 $8.000000000e+00, v8;
	v2 =	vadd.f32 v2, v7  }
0x12f: {  	v7 =	vld [tilespmem:s11+$0x340];
	v3 =	vadd.f32 v3, v6  }
0x130: {  	s20 =	spop (v2sf);
	v6 =	vld [tilespmem:s12+$0x240];
	v5 =	vadd.f32 v5, v8;
	[tilespmem:s15+$0x4430] =	vst v2  }
0x131: {  	s21 =	spop (v2sf);
	[tilespmem:s11+$0x4330] =	vst v3;
	v2 =	vld [tilespmem:s20+$0x10400]  }
0x132: {  	s22 =	spop (v2sf);
	[tilespmem:s12+$0x4230] =	vst v5;
	v3 =	vld [tilespmem:s21+$0x10400]  }
0x133: {  	v5 =	vld [tilespmem:s22+$0x10400]  }
0x134: {  	v8 =	vmul.f32 $8.000000000e+00, v9  }
0x135: {  	v7 =	vmul.f32 $8.000000000e+00, v7  }
0x136: {  	v9 =	vld [tilespmem:s15+$0x450];
	v6 =	vmul.f32 $8.000000000e+00, v6;
	v2 =	vadd.f32 v2, v8  }
0x137: {  	v8 =	vld [tilespmem:s11+$0x350];
	v3 =	vadd.f32 v3, v7  }
0x138: {  	v7 =	vld [tilespmem:s12+$0x250];
	v5 =	vadd.f32 v5, v6;
	[tilespmem:s15+$0x4440] =	vst v2  }
0x139: {  	[tilespmem:s11+$0x4340] =	vst v3;
	v2 =	vld [tilespmem:s20+$0x10410]  }
0x13a: {  	[tilespmem:s12+$0x4240] =	vst v5;
	v3 =	vld [tilespmem:s21+$0x10410]  }
0x13b: {  	v5 =	vld [tilespmem:s22+$0x10410]  }
0x13c: {  	v6 =	vmul.f32 $8.000000000e+00, v9  }
0x13d: {  	v8 =	vmul.f32 $8.000000000e+00, v8  }
0x13e: {  	v9 =	vld [tilespmem:s15+$0x460];
	v7 =	vmul.f32 $8.000000000e+00, v7;
	v2 =	vadd.f32 v2, v6  }
0x13f: {  	v6 =	vld [tilespmem:s11+$0x360];
	v3 =	vadd.f32 v3, v8  }
0x140: {  	v8 =	vld [tilespmem:s12+$0x260];
	v5 =	vadd.f32 v5, v7;
	[tilespmem:s15+$0x4450] =	vst v2  }
0x141: {  	(v2sf) =	vpush v4, $0xA;
	[tilespmem:s11+$0x4350] =	vst v3;
	v2 =	vld [tilespmem:s20+$0x10420]  }
0x142: {  	(v2sf) =	vpush v0, $0x6;
	[tilespmem:s12+$0x4250] =	vst v5;
	v3 =	vld [tilespmem:s21+$0x10420]  }
0x143: {  	(v2sf) =	vpush v1, $0x2;
	v5 =	vld [tilespmem:s22+$0x10420]  }
0x144: {  	v7 =	vmul.f32 $8.000000000e+00, v9  }
0x145: {  	v6 =	vmul.f32 $8.000000000e+00, v6  }
0x146: {  	v9 =	vld [tilespmem:s15+$0x470];
	v8 =	vmul.f32 $8.000000000e+00, v8;
	v2 =	vadd.f32 v2, v7  }
0x147: {  	v7 =	vld [tilespmem:s11+$0x370];
	v3 =	vadd.f32 v3, v6  }
0x148: {  	v6 =	vld [tilespmem:s12+$0x270];
	v5 =	vadd.f32 v5, v8;
	[tilespmem:s15+$0x4460] =	vst v2  }
0x149: {  	[tilespmem:s11+$0x4360] =	vst v3;
	v2 =	vld [tilespmem:s20+$0x10430]  }
0x14a: {  	[tilespmem:s12+$0x4260] =	vst v5;
	v3 =	vld [tilespmem:s21+$0x10430]  }
0x14b: {  	v5 =	vld [tilespmem:s22+$0x10430]  }
0x14c: {  	v8 =	vmul.f32 $8.000000000e+00, v9  }
0x14d: {  	v7 =	vmul.f32 $8.000000000e+00, v7  }
0x14e: {  	v9 =	vld [tilespmem:s15+$0x480];
	v6 =	vmul.f32 $8.000000000e+00, v6;
	v2 =	vadd.f32 v2, v8  }
0x14f: {  	v8 =	vld [tilespmem:s11+$0x380];
	v3 =	vadd.f32 v3, v7  }
0x150: {  	s24 =	spop (v2sf);
	v7 =	vld [tilespmem:s12+$0x280];
	v5 =	vadd.f32 v5, v6;
	[tilespmem:s15+$0x4470] =	vst v2  }
0x151: {  	s25 =	spop (v2sf);
	[tilespmem:s11+$0x4370] =	vst v3;
	v2 =	vld [tilespmem:s24+$0x10400]  }
0x152: {  	s26 =	spop (v2sf);
	[tilespmem:s12+$0x4270] =	vst v5;
	v3 =	vld [tilespmem:s25+$0x10400]  }
0x153: {  	v5 =	vld [tilespmem:s26+$0x10400]  }
0x154: {  	v6 =	vmul.f32 $8.000000000e+00, v9  }
0x155: {  	v8 =	vmul.f32 $8.000000000e+00, v8  }
0x156: {  	v9 =	vld [tilespmem:s15+$0x490];
	v7 =	vmul.f32 $8.000000000e+00, v7;
	v2 =	vadd.f32 v2, v6  }
0x157: {  	v6 =	vld [tilespmem:s11+$0x390];
	v3 =	vadd.f32 v3, v8  }
0x158: {  	v8 =	vld [tilespmem:s12+$0x290];
	v5 =	vadd.f32 v5, v7;
	[tilespmem:s15+$0x4480] =	vst v2  }
0x159: {  	[tilespmem:s11+$0x4380] =	vst v3;
	v2 =	vld [tilespmem:s24+$0x10410]  }
0x15a: {  	[tilespmem:s12+$0x4280] =	vst v5;
	v3 =	vld [tilespmem:s25+$0x10410]  }
0x15b: {  	v5 =	vld [tilespmem:s26+$0x10410]  }
0x15c: {  	v7 =	vmul.f32 $8.000000000e+00, v9  }
0x15d: {  	v6 =	vmul.f32 $8.000000000e+00, v6  }
0x15e: {  	v9 =	vld [tilespmem:s15+$0x4A0];
	v8 =	vmul.f32 $8.000000000e+00, v8;
	v2 =	vadd.f32 v2, v7  }
0x15f: {  	v7 =	vld [tilespmem:s11+$0x3A0];
	v3 =	vadd.f32 v3, v6  }
0x160: {  	v6 =	vld [tilespmem:s12+$0x2A0];
	v5 =	vadd.f32 v5, v8;
	[tilespmem:s15+$0x4490] =	vst v2  }
0x161: {  	(v2sf) =	vpush v4, $0xB;
	[tilespmem:s11+$0x4390] =	vst v3;
	v2 =	vld [tilespmem:s24+$0x10420]  }
0x162: {  	(v2sf) =	vpush v0, $0x7;
	[tilespmem:s12+$0x4290] =	vst v5;
	v3 =	vld [tilespmem:s25+$0x10420]  }
0x163: {  	(v2sf) =	vpush v1, $0x3;
	v5 =	vld [tilespmem:s26+$0x10420]  }
0x164: {  	v8 =	vmul.f32 $8.000000000e+00, v9  }
0x165: {  	v7 =	vmul.f32 $8.000000000e+00, v7  }
0x166: {  	v9 =	vld [tilespmem:s15+$0x4B0];
	v6 =	vmul.f32 $8.000000000e+00, v6;
	v2 =	vadd.f32 v2, v8  }
0x167: {  	v8 =	vld [tilespmem:s11+$0x3B0];
	v3 =	vadd.f32 v3, v7  }
0x168: {  	v7 =	vld [tilespmem:s12+$0x2B0];
	v5 =	vadd.f32 v5, v6;
	[tilespmem:s15+$0x44A0] =	vst v2  }
0x169: {  	[tilespmem:s11+$0x43A0] =	vst v3;
	v2 =	vld [tilespmem:s24+$0x10430]  }
0x16a: {  	[tilespmem:s12+$0x42A0] =	vst v5;
	v3 =	vld [tilespmem:s25+$0x10430]  }
0x16b: {  	v5 =	vld [tilespmem:s26+$0x10430]  }
0x16c: {  	v6 =	vmul.f32 $8.000000000e+00, v9  }
0x16d: {  	v8 =	vmul.f32 $8.000000000e+00, v8  }
0x16e: {  	v9 =	vld [tilespmem:s15+$0x4C0];
	v7 =	vmul.f32 $8.000000000e+00, v7;
	v2 =	vadd.f32 v2, v6  }
0x16f: {  	v6 =	vld [tilespmem:s11+$0x3C0];
	v3 =	vadd.f32 v3, v8  }
0x170: {  	s29 =	spop (v2sf);
	v8 =	vld [tilespmem:s12+$0x2C0];
	v5 =	vadd.f32 v5, v7;
	[tilespmem:s15+$0x44B0] =	vst v2  }
0x171: {  	s30 =	spop (v2sf);
	[tilespmem:s11+$0x43B0] =	vst v3;
	v2 =	vld [tilespmem:s29+$0x10400]  }
0x172: {  	s3 =	spop (v2sf);
	[tilespmem:s12+$0x42B0] =	vst v5;
	v3 =	vld [tilespmem:s30+$0x10400]  }
0x173: {  	v5 =	vld [tilespmem:s3+$0x10400]  }
0x174: {  	v7 =	vmul.f32 $8.000000000e+00, v9  }
0x175: {  	v6 =	vmul.f32 $8.000000000e+00, v6  }
0x176: {  	v9 =	vld [tilespmem:s15+$0x4D0];
	v8 =	vmul.f32 $8.000000000e+00, v8;
	v2 =	vadd.f32 v2, v7  }
0x177: {  	v7 =	vld [tilespmem:s11+$0x3D0];
	v3 =	vadd.f32 v3, v6  }
0x178: {  	v6 =	vld [tilespmem:s12+$0x2D0];
	v5 =	vadd.f32 v5, v8;
	[tilespmem:s15+$0x44C0] =	vst v2  }
0x179: {  	[tilespmem:s11+$0x43C0] =	vst v3;
	v2 =	vld [tilespmem:s29+$0x10410]  }
0x17a: {  	[tilespmem:s12+$0x42C0] =	vst v5;
	v3 =	vld [tilespmem:s30+$0x10410]  }
0x17b: {  	v5 =	vld [tilespmem:s3+$0x10410]  }
0x17c: {  	s8 =	simm.s32 $0x130;
	v8 =	vmul.f32 $8.000000000e+00, v9  }
0x17d: {  	v9 =	vld [tilespmem:s8+$0x0];
	v7 =	vmul.f32 $8.000000000e+00, v7  }
0x17e: {  	v10 =	vld [tilespmem:s15+$0x4E0];
	v6 =	vmul.f32 $8.000000000e+00, v6;
	v2 =	vadd.f32 v2, v8  }
0x17f: {  	v8 =	vld [tilespmem:s11+$0x3E0];
	v3 =	vadd.f32 v3, v7  }
0x180: {  	v7 =	vld [tilespmem:s12+$0x2E0];
	v5 =	vadd.f32 v5, v6;
	[tilespmem:s15+$0x44D0] =	vst v2  }
0x181: {  	(v2sf) =	vpush v4, $0xC;
	[tilespmem:s11+$0x43D0] =	vst v3;
	v3 =	vld [tilespmem:s29+$0x10420]  }
0x182: {  	(v2sf) =	vpush v0, $0x8;
	v2 =	vshll.u32 v9, $0x8;
	[tilespmem:s12+$0x42D0] =	vst v5;
	v5 =	vld [tilespmem:s30+$0x10420]  }
0x183: {  	(v2sf) =	vpush v1, $0x4;
	v2 =	vshra.s32 v2, $0x2;
	v6 =	vld [tilespmem:s3+$0x10420]  }
0x184: {  	v9 =	vmul.f32 $8.000000000e+00, v10;
	(v2sf) =	vpush v2, $0x0  }
0x185: {  	v8 =	vmul.f32 $8.000000000e+00, v8  }
0x186: {  	v10 =	vld [tilespmem:s15+$0x4F0];
	v7 =	vmul.f32 $8.000000000e+00, v7;
	v3 =	vadd.f32 v3, v9  }
0x187: {  	v9 =	vld [tilespmem:s11+$0x3F0];
	v5 =	vadd.f32 v5, v8  }
0x188: {  	v8 =	vld [tilespmem:s12+$0x2F0];
	v6 =	vadd.f32 v6, v7;
	[tilespmem:s15+$0x44E0] =	vst v3  }
0x189: {  	[tilespmem:s11+$0x43E0] =	vst v5;
	v5 =	vld [tilespmem:s29+$0x10430]  }
0x18a: {  	[tilespmem:s12+$0x42E0] =	vst v6;
	v6 =	vld [tilespmem:s30+$0x10430]  }
0x18b: {  	v7 =	vld [tilespmem:s3+$0x10430]  }
0x18c: {  	v11 =	vld [tilespmem:s15+$0x500];
	v10 =	vmul.f32 $8.000000000e+00, v10  }
0x18d: {  	v12 =	vld [tilespmem:s11+$0x400];
	v9 =	vmul.f32 $8.000000000e+00, v9  }
0x18e: {  	v13 =	vld [tilespmem:s15+$0x510];
	v8 =	vmul.f32 $8.000000000e+00, v8;
	v5 =	vadd.f32 v5, v10  }
0x18f: {  	s13 =	simm.s32 $0xC00;
	v10 =	vld [tilespmem:s12+$0x300];
	v6 =	vadd.f32 v6, v9  }
0x190: {  	s8 =	spop (v2sf);
	v9 =	vld [tilespmem:s13+$0x200];
	v7 =	vadd.f32 v7, v8;
	[tilespmem:s15+$0x44F0] =	vst v5  }
0x191: {  	s10 =	spop (v2sf);
	[tilespmem:s11+$0x43F0] =	vst v6;
	v5 =	vld [tilespmem:s8+$0x10400]  }
0x192: {  	s14 =	spop (v2sf);
	[tilespmem:s12+$0x42F0] =	vst v7;
	v6 =	vld [tilespmem:s10+$0x10400]  }
0x193: {  	s16 =	spop (v2sf);
	v7 =	vld [tilespmem:s14+$0x10400]  }
0x194: {  	v11 =	vmul.f32 $8.000000000e+00, v11;
	v8 =	vld [tilespmem:s16+$0x10400]  }
0x195: {  	v12 =	vmul.f32 $8.000000000e+00, v12;
	v14 =	vld [tilespmem:s11+$0x410]  }
0x196: {  	v3 =	vld [tilespmem:s15+$0x5E0];
	v10 =	vmul.f32 $8.000000000e+00, v10;
	v5 =	vadd.f32 v5, v11  }
0x197: {  	v9 =	vmul.f32 $8.000000000e+00, v9;
	v11 =	vld [tilespmem:s12+$0x310];
	v6 =	vadd.f32 v6, v12  }
0x198: {  	v12 =	vld [tilespmem:s13+$0x210];
	v7 =	vadd.f32 v7, v10;
	[tilespmem:s15+$0x4500] =	vst v5  }
0x199: {  	v5 =	vadd.f32 v8, v9;
	[tilespmem:s11+$0x4400] =	vst v6;
	v6 =	vld [tilespmem:s8+$0x10410]  }
0x19a: {  	[tilespmem:s12+$0x4300] =	vst v7;
	v7 =	vld [tilespmem:s10+$0x10410]  }
0x19b: {  	[tilespmem:s13+$0x4200] =	vst v5;
	v5 =	vld [tilespmem:s14+$0x10410]  }
0x19c: {  	v9 =	vmul.f32 $8.000000000e+00, v13;
	v8 =	vld [tilespmem:s16+$0x10410]  }
0x19d: {  	v10 =	vmul.f32 $8.000000000e+00, v14;
	v14 =	vld [tilespmem:s11+$0x420]  }
0x19e: {  	v13 =	vld [tilespmem:s15+$0x520];
	v11 =	vmul.f32 $8.000000000e+00, v11;
	v6 =	vadd.f32 v6, v9  }
0x19f: {  	v9 =	vmul.f32 $8.000000000e+00, v12;
	v12 =	vld [tilespmem:s12+$0x320];
	v7 =	vadd.f32 v7, v10  }
0x1a0: {  	v10 =	vld [tilespmem:s13+$0x220];
	v5 =	vadd.f32 v5, v11;
	[tilespmem:s15+$0x4510] =	vst v6  }
0x1a1: {  	(v2sf) =	vpush v4, $0xD;
	v6 =	vadd.f32 v8, v9;
	[tilespmem:s11+$0x4410] =	vst v7;
	v7 =	vld [tilespmem:s8+$0x10420]  }
0x1a2: {  	(v2sf) =	vpush v0, $0x9;
	[tilespmem:s12+$0x4310] =	vst v5;
	v5 =	vld [tilespmem:s10+$0x10420]  }
0x1a3: {  	(v2sf) =	vpush v1, $0x5;
	[tilespmem:s13+$0x4210] =	vst v6;
	v6 =	vld [tilespmem:s14+$0x10420]  }
0x1a4: {  	(v2sf) =	vpush v2, $0x1;
	v9 =	vmul.f32 $8.000000000e+00, v13;
	v8 =	vld [tilespmem:s16+$0x10420]  }
0x1a5: {  	v11 =	vmul.f32 $8.000000000e+00, v14;
	v14 =	vld [tilespmem:s11+$0x430]  }
0x1a6: {  	v13 =	vld [tilespmem:s15+$0x530];
	v12 =	vmul.f32 $8.000000000e+00, v12;
	v7 =	vadd.f32 v7, v9  }
0x1a7: {  	v9 =	vmul.f32 $8.000000000e+00, v10;
	v10 =	vld [tilespmem:s12+$0x330];
	v5 =	vadd.f32 v5, v11  }
0x1a8: {  	v11 =	vld [tilespmem:s13+$0x230];
	v6 =	vadd.f32 v6, v12;
	[tilespmem:s15+$0x4520] =	vst v7  }
0x1a9: {  	v7 =	vadd.f32 v8, v9;
	[tilespmem:s11+$0x4420] =	vst v5;
	v5 =	vld [tilespmem:s8+$0x10430]  }
0x1aa: {  	[tilespmem:s12+$0x4320] =	vst v6;
	v6 =	vld [tilespmem:s10+$0x10430]  }
0x1ab: {  	[tilespmem:s13+$0x4220] =	vst v7;
	v7 =	vld [tilespmem:s14+$0x10430]  }
0x1ac: {  	v9 =	vmul.f32 $8.000000000e+00, v13;
	v8 =	vld [tilespmem:s16+$0x10430]  }
0x1ad: {  	v12 =	vmul.f32 $8.000000000e+00, v14;
	v14 =	vld [tilespmem:s11+$0x440]  }
0x1ae: {  	v13 =	vld [tilespmem:s15+$0x540];
	v10 =	vmul.f32 $8.000000000e+00, v10;
	v5 =	vadd.f32 v5, v9  }
0x1af: {  	v9 =	vmul.f32 $8.000000000e+00, v11;
	v11 =	vld [tilespmem:s12+$0x340];
	v6 =	vadd.f32 v6, v12  }
0x1b0: {  	s19 =	spop (v2sf);
	v12 =	vld [tilespmem:s13+$0x240];
	v7 =	vadd.f32 v7, v10;
	[tilespmem:s15+$0x4530] =	vst v5  }
0x1b1: {  	s20 =	spop (v2sf);
	v5 =	vadd.f32 v8, v9;
	[tilespmem:s11+$0x4430] =	vst v6;
	v6 =	vld [tilespmem:s19+$0x10400]  }
0x1b2: {  	s21 =	spop (v2sf);
	[tilespmem:s12+$0x4330] =	vst v7;
	v7 =	vld [tilespmem:s20+$0x10400]  }
0x1b3: {  	s22 =	spop (v2sf);
	[tilespmem:s13+$0x4230] =	vst v5;
	v5 =	vld [tilespmem:s21+$0x10400]  }
0x1b4: {  	v9 =	vmul.f32 $8.000000000e+00, v13;
	v8 =	vld [tilespmem:s22+$0x10400]  }
0x1b5: {  	v10 =	vmul.f32 $8.000000000e+00, v14;
	v14 =	vld [tilespmem:s11+$0x450]  }
0x1b6: {  	v13 =	vld [tilespmem:s15+$0x550];
	v11 =	vmul.f32 $8.000000000e+00, v11;
	v6 =	vadd.f32 v6, v9  }
0x1b7: {  	v9 =	vmul.f32 $8.000000000e+00, v12;
	v12 =	vld [tilespmem:s12+$0x350];
	v7 =	vadd.f32 v7, v10  }
0x1b8: {  	v10 =	vld [tilespmem:s13+$0x250];
	v5 =	vadd.f32 v5, v11;
	[tilespmem:s15+$0x4540] =	vst v6  }
0x1b9: {  	v6 =	vadd.f32 v8, v9;
	[tilespmem:s11+$0x4440] =	vst v7;
	v7 =	vld [tilespmem:s19+$0x10410]  }
0x1ba: {  	[tilespmem:s12+$0x4340] =	vst v5;
	v5 =	vld [tilespmem:s20+$0x10410]  }
0x1bb: {  	[tilespmem:s13+$0x4240] =	vst v6;
	v6 =	vld [tilespmem:s21+$0x10410]  }
0x1bc: {  	v9 =	vmul.f32 $8.000000000e+00, v13;
	v8 =	vld [tilespmem:s22+$0x10410]  }
0x1bd: {  	v11 =	vmul.f32 $8.000000000e+00, v14;
	v14 =	vld [tilespmem:s11+$0x460]  }
0x1be: {  	v13 =	vld [tilespmem:s15+$0x560];
	v12 =	vmul.f32 $8.000000000e+00, v12;
	v7 =	vadd.f32 v7, v9  }
0x1bf: {  	v9 =	vmul.f32 $8.000000000e+00, v10;
	v10 =	vld [tilespmem:s12+$0x360];
	v5 =	vadd.f32 v5, v11  }
0x1c0: {  	v11 =	vld [tilespmem:s13+$0x260];
	v6 =	vadd.f32 v6, v12;
	[tilespmem:s15+$0x4550] =	vst v7  }
0x1c1: {  	(v2sf) =	vpush v4, $0xE;
	v7 =	vadd.f32 v8, v9;
	[tilespmem:s11+$0x4450] =	vst v5;
	v5 =	vld [tilespmem:s19+$0x10420]  }
0x1c2: {  	(v2sf) =	vpush v0, $0xA;
	[tilespmem:s12+$0x4350] =	vst v6;
	v6 =	vld [tilespmem:s20+$0x10420]  }
0x1c3: {  	(v2sf) =	vpush v1, $0x6;
	[tilespmem:s13+$0x4250] =	vst v7;
	v7 =	vld [tilespmem:s21+$0x10420]  }
0x1c4: {  	(v2sf) =	vpush v2, $0x2;
	v9 =	vmul.f32 $8.000000000e+00, v13;
	v8 =	vld [tilespmem:s22+$0x10420]  }
0x1c5: {  	v12 =	vmul.f32 $8.000000000e+00, v14;
	v14 =	vld [tilespmem:s11+$0x470]  }
0x1c6: {  	v13 =	vld [tilespmem:s15+$0x570];
	v10 =	vmul.f32 $8.000000000e+00, v10;
	v5 =	vadd.f32 v5, v9  }
0x1c7: {  	v9 =	vmul.f32 $8.000000000e+00, v11;
	v11 =	vld [tilespmem:s12+$0x370];
	v6 =	vadd.f32 v6, v12  }
0x1c8: {  	v12 =	vld [tilespmem:s13+$0x270];
	v7 =	vadd.f32 v7, v10;
	[tilespmem:s15+$0x4560] =	vst v5  }
0x1c9: {  	v5 =	vadd.f32 v8, v9;
	[tilespmem:s11+$0x4460] =	vst v6;
	v6 =	vld [tilespmem:s19+$0x10430]  }
0x1ca: {  	[tilespmem:s12+$0x4360] =	vst v7;
	v7 =	vld [tilespmem:s20+$0x10430]  }
0x1cb: {  	[tilespmem:s13+$0x4260] =	vst v5;
	v5 =	vld [tilespmem:s21+$0x10430]  }
0x1cc: {  	v9 =	vmul.f32 $8.000000000e+00, v13;
	v8 =	vld [tilespmem:s22+$0x10430]  }
0x1cd: {  	v10 =	vmul.f32 $8.000000000e+00, v14;
	v14 =	vld [tilespmem:s11+$0x480]  }
0x1ce: {  	v13 =	vld [tilespmem:s15+$0x580];
	v11 =	vmul.f32 $8.000000000e+00, v11;
	v6 =	vadd.f32 v6, v9  }
0x1cf: {  	v9 =	vmul.f32 $8.000000000e+00, v12;
	v12 =	vld [tilespmem:s12+$0x380];
	v7 =	vadd.f32 v7, v10  }
0x1d0: {  	s24 =	spop (v2sf);
	v10 =	vld [tilespmem:s13+$0x280];
	v5 =	vadd.f32 v5, v11;
	[tilespmem:s15+$0x4570] =	vst v6  }
0x1d1: {  	s25 =	spop (v2sf);
	v6 =	vadd.f32 v8, v9;
	[tilespmem:s11+$0x4470] =	vst v7;
	v7 =	vld [tilespmem:s24+$0x10400]  }
0x1d2: {  	s26 =	spop (v2sf);
	[tilespmem:s12+$0x4370] =	vst v5;
	v5 =	vld [tilespmem:s25+$0x10400]  }
0x1d3: {  	s29 =	spop (v2sf);
	[tilespmem:s13+$0x4270] =	vst v6;
	v6 =	vld [tilespmem:s26+$0x10400]  }
0x1d4: {  	v9 =	vmul.f32 $8.000000000e+00, v13;
	v8 =	vld [tilespmem:s29+$0x10400]  }
0x1d5: {  	v11 =	vmul.f32 $8.000000000e+00, v14;
	v14 =	vld [tilespmem:s11+$0x490]  }
0x1d6: {  	v13 =	vld [tilespmem:s15+$0x590];
	v12 =	vmul.f32 $8.000000000e+00, v12;
	v7 =	vadd.f32 v7, v9  }
0x1d7: {  	v9 =	vmul.f32 $8.000000000e+00, v10;
	v10 =	vld [tilespmem:s12+$0x390];
	v5 =	vadd.f32 v5, v11  }
0x1d8: {  	v11 =	vld [tilespmem:s13+$0x290];
	v6 =	vadd.f32 v6, v12;
	[tilespmem:s15+$0x4580] =	vst v7  }
0x1d9: {  	v7 =	vadd.f32 v8, v9;
	[tilespmem:s11+$0x4480] =	vst v5;
	v5 =	vld [tilespmem:s24+$0x10410]  }
0x1da: {  	[tilespmem:s12+$0x4380] =	vst v6;
	v6 =	vld [tilespmem:s25+$0x10410]  }
0x1db: {  	[tilespmem:s13+$0x4280] =	vst v7;
	v7 =	vld [tilespmem:s26+$0x10410]  }
0x1dc: {  	v9 =	vmul.f32 $8.000000000e+00, v13;
	v8 =	vld [tilespmem:s29+$0x10410]  }
0x1dd: {  	v12 =	vmul.f32 $8.000000000e+00, v14;
	v14 =	vld [tilespmem:s11+$0x4A0]  }
0x1de: {  	v13 =	vld [tilespmem:s15+$0x5A0];
	v10 =	vmul.f32 $8.000000000e+00, v10;
	v5 =	vadd.f32 v5, v9  }
0x1df: {  	v9 =	vmul.f32 $8.000000000e+00, v11;
	v11 =	vld [tilespmem:s12+$0x3A0];
	v6 =	vadd.f32 v6, v12  }
0x1e0: {  	v12 =	vld [tilespmem:s13+$0x2A0];
	v7 =	vadd.f32 v7, v10;
	[tilespmem:s15+$0x4590] =	vst v5  }
0x1e1: {  	(v2sf) =	vpush v4, $0xF;
	v5 =	vadd.f32 v8, v9;
	[tilespmem:s11+$0x4490] =	vst v6;
	v6 =	vld [tilespmem:s24+$0x10420]  }
0x1e2: {  	(v2sf) =	vpush v0, $0xB;
	[tilespmem:s12+$0x4390] =	vst v7;
	v4 =	vld [tilespmem:s25+$0x10420]  }
0x1e3: {  	(v2sf) =	vpush v1, $0x7;
	[tilespmem:s13+$0x4290] =	vst v5;
	v5 =	vld [tilespmem:s26+$0x10420]  }
0x1e4: {  	(v2sf) =	vpush v2, $0x3;
	v8 =	vmul.f32 $8.000000000e+00, v13;
	v7 =	vld [tilespmem:s29+$0x10420]  }
0x1e5: {  	v10 =	vld [tilespmem:s15+$0x5B0];
	v9 =	vmul.f32 $8.000000000e+00, v14  }
0x1e6: {  	v13 =	vld [tilespmem:s11+$0x4B0];
	v11 =	vmul.f32 $8.000000000e+00, v11;
	v6 =	vadd.f32 v6, v8  }
0x1e7: {  	v8 =	vmul.f32 $8.000000000e+00, v12;
	v12 =	vld [tilespmem:s12+$0x3B0];
	v4 =	vadd.f32 v4, v9  }
0x1e8: {  	v9 =	vld [tilespmem:s13+$0x2B0];
	v5 =	vadd.f32 v5, v11;
	[tilespmem:s15+$0x45A0] =	vst v6  }
0x1e9: {  	v6 =	vadd.f32 v7, v8;
	[tilespmem:s11+$0x44A0] =	vst v4;
	v4 =	vld [tilespmem:s24+$0x10430]  }
0x1ea: {  	[tilespmem:s12+$0x43A0] =	vst v5;
	v5 =	vld [tilespmem:s25+$0x10430]  }
0x1eb: {  	[tilespmem:s13+$0x42A0] =	vst v6;
	v6 =	vld [tilespmem:s26+$0x10430]  }
0x1ec: {  	v8 =	vmul.f32 $8.000000000e+00, v10;
	v7 =	vld [tilespmem:s29+$0x10430]  }
0x1ed: {  	v11 =	vld [tilespmem:s15+$0x5C0];
	v10 =	vmul.f32 $8.000000000e+00, v13  }
0x1ee: {  	v13 =	vld [tilespmem:s11+$0x4C0];
	v12 =	vmul.f32 $8.000000000e+00, v12;
	v4 =	vadd.f32 v4, v8  }
0x1ef: {  	v8 =	vmul.f32 $8.000000000e+00, v9;
	v9 =	vld [tilespmem:s12+$0x3C0];
	v5 =	vadd.f32 v5, v10  }
0x1f0: {  	s0 =	spop (v2sf);
	v10 =	vld [tilespmem:s13+$0x2C0];
	v6 =	vadd.f32 v6, v12;
	[tilespmem:s15+$0x45B0] =	vst v4  }
0x1f1: {  	s8 =	spop (v2sf);
	v4 =	vadd.f32 v7, v8;
	[tilespmem:s11+$0x44B0] =	vst v5;
	v5 =	vld [tilespmem:s0+$0x10400]  }
0x1f2: {  	s16 =	spop (v2sf);
	[tilespmem:s12+$0x43B0] =	vst v6;
	v6 =	vld [tilespmem:s8+$0x10400]  }
0x1f3: {  	s19 =	spop (v2sf);
	[tilespmem:s13+$0x42B0] =	vst v4;
	v7 =	vld [tilespmem:s16+$0x10400]  }
0x1f4: {  	v4 =	vmul.f32 $8.000000000e+00, v11;
	v8 =	vld [tilespmem:s19+$0x10400]  }
0x1f5: {  	v14 =	vld [tilespmem:s12+$0x3D0];
	v11 =	vmul.f32 $8.000000000e+00, v13  }
0x1f6: {  	v12 =	vld [tilespmem:s15+$0x5D0];
	v9 =	vmul.f32 $8.000000000e+00, v9;
	v5 =	vadd.f32 v5, v4  }
0x1f7: {  	v13 =	vld [tilespmem:s11+$0x4D0];
	v10 =	vmul.f32 $8.000000000e+00, v10;
	v6 =	vadd.f32 v6, v11  }
0x1f8: {  	v4 =	vld [tilespmem:s13+$0x2D0];
	v7 =	vadd.f32 v7, v9;
	[tilespmem:s15+$0x45C0] =	vst v5  }
0x1f9: {  	v5 =	vadd.f32 v8, v10;
	[tilespmem:s11+$0x44C0] =	vst v6;
	v15 =	vld [tilespmem:s0+$0x10410]  }
0x1fa: {  	[tilespmem:s12+$0x43C0] =	vst v7;
	v8 =	vld [tilespmem:s8+$0x10410]  }
0x1fb: {  	[tilespmem:s13+$0x42C0] =	vst v5;
	v9 =	vld [tilespmem:s16+$0x10410]  }
0x1fc: {  	s7 =	simm.s32 $0x140;
	v12 =	vmul.f32 $8.000000000e+00, v12;
	v6 =	vld [tilespmem:s19+$0x10410]  }
0x1fd: {  	s30 =	sshll.u32 s9, $0x1;
	v10 =	vmul.f32 $8.000000000e+00, v13;
	v7 =	vld [tilespmem:s7+$0x0];
	s3 =	rddreg [dreg:$0x4]  }
0x1fe: {  	s2 =	simm.s32 $0x4000;
	s14 =	simm.s32 $0x5000;
	v11 =	vmul.f32 $8.000000000e+00, v14;
	v5 =	vld [tilespmem:s11+$0x4E0];
	s10 =	sadd.s32 s3, s30;
	v12 =	vadd.f32 v15, v12  }
.LBB2_3:
0x1ff: {  	p1 =	sne.s32 s14, $0xF000;
	v4 =	vmul.f32 $8.000000000e+00, v4;
	v13 =	vld [tilespmem:s12+$0x3E0];
	v8 =	vadd.f32 v8, v10  }
0x200: {  	v10 =	vld [tilespmem:s13+$0x2E0];
	v9 =	vadd.f32 v9, v11;
	[tilespmem:s15+$0x45D0] =	vst v12  }
0x201: {  	v4 =	vadd.f32 v6, v4;
	[tilespmem:s11+$0x44D0] =	vst v8;
	v6 =	vld [tilespmem:s0+$0x10420]  }
0x202: {  	[tilespmem:s12+$0x43D0] =	vst v9;
	v8 =	vld [tilespmem:s8+$0x10420];
	(v2sf) =	vpush v0, $0xC  }
0x203: {  	v7 =	vshll.u32 v7, $0x8;
	[tilespmem:s13+$0x42D0] =	vst v4;
	v9 =	vld [tilespmem:s16+$0x10420];
	(v2sf) =	vpush v1, $0x8  }
0x204: {  	v3 =	vmul.f32 $8.000000000e+00, v3;
	v4 =	vshra.s32 v7, $0x2;
	v7 =	vld [tilespmem:s19+$0x10420];
	(v2sf) =	vpush v2, $0x4  }
0x205: {  	v5 =	vmul.f32 $8.000000000e+00, v5;
	(v2sf) =	vpush v4, $0x0;
	v11 =	vld [tilespmem:s15+$0x5F0]  }
0x206: {  	v12 =	vmul.f32 $8.000000000e+00, v13;
	v13 =	vld [tilespmem:s11+$0x4F0];
	v3 =	vadd.f32 v6, v3  }
0x207: {  	v6 =	vmul.f32 $8.000000000e+00, v10;
	v10 =	vld [tilespmem:s12+$0x3F0];
	v5 =	vadd.f32 v8, v5  }
0x208: {  	v8 =	vld [tilespmem:s13+$0x2F0];
	v9 =	vadd.f32 v9, v12;
	[tilespmem:s15+$0x45E0] =	vst v3  }
0x209: {  	v3 =	vadd.f32 v7, v6;
	[tilespmem:s11+$0x44E0] =	vst v5;
	v5 =	vld [tilespmem:s0+$0x10430]  }
0x20a: {  	[tilespmem:s12+$0x43E0] =	vst v9;
	v6 =	vld [tilespmem:s8+$0x10430]  }
0x20b: {  	[tilespmem:s13+$0x42E0] =	vst v3;
	v7 =	vld [tilespmem:s16+$0x10430]  }
0x20c: {  	v11 =	vmul.f32 $8.000000000e+00, v11;
	v9 =	vld [tilespmem:s19+$0x10430]  }
0x20d: {  	v12 =	vmul.f32 $8.000000000e+00, v13;
	v3 =	vld [tilespmem:s11+$0x5E0]  }
0x20e: {  	v10 =	vmul.f32 $8.000000000e+00, v10;
	v13 =	vld [tilespmem:s11+$0x500];
	v5 =	vadd.f32 v5, v11  }
0x20f: {  	v8 =	vmul.f32 $8.000000000e+00, v8;
	v11 =	vld [tilespmem:s12+$0x400];
	v6 =	vadd.f32 v6, v12  }
0x210: {  	s2 =	sshra.s32 s2, $0x2;
	v12 =	vld [tilespmem:s13+$0x300];
	v7 =	vadd.f32 v7, v10;
	[tilespmem:s15+$0x45F0] =	vst v5;
	s15 =	smov.u32 s11;
	s11 =	smov.u32 s12  }
0x211: {  	s12 =	smov.u32 s13;
	s13 =	smov.u32 s2;
	v5 =	vld [tilespmem:s2+$0x200];
	v8 =	vadd.f32 v9, v8;
	[tilespmem:s15+$0x44F0] =	vst v6;
	s0 =	spop (v2sf)  }
0x212: {  	s2 =	smov.u32 s14;
	[tilespmem:s11+$0x43F0] =	vst v7;
	s8 =	spop (v2sf);
	v6 =	vld [tilespmem:s0+$0x10400]  }
0x213: {  	[tilespmem:s12+$0x42F0] =	vst v8;
	s16 =	spop (v2sf);
	v7 =	vld [tilespmem:s8+$0x10400]  }
0x214: {  	s19 =	spop (v2sf);
	v8 =	vld [tilespmem:s16+$0x10400]  }
0x215: {  	v10 =	vmul.f32 $8.000000000e+00, v13;
	v9 =	vld [tilespmem:s19+$0x10400]  }
0x216: {  	v11 =	vmul.f32 $8.000000000e+00, v11;
	v13 =	vld [tilespmem:s15+$0x510]  }
0x217: {  	v12 =	vmul.f32 $8.000000000e+00, v12;
	v14 =	vld [tilespmem:s11+$0x410];
	v6 =	vadd.f32 v6, v10  }
0x218: {  	v5 =	vmul.f32 $8.000000000e+00, v5;
	v10 =	vld [tilespmem:s12+$0x310];
	v7 =	vadd.f32 v7, v11  }
0x219: {  	v11 =	vld [tilespmem:s13+$0x210];
	v8 =	vadd.f32 v8, v12;
	[tilespmem:s15+$0x4500] =	vst v6  }
0x21a: {  	v5 =	vadd.f32 v9, v5;
	[tilespmem:s11+$0x4400] =	vst v7;
	v6 =	vld [tilespmem:s0+$0x10410]  }
0x21b: {  	[tilespmem:s12+$0x4300] =	vst v8;
	v7 =	vld [tilespmem:s8+$0x10410]  }
0x21c: {  	[tilespmem:s13+$0x4200] =	vst v5;
	v5 =	vld [tilespmem:s16+$0x10410]  }
0x21d: {  	v9 =	vmul.f32 $8.000000000e+00, v13;
	v8 =	vld [tilespmem:s19+$0x10410]  }
0x21e: {  	v12 =	vmul.f32 $8.000000000e+00, v14;
	v13 =	vld [tilespmem:s15+$0x520]  }
0x21f: {  	v10 =	vmul.f32 $8.000000000e+00, v10;
	v14 =	vld [tilespmem:s11+$0x420];
	v6 =	vadd.f32 v6, v9  }
0x220: {  	v9 =	vmul.f32 $8.000000000e+00, v11;
	v11 =	vld [tilespmem:s12+$0x320];
	v7 =	vadd.f32 v7, v12  }
0x221: {  	v12 =	vld [tilespmem:s13+$0x220];
	v5 =	vadd.f32 v5, v10;
	[tilespmem:s15+$0x4510] =	vst v6  }
0x222: {  	v6 =	vadd.f32 v8, v9;
	[tilespmem:s11+$0x4410] =	vst v7;
	v7 =	vld [tilespmem:s0+$0x10420];
	(v2sf) =	vpush v0, $0xD  }
0x223: {  	[tilespmem:s12+$0x4310] =	vst v5;
	v5 =	vld [tilespmem:s8+$0x10420];
	(v2sf) =	vpush v1, $0x9  }
0x224: {  	[tilespmem:s13+$0x4210] =	vst v6;
	v6 =	vld [tilespmem:s16+$0x10420];
	(v2sf) =	vpush v2, $0x5  }
0x225: {  	v9 =	vmul.f32 $8.000000000e+00, v13;
	v8 =	vld [tilespmem:s19+$0x10420];
	(v2sf) =	vpush v4, $0x1  }
0x226: {  	v10 =	vmul.f32 $8.000000000e+00, v14;
	v13 =	vld [tilespmem:s15+$0x530]  }
0x227: {  	v11 =	vmul.f32 $8.000000000e+00, v11;
	v14 =	vld [tilespmem:s11+$0x430];
	v7 =	vadd.f32 v7, v9  }
0x228: {  	v9 =	vmul.f32 $8.000000000e+00, v12;
	v12 =	vld [tilespmem:s12+$0x330];
	v5 =	vadd.f32 v5, v10  }
0x229: {  	v10 =	vld [tilespmem:s13+$0x230];
	v6 =	vadd.f32 v6, v11;
	[tilespmem:s15+$0x4520] =	vst v7  }
0x22a: {  	v7 =	vadd.f32 v8, v9;
	[tilespmem:s11+$0x4420] =	vst v5;
	v5 =	vld [tilespmem:s0+$0x10430]  }
0x22b: {  	[tilespmem:s12+$0x4320] =	vst v6;
	v6 =	vld [tilespmem:s8+$0x10430]  }
0x22c: {  	[tilespmem:s13+$0x4220] =	vst v7;
	v7 =	vld [tilespmem:s16+$0x10430]  }
0x22d: {  	v9 =	vmul.f32 $8.000000000e+00, v13;
	v8 =	vld [tilespmem:s19+$0x10430]  }
0x22e: {  	v11 =	vmul.f32 $8.000000000e+00, v14;
	v13 =	vld [tilespmem:s15+$0x540]  }
0x22f: {  	v12 =	vmul.f32 $8.000000000e+00, v12;
	v14 =	vld [tilespmem:s11+$0x440];
	v5 =	vadd.f32 v5, v9  }
0x230: {  	v9 =	vmul.f32 $8.000000000e+00, v10;
	v10 =	vld [tilespmem:s12+$0x340];
	v6 =	vadd.f32 v6, v11  }
0x231: {  	v11 =	vld [tilespmem:s13+$0x240];
	v7 =	vadd.f32 v7, v12;
	[tilespmem:s15+$0x4530] =	vst v5;
	s0 =	spop (v2sf)  }
0x232: {  	v5 =	vadd.f32 v8, v9;
	[tilespmem:s11+$0x4430] =	vst v6;
	s8 =	spop (v2sf);
	v6 =	vld [tilespmem:s0+$0x10400]  }
0x233: {  	[tilespmem:s12+$0x4330] =	vst v7;
	s16 =	spop (v2sf);
	v7 =	vld [tilespmem:s8+$0x10400]  }
0x234: {  	[tilespmem:s13+$0x4230] =	vst v5;
	s19 =	spop (v2sf);
	v5 =	vld [tilespmem:s16+$0x10400]  }
0x235: {  	v9 =	vmul.f32 $8.000000000e+00, v13;
	v8 =	vld [tilespmem:s19+$0x10400]  }
0x236: {  	v12 =	vmul.f32 $8.000000000e+00, v14;
	v13 =	vld [tilespmem:s15+$0x550]  }
0x237: {  	v10 =	vmul.f32 $8.000000000e+00, v10;
	v14 =	vld [tilespmem:s11+$0x450];
	v6 =	vadd.f32 v6, v9  }
0x238: {  	v9 =	vmul.f32 $8.000000000e+00, v11;
	v11 =	vld [tilespmem:s12+$0x350];
	v7 =	vadd.f32 v7, v12  }
0x239: {  	v12 =	vld [tilespmem:s13+$0x250];
	v5 =	vadd.f32 v5, v10;
	[tilespmem:s15+$0x4540] =	vst v6  }
0x23a: {  	v6 =	vadd.f32 v8, v9;
	[tilespmem:s11+$0x4440] =	vst v7;
	v7 =	vld [tilespmem:s0+$0x10410]  }
0x23b: {  	[tilespmem:s12+$0x4340] =	vst v5;
	v5 =	vld [tilespmem:s8+$0x10410]  }
0x23c: {  	[tilespmem:s13+$0x4240] =	vst v6;
	v6 =	vld [tilespmem:s16+$0x10410]  }
0x23d: {  	v9 =	vmul.f32 $8.000000000e+00, v13;
	v8 =	vld [tilespmem:s19+$0x10410]  }
0x23e: {  	v10 =	vmul.f32 $8.000000000e+00, v14;
	v13 =	vld [tilespmem:s15+$0x560]  }
0x23f: {  	v11 =	vmul.f32 $8.000000000e+00, v11;
	v14 =	vld [tilespmem:s11+$0x460];
	v7 =	vadd.f32 v7, v9  }
0x240: {  	v9 =	vmul.f32 $8.000000000e+00, v12;
	v12 =	vld [tilespmem:s12+$0x360];
	v5 =	vadd.f32 v5, v10  }
0x241: {  	v10 =	vld [tilespmem:s13+$0x260];
	v6 =	vadd.f32 v6, v11;
	[tilespmem:s15+$0x4550] =	vst v7  }
0x242: {  	v7 =	vadd.f32 v8, v9;
	[tilespmem:s11+$0x4450] =	vst v5;
	v5 =	vld [tilespmem:s0+$0x10420];
	(v2sf) =	vpush v0, $0xE  }
0x243: {  	[tilespmem:s12+$0x4350] =	vst v6;
	v6 =	vld [tilespmem:s8+$0x10420];
	(v2sf) =	vpush v1, $0xA  }
0x244: {  	[tilespmem:s13+$0x4250] =	vst v7;
	v7 =	vld [tilespmem:s16+$0x10420];
	(v2sf) =	vpush v2, $0x6  }
0x245: {  	v9 =	vmul.f32 $8.000000000e+00, v13;
	v8 =	vld [tilespmem:s19+$0x10420];
	(v2sf) =	vpush v4, $0x2  }
0x246: {  	v11 =	vmul.f32 $8.000000000e+00, v14;
	v13 =	vld [tilespmem:s15+$0x570]  }
0x247: {  	v12 =	vmul.f32 $8.000000000e+00, v12;
	v14 =	vld [tilespmem:s11+$0x470];
	v5 =	vadd.f32 v5, v9  }
0x248: {  	v9 =	vmul.f32 $8.000000000e+00, v10;
	v10 =	vld [tilespmem:s12+$0x370];
	v6 =	vadd.f32 v6, v11  }
0x249: {  	v11 =	vld [tilespmem:s13+$0x270];
	v7 =	vadd.f32 v7, v12;
	[tilespmem:s15+$0x4560] =	vst v5  }
0x24a: {  	v5 =	vadd.f32 v8, v9;
	[tilespmem:s11+$0x4460] =	vst v6;
	v6 =	vld [tilespmem:s0+$0x10430]  }
0x24b: {  	[tilespmem:s12+$0x4360] =	vst v7;
	v7 =	vld [tilespmem:s8+$0x10430]  }
0x24c: {  	[tilespmem:s13+$0x4260] =	vst v5;
	v5 =	vld [tilespmem:s16+$0x10430]  }
0x24d: {  	v9 =	vmul.f32 $8.000000000e+00, v13;
	v8 =	vld [tilespmem:s19+$0x10430]  }
0x24e: {  	v12 =	vmul.f32 $8.000000000e+00, v14;
	v13 =	vld [tilespmem:s15+$0x580]  }
0x24f: {  	v10 =	vmul.f32 $8.000000000e+00, v10;
	v14 =	vld [tilespmem:s11+$0x480];
	v6 =	vadd.f32 v6, v9  }
0x250: {  	v9 =	vmul.f32 $8.000000000e+00, v11;
	v11 =	vld [tilespmem:s12+$0x380];
	v7 =	vadd.f32 v7, v12  }
0x251: {  	v12 =	vld [tilespmem:s13+$0x280];
	v5 =	vadd.f32 v5, v10;
	[tilespmem:s15+$0x4570] =	vst v6;
	s0 =	spop (v2sf)  }
0x252: {  	v6 =	vadd.f32 v8, v9;
	[tilespmem:s11+$0x4470] =	vst v7;
	s8 =	spop (v2sf);
	v7 =	vld [tilespmem:s0+$0x10400]  }
0x253: {  	[tilespmem:s12+$0x4370] =	vst v5;
	s16 =	spop (v2sf);
	v5 =	vld [tilespmem:s8+$0x10400]  }
0x254: {  	[tilespmem:s13+$0x4270] =	vst v6;
	s19 =	spop (v2sf);
	v6 =	vld [tilespmem:s16+$0x10400]  }
0x255: {  	v9 =	vmul.f32 $8.000000000e+00, v13;
	v8 =	vld [tilespmem:s19+$0x10400]  }
0x256: {  	v10 =	vmul.f32 $8.000000000e+00, v14;
	v13 =	vld [tilespmem:s15+$0x590]  }
0x257: {  	v11 =	vmul.f32 $8.000000000e+00, v11;
	v14 =	vld [tilespmem:s11+$0x490];
	v7 =	vadd.f32 v7, v9  }
0x258: {  	v9 =	vmul.f32 $8.000000000e+00, v12;
	v12 =	vld [tilespmem:s12+$0x390];
	v5 =	vadd.f32 v5, v10  }
0x259: {  	v10 =	vld [tilespmem:s13+$0x290];
	v6 =	vadd.f32 v6, v11;
	[tilespmem:s15+$0x4580] =	vst v7  }
0x25a: {  	v7 =	vadd.f32 v8, v9;
	[tilespmem:s11+$0x4480] =	vst v5;
	v5 =	vld [tilespmem:s0+$0x10410]  }
0x25b: {  	[tilespmem:s12+$0x4380] =	vst v6;
	v6 =	vld [tilespmem:s8+$0x10410]  }
0x25c: {  	[tilespmem:s13+$0x4280] =	vst v7;
	v7 =	vld [tilespmem:s16+$0x10410]  }
0x25d: {  	v9 =	vmul.f32 $8.000000000e+00, v13;
	v8 =	vld [tilespmem:s19+$0x10410]  }
0x25e: {  	v11 =	vmul.f32 $8.000000000e+00, v14;
	v13 =	vld [tilespmem:s15+$0x5A0]  }
0x25f: {  	v12 =	vmul.f32 $8.000000000e+00, v12;
	v14 =	vld [tilespmem:s11+$0x4A0];
	v5 =	vadd.f32 v5, v9  }
0x260: {  	v9 =	vmul.f32 $8.000000000e+00, v10;
	v10 =	vld [tilespmem:s12+$0x3A0];
	v6 =	vadd.f32 v6, v11  }
0x261: {  	v11 =	vld [tilespmem:s13+$0x2A0];
	v7 =	vadd.f32 v7, v12;
	[tilespmem:s15+$0x4590] =	vst v5  }
0x262: {  	v5 =	vadd.f32 v8, v9;
	[tilespmem:s11+$0x4490] =	vst v6;
	v6 =	vld [tilespmem:s0+$0x10420];
	(v2sf) =	vpush v0, $0xF;
	v0 =	vmovc v1;
	v1 =	vmovc v2;
	v2 =	vmov v4  }
0x263: {  	[tilespmem:s12+$0x4390] =	vst v7;
	v4 =	vld [tilespmem:s8+$0x10420];
	(v2sf) =	vpush v0, $0xB  }
0x264: {  	[tilespmem:s13+$0x4290] =	vst v5;
	v5 =	vld [tilespmem:s16+$0x10420];
	(v2sf) =	vpush v1, $0x7  }
0x265: {  	v8 =	vmul.f32 $8.000000000e+00, v13;
	v7 =	vld [tilespmem:s19+$0x10420];
	(v2sf) =	vpush v2, $0x3  }
0x266: {  	v9 =	vmul.f32 $8.000000000e+00, v14;
	v12 =	vld [tilespmem:s15+$0x5B0]  }
0x267: {  	v10 =	vmul.f32 $8.000000000e+00, v10;
	v13 =	vld [tilespmem:s11+$0x4B0];
	v6 =	vadd.f32 v6, v8  }
0x268: {  	v8 =	vmul.f32 $8.000000000e+00, v11;
	v11 =	vld [tilespmem:s12+$0x3B0];
	v4 =	vadd.f32 v4, v9  }
0x269: {  	v9 =	vld [tilespmem:s13+$0x2B0];
	v5 =	vadd.f32 v5, v10;
	[tilespmem:s15+$0x45A0] =	vst v6  }
0x26a: {  	v6 =	vadd.f32 v7, v8;
	[tilespmem:s11+$0x44A0] =	vst v4;
	v4 =	vld [tilespmem:s0+$0x10430]  }
0x26b: {  	[tilespmem:s12+$0x43A0] =	vst v5;
	v5 =	vld [tilespmem:s8+$0x10430]  }
0x26c: {  	[tilespmem:s13+$0x42A0] =	vst v6;
	v6 =	vld [tilespmem:s16+$0x10430]  }
0x26d: {  	v8 =	vmul.f32 $8.000000000e+00, v12;
	v7 =	vld [tilespmem:s19+$0x10430]  }
0x26e: {  	v10 =	vmul.f32 $8.000000000e+00, v13;
	v12 =	vld [tilespmem:s15+$0x5C0]  }
0x26f: {  	v11 =	vmul.f32 $8.000000000e+00, v11;
	v13 =	vld [tilespmem:s11+$0x4C0];
	v4 =	vadd.f32 v4, v8  }
0x270: {  	v8 =	vmul.f32 $8.000000000e+00, v9;
	v9 =	vld [tilespmem:s12+$0x3C0];
	v5 =	vadd.f32 v5, v10  }
0x271: {  	v10 =	vld [tilespmem:s13+$0x2C0];
	v6 =	vadd.f32 v6, v11;
	[tilespmem:s15+$0x45B0] =	vst v4;
	s0 =	spop (v2sf)  }
0x272: {  	v4 =	vadd.f32 v7, v8;
	[tilespmem:s11+$0x44B0] =	vst v5;
	s8 =	spop (v2sf);
	v5 =	vld [tilespmem:s0+$0x10400]  }
0x273: {  	[tilespmem:s12+$0x43B0] =	vst v6;
	s16 =	spop (v2sf);
	v6 =	vld [tilespmem:s8+$0x10400]  }
0x274: {  	[tilespmem:s13+$0x42B0] =	vst v4;
	s19 =	spop (v2sf);
	v7 =	vld [tilespmem:s16+$0x10400]  }
0x275: {  	v4 =	vmul.f32 $8.000000000e+00, v12;
	v8 =	vld [tilespmem:s19+$0x10400]  }
0x276: {  	v11 =	vmul.f32 $8.000000000e+00, v13;
	v12 =	vld [tilespmem:s15+$0x5D0]  }
0x277: {  	v9 =	vmul.f32 $8.000000000e+00, v9;
	v13 =	vld [tilespmem:s11+$0x4D0];
	v5 =	vadd.f32 v5, v4  }
0x278: {  	v10 =	vmul.f32 $8.000000000e+00, v10;
	v14 =	vld [tilespmem:s12+$0x3D0];
	v6 =	vadd.f32 v6, v11  }
0x279: {  	v4 =	vld [tilespmem:s13+$0x2D0];
	v7 =	vadd.f32 v7, v9;
	[tilespmem:s15+$0x45C0] =	vst v5  }
0x27a: {  	v5 =	vadd.f32 v8, v10;
	[tilespmem:s11+$0x44C0] =	vst v6;
	v15 =	vld [tilespmem:s0+$0x10410]  }
.Ltmp2:
0x27b: {  	[tilespmem:s12+$0x43C0] =	vst v7;
	v8 =	vld [tilespmem:s8+$0x10410];
	(pc) =	sbr.rel @p1 .LBB2_3-.Ltmp2, $4  }
0x27c: {  	[tilespmem:s13+$0x42C0] =	vst v5;
	v9 =	vld [tilespmem:s16+$0x10410]  }
0x27d: {  	v12 =	vmul.f32 $8.000000000e+00, v12;
	v6 =	vld [tilespmem:s19+$0x10410]  }
0x27e: {  	s7 =	sadd.s32 $0x10, s7;
	v10 =	vmul.f32 $8.000000000e+00, v13;
	v5 =	vld [tilespmem:s11+$0x4E0]  }
0x27f: {  	s14 =	sadd.s32 $0x1000, s14;
	v11 =	vmul.f32 $8.000000000e+00, v14;
	v7 =	vld [tilespmem:s7+$0x0];
	v12 =	vadd.f32 v15, v12  }
0x280: {  	v4 =	vmul.f32 $8.000000000e+00, v4;
	v13 =	vld [tilespmem:s12+$0x3E0];
	v8 =	vadd.f32 v8, v10  }
0x281: {  	v10 =	vld [tilespmem:s13+$0x2E0];
	v9 =	vadd.f32 v9, v11;
	[tilespmem:s15+$0x45D0] =	vst v12  }
0x282: {  	v4 =	vadd.f32 v6, v4;
	[tilespmem:s11+$0x44D0] =	vst v8;
	v6 =	vld [tilespmem:s0+$0x10420]  }
0x283: {  	(v2sf) =	vpush v0, $0xC;
	[tilespmem:s12+$0x43D0] =	vst v9;
	v8 =	vld [tilespmem:s8+$0x10420]  }
0x284: {  	(v2sf) =	vpush v1, $0x8;
	v7 =	vshll.u32 v7, $0x8;
	[tilespmem:s13+$0x42D0] =	vst v4;
	v9 =	vld [tilespmem:s16+$0x10420]  }
0x285: {  	v3 =	vmul.f32 $8.000000000e+00, v3;
	(v2sf) =	vpush v2, $0x4;
	v4 =	vshra.s32 v7, $0x2;
	v7 =	vld [tilespmem:s19+$0x10420]  }
0x286: {  	v11 =	vmul.f32 $8.000000000e+00, v5;
	(v2sf) =	vpush v4, $0x0  }
0x287: {  	v14 =	vld [tilespmem:s12+$0x400];
	v12 =	vmul.f32 $8.000000000e+00, v13;
	v3 =	vadd.f32 v6, v3  }
0x288: {  	v13 =	vld [tilespmem:s11+$0x4F0];
	v6 =	vmul.f32 $8.000000000e+00, v10;
	v8 =	vadd.f32 v8, v11  }
0x289: {  	v10 =	vld [tilespmem:s12+$0x3F0];
	v9 =	vadd.f32 v9, v12;
	[tilespmem:s15+$0x45E0] =	vst v3  }
0x28a: {  	v11 =	vld [tilespmem:s13+$0x2F0];
	v3 =	vadd.f32 v7, v6;
	[tilespmem:s11+$0x44E0] =	vst v8  }
0x28b: {  	[tilespmem:s12+$0x43E0] =	vst v9;
	v7 =	vld [tilespmem:s8+$0x10430]  }
0x28c: {  	[tilespmem:s13+$0x42E0] =	vst v3;
	v8 =	vld [tilespmem:s16+$0x10430]  }
0x28d: {  	v9 =	vld [tilespmem:s19+$0x10430]  }
0x28e: {  	v15 =	vld [tilespmem:s11+$0x510];
	v12 =	vmul.f32 $8.000000000e+00, v13  }
0x28f: {  	v5 =	vld [tilespmem:s15+$0x5F0];
	v10 =	vmul.f32 $8.000000000e+00, v10  }
0x290: {  	v13 =	vld [tilespmem:s11+$0x500];
	v11 =	vmul.f32 $8.000000000e+00, v11;
	v7 =	vadd.f32 v7, v12  }
0x291: {  	s14 =	sshra.s32 s2, $0x2;
	v12 =	vld [tilespmem:s13+$0x300];
	v8 =	vadd.f32 v8, v10  }
0x292: {  	s29 =	spop (v2sf);
	v10 =	vld [tilespmem:s14+$0x200];
	v9 =	vadd.f32 v9, v11;
	[tilespmem:s11+$0x44F0] =	vst v7  }
0x293: {  	s30 =	spop (v2sf);
	[tilespmem:s12+$0x43F0] =	vst v8;
	v7 =	vld [tilespmem:s29+$0x10400]  }
0x294: {  	s7 =	spop (v2sf);
	[tilespmem:s13+$0x42F0] =	vst v9;
	v8 =	vld [tilespmem:s30+$0x10400]  }
0x295: {  	s3 =	spop (v2sf);
	v9 =	vld [tilespmem:s7+$0x10400]  }
0x296: {  	v13 =	vmul.f32 $8.000000000e+00, v13;
	v11 =	vld [tilespmem:s3+$0x10400]  }
0x297: {  	v14 =	vmul.f32 $8.000000000e+00, v14;
	v6 =	vld [tilespmem:s0+$0x10430]  }
0x298: {  	v12 =	vmul.f32 $8.000000000e+00, v12;
	v7 =	vadd.f32 v7, v13;
	v13 =	vld [tilespmem:s12+$0x410]  }
0x299: {  	v10 =	vmul.f32 $8.000000000e+00, v10;
	v8 =	vadd.f32 v8, v14;
	v14 =	vld [tilespmem:s13+$0x310]  }
0x29a: {  	v9 =	vadd.f32 v9, v12;
	v12 =	vld [tilespmem:s14+$0x210];
	[tilespmem:s11+$0x4500] =	vst v7  }
0x29b: {  	v7 =	vadd.f32 v11, v10;
	[tilespmem:s12+$0x4400] =	vst v8;
	v8 =	vld [tilespmem:s29+$0x10410]  }
0x29c: {  	[tilespmem:s13+$0x4300] =	vst v9;
	v9 =	vld [tilespmem:s30+$0x10410]  }
0x29d: {  	[tilespmem:s14+$0x4200] =	vst v7;
	v7 =	vld [tilespmem:s7+$0x10410]  }
0x29e: {  	v11 =	vmul.f32 $8.000000000e+00, v15;
	v10 =	vld [tilespmem:s3+$0x10410]  }
0x29f: {  	v15 =	vld [tilespmem:s11+$0x520];
	v13 =	vmul.f32 $8.000000000e+00, v13  }
0x2a0: {  	v14 =	vmul.f32 $8.000000000e+00, v14;
	v8 =	vadd.f32 v8, v11;
	v11 =	vld [tilespmem:s12+$0x420]  }
0x2a1: {  	v12 =	vmul.f32 $8.000000000e+00, v12;
	v9 =	vadd.f32 v9, v13;
	v13 =	vld [tilespmem:s13+$0x320]  }
0x2a2: {  	v7 =	vadd.f32 v7, v14;
	v14 =	vld [tilespmem:s14+$0x220];
	[tilespmem:s11+$0x4510] =	vst v8  }
0x2a3: {  	(v2sf) =	vpush v0, $0xD;
	v8 =	vadd.f32 v10, v12;
	[tilespmem:s12+$0x4410] =	vst v9;
	v9 =	vld [tilespmem:s29+$0x10420]  }
0x2a4: {  	(v2sf) =	vpush v1, $0x9;
	[tilespmem:s13+$0x4310] =	vst v7;
	v7 =	vld [tilespmem:s30+$0x10420]  }
0x2a5: {  	(v2sf) =	vpush v2, $0x5;
	[tilespmem:s14+$0x4210] =	vst v8;
	v8 =	vld [tilespmem:s7+$0x10420]  }
0x2a6: {  	(v2sf) =	vpush v4, $0x1;
	v12 =	vmul.f32 $8.000000000e+00, v15;
	v10 =	vld [tilespmem:s3+$0x10420]  }
0x2a7: {  	v15 =	vld [tilespmem:s11+$0x530];
	v11 =	vmul.f32 $8.000000000e+00, v11  }
0x2a8: {  	v13 =	vmul.f32 $8.000000000e+00, v13;
	v9 =	vadd.f32 v9, v12;
	v12 =	vld [tilespmem:s12+$0x430]  }
0x2a9: {  	v14 =	vmul.f32 $8.000000000e+00, v14;
	v7 =	vadd.f32 v7, v11;
	v11 =	vld [tilespmem:s13+$0x330]  }
0x2aa: {  	v8 =	vadd.f32 v8, v13;
	v13 =	vld [tilespmem:s14+$0x230];
	[tilespmem:s11+$0x4520] =	vst v9  }
0x2ab: {  	v9 =	vadd.f32 v10, v14;
	[tilespmem:s12+$0x4420] =	vst v7;
	v7 =	vld [tilespmem:s29+$0x10430]  }
0x2ac: {  	[tilespmem:s13+$0x4320] =	vst v8;
	v8 =	vld [tilespmem:s30+$0x10430]  }
0x2ad: {  	[tilespmem:s14+$0x4220] =	vst v9;
	v9 =	vld [tilespmem:s7+$0x10430]  }
0x2ae: {  	v14 =	vmul.f32 $8.000000000e+00, v15;
	v10 =	vld [tilespmem:s3+$0x10430]  }
0x2af: {  	v15 =	vld [tilespmem:s11+$0x540];
	v12 =	vmul.f32 $8.000000000e+00, v12  }
0x2b0: {  	v11 =	vmul.f32 $8.000000000e+00, v11;
	v7 =	vadd.f32 v7, v14;
	v14 =	vld [tilespmem:s12+$0x440]  }
0x2b1: {  	v13 =	vmul.f32 $8.000000000e+00, v13;
	v8 =	vadd.f32 v8, v12;
	v12 =	vld [tilespmem:s13+$0x340]  }
0x2b2: {  	s7 =	spop (v2sf);
	v9 =	vadd.f32 v9, v11;
	v11 =	vld [tilespmem:s14+$0x240];
	[tilespmem:s11+$0x4530] =	vst v7  }
0x2b3: {  	s24 =	spop (v2sf);
	v7 =	vadd.f32 v10, v13;
	[tilespmem:s12+$0x4430] =	vst v8;
	v8 =	vld [tilespmem:s7+$0x10400]  }
0x2b4: {  	s8 =	spop (v2sf);
	[tilespmem:s13+$0x4330] =	vst v9;
	v9 =	vld [tilespmem:s24+$0x10400]  }
0x2b5: {  	s29 =	spop (v2sf);
	[tilespmem:s14+$0x4230] =	vst v7;
	v7 =	vld [tilespmem:s8+$0x10400]  }
0x2b6: {  	v13 =	vmul.f32 $8.000000000e+00, v15;
	v10 =	vld [tilespmem:s29+$0x10400]  }
0x2b7: {  	v15 =	vld [tilespmem:s11+$0x550];
	v14 =	vmul.f32 $8.000000000e+00, v14  }
0x2b8: {  	v12 =	vmul.f32 $8.000000000e+00, v12;
	v8 =	vadd.f32 v8, v13;
	v13 =	vld [tilespmem:s12+$0x450]  }
0x2b9: {  	v11 =	vmul.f32 $8.000000000e+00, v11;
	v9 =	vadd.f32 v9, v14;
	v14 =	vld [tilespmem:s13+$0x350]  }
0x2ba: {  	v7 =	vadd.f32 v7, v12;
	v12 =	vld [tilespmem:s14+$0x250];
	[tilespmem:s11+$0x4540] =	vst v8  }
0x2bb: {  	v8 =	vadd.f32 v10, v11;
	[tilespmem:s12+$0x4440] =	vst v9;
	v9 =	vld [tilespmem:s7+$0x10410]  }
0x2bc: {  	[tilespmem:s13+$0x4340] =	vst v7;
	v7 =	vld [tilespmem:s24+$0x10410]  }
0x2bd: {  	[tilespmem:s14+$0x4240] =	vst v8;
	v8 =	vld [tilespmem:s8+$0x10410]  }
0x2be: {  	v11 =	vmul.f32 $8.000000000e+00, v15;
	v10 =	vld [tilespmem:s29+$0x10410]  }
0x2bf: {  	v15 =	vld [tilespmem:s11+$0x560];
	v13 =	vmul.f32 $8.000000000e+00, v13  }
0x2c0: {  	v14 =	vmul.f32 $8.000000000e+00, v14;
	v9 =	vadd.f32 v9, v11;
	v11 =	vld [tilespmem:s12+$0x460]  }
0x2c1: {  	v12 =	vmul.f32 $8.000000000e+00, v12;
	v7 =	vadd.f32 v7, v13;
	v13 =	vld [tilespmem:s13+$0x360]  }
0x2c2: {  	v8 =	vadd.f32 v8, v14;
	[tilespmem:s11+$0x4550] =	vst v9;
	v9 =	vld [tilespmem:s14+$0x260]  }
0x2c3: {  	(v2sf) =	vpush v0, $0xE;
	v10 =	vadd.f32 v10, v12;
	[tilespmem:s12+$0x4450] =	vst v7;
	v7 =	vld [tilespmem:s7+$0x10420]  }
0x2c4: {  	(v2sf) =	vpush v1, $0xA;
	[tilespmem:s13+$0x4350] =	vst v8;
	v8 =	vld [tilespmem:s24+$0x10420]  }
0x2c5: {  	v5 =	vmul.f32 $8.000000000e+00, v5;
	(v2sf) =	vpush v2, $0x6;
	[tilespmem:s14+$0x4250] =	vst v10;
	v10 =	vld [tilespmem:s8+$0x10420]  }
0x2c6: {  	(v2sf) =	vpush v4, $0x2;
	v14 =	vmul.f32 $8.000000000e+00, v15;
	v12 =	vld [tilespmem:s29+$0x10420]  }
0x2c7: {  	v6 =	vadd.f32 v6, v5;
	v11 =	vmul.f32 $8.000000000e+00, v11  }
0x2c8: {  	v3 =	vld [tilespmem:s11+$0x5E0];
	v13 =	vmul.f32 $8.000000000e+00, v13;
	v14 =	vadd.f32 v7, v14  }
0x2c9: {  	v5 =	vld [tilespmem:s11+$0x570];
	[tilespmem:s15+$0x45F0] =	vst v6;
	v6 =	vmul.f32 $8.000000000e+00, v9;
	v8 =	vadd.f32 v8, v11  }
0x2ca: {  	v9 =	vld [tilespmem:s13+$0x370];
	v10 =	vadd.f32 v10, v13;
	[tilespmem:s11+$0x4560] =	vst v14  }
0x2cb: {  	v7 =	vld [tilespmem:s12+$0x470];
	v12 =	vadd.f32 v12, v6;
	[tilespmem:s12+$0x4460] =	vst v8  }
0x2cc: {  	v11 =	vld [tilespmem:s14+$0x270];
	[tilespmem:s13+$0x4360] =	vst v10  }
0x2cd: {  	v6 =	vld [tilespmem:s7+$0x10430];
	[tilespmem:s14+$0x4260] =	vst v12  }
0x2ce: {  	v8 =	vld [tilespmem:s29+$0x10430];
	_ =	sdelay $0x2  }
0x2cf: {  	v10 =	vmul.f32 $8.000000000e+00, v11  }
0x2d0: {  	s15 =	spop (v2sf)  }
0x2d1: {  	s25 =	spop (v2sf);
	v8 =	vadd.f32 v8, v10  }
0x2d2: {  	s21 =	spop (v2sf);
	v10 =	vld [tilespmem:s14+$0x280]  }
0x2d3: {  	s30 =	spop (v2sf);
	[tilespmem:s14+$0x4270] =	vst v8  }
0x2d4: {  	v8 =	vld [tilespmem:s30+$0x10400];
	_ =	sdelay $0x2  }
0x2d5: {  	v10 =	vmul.f32 $8.000000000e+00, v10;
	_ =	sdelay $0x1  }
0x2d6: {  	v8 =	vadd.f32 v8, v10  }
0x2d7: {  	v10 =	vld [tilespmem:s14+$0x290]  }
0x2d8: {  	[tilespmem:s14+$0x4280] =	vst v8  }
0x2d9: {  	v8 =	vld [tilespmem:s30+$0x10410];
	_ =	sdelay $0x2  }
0x2da: {  	v10 =	vmul.f32 $8.000000000e+00, v10;
	_ =	sdelay $0x1  }
0x2db: {  	(v2sf) =	vpush v0, $0xF;
	v8 =	vadd.f32 v8, v10  }
0x2dc: {  	v0 =	vld [tilespmem:s14+$0x2A0];
	(v2sf) =	vpush v1, $0xB  }
0x2dd: {  	(v2sf) =	vpush v2, $0x7;
	[tilespmem:s14+$0x4290] =	vst v8  }
0x2de: {  	(v2sf) =	vpush v4, $0x3;
	v8 =	vld [tilespmem:s30+$0x10420];
	_ =	sdelay $0x2  }
0x2df: {  	v0 =	vmul.f32 $8.000000000e+00, v0;
	_ =	sdelay $0x1  }
0x2e0: {  	v0 =	vadd.f32 v8, v0  }
0x2e1: {  	v8 =	vld [tilespmem:s14+$0x2B0]  }
0x2e2: {  	[tilespmem:s14+$0x42A0] =	vst v0  }
0x2e3: {  	v0 =	vld [tilespmem:s30+$0x10430];
	_ =	sdelay $0x2  }
0x2e4: {  	v8 =	vmul.f32 $8.000000000e+00, v8  }
0x2e5: {  	s7 =	spop (v2sf)  }
0x2e6: {  	s22 =	spop (v2sf);
	v0 =	vadd.f32 v0, v8  }
0x2e7: {  	s3 =	spop (v2sf);
	v8 =	vld [tilespmem:s14+$0x2C0]  }
0x2e8: {  	s20 =	spop (v2sf);
	[tilespmem:s14+$0x42B0] =	vst v0  }
0x2e9: {  	v0 =	vld [tilespmem:s20+$0x10400];
	_ =	sdelay $0x2  }
0x2ea: {  	v8 =	vmul.f32 $8.000000000e+00, v8;
	_ =	sdelay $0x1  }
0x2eb: {  	v0 =	vadd.f32 v0, v8  }
0x2ec: {  	v8 =	vld [tilespmem:s14+$0x2D0]  }
0x2ed: {  	[tilespmem:s14+$0x42C0] =	vst v0  }
0x2ee: {  	v0 =	vld [tilespmem:s20+$0x10410];
	_ =	sdelay $0x2  }
0x2ef: {  	v8 =	vmul.f32 $8.000000000e+00, v8;
	_ =	sdelay $0x1  }
0x2f0: {  	v0 =	vadd.f32 v0, v8  }
0x2f1: {  	(v2sf) =	vpush v1, $0xC;
	v8 =	vld [tilespmem:s14+$0x2E0]  }
0x2f2: {  	(v2sf) =	vpush v2, $0x8;
	[tilespmem:s14+$0x42D0] =	vst v0  }
0x2f3: {  	(v2sf) =	vpush v4, $0x4;
	v0 =	vld [tilespmem:s20+$0x10420];
	_ =	sdelay $0x2  }
0x2f4: {  	v8 =	vmul.f32 $8.000000000e+00, v8;
	_ =	sdelay $0x1  }
0x2f5: {  	v0 =	vadd.f32 v0, v8  }
0x2f6: {  	v8 =	vld [tilespmem:s14+$0x2F0]  }
0x2f7: {  	[tilespmem:s14+$0x42E0] =	vst v0  }
0x2f8: {  	v0 =	vld [tilespmem:s20+$0x10430];
	_ =	sdelay $0x2  }
0x2f9: {  	v8 =	vmul.f32 $8.000000000e+00, v8;
	_ =	sdelay $0x1  }
0x2fa: {  	s20 =	spop (v2sf);
	v0 =	vadd.f32 v0, v8  }
0x2fb: {  	s0 =	spop (v2sf);
	v8 =	vld [tilespmem:s14+$0x300]  }
0x2fc: {  	s26 =	spop (v2sf);
	[tilespmem:s14+$0x42F0] =	vst v0  }
0x2fd: {  	v0 =	vld [tilespmem:s26+$0x10400];
	_ =	sdelay $0x2  }
0x2fe: {  	v8 =	vmul.f32 $8.000000000e+00, v8;
	_ =	sdelay $0x1  }
0x2ff: {  	v0 =	vadd.f32 v0, v8  }
0x300: {  	v8 =	vld [tilespmem:s14+$0x310]  }
0x301: {  	[tilespmem:s14+$0x4300] =	vst v0  }
0x302: {  	v0 =	vld [tilespmem:s26+$0x10410];
	_ =	sdelay $0x2  }
0x303: {  	v8 =	vmul.f32 $8.000000000e+00, v8;
	_ =	sdelay $0x1  }
0x304: {  	v0 =	vadd.f32 v0, v8  }
0x305: {  	(v2sf) =	vpush v1, $0xD;
	v8 =	vld [tilespmem:s14+$0x320]  }
0x306: {  	(v2sf) =	vpush v2, $0x9;
	[tilespmem:s14+$0x4310] =	vst v0  }
0x307: {  	(v2sf) =	vpush v4, $0x5;
	v0 =	vld [tilespmem:s26+$0x10420];
	_ =	sdelay $0x2  }
0x308: {  	v8 =	vmul.f32 $8.000000000e+00, v8;
	_ =	sdelay $0x1  }
0x309: {  	v0 =	vadd.f32 v0, v8  }
0x30a: {  	v8 =	vld [tilespmem:s14+$0x330]  }
0x30b: {  	[tilespmem:s14+$0x4320] =	vst v0  }
0x30c: {  	v0 =	vld [tilespmem:s26+$0x10430];
	_ =	sdelay $0x2  }
0x30d: {  	v8 =	vmul.f32 $8.000000000e+00, v8;
	_ =	sdelay $0x1  }
0x30e: {  	s19 =	spop (v2sf);
	v0 =	vadd.f32 v0, v8  }
0x30f: {  	s26 =	spop (v2sf);
	v8 =	vld [tilespmem:s14+$0x340]  }
0x310: {  	s29 =	spop (v2sf);
	[tilespmem:s14+$0x4330] =	vst v0  }
0x311: {  	v0 =	vld [tilespmem:s29+$0x10400];
	_ =	sdelay $0x2  }
0x312: {  	v8 =	vmul.f32 $8.000000000e+00, v8;
	_ =	sdelay $0x1  }
0x313: {  	v0 =	vadd.f32 v0, v8  }
0x314: {  	v8 =	vld [tilespmem:s14+$0x350]  }
0x315: {  	[tilespmem:s14+$0x4340] =	vst v0  }
0x316: {  	v0 =	vld [tilespmem:s29+$0x10410];
	_ =	sdelay $0x2  }
0x317: {  	v8 =	vmul.f32 $8.000000000e+00, v8;
	_ =	sdelay $0x1  }
0x318: {  	v0 =	vadd.f32 v0, v8  }
0x319: {  	(v2sf) =	vpush v1, $0xE;
	v8 =	vld [tilespmem:s14+$0x360]  }
0x31a: {  	(v2sf) =	vpush v2, $0xA;
	[tilespmem:s14+$0x4350] =	vst v0  }
0x31b: {  	(v2sf) =	vpush v4, $0x6;
	v0 =	vld [tilespmem:s29+$0x10420];
	_ =	sdelay $0x2  }
0x31c: {  	v8 =	vmul.f32 $8.000000000e+00, v8;
	_ =	sdelay $0x1  }
0x31d: {  	v10 =	vld [tilespmem:s8+$0x10430];
	v0 =	vadd.f32 v0, v8  }
0x31e: {  	v8 =	vld [tilespmem:s14+$0x370]  }
0x31f: {  	[tilespmem:s14+$0x4360] =	vst v0  }
0x320: {  	v0 =	vmul.f32 $8.000000000e+00, v9;
	v9 =	vld [tilespmem:s29+$0x10430];
	_ =	sdelay $0x1  }
0x321: {  	v0 =	vadd.f32 v10, v0  }
0x322: {  	v10 =	vld [tilespmem:s13+$0x380];
	v8 =	vmul.f32 $8.000000000e+00, v8  }
0x323: {  	[tilespmem:s13+$0x4370] =	vst v0  }
0x324: {  	s16 =	spop (v2sf);
	v0 =	vld [tilespmem:s21+$0x10400];
	v8 =	vadd.f32 v9, v8  }
0x325: {  	s29 =	spop (v2sf);
	v9 =	vld [tilespmem:s14+$0x380]  }
0x326: {  	s30 =	spop (v2sf);
	[tilespmem:s14+$0x4370] =	vst v8  }
0x327: {  	v8 =	vmul.f32 $8.000000000e+00, v10;
	v10 =	vld [tilespmem:s30+$0x10400];
	_ =	sdelay $0x1  }
0x328: {  	v0 =	vadd.f32 v0, v8  }
0x329: {  	v8 =	vld [tilespmem:s13+$0x390];
	v9 =	vmul.f32 $8.000000000e+00, v9  }
0x32a: {  	[tilespmem:s13+$0x4380] =	vst v0  }
0x32b: {  	v0 =	vld [tilespmem:s21+$0x10410];
	v9 =	vadd.f32 v10, v9  }
0x32c: {  	v10 =	vld [tilespmem:s14+$0x390]  }
0x32d: {  	[tilespmem:s14+$0x4380] =	vst v9  }
0x32e: {  	v8 =	vmul.f32 $8.000000000e+00, v8;
	v9 =	vld [tilespmem:s30+$0x10410];
	_ =	sdelay $0x1  }
0x32f: {  	v0 =	vadd.f32 v0, v8  }
0x330: {  	v8 =	vld [tilespmem:s13+$0x3A0];
	v10 =	vmul.f32 $8.000000000e+00, v10  }
0x331: {  	[tilespmem:s13+$0x4390] =	vst v0  }
0x332: {  	v0 =	vld [tilespmem:s21+$0x10420];
	v9 =	vadd.f32 v9, v10  }
0x333: {  	(v2sf) =	vpush v1, $0xF;
	v10 =	vld [tilespmem:s14+$0x3A0]  }
0x334: {  	(v2sf) =	vpush v2, $0xB;
	[tilespmem:s14+$0x4390] =	vst v9  }
0x335: {  	(v2sf) =	vpush v4, $0x7;
	v1 =	vmul.f32 $8.000000000e+00, v8;
	v8 =	vld [tilespmem:s30+$0x10420];
	_ =	sdelay $0x1  }
0x336: {  	v0 =	vadd.f32 v0, v1  }
0x337: {  	v1 =	vld [tilespmem:s13+$0x3B0];
	v9 =	vmul.f32 $8.000000000e+00, v10  }
0x338: {  	[tilespmem:s13+$0x43A0] =	vst v0  }
0x339: {  	v0 =	vld [tilespmem:s21+$0x10430];
	v8 =	vadd.f32 v8, v9  }
0x33a: {  	v9 =	vld [tilespmem:s14+$0x3B0]  }
0x33b: {  	[tilespmem:s14+$0x43A0] =	vst v8  }
0x33c: {  	v1 =	vmul.f32 $8.000000000e+00, v1;
	v8 =	vld [tilespmem:s30+$0x10430];
	_ =	sdelay $0x1  }
0x33d: {  	v0 =	vadd.f32 v0, v1  }
0x33e: {  	v1 =	vld [tilespmem:s13+$0x3C0];
	v9 =	vmul.f32 $8.000000000e+00, v9  }
0x33f: {  	[tilespmem:s13+$0x43B0] =	vst v0  }
0x340: {  	s2 =	spop (v2sf);
	v0 =	vld [tilespmem:s3+$0x10400];
	v8 =	vadd.f32 v8, v9  }
0x341: {  	s21 =	spop (v2sf);
	v9 =	vld [tilespmem:s14+$0x3C0]  }
0x342: {  	s30 =	spop (v2sf);
	[tilespmem:s14+$0x43B0] =	vst v8  }
0x343: {  	v1 =	vmul.f32 $8.000000000e+00, v1;
	v8 =	vld [tilespmem:s30+$0x10400];
	_ =	sdelay $0x1  }
0x344: {  	v0 =	vadd.f32 v0, v1  }
0x345: {  	v1 =	vld [tilespmem:s13+$0x3D0];
	v9 =	vmul.f32 $8.000000000e+00, v9  }
0x346: {  	[tilespmem:s13+$0x43C0] =	vst v0  }
0x347: {  	v0 =	vld [tilespmem:s3+$0x10410];
	v8 =	vadd.f32 v8, v9  }
0x348: {  	v9 =	vld [tilespmem:s14+$0x3D0]  }
0x349: {  	[tilespmem:s14+$0x43C0] =	vst v8  }
0x34a: {  	v1 =	vmul.f32 $8.000000000e+00, v1;
	v8 =	vld [tilespmem:s30+$0x10410];
	_ =	sdelay $0x1  }
0x34b: {  	v0 =	vadd.f32 v0, v1  }
0x34c: {  	v1 =	vld [tilespmem:s13+$0x3E0];
	v9 =	vmul.f32 $8.000000000e+00, v9  }
0x34d: {  	[tilespmem:s13+$0x43D0] =	vst v0  }
0x34e: {  	v0 =	vld [tilespmem:s3+$0x10420];
	v8 =	vadd.f32 v8, v9  }
0x34f: {  	v9 =	vld [tilespmem:s14+$0x3E0]  }
0x350: {  	(v2sf) =	vpush v2, $0xC;
	[tilespmem:s14+$0x43D0] =	vst v8  }
0x351: {  	(v2sf) =	vpush v4, $0x8;
	v1 =	vmul.f32 $8.000000000e+00, v1;
	v8 =	vld [tilespmem:s30+$0x10420];
	_ =	sdelay $0x1  }
0x352: {  	v0 =	vadd.f32 v0, v1  }
0x353: {  	v1 =	vld [tilespmem:s13+$0x3F0];
	v9 =	vmul.f32 $8.000000000e+00, v9  }
0x354: {  	[tilespmem:s13+$0x43E0] =	vst v0  }
0x355: {  	v0 =	vld [tilespmem:s3+$0x10430];
	v8 =	vadd.f32 v8, v9  }
0x356: {  	v9 =	vld [tilespmem:s14+$0x3F0]  }
0x357: {  	[tilespmem:s14+$0x43E0] =	vst v8  }
0x358: {  	v1 =	vmul.f32 $8.000000000e+00, v1;
	v8 =	vld [tilespmem:s30+$0x10430];
	_ =	sdelay $0x1  }
0x359: {  	v0 =	vadd.f32 v0, v1  }
0x35a: {  	v1 =	vld [tilespmem:s13+$0x400];
	v9 =	vmul.f32 $8.000000000e+00, v9  }
0x35b: {  	[tilespmem:s13+$0x43F0] =	vst v0  }
0x35c: {  	v0 =	vld [tilespmem:s0+$0x10400];
	v8 =	vadd.f32 v8, v9  }
0x35d: {  	s8 =	spop (v2sf);
	v9 =	vld [tilespmem:s14+$0x400]  }
0x35e: {  	s3 =	spop (v2sf);
	[tilespmem:s14+$0x43F0] =	vst v8  }
0x35f: {  	v1 =	vmul.f32 $8.000000000e+00, v1;
	v8 =	vld [tilespmem:s3+$0x10400];
	_ =	sdelay $0x1  }
0x360: {  	v0 =	vadd.f32 v0, v1  }
0x361: {  	v1 =	vld [tilespmem:s13+$0x410];
	v9 =	vmul.f32 $8.000000000e+00, v9  }
0x362: {  	[tilespmem:s13+$0x4400] =	vst v0  }
0x363: {  	v0 =	vld [tilespmem:s0+$0x10410];
	v8 =	vadd.f32 v8, v9  }
0x364: {  	v9 =	vld [tilespmem:s14+$0x410]  }
0x365: {  	[tilespmem:s14+$0x4400] =	vst v8  }
0x366: {  	v1 =	vmul.f32 $8.000000000e+00, v1;
	v8 =	vld [tilespmem:s3+$0x10410];
	_ =	sdelay $0x1  }
0x367: {  	v0 =	vadd.f32 v0, v1  }
0x368: {  	v1 =	vld [tilespmem:s13+$0x420];
	v9 =	vmul.f32 $8.000000000e+00, v9  }
0x369: {  	[tilespmem:s13+$0x4410] =	vst v0  }
0x36a: {  	v0 =	vld [tilespmem:s0+$0x10420];
	v8 =	vadd.f32 v8, v9  }
0x36b: {  	v9 =	vld [tilespmem:s14+$0x420]  }
0x36c: {  	(v2sf) =	vpush v2, $0xD;
	[tilespmem:s14+$0x4410] =	vst v8  }
0x36d: {  	(v2sf) =	vpush v4, $0x9;
	v1 =	vmul.f32 $8.000000000e+00, v1;
	v8 =	vld [tilespmem:s3+$0x10420];
	_ =	sdelay $0x1  }
0x36e: {  	v0 =	vadd.f32 v0, v1  }
0x36f: {  	v1 =	vld [tilespmem:s13+$0x430];
	v9 =	vmul.f32 $8.000000000e+00, v9  }
0x370: {  	[tilespmem:s13+$0x4420] =	vst v0  }
0x371: {  	v0 =	vld [tilespmem:s0+$0x10430];
	v8 =	vadd.f32 v8, v9  }
0x372: {  	v9 =	vld [tilespmem:s14+$0x430]  }
0x373: {  	[tilespmem:s14+$0x4420] =	vst v8  }
0x374: {  	v1 =	vmul.f32 $8.000000000e+00, v1;
	v8 =	vld [tilespmem:s3+$0x10430];
	_ =	sdelay $0x1  }
0x375: {  	v0 =	vadd.f32 v0, v1  }
0x376: {  	v1 =	vld [tilespmem:s13+$0x440];
	v9 =	vmul.f32 $8.000000000e+00, v9  }
0x377: {  	[tilespmem:s13+$0x4430] =	vst v0  }
0x378: {  	v0 =	vld [tilespmem:s26+$0x10400];
	v8 =	vadd.f32 v8, v9  }
0x379: {  	s0 =	spop (v2sf);
	v9 =	vld [tilespmem:s14+$0x440]  }
0x37a: {  	s3 =	spop (v2sf);
	[tilespmem:s14+$0x4430] =	vst v8  }
0x37b: {  	v1 =	vmul.f32 $8.000000000e+00, v1;
	v8 =	vld [tilespmem:s3+$0x10400];
	_ =	sdelay $0x1  }
0x37c: {  	v0 =	vadd.f32 v0, v1  }
0x37d: {  	v1 =	vld [tilespmem:s13+$0x450];
	v9 =	vmul.f32 $8.000000000e+00, v9  }
0x37e: {  	[tilespmem:s13+$0x4440] =	vst v0  }
0x37f: {  	v0 =	vld [tilespmem:s26+$0x10410];
	v8 =	vadd.f32 v8, v9  }
0x380: {  	v9 =	vld [tilespmem:s14+$0x450]  }
0x381: {  	[tilespmem:s14+$0x4440] =	vst v8  }
0x382: {  	v1 =	vmul.f32 $8.000000000e+00, v1;
	v8 =	vld [tilespmem:s3+$0x10410];
	_ =	sdelay $0x1  }
0x383: {  	v0 =	vadd.f32 v0, v1  }
0x384: {  	v1 =	vld [tilespmem:s13+$0x460];
	v9 =	vmul.f32 $8.000000000e+00, v9  }
0x385: {  	[tilespmem:s13+$0x4450] =	vst v0  }
0x386: {  	v0 =	vld [tilespmem:s26+$0x10420];
	v8 =	vadd.f32 v8, v9  }
0x387: {  	v9 =	vld [tilespmem:s14+$0x460]  }
0x388: {  	(v2sf) =	vpush v2, $0xE;
	[tilespmem:s14+$0x4450] =	vst v8  }
0x389: {  	(v2sf) =	vpush v4, $0xA;
	v1 =	vmul.f32 $8.000000000e+00, v1;
	v8 =	vld [tilespmem:s3+$0x10420];
	_ =	sdelay $0x1  }
0x38a: {  	v10 =	vld [tilespmem:s24+$0x10430];
	v0 =	vadd.f32 v0, v1  }
0x38b: {  	v9 =	vmul.f32 $8.000000000e+00, v9  }
0x38c: {  	v1 =	vld [tilespmem:s13+$0x470];
	[tilespmem:s13+$0x4460] =	vst v0  }
0x38d: {  	v0 =	vmul.f32 $8.000000000e+00, v7;
	v7 =	vld [tilespmem:s26+$0x10430];
	v8 =	vadd.f32 v8, v9  }
0x38e: {  	v9 =	vld [tilespmem:s14+$0x470]  }
0x38f: {  	v0 =	vadd.f32 v10, v0;
	[tilespmem:s14+$0x4460] =	vst v8  }
0x390: {  	v8 =	vld [tilespmem:s3+$0x10430]  }
0x391: {  	v11 =	vld [tilespmem:s12+$0x480];
	v1 =	vmul.f32 $8.000000000e+00, v1;
	[tilespmem:s12+$0x4470] =	vst v0  }
0x392: {  	v0 =	vld [tilespmem:s25+$0x10400]  }
0x393: {  	v1 =	vadd.f32 v7, v1;
	v7 =	vld [tilespmem:s13+$0x480];
	v9 =	vmul.f32 $8.000000000e+00, v9;
	_ =	sdelay $0x1  }
0x394: {  	v8 =	vadd.f32 v8, v9  }
0x395: {  	s26 =	spop (v2sf);
	[tilespmem:s13+$0x4470] =	vst v1;
	v1 =	vmul.f32 $8.000000000e+00, v11;
	v9 =	vld [tilespmem:s14+$0x480]  }
0x396: {  	s30 =	spop (v2sf);
	v10 =	vld [tilespmem:s29+$0x10400];
	[tilespmem:s14+$0x4470] =	vst v8  }
0x397: {  	v0 =	vadd.f32 v0, v1;
	v1 =	vmul.f32 $8.000000000e+00, v7;
	v7 =	vld [tilespmem:s30+$0x10400];
	_ =	sdelay $0x1  }
0x398: {  	v11 =	vld [tilespmem:s12+$0x490]  }
0x399: {  	[tilespmem:s12+$0x4480] =	vst v0;
	v9 =	vmul.f32 $8.000000000e+00, v9  }
0x39a: {  	v0 =	vld [tilespmem:s25+$0x10410];
	v1 =	vadd.f32 v10, v1  }
0x39b: {  	v8 =	vld [tilespmem:s13+$0x490];
	v7 =	vadd.f32 v7, v9  }
0x39c: {  	[tilespmem:s13+$0x4480] =	vst v1;
	v9 =	vld [tilespmem:s14+$0x490]  }
0x39d: {  	v1 =	vmul.f32 $8.000000000e+00, v11;
	v10 =	vld [tilespmem:s29+$0x10410];
	[tilespmem:s14+$0x4480] =	vst v7  }
0x39e: {  	v7 =	vld [tilespmem:s30+$0x10410]  }
0x39f: {  	v0 =	vadd.f32 v0, v1  }
0x3a0: {  	v11 =	vld [tilespmem:s12+$0x4A0];
	v1 =	vmul.f32 $8.000000000e+00, v8  }
0x3a1: {  	[tilespmem:s12+$0x4490] =	vst v0;
	v9 =	vmul.f32 $8.000000000e+00, v9  }
0x3a2: {  	v0 =	vld [tilespmem:s25+$0x10420];
	v1 =	vadd.f32 v10, v1  }
0x3a3: {  	v8 =	vld [tilespmem:s13+$0x4A0];
	v7 =	vadd.f32 v7, v9  }
0x3a4: {  	[tilespmem:s13+$0x4490] =	vst v1;
	v9 =	vld [tilespmem:s14+$0x4A0]  }
0x3a5: {  	(v2sf) =	vpush v2, $0xF;
	v1 =	vmul.f32 $8.000000000e+00, v11;
	v10 =	vld [tilespmem:s29+$0x10420];
	[tilespmem:s14+$0x4490] =	vst v7  }
0x3a6: {  	(v2sf) =	vpush v4, $0xB;
	v2 =	vld [tilespmem:s30+$0x10420]  }
0x3a7: {  	v0 =	vadd.f32 v0, v1  }
0x3a8: {  	v11 =	vld [tilespmem:s12+$0x4B0];
	v1 =	vmul.f32 $8.000000000e+00, v8  }
0x3a9: {  	[tilespmem:s12+$0x44A0] =	vst v0;
	v8 =	vmul.f32 $8.000000000e+00, v9  }
0x3aa: {  	v0 =	vld [tilespmem:s25+$0x10430];
	v1 =	vadd.f32 v10, v1  }
0x3ab: {  	v7 =	vld [tilespmem:s13+$0x4B0];
	v2 =	vadd.f32 v2, v8  }
0x3ac: {  	[tilespmem:s13+$0x44A0] =	vst v1;
	v8 =	vld [tilespmem:s14+$0x4B0]  }
0x3ad: {  	v1 =	vmul.f32 $8.000000000e+00, v11;
	v9 =	vld [tilespmem:s29+$0x10430];
	[tilespmem:s14+$0x44A0] =	vst v2  }
0x3ae: {  	v2 =	vld [tilespmem:s30+$0x10430]  }
0x3af: {  	v0 =	vadd.f32 v0, v1  }
0x3b0: {  	v10 =	vld [tilespmem:s12+$0x4C0];
	v1 =	vmul.f32 $8.000000000e+00, v7  }
0x3b1: {  	[tilespmem:s12+$0x44B0] =	vst v0;
	v8 =	vmul.f32 $8.000000000e+00, v8  }
0x3b2: {  	v0 =	vld [tilespmem:s22+$0x10400];
	v1 =	vadd.f32 v9, v1  }
0x3b3: {  	v7 =	vld [tilespmem:s13+$0x4C0];
	v2 =	vadd.f32 v2, v8  }
0x3b4: {  	s24 =	spop (v2sf);
	[tilespmem:s13+$0x44B0] =	vst v1;
	v8 =	vld [tilespmem:s14+$0x4C0]  }
0x3b5: {  	s3 =	spop (v2sf);
	v1 =	vmul.f32 $8.000000000e+00, v10;
	v9 =	vld [tilespmem:s21+$0x10400];
	[tilespmem:s14+$0x44B0] =	vst v2  }
0x3b6: {  	v2 =	vld [tilespmem:s3+$0x10400]  }
0x3b7: {  	v0 =	vadd.f32 v0, v1  }
0x3b8: {  	v10 =	vld [tilespmem:s12+$0x4D0];
	v1 =	vmul.f32 $8.000000000e+00, v7  }
0x3b9: {  	[tilespmem:s12+$0x44C0] =	vst v0;
	v8 =	vmul.f32 $8.000000000e+00, v8  }
0x3ba: {  	v0 =	vld [tilespmem:s22+$0x10410];
	v1 =	vadd.f32 v9, v1  }
0x3bb: {  	v7 =	vld [tilespmem:s13+$0x4D0];
	v2 =	vadd.f32 v2, v8  }
0x3bc: {  	[tilespmem:s13+$0x44C0] =	vst v1;
	v8 =	vld [tilespmem:s14+$0x4D0]  }
0x3bd: {  	v1 =	vmul.f32 $8.000000000e+00, v10;
	v9 =	vld [tilespmem:s21+$0x10410];
	[tilespmem:s14+$0x44C0] =	vst v2  }
0x3be: {  	v2 =	vld [tilespmem:s3+$0x10410]  }
0x3bf: {  	v0 =	vadd.f32 v0, v1  }
0x3c0: {  	v10 =	vld [tilespmem:s12+$0x4E0];
	v1 =	vmul.f32 $8.000000000e+00, v7  }
0x3c1: {  	[tilespmem:s12+$0x44D0] =	vst v0;
	v8 =	vmul.f32 $8.000000000e+00, v8  }
0x3c2: {  	v0 =	vld [tilespmem:s22+$0x10420];
	v1 =	vadd.f32 v9, v1  }
0x3c3: {  	v7 =	vld [tilespmem:s13+$0x4E0];
	v2 =	vadd.f32 v2, v8  }
0x3c4: {  	[tilespmem:s13+$0x44D0] =	vst v1;
	v8 =	vld [tilespmem:s14+$0x4E0]  }
0x3c5: {  	v1 =	vmul.f32 $8.000000000e+00, v10;
	v9 =	vld [tilespmem:s21+$0x10420];
	[tilespmem:s14+$0x44D0] =	vst v2  }
0x3c6: {  	(v2sf) =	vpush v4, $0xC;
	v2 =	vld [tilespmem:s3+$0x10420]  }
0x3c7: {  	v10 =	vld [tilespmem:s12+$0x4F0];
	v0 =	vadd.f32 v0, v1  }
0x3c8: {  	v1 =	vmul.f32 $8.000000000e+00, v7  }
0x3c9: {  	[tilespmem:s12+$0x44E0] =	vst v0;
	v8 =	vmul.f32 $8.000000000e+00, v8  }
0x3ca: {  	v0 =	vld [tilespmem:s22+$0x10430];
	v1 =	vadd.f32 v9, v1  }
0x3cb: {  	v7 =	vld [tilespmem:s13+$0x4F0];
	v2 =	vadd.f32 v2, v8  }
0x3cc: {  	[tilespmem:s13+$0x44E0] =	vst v1;
	v8 =	vmul.f32 $8.000000000e+00, v10;
	v10 =	vld [tilespmem:s14+$0x4F0]  }
0x3cd: {  	v9 =	vld [tilespmem:s21+$0x10430];
	[tilespmem:s14+$0x44E0] =	vst v2  }
0x3ce: {  	v2 =	vld [tilespmem:s3+$0x10430]  }
0x3cf: {  	v0 =	vadd.f32 v0, v8  }
0x3d0: {  	v7 =	vmul.f32 $8.000000000e+00, v7;
	v8 =	vld [tilespmem:s12+$0x500]  }
0x3d1: {  	[tilespmem:s12+$0x44F0] =	vst v0;
	v10 =	vmul.f32 $8.000000000e+00, v10  }
0x3d2: {  	v7 =	vadd.f32 v9, v7;
	v11 =	vld [tilespmem:s20+$0x10400]  }
0x3d3: {  	v9 =	vld [tilespmem:s13+$0x500];
	v2 =	vadd.f32 v2, v10  }
0x3d4: {  	[tilespmem:s13+$0x44F0] =	vst v7;
	v7 =	vld [tilespmem:s14+$0x500]  }
0x3d5: {  	s25 =	spop (v2sf);
	v8 =	vmul.f32 $8.000000000e+00, v8;
	v10 =	vld [tilespmem:s8+$0x10400];
	[tilespmem:s14+$0x44F0] =	vst v2  }
0x3d6: {  	v2 =	vld [tilespmem:s25+$0x10400]  }
0x3d7: {  	v8 =	vadd.f32 v11, v8  }
0x3d8: {  	v9 =	vmul.f32 $8.000000000e+00, v9;
	v11 =	vld [tilespmem:s12+$0x510]  }
0x3d9: {  	v7 =	vmul.f32 $8.000000000e+00, v7;
	[tilespmem:s12+$0x4500] =	vst v8  }
0x3da: {  	v8 =	vld [tilespmem:s20+$0x10410];
	v9 =	vadd.f32 v10, v9  }
0x3db: {  	v10 =	vld [tilespmem:s13+$0x510];
	v2 =	vadd.f32 v2, v7  }
0x3dc: {  	[tilespmem:s13+$0x4500] =	vst v9;
	v7 =	vld [tilespmem:s14+$0x510]  }
0x3dd: {  	v9 =	vmul.f32 $8.000000000e+00, v11;
	v11 =	vld [tilespmem:s8+$0x10410];
	[tilespmem:s14+$0x4500] =	vst v2  }
0x3de: {  	v2 =	vld [tilespmem:s25+$0x10410]  }
0x3df: {  	v8 =	vadd.f32 v8, v9  }
0x3e0: {  	v9 =	vld [tilespmem:s12+$0x520];
	v10 =	vmul.f32 $8.000000000e+00, v10  }
0x3e1: {  	[tilespmem:s12+$0x4510] =	vst v8;
	v7 =	vmul.f32 $8.000000000e+00, v7  }
0x3e2: {  	v8 =	vld [tilespmem:s20+$0x10420];
	v10 =	vadd.f32 v11, v10  }
0x3e3: {  	v11 =	vld [tilespmem:s13+$0x520];
	v2 =	vadd.f32 v2, v7  }
0x3e4: {  	[tilespmem:s13+$0x4510] =	vst v10;
	v7 =	vld [tilespmem:s14+$0x520]  }
0x3e5: {  	v9 =	vmul.f32 $8.000000000e+00, v9;
	v10 =	vld [tilespmem:s8+$0x10420];
	[tilespmem:s14+$0x4510] =	vst v2  }
0x3e6: {  	(v2sf) =	vpush v4, $0xD;
	v2 =	vld [tilespmem:s25+$0x10420]  }
0x3e7: {  	v8 =	vadd.f32 v8, v9  }
0x3e8: {  	v9 =	vld [tilespmem:s12+$0x530];
	v11 =	vmul.f32 $8.000000000e+00, v11  }
0x3e9: {  	[tilespmem:s12+$0x4520] =	vst v8;
	v7 =	vmul.f32 $8.000000000e+00, v7  }
0x3ea: {  	v8 =	vld [tilespmem:s20+$0x10430];
	v10 =	vadd.f32 v10, v11  }
0x3eb: {  	v11 =	vld [tilespmem:s13+$0x530];
	v2 =	vadd.f32 v2, v7  }
0x3ec: {  	[tilespmem:s13+$0x4520] =	vst v10;
	v7 =	vld [tilespmem:s14+$0x530]  }
0x3ed: {  	v9 =	vmul.f32 $8.000000000e+00, v9;
	v10 =	vld [tilespmem:s8+$0x10430];
	[tilespmem:s14+$0x4520] =	vst v2  }
0x3ee: {  	v2 =	vld [tilespmem:s25+$0x10430]  }
0x3ef: {  	v8 =	vadd.f32 v8, v9  }
0x3f0: {  	v9 =	vld [tilespmem:s12+$0x540];
	v11 =	vmul.f32 $8.000000000e+00, v11  }
0x3f1: {  	[tilespmem:s12+$0x4530] =	vst v8;
	v7 =	vmul.f32 $8.000000000e+00, v7  }
0x3f2: {  	v8 =	vld [tilespmem:s19+$0x10400];
	v10 =	vadd.f32 v10, v11  }
0x3f3: {  	v11 =	vld [tilespmem:s13+$0x540];
	v2 =	vadd.f32 v2, v7  }
0x3f4: {  	[tilespmem:s13+$0x4530] =	vst v10;
	v7 =	vld [tilespmem:s14+$0x540]  }
0x3f5: {  	s29 =	spop (v2sf);
	v9 =	vmul.f32 $8.000000000e+00, v9;
	v10 =	vld [tilespmem:s0+$0x10400];
	[tilespmem:s14+$0x4530] =	vst v2  }
0x3f6: {  	v2 =	vld [tilespmem:s29+$0x10400]  }
0x3f7: {  	v8 =	vadd.f32 v8, v9  }
0x3f8: {  	v9 =	vld [tilespmem:s12+$0x550];
	v11 =	vmul.f32 $8.000000000e+00, v11  }
0x3f9: {  	[tilespmem:s12+$0x4540] =	vst v8;
	v7 =	vmul.f32 $8.000000000e+00, v7  }
0x3fa: {  	v8 =	vld [tilespmem:s19+$0x10410];
	v10 =	vadd.f32 v10, v11  }
0x3fb: {  	v11 =	vld [tilespmem:s13+$0x550];
	v2 =	vadd.f32 v2, v7  }
0x3fc: {  	[tilespmem:s13+$0x4540] =	vst v10;
	v7 =	vld [tilespmem:s14+$0x550]  }
0x3fd: {  	v9 =	vmul.f32 $8.000000000e+00, v9;
	v10 =	vld [tilespmem:s0+$0x10410];
	[tilespmem:s14+$0x4540] =	vst v2  }
0x3fe: {  	v2 =	vld [tilespmem:s29+$0x10410]  }
0x3ff: {  	v8 =	vadd.f32 v8, v9  }
0x400: {  	v9 =	vld [tilespmem:s12+$0x560];
	v11 =	vmul.f32 $8.000000000e+00, v11  }
0x401: {  	[tilespmem:s12+$0x4550] =	vst v8;
	v7 =	vmul.f32 $8.000000000e+00, v7  }
0x402: {  	v8 =	vld [tilespmem:s19+$0x10420];
	v10 =	vadd.f32 v10, v11  }
0x403: {  	v11 =	vld [tilespmem:s13+$0x560];
	v2 =	vadd.f32 v2, v7  }
0x404: {  	[tilespmem:s13+$0x4550] =	vst v10;
	v7 =	vld [tilespmem:s14+$0x560]  }
0x405: {  	v9 =	vmul.f32 $8.000000000e+00, v9;
	v10 =	vld [tilespmem:s0+$0x10420];
	[tilespmem:s14+$0x4550] =	vst v2  }
0x406: {  	(v2sf) =	vpush v4, $0xE;
	v2 =	vld [tilespmem:s29+$0x10420]  }
0x407: {  	v8 =	vadd.f32 v8, v9  }
0x408: {  	v9 =	vld [tilespmem:s12+$0x570];
	v11 =	vmul.f32 $8.000000000e+00, v11  }
0x409: {  	[tilespmem:s12+$0x4560] =	vst v8;
	v7 =	vmul.f32 $8.000000000e+00, v7  }
0x40a: {  	v8 =	vld [tilespmem:s19+$0x10430];
	v10 =	vadd.f32 v10, v11  }
0x40b: {  	v11 =	vld [tilespmem:s13+$0x570];
	v2 =	vadd.f32 v2, v7  }
0x40c: {  	v5 =	vmul.f32 $8.000000000e+00, v5;
	[tilespmem:s13+$0x4560] =	vst v10;
	v7 =	vld [tilespmem:s14+$0x570]  }
0x40d: {  	v9 =	vmul.f32 $8.000000000e+00, v9;
	v10 =	vld [tilespmem:s0+$0x10430];
	[tilespmem:s14+$0x4560] =	vst v2  }
0x40e: {  	v2 =	vadd.f32 v6, v5;
	v5 =	vld [tilespmem:s29+$0x10430]  }
0x40f: {  	v6 =	vld [tilespmem:s11+$0x580];
	v8 =	vadd.f32 v8, v9  }
0x410: {  	v9 =	vmul.f32 $8.000000000e+00, v11;
	[tilespmem:s11+$0x4570] =	vst v2;
	v2 =	vld [tilespmem:s12+$0x580]  }
0x411: {  	[tilespmem:s12+$0x4570] =	vst v8;
	v11 =	vld [tilespmem:s15+$0x10400];
	v7 =	vmul.f32 $8.000000000e+00, v7  }
0x412: {  	v8 =	vld [tilespmem:s16+$0x10400];
	v9 =	vadd.f32 v10, v9  }
0x413: {  	v10 =	vld [tilespmem:s13+$0x580];
	v5 =	vadd.f32 v5, v7  }
0x414: {  	v6 =	vmul.f32 $8.000000000e+00, v6;
	[tilespmem:s13+$0x4570] =	vst v9;
	v7 =	vld [tilespmem:s14+$0x580]  }
0x415: {  	s30 =	spop (v2sf);
	v9 =	vld [tilespmem:s26+$0x10400];
	v2 =	vmul.f32 $8.000000000e+00, v2;
	[tilespmem:s14+$0x4570] =	vst v5  }
0x416: {  	v5 =	vadd.f32 v11, v6;
	v6 =	vld [tilespmem:s30+$0x10400]  }
0x417: {  	v11 =	vld [tilespmem:s11+$0x590];
	v2 =	vadd.f32 v8, v2  }
0x418: {  	v8 =	vmul.f32 $8.000000000e+00, v10;
	[tilespmem:s11+$0x4580] =	vst v5;
	v5 =	vld [tilespmem:s12+$0x590]  }
0x419: {  	v10 =	vld [tilespmem:s15+$0x10410];
	[tilespmem:s12+$0x4580] =	vst v2;
	v2 =	vmul.f32 $8.000000000e+00, v7  }
0x41a: {  	v8 =	vadd.f32 v9, v8;
	v7 =	vld [tilespmem:s16+$0x10410]  }
0x41b: {  	v9 =	vld [tilespmem:s13+$0x590];
	v2 =	vadd.f32 v6, v2  }
0x41c: {  	[tilespmem:s13+$0x4580] =	vst v8;
	v8 =	vld [tilespmem:s14+$0x590];
	v6 =	vmul.f32 $8.000000000e+00, v11  }
0x41d: {  	v11 =	vld [tilespmem:s26+$0x10410];
	v5 =	vmul.f32 $8.000000000e+00, v5;
	[tilespmem:s14+$0x4580] =	vst v2  }
0x41e: {  	v2 =	vadd.f32 v10, v6;
	v6 =	vld [tilespmem:s30+$0x10410]  }
0x41f: {  	v10 =	vld [tilespmem:s11+$0x5A0];
	v5 =	vadd.f32 v7, v5  }
0x420: {  	v7 =	vmul.f32 $8.000000000e+00, v9;
	[tilespmem:s11+$0x4590] =	vst v2;
	v2 =	vld [tilespmem:s12+$0x5A0]  }
0x421: {  	v9 =	vld [tilespmem:s15+$0x10420];
	[tilespmem:s12+$0x4590] =	vst v5;
	v5 =	vmul.f32 $8.000000000e+00, v8  }
0x422: {  	v7 =	vadd.f32 v11, v7;
	v8 =	vld [tilespmem:s16+$0x10420]  }
0x423: {  	v11 =	vld [tilespmem:s13+$0x5A0];
	v5 =	vadd.f32 v6, v5  }
0x424: {  	[tilespmem:s13+$0x4590] =	vst v7;
	v7 =	vld [tilespmem:s14+$0x5A0];
	v6 =	vmul.f32 $8.000000000e+00, v10  }
0x425: {  	v10 =	vld [tilespmem:s26+$0x10420];
	v2 =	vmul.f32 $8.000000000e+00, v2;
	[tilespmem:s14+$0x4590] =	vst v5  }
0x426: {  	(v2sf) =	vpush v4, $0xF;
	v5 =	vadd.f32 v9, v6;
	v6 =	vld [tilespmem:s30+$0x10420]  }
0x427: {  	v4 =	vld [tilespmem:s11+$0x5B0];
	v2 =	vadd.f32 v8, v2  }
0x428: {  	v8 =	vmul.f32 $8.000000000e+00, v11;
	[tilespmem:s11+$0x45A0] =	vst v5;
	v5 =	vld [tilespmem:s12+$0x5B0]  }
0x429: {  	v9 =	vld [tilespmem:s15+$0x10430];
	[tilespmem:s12+$0x45A0] =	vst v2;
	v2 =	vmul.f32 $8.000000000e+00, v7  }
0x42a: {  	v8 =	vadd.f32 v10, v8;
	v7 =	vld [tilespmem:s16+$0x10430]  }
0x42b: {  	v10 =	vld [tilespmem:s13+$0x5B0];
	v2 =	vadd.f32 v6, v2  }
0x42c: {  	v4 =	vmul.f32 $8.000000000e+00, v4;
	[tilespmem:s13+$0x45A0] =	vst v8;
	v6 =	vld [tilespmem:s14+$0x5B0]  }
0x42d: {  	v8 =	vld [tilespmem:s26+$0x10430];
	v5 =	vmul.f32 $8.000000000e+00, v5;
	[tilespmem:s14+$0x45A0] =	vst v2  }
0x42e: {  	v2 =	vadd.f32 v9, v4;
	v4 =	vld [tilespmem:s30+$0x10430]  }
0x42f: {  	v9 =	vld [tilespmem:s11+$0x5C0];
	v5 =	vadd.f32 v7, v5  }
0x430: {  	v7 =	vmul.f32 $8.000000000e+00, v10;
	[tilespmem:s11+$0x45B0] =	vst v2;
	v2 =	vld [tilespmem:s12+$0x5C0]  }
0x431: {  	v10 =	vld [tilespmem:s7+$0x10400];
	[tilespmem:s12+$0x45B0] =	vst v5;
	v5 =	vmul.f32 $8.000000000e+00, v6  }
0x432: {  	v7 =	vadd.f32 v8, v7;
	v6 =	vld [tilespmem:s2+$0x10400]  }
0x433: {  	v8 =	vld [tilespmem:s13+$0x5C0];
	v4 =	vadd.f32 v4, v5  }
0x434: {  	[tilespmem:s13+$0x45B0] =	vst v7;
	v7 =	vld [tilespmem:s14+$0x5C0];
	v5 =	vmul.f32 $8.000000000e+00, v9  }
0x435: {  	s3 =	spop (v2sf);
	v9 =	vld [tilespmem:s24+$0x10400];
	v2 =	vmul.f32 $8.000000000e+00, v2;
	[tilespmem:s14+$0x45B0] =	vst v4  }
0x436: {  	v4 =	vadd.f32 v10, v5;
	v5 =	vld [tilespmem:s3+$0x10400]  }
0x437: {  	v10 =	vld [tilespmem:s11+$0x5D0];
	v2 =	vadd.f32 v6, v2  }
0x438: {  	v6 =	vmul.f32 $8.000000000e+00, v8;
	[tilespmem:s11+$0x45C0] =	vst v4;
	v4 =	vld [tilespmem:s12+$0x5D0]  }
0x439: {  	v8 =	vld [tilespmem:s7+$0x10410];
	[tilespmem:s12+$0x45C0] =	vst v2;
	v2 =	vmul.f32 $8.000000000e+00, v7  }
0x43a: {  	v6 =	vadd.f32 v9, v6;
	v7 =	vld [tilespmem:s2+$0x10410]  }
0x43b: {  	v9 =	vld [tilespmem:s13+$0x5D0];
	v2 =	vadd.f32 v5, v2  }
0x43c: {  	[tilespmem:s13+$0x45C0] =	vst v6;
	v6 =	vld [tilespmem:s14+$0x5D0];
	v5 =	vmul.f32 $8.000000000e+00, v10  }
0x43d: {  	v10 =	vld [tilespmem:s24+$0x10410];
	v4 =	vmul.f32 $8.000000000e+00, v4;
	[tilespmem:s14+$0x45C0] =	vst v2  }
0x43e: {  	v2 =	vadd.f32 v8, v5;
	v5 =	vld [tilespmem:s3+$0x10410]  }
0x43f: {  	v4 =	vadd.f32 v7, v4  }
0x440: {  	v1 =	vld [tilespmem:s12+$0x5E0];
	[tilespmem:s11+$0x45D0] =	vst v2;
	v2 =	vmul.f32 $8.000000000e+00, v9  }
0x441: {  	v7 =	vld [tilespmem:s7+$0x10420];
	[tilespmem:s12+$0x45D0] =	vst v4;
	v4 =	vmul.f32 $8.000000000e+00, v6  }
0x442: {  	v6 =	vld [tilespmem:s2+$0x10420];
	v2 =	vadd.f32 v10, v2  }
0x443: {  	v0 =	vld [tilespmem:s13+$0x5E0];
	v4 =	vadd.f32 v5, v4  }
0x444: {  	v3 =	vmul.f32 $8.000000000e+00, v3;
	[tilespmem:s13+$0x45D0] =	vst v2;
	v2 =	vld [tilespmem:s14+$0x5E0]  }
0x445: {  	v1 =	vmul.f32 $8.000000000e+00, v1;
	v5 =	vld [tilespmem:s24+$0x10420];
	[tilespmem:s14+$0x45D0] =	vst v4  }
0x446: {  	v3 =	vadd.f32 v7, v3;
	v4 =	vld [tilespmem:s3+$0x10420]  }
0x447: {  	v7 =	vld [tilespmem:s11+$0x5F0];
	v1 =	vadd.f32 v6, v1  }
0x448: {  	v0 =	vmul.f32 $8.000000000e+00, v0;
	[tilespmem:s11+$0x45E0] =	vst v3;
	v3 =	vld [tilespmem:s12+$0x5F0]  }
0x449: {  	v6 =	vld [tilespmem:s7+$0x10430];
	[tilespmem:s12+$0x45E0] =	vst v1;
	v1 =	vmul.f32 $8.000000000e+00, v2  }
0x44a: {  	v2 =	vld [tilespmem:s2+$0x10430];
	v0 =	vadd.f32 v5, v0  }
0x44b: {  	v5 =	vld [tilespmem:s13+$0x5F0];
	v1 =	vadd.f32 v4, v1  }
0x44c: {  	[tilespmem:s13+$0x45E0] =	vst v0;
	v0 =	vld [tilespmem:s14+$0x5F0]  }
0x44d: {  	v4 =	vld [tilespmem:s24+$0x10430];
	[tilespmem:s14+$0x45E0] =	vst v1  }
0x44e: {  	s7 =	sshll.u32 s10, $0x8;
	v1 =	vmul.f32 $8.000000000e+00, v7;
	v7 =	vld [tilespmem:s3+$0x10430]  }
0x44f: {  	s0 =	sand.u32 $0xE00, s7;
	v3 =	vmul.f32 $8.000000000e+00, v3  }
0x450: {  	s8 =	sshll.u32 s10, $0x2;
	s0 =	smul.u32 $0x3200, s0;
	v5 =	vmul.f32 $8.000000000e+00, v5;
	v1 =	vadd.f32 v6, v1  }
0x451: {  	s2 =	sand.u32 $0x7FFFFFC0, s8;
	v2 =	vadd.f32 v2, v3;
	v0 =	vmul.f32 $8.000000000e+00, v0  }
0x452: {  	s0 =	sadd.s32 s2, s0;
	[tilespmem:s11+$0x45F0] =	vst v1;
	v1 =	vadd.f32 v4, v5  }
0x453: {  	p1 =	seq.s32 s9, $0x31;
	s0 =	sshrl.u32 s0, $0x3;
	[tilespmem:s12+$0x45F0] =	vst v2;
	s12 =	rddreg [dreg:$0x1];
	v0 =	vadd.f32 v7, v0  }
0x454: {  	s11 =	sadd.s32 s12, s0;
	s0 =	sshll.u32 @!p1 s10, $0x5;
	[tilespmem:s13+$0x45F0] =	vst v1  }
0x455: {  	s0 =	sadd.s32 @!p1 $0x40, s0;
	s13 =	simm.s32 $0x3200;
	[tilespmem:s14+$0x45F0] =	vst v0;
	s14 =	simm.s32 $0x4200  }
0x456: {  	[hbm4b:s11+s31] =	stream.strided.scatter [tilespmem:s14], [sflag:$0x3], $0x4000, s13, s31, $0x38;
	[tilespmem:$0x13600] =	vst v63  }
0x457: {  	s7 =	simm.s32 @!p1 $0x0;
	s2 =	sadd.s32 @!p1 s4, s0  }
0x458: {  	[tilespmem:s7], [sflag:$0x1] =	stream.linear.gather @!p1 [hbm4b:s2+s7], $0x100, $0x38;
	[tilespmem:$0x13600] =	vst v63  }
0x459: {  	s0 =	sadd.s32 @!p1 s5, s0;
	s2 =	simm.s32 @!p1 $0x100  }
0x45a: {  	[tilespmem:s2], [sflag:$0x1] =	stream.linear.gather @!p1 [hbm4b:s0+s7], $0x100, $0x38;
	[tilespmem:$0x13600] =	vst v63  }
0x45b: {  	_ =	swait.ge [sflag:s1], $0x2000  }
0x45c: {  	[sflag:s1] =	ssyncset.done $0x0  }
0x45d: {  	[sflag:s1] =	ssyncadd.s32 $0xFFFFE000  }
0x45e: {  	_ =	swait.ge [sflag:s1], $0x2000  }
0x45f: {  	[sflag:s1] =	ssyncset.done $0x0  }
0x460: {  	s0 =	simm.s32 @!p0 $0x6;
	[sflag:s1] =	ssyncadd.s32 $0xFFFFE000  }
0x461: {  	_ =	swait.ge @!p0 [sflag:s0], $0x4000  }
0x462: {  	[sflag:s0] =	ssyncset.done @!p0 $0x0  }
0x463: {  	s15 =	simm.s32 $0x8300;
	[sflag:s0] =	ssyncadd.s32 @!p0 $0xFFFFC000  }
0x464: {  	v0 =	vld [tilespmem:s15+$0x0];
	_ =	sdelay $0x4  }
0x465: {  	v0 =	vshll.u32 v0, $0x8  }
0x466: {  	v4 =	vshra.s32 v0, $0x2  }
0x467: {  	(v2sf) =	vpush v4, $0x0;
	_ =	sdelay $0xc  }
0x468: {  	s14 =	simm.s32 $0x0  }
0x469: {  	v0 =	vld [tilespmem:s14+$0x8400]  }
0x46a: {  	s16 =	spop (v2sf)  }
0x46b: {  	v1 =	vld [tilespmem:s16+$0x10400];
	_ =	sdelay $0x2  }
0x46c: {  	v0 =	vmul.f32 $8.000000000e+00, v0;
	_ =	sdelay $0x1  }
0x46d: {  	v0 =	vadd.f32 v1, v0  }
0x46e: {  	v1 =	vld [tilespmem:s14+$0x8410]  }
0x46f: {  	[tilespmem:s14+$0xC400] =	vst v0  }
0x470: {  	v0 =	vld [tilespmem:s16+$0x10410];
	_ =	sdelay $0x2  }
0x471: {  	v1 =	vmul.f32 $8.000000000e+00, v1;
	_ =	sdelay $0x1  }
0x472: {  	v0 =	vadd.f32 v0, v1  }
0x473: {  	v1 =	vld [tilespmem:s14+$0x8420]  }
0x474: {  	[tilespmem:s14+$0xC410] =	vst v0  }
0x475: {  	(v2sf) =	vpush v4, $0x1;
	v0 =	vld [tilespmem:s16+$0x10420];
	_ =	sdelay $0x2  }
0x476: {  	v1 =	vmul.f32 $8.000000000e+00, v1;
	_ =	sdelay $0x1  }
0x477: {  	v0 =	vadd.f32 v0, v1  }
0x478: {  	v1 =	vld [tilespmem:s14+$0x8430]  }
0x479: {  	[tilespmem:s14+$0xC420] =	vst v0  }
0x47a: {  	v0 =	vld [tilespmem:s16+$0x10430];
	_ =	sdelay $0x2  }
0x47b: {  	v1 =	vmul.f32 $8.000000000e+00, v1;
	_ =	sdelay $0x1  }
0x47c: {  	v0 =	vadd.f32 v0, v1  }
0x47d: {  	v1 =	vld [tilespmem:s14+$0x8440]  }
0x47e: {  	s19 =	spop (v2sf);
	[tilespmem:s14+$0xC430] =	vst v0  }
0x47f: {  	v0 =	vld [tilespmem:s19+$0x10400];
	_ =	sdelay $0x2  }
0x480: {  	v1 =	vmul.f32 $8.000000000e+00, v1;
	_ =	sdelay $0x1  }
0x481: {  	v0 =	vadd.f32 v0, v1  }
0x482: {  	v1 =	vld [tilespmem:s14+$0x8450]  }
0x483: {  	[tilespmem:s14+$0xC440] =	vst v0  }
0x484: {  	v0 =	vld [tilespmem:s19+$0x10410];
	_ =	sdelay $0x2  }
0x485: {  	v1 =	vmul.f32 $8.000000000e+00, v1;
	_ =	sdelay $0x1  }
0x486: {  	v0 =	vadd.f32 v0, v1  }
0x487: {  	v1 =	vld [tilespmem:s14+$0x8460]  }
0x488: {  	[tilespmem:s14+$0xC450] =	vst v0  }
0x489: {  	(v2sf) =	vpush v4, $0x2;
	v0 =	vld [tilespmem:s19+$0x10420];
	_ =	sdelay $0x2  }
0x48a: {  	v1 =	vmul.f32 $8.000000000e+00, v1;
	_ =	sdelay $0x1  }
0x48b: {  	v0 =	vadd.f32 v0, v1  }
0x48c: {  	v1 =	vld [tilespmem:s14+$0x8470]  }
0x48d: {  	[tilespmem:s14+$0xC460] =	vst v0  }
0x48e: {  	v0 =	vld [tilespmem:s19+$0x10430];
	_ =	sdelay $0x2  }
0x48f: {  	v1 =	vmul.f32 $8.000000000e+00, v1;
	_ =	sdelay $0x1  }
0x490: {  	v0 =	vadd.f32 v0, v1  }
0x491: {  	v1 =	vld [tilespmem:s14+$0x8480]  }
0x492: {  	s20 =	spop (v2sf);
	[tilespmem:s14+$0xC470] =	vst v0  }
0x493: {  	v0 =	vld [tilespmem:s20+$0x10400];
	_ =	sdelay $0x2  }
0x494: {  	v1 =	vmul.f32 $8.000000000e+00, v1;
	_ =	sdelay $0x1  }
0x495: {  	v0 =	vadd.f32 v0, v1  }
0x496: {  	v1 =	vld [tilespmem:s14+$0x8490]  }
0x497: {  	[tilespmem:s14+$0xC480] =	vst v0  }
0x498: {  	v0 =	vld [tilespmem:s20+$0x10410];
	_ =	sdelay $0x2  }
0x499: {  	v1 =	vmul.f32 $8.000000000e+00, v1;
	_ =	sdelay $0x1  }
0x49a: {  	v0 =	vadd.f32 v0, v1  }
0x49b: {  	v1 =	vld [tilespmem:s14+$0x84A0]  }
0x49c: {  	[tilespmem:s14+$0xC490] =	vst v0  }
0x49d: {  	v0 =	vld [tilespmem:s20+$0x10420];
	(v2sf) =	vpush v4, $0x3;
	_ =	sdelay $0x2  }
0x49e: {  	v1 =	vmul.f32 $8.000000000e+00, v1;
	_ =	sdelay $0x1  }
0x49f: {  	v0 =	vadd.f32 v0, v1  }
0x4a0: {  	v1 =	vld [tilespmem:s14+$0x84B0]  }
0x4a1: {  	[tilespmem:s14+$0xC4A0] =	vst v0  }
0x4a2: {  	v0 =	vld [tilespmem:s20+$0x10430];
	_ =	sdelay $0x2  }
0x4a3: {  	v1 =	vmul.f32 $8.000000000e+00, v1;
	_ =	sdelay $0x1  }
0x4a4: {  	v0 =	vadd.f32 v0, v1  }
0x4a5: {  	v1 =	vld [tilespmem:s14+$0x84C0]  }
0x4a6: {  	[tilespmem:s14+$0xC4B0] =	vst v0;
	s21 =	spop (v2sf)  }
0x4a7: {  	v0 =	vld [tilespmem:s21+$0x10400];
	_ =	sdelay $0x2  }
0x4a8: {  	v1 =	vmul.f32 $8.000000000e+00, v1;
	_ =	sdelay $0x1  }
0x4a9: {  	v0 =	vadd.f32 v0, v1  }
0x4aa: {  	v1 =	vld [tilespmem:s14+$0x84D0]  }
0x4ab: {  	[tilespmem:s14+$0xC4C0] =	vst v0  }
0x4ac: {  	v0 =	vld [tilespmem:s21+$0x10410]  }
0x4ad: {  	s22 =	simm.s32 $0x8310  }
0x4ae: {  	v2 =	vld [tilespmem:s22+$0x0]  }
0x4af: {  	v1 =	vmul.f32 $8.000000000e+00, v1;
	_ =	sdelay $0x1  }
0x4b0: {  	v0 =	vadd.f32 v0, v1  }
0x4b1: {  	v1 =	vld [tilespmem:s14+$0x84E0]  }
0x4b2: {  	v2 =	vshll.u32 v2, $0x8;
	[tilespmem:s14+$0xC4D0] =	vst v0  }
0x4b3: {  	(v2sf) =	vpush v4, $0x4;
	v0 =	vshra.s32 v2, $0x2;
	v2 =	vld [tilespmem:s21+$0x10420]  }
0x4b4: {  	(v2sf) =	vpush v0, $0x0;
	_ =	sdelay $0x1  }
0x4b5: {  	v1 =	vmul.f32 $8.000000000e+00, v1;
	_ =	sdelay $0x1  }
0x4b6: {  	v1 =	vadd.f32 v2, v1  }
0x4b7: {  	v2 =	vld [tilespmem:s14+$0x84F0]  }
0x4b8: {  	[tilespmem:s14+$0xC4E0] =	vst v1  }
0x4b9: {  	v1 =	vld [tilespmem:s21+$0x10430];
	_ =	sdelay $0x2  }
0x4ba: {  	v2 =	vmul.f32 $8.000000000e+00, v2;
	_ =	sdelay $0x1  }
0x4bb: {  	v1 =	vadd.f32 v1, v2  }
0x4bc: {  	s12 =	simm.s32 $0x400;
	v2 =	vld [tilespmem:s14+$0x8500]  }
0x4bd: {  	v3 =	vld [tilespmem:s12+$0x8400];
	s24 =	spop (v2sf);
	[tilespmem:s14+$0xC4F0] =	vst v1  }
0x4be: {  	s25 =	spop (v2sf);
	v1 =	vld [tilespmem:s24+$0x10400]  }
0x4bf: {  	v5 =	vld [tilespmem:s25+$0x10400];
	_ =	sdelay $0x1  }
0x4c0: {  	v2 =	vmul.f32 $8.000000000e+00, v2  }
0x4c1: {  	v3 =	vmul.f32 $8.000000000e+00, v3  }
0x4c2: {  	v1 =	vadd.f32 v1, v2  }
0x4c3: {  	v2 =	vld [tilespmem:s14+$0x8510];
	v3 =	vadd.f32 v5, v3  }
0x4c4: {  	v5 =	vld [tilespmem:s12+$0x8410];
	[tilespmem:s14+$0xC500] =	vst v1  }
0x4c5: {  	[tilespmem:s12+$0xC400] =	vst v3;
	v1 =	vld [tilespmem:s24+$0x10410]  }
0x4c6: {  	v3 =	vld [tilespmem:s25+$0x10410];
	_ =	sdelay $0x1  }
0x4c7: {  	v2 =	vmul.f32 $8.000000000e+00, v2  }
0x4c8: {  	v5 =	vmul.f32 $8.000000000e+00, v5  }
0x4c9: {  	v1 =	vadd.f32 v1, v2  }
0x4ca: {  	v2 =	vld [tilespmem:s14+$0x8520];
	v3 =	vadd.f32 v3, v5  }
0x4cb: {  	v5 =	vld [tilespmem:s12+$0x8420];
	[tilespmem:s14+$0xC510] =	vst v1  }
0x4cc: {  	(v2sf) =	vpush v4, $0x5;
	[tilespmem:s12+$0xC410] =	vst v3;
	v1 =	vld [tilespmem:s24+$0x10420]  }
0x4cd: {  	(v2sf) =	vpush v0, $0x1;
	v3 =	vld [tilespmem:s25+$0x10420];
	_ =	sdelay $0x1  }
0x4ce: {  	v2 =	vmul.f32 $8.000000000e+00, v2  }
0x4cf: {  	v5 =	vmul.f32 $8.000000000e+00, v5  }
0x4d0: {  	v1 =	vadd.f32 v1, v2  }
0x4d1: {  	v2 =	vld [tilespmem:s14+$0x8530];
	v3 =	vadd.f32 v3, v5  }
0x4d2: {  	v5 =	vld [tilespmem:s12+$0x8430];
	[tilespmem:s14+$0xC520] =	vst v1  }
0x4d3: {  	[tilespmem:s12+$0xC420] =	vst v3;
	v1 =	vld [tilespmem:s24+$0x10430]  }
0x4d4: {  	v3 =	vld [tilespmem:s25+$0x10430];
	_ =	sdelay $0x1  }
0x4d5: {  	v2 =	vmul.f32 $8.000000000e+00, v2  }
0x4d6: {  	v5 =	vmul.f32 $8.000000000e+00, v5  }
0x4d7: {  	v1 =	vadd.f32 v1, v2  }
0x4d8: {  	v2 =	vld [tilespmem:s14+$0x8540];
	v3 =	vadd.f32 v3, v5  }
0x4d9: {  	s26 =	spop (v2sf);
	v5 =	vld [tilespmem:s12+$0x8440];
	[tilespmem:s14+$0xC530] =	vst v1  }
0x4da: {  	s29 =	spop (v2sf);
	[tilespmem:s12+$0xC430] =	vst v3;
	v1 =	vld [tilespmem:s26+$0x10400]  }
0x4db: {  	v3 =	vld [tilespmem:s29+$0x10400];
	_ =	sdelay $0x1  }
0x4dc: {  	v2 =	vmul.f32 $8.000000000e+00, v2  }
0x4dd: {  	v5 =	vmul.f32 $8.000000000e+00, v5  }
0x4de: {  	v1 =	vadd.f32 v1, v2  }
0x4df: {  	v2 =	vld [tilespmem:s14+$0x8550];
	v3 =	vadd.f32 v3, v5  }
0x4e0: {  	v5 =	vld [tilespmem:s12+$0x8450];
	[tilespmem:s14+$0xC540] =	vst v1  }
0x4e1: {  	[tilespmem:s12+$0xC440] =	vst v3;
	v1 =	vld [tilespmem:s26+$0x10410]  }
0x4e2: {  	v3 =	vld [tilespmem:s29+$0x10410];
	_ =	sdelay $0x1  }
0x4e3: {  	v2 =	vmul.f32 $8.000000000e+00, v2  }
0x4e4: {  	v5 =	vmul.f32 $8.000000000e+00, v5  }
0x4e5: {  	v1 =	vadd.f32 v1, v2  }
0x4e6: {  	v2 =	vld [tilespmem:s14+$0x8560];
	v3 =	vadd.f32 v3, v5  }
0x4e7: {  	v5 =	vld [tilespmem:s12+$0x8460];
	[tilespmem:s14+$0xC550] =	vst v1  }
0x4e8: {  	(v2sf) =	vpush v4, $0x6;
	[tilespmem:s12+$0xC450] =	vst v3;
	v1 =	vld [tilespmem:s26+$0x10420]  }
0x4e9: {  	(v2sf) =	vpush v0, $0x2;
	v3 =	vld [tilespmem:s29+$0x10420];
	_ =	sdelay $0x1  }
0x4ea: {  	v2 =	vmul.f32 $8.000000000e+00, v2  }
0x4eb: {  	v5 =	vmul.f32 $8.000000000e+00, v5  }
0x4ec: {  	v1 =	vadd.f32 v1, v2  }
0x4ed: {  	v2 =	vld [tilespmem:s14+$0x8570];
	v3 =	vadd.f32 v3, v5  }
0x4ee: {  	v5 =	vld [tilespmem:s12+$0x8470];
	[tilespmem:s14+$0xC560] =	vst v1  }
0x4ef: {  	[tilespmem:s12+$0xC460] =	vst v3;
	v1 =	vld [tilespmem:s26+$0x10430]  }
0x4f0: {  	v3 =	vld [tilespmem:s29+$0x10430];
	_ =	sdelay $0x1  }
0x4f1: {  	v2 =	vmul.f32 $8.000000000e+00, v2  }
0x4f2: {  	v5 =	vmul.f32 $8.000000000e+00, v5  }
0x4f3: {  	v1 =	vadd.f32 v1, v2  }
0x4f4: {  	v2 =	vld [tilespmem:s14+$0x8580];
	v3 =	vadd.f32 v3, v5  }
0x4f5: {  	s30 =	spop (v2sf);
	v5 =	vld [tilespmem:s12+$0x8480];
	[tilespmem:s14+$0xC570] =	vst v1  }
0x4f6: {  	s31 =	spop (v2sf);
	[tilespmem:s12+$0xC470] =	vst v3;
	v1 =	vld [tilespmem:s30+$0x10400]  }
0x4f7: {  	v3 =	vld [tilespmem:s31+$0x10400];
	_ =	sdelay $0x1  }
0x4f8: {  	v2 =	vmul.f32 $8.000000000e+00, v2  }
0x4f9: {  	v5 =	vmul.f32 $8.000000000e+00, v5  }
0x4fa: {  	v1 =	vadd.f32 v1, v2  }
0x4fb: {  	v2 =	vld [tilespmem:s14+$0x8590];
	v3 =	vadd.f32 v3, v5  }
0x4fc: {  	v5 =	vld [tilespmem:s12+$0x8490];
	[tilespmem:s14+$0xC580] =	vst v1  }
0x4fd: {  	[tilespmem:s12+$0xC480] =	vst v3;
	v1 =	vld [tilespmem:s30+$0x10410]  }
0x4fe: {  	v3 =	vld [tilespmem:s31+$0x10410];
	_ =	sdelay $0x1  }
0x4ff: {  	v2 =	vmul.f32 $8.000000000e+00, v2  }
0x500: {  	v5 =	vmul.f32 $8.000000000e+00, v5  }
0x501: {  	v1 =	vadd.f32 v1, v2  }
0x502: {  	v2 =	vld [tilespmem:s14+$0x85A0];
	v3 =	vadd.f32 v3, v5  }
0x503: {  	v5 =	vld [tilespmem:s12+$0x84A0];
	[tilespmem:s14+$0xC590] =	vst v1  }
0x504: {  	(v2sf) =	vpush v4, $0x7;
	[tilespmem:s12+$0xC490] =	vst v3;
	v1 =	vld [tilespmem:s30+$0x10420]  }
0x505: {  	(v2sf) =	vpush v0, $0x3;
	v3 =	vld [tilespmem:s31+$0x10420];
	_ =	sdelay $0x1  }
0x506: {  	v2 =	vmul.f32 $8.000000000e+00, v2  }
0x507: {  	v5 =	vmul.f32 $8.000000000e+00, v5  }
0x508: {  	v1 =	vadd.f32 v1, v2  }
0x509: {  	v2 =	vld [tilespmem:s14+$0x85B0];
	v3 =	vadd.f32 v3, v5  }
0x50a: {  	v5 =	vld [tilespmem:s12+$0x84B0];
	[tilespmem:s14+$0xC5A0] =	vst v1  }
0x50b: {  	[tilespmem:s12+$0xC4A0] =	vst v3;
	v1 =	vld [tilespmem:s30+$0x10430]  }
0x50c: {  	v3 =	vld [tilespmem:s31+$0x10430];
	_ =	sdelay $0x1  }
0x50d: {  	v2 =	vmul.f32 $8.000000000e+00, v2  }
0x50e: {  	v5 =	vmul.f32 $8.000000000e+00, v5  }
0x50f: {  	v1 =	vadd.f32 v1, v2  }
0x510: {  	v2 =	vld [tilespmem:s14+$0x85C0];
	v3 =	vadd.f32 v3, v5  }
0x511: {  	s3 =	spop (v2sf);
	v5 =	vld [tilespmem:s12+$0x84C0];
	[tilespmem:s14+$0xC5B0] =	vst v1  }
0x512: {  	s8 =	spop (v2sf);
	[tilespmem:s12+$0xC4B0] =	vst v3;
	v1 =	vld [tilespmem:s3+$0x10400]  }
0x513: {  	v3 =	vld [tilespmem:s8+$0x10400];
	_ =	sdelay $0x1  }
0x514: {  	v2 =	vmul.f32 $8.000000000e+00, v2  }
0x515: {  	v5 =	vmul.f32 $8.000000000e+00, v5  }
0x516: {  	v1 =	vadd.f32 v1, v2  }
0x517: {  	v2 =	vld [tilespmem:s14+$0x85D0];
	v3 =	vadd.f32 v3, v5  }
0x518: {  	v5 =	vld [tilespmem:s12+$0x84D0];
	[tilespmem:s14+$0xC5C0] =	vst v1  }
0x519: {  	[tilespmem:s12+$0xC4C0] =	vst v3;
	v1 =	vld [tilespmem:s3+$0x10410]  }
0x51a: {  	v3 =	vld [tilespmem:s8+$0x10410]  }
0x51b: {  	s13 =	simm.s32 $0x8320  }
0x51c: {  	v6 =	vld [tilespmem:s13+$0x0];
	v2 =	vmul.f32 $8.000000000e+00, v2  }
0x51d: {  	v5 =	vmul.f32 $8.000000000e+00, v5  }
0x51e: {  	v1 =	vadd.f32 v1, v2  }
0x51f: {  	v2 =	vld [tilespmem:s14+$0x85E0];
	v3 =	vadd.f32 v3, v5  }
0x520: {  	v5 =	vld [tilespmem:s12+$0x84E0];
	[tilespmem:s14+$0xC5D0] =	vst v1  }
0x521: {  	(v2sf) =	vpush v4, $0x8;
	v1 =	vshll.u32 v6, $0x8;
	[tilespmem:s12+$0xC4D0] =	vst v3;
	v3 =	vld [tilespmem:s3+$0x10420]  }
0x522: {  	(v2sf) =	vpush v0, $0x4;
	v1 =	vshra.s32 v1, $0x2;
	v6 =	vld [tilespmem:s8+$0x10420]  }
0x523: {  	(v2sf) =	vpush v1, $0x0  }
0x524: {  	v2 =	vmul.f32 $8.000000000e+00, v2  }
0x525: {  	v5 =	vmul.f32 $8.000000000e+00, v5  }
0x526: {  	v2 =	vadd.f32 v3, v2  }
0x527: {  	v3 =	vld [tilespmem:s14+$0x85F0];
	v5 =	vadd.f32 v6, v5  }
0x528: {  	v6 =	vld [tilespmem:s12+$0x84F0];
	[tilespmem:s14+$0xC5E0] =	vst v2  }
0x529: {  	[tilespmem:s12+$0xC4E0] =	vst v5;
	v2 =	vld [tilespmem:s3+$0x10430]  }
0x52a: {  	v5 =	vld [tilespmem:s8+$0x10430];
	_ =	sdelay $0x1  }
0x52b: {  	v3 =	vmul.f32 $8.000000000e+00, v3  }
0x52c: {  	v6 =	vmul.f32 $8.000000000e+00, v6  }
0x52d: {  	v7 =	vld [tilespmem:s14+$0x8600];
	v2 =	vadd.f32 v2, v3  }
0x52e: {  	s13 =	simm.s32 $0x800;
	v3 =	vld [tilespmem:s12+$0x8500];
	v5 =	vadd.f32 v5, v6  }
0x52f: {  	s15 =	spop (v2sf);
	v6 =	vld [tilespmem:s13+$0x8400];
	[tilespmem:s14+$0xC5F0] =	vst v2  }
0x530: {  	s16 =	spop (v2sf);
	[tilespmem:s12+$0xC4F0] =	vst v5;
	v2 =	vld [tilespmem:s15+$0x10400]  }
0x531: {  	s19 =	spop (v2sf);
	v5 =	vld [tilespmem:s16+$0x10400]  }
0x532: {  	v8 =	vld [tilespmem:s19+$0x10400]  }
0x533: {  	v7 =	vmul.f32 $8.000000000e+00, v7  }
0x534: {  	v3 =	vmul.f32 $8.000000000e+00, v3  }
0x535: {  	v9 =	vld [tilespmem:s14+$0x8610];
	v6 =	vmul.f32 $8.000000000e+00, v6;
	v2 =	vadd.f32 v2, v7  }
0x536: {  	v7 =	vld [tilespmem:s12+$0x8510];
	v3 =	vadd.f32 v5, v3  }
0x537: {  	v5 =	vld [tilespmem:s13+$0x8410];
	v6 =	vadd.f32 v8, v6;
	[tilespmem:s14+$0xC600] =	vst v2  }
0x538: {  	[tilespmem:s12+$0xC500] =	vst v3;
	v2 =	vld [tilespmem:s15+$0x10410]  }
0x539: {  	[tilespmem:s13+$0xC400] =	vst v6;
	v3 =	vld [tilespmem:s16+$0x10410]  }
0x53a: {  	v6 =	vld [tilespmem:s19+$0x10410]  }
0x53b: {  	v8 =	vmul.f32 $8.000000000e+00, v9  }
0x53c: {  	v7 =	vmul.f32 $8.000000000e+00, v7  }
0x53d: {  	v9 =	vld [tilespmem:s14+$0x8620];
	v5 =	vmul.f32 $8.000000000e+00, v5;
	v2 =	vadd.f32 v2, v8  }
0x53e: {  	v8 =	vld [tilespmem:s12+$0x8520];
	v3 =	vadd.f32 v3, v7  }
0x53f: {  	v7 =	vld [tilespmem:s13+$0x8420];
	v5 =	vadd.f32 v6, v5;
	[tilespmem:s14+$0xC610] =	vst v2  }
0x540: {  	(v2sf) =	vpush v4, $0x9;
	[tilespmem:s12+$0xC510] =	vst v3;
	v2 =	vld [tilespmem:s15+$0x10420]  }
0x541: {  	(v2sf) =	vpush v0, $0x5;
	[tilespmem:s13+$0xC410] =	vst v5;
	v3 =	vld [tilespmem:s16+$0x10420]  }
0x542: {  	(v2sf) =	vpush v1, $0x1;
	v5 =	vld [tilespmem:s19+$0x10420]  }
0x543: {  	v6 =	vmul.f32 $8.000000000e+00, v9  }
0x544: {  	v8 =	vmul.f32 $8.000000000e+00, v8  }
0x545: {  	v9 =	vld [tilespmem:s14+$0x8630];
	v7 =	vmul.f32 $8.000000000e+00, v7;
	v2 =	vadd.f32 v2, v6  }
0x546: {  	v6 =	vld [tilespmem:s12+$0x8530];
	v3 =	vadd.f32 v3, v8  }
0x547: {  	v8 =	vld [tilespmem:s13+$0x8430];
	v5 =	vadd.f32 v5, v7;
	[tilespmem:s14+$0xC620] =	vst v2  }
0x548: {  	[tilespmem:s12+$0xC520] =	vst v3;
	v2 =	vld [tilespmem:s15+$0x10430]  }
0x549: {  	[tilespmem:s13+$0xC420] =	vst v5;
	v3 =	vld [tilespmem:s16+$0x10430]  }
0x54a: {  	v5 =	vld [tilespmem:s19+$0x10430]  }
0x54b: {  	v7 =	vmul.f32 $8.000000000e+00, v9  }
0x54c: {  	v6 =	vmul.f32 $8.000000000e+00, v6  }
0x54d: {  	v9 =	vld [tilespmem:s14+$0x8640];
	v8 =	vmul.f32 $8.000000000e+00, v8;
	v2 =	vadd.f32 v2, v7  }
0x54e: {  	v7 =	vld [tilespmem:s12+$0x8540];
	v3 =	vadd.f32 v3, v6  }
0x54f: {  	s20 =	spop (v2sf);
	v6 =	vld [tilespmem:s13+$0x8440];
	v5 =	vadd.f32 v5, v8;
	[tilespmem:s14+$0xC630] =	vst v2  }
0x550: {  	s21 =	spop (v2sf);
	[tilespmem:s12+$0xC530] =	vst v3;
	v2 =	vld [tilespmem:s20+$0x10400]  }
0x551: {  	s22 =	spop (v2sf);
	[tilespmem:s13+$0xC430] =	vst v5;
	v3 =	vld [tilespmem:s21+$0x10400]  }
0x552: {  	v5 =	vld [tilespmem:s22+$0x10400]  }
0x553: {  	v8 =	vmul.f32 $8.000000000e+00, v9  }
0x554: {  	v7 =	vmul.f32 $8.000000000e+00, v7  }
0x555: {  	v9 =	vld [tilespmem:s14+$0x8650];
	v6 =	vmul.f32 $8.000000000e+00, v6;
	v2 =	vadd.f32 v2, v8  }
0x556: {  	v8 =	vld [tilespmem:s12+$0x8550];
	v3 =	vadd.f32 v3, v7  }
0x557: {  	v7 =	vld [tilespmem:s13+$0x8450];
	v5 =	vadd.f32 v5, v6;
	[tilespmem:s14+$0xC640] =	vst v2  }
0x558: {  	[tilespmem:s12+$0xC540] =	vst v3;
	v2 =	vld [tilespmem:s20+$0x10410]  }
0x559: {  	[tilespmem:s13+$0xC440] =	vst v5;
	v3 =	vld [tilespmem:s21+$0x10410]  }
0x55a: {  	v5 =	vld [tilespmem:s22+$0x10410]  }
0x55b: {  	v6 =	vmul.f32 $8.000000000e+00, v9  }
0x55c: {  	v8 =	vmul.f32 $8.000000000e+00, v8  }
0x55d: {  	v9 =	vld [tilespmem:s14+$0x8660];
	v7 =	vmul.f32 $8.000000000e+00, v7;
	v2 =	vadd.f32 v2, v6  }
0x55e: {  	v6 =	vld [tilespmem:s12+$0x8560];
	v3 =	vadd.f32 v3, v8  }
0x55f: {  	v8 =	vld [tilespmem:s13+$0x8460];
	v5 =	vadd.f32 v5, v7;
	[tilespmem:s14+$0xC650] =	vst v2  }
0x560: {  	(v2sf) =	vpush v4, $0xA;
	[tilespmem:s12+$0xC550] =	vst v3;
	v2 =	vld [tilespmem:s20+$0x10420]  }
0x561: {  	(v2sf) =	vpush v0, $0x6;
	[tilespmem:s13+$0xC450] =	vst v5;
	v3 =	vld [tilespmem:s21+$0x10420]  }
0x562: {  	(v2sf) =	vpush v1, $0x2;
	v5 =	vld [tilespmem:s22+$0x10420]  }
0x563: {  	v7 =	vmul.f32 $8.000000000e+00, v9  }
0x564: {  	v6 =	vmul.f32 $8.000000000e+00, v6  }
0x565: {  	v9 =	vld [tilespmem:s14+$0x8670];
	v8 =	vmul.f32 $8.000000000e+00, v8;
	v2 =	vadd.f32 v2, v7  }
0x566: {  	v7 =	vld [tilespmem:s12+$0x8570];
	v3 =	vadd.f32 v3, v6  }
0x567: {  	v6 =	vld [tilespmem:s13+$0x8470];
	v5 =	vadd.f32 v5, v8;
	[tilespmem:s14+$0xC660] =	vst v2  }
0x568: {  	[tilespmem:s12+$0xC560] =	vst v3;
	v2 =	vld [tilespmem:s20+$0x10430]  }
0x569: {  	[tilespmem:s13+$0xC460] =	vst v5;
	v3 =	vld [tilespmem:s21+$0x10430]  }
0x56a: {  	v5 =	vld [tilespmem:s22+$0x10430]  }
0x56b: {  	v8 =	vmul.f32 $8.000000000e+00, v9  }
0x56c: {  	v7 =	vmul.f32 $8.000000000e+00, v7  }
0x56d: {  	v9 =	vld [tilespmem:s14+$0x8680];
	v6 =	vmul.f32 $8.000000000e+00, v6;
	v2 =	vadd.f32 v2, v8  }
0x56e: {  	v8 =	vld [tilespmem:s12+$0x8580];
	v3 =	vadd.f32 v3, v7  }
0x56f: {  	s24 =	spop (v2sf);
	v7 =	vld [tilespmem:s13+$0x8480];
	v5 =	vadd.f32 v5, v6;
	[tilespmem:s14+$0xC670] =	vst v2  }
0x570: {  	s25 =	spop (v2sf);
	[tilespmem:s12+$0xC570] =	vst v3;
	v2 =	vld [tilespmem:s24+$0x10400]  }
0x571: {  	s26 =	spop (v2sf);
	[tilespmem:s13+$0xC470] =	vst v5;
	v3 =	vld [tilespmem:s25+$0x10400]  }
0x572: {  	v5 =	vld [tilespmem:s26+$0x10400]  }
0x573: {  	v6 =	vmul.f32 $8.000000000e+00, v9  }
0x574: {  	v8 =	vmul.f32 $8.000000000e+00, v8  }
0x575: {  	v9 =	vld [tilespmem:s14+$0x8690];
	v7 =	vmul.f32 $8.000000000e+00, v7;
	v2 =	vadd.f32 v2, v6  }
0x576: {  	v6 =	vld [tilespmem:s12+$0x8590];
	v3 =	vadd.f32 v3, v8  }
0x577: {  	v8 =	vld [tilespmem:s13+$0x8490];
	v5 =	vadd.f32 v5, v7;
	[tilespmem:s14+$0xC680] =	vst v2  }
0x578: {  	[tilespmem:s12+$0xC580] =	vst v3;
	v2 =	vld [tilespmem:s24+$0x10410]  }
0x579: {  	[tilespmem:s13+$0xC480] =	vst v5;
	v3 =	vld [tilespmem:s25+$0x10410]  }
0x57a: {  	v5 =	vld [tilespmem:s26+$0x10410]  }
0x57b: {  	v7 =	vmul.f32 $8.000000000e+00, v9  }
0x57c: {  	v6 =	vmul.f32 $8.000000000e+00, v6  }
0x57d: {  	v9 =	vld [tilespmem:s14+$0x86A0];
	v8 =	vmul.f32 $8.000000000e+00, v8;
	v2 =	vadd.f32 v2, v7  }
0x57e: {  	v7 =	vld [tilespmem:s12+$0x85A0];
	v3 =	vadd.f32 v3, v6  }
0x57f: {  	v6 =	vld [tilespmem:s13+$0x84A0];
	v5 =	vadd.f32 v5, v8;
	[tilespmem:s14+$0xC690] =	vst v2  }
0x580: {  	(v2sf) =	vpush v4, $0xB;
	[tilespmem:s12+$0xC590] =	vst v3;
	v2 =	vld [tilespmem:s24+$0x10420]  }
0x581: {  	(v2sf) =	vpush v0, $0x7;
	[tilespmem:s13+$0xC490] =	vst v5;
	v3 =	vld [tilespmem:s25+$0x10420]  }
0x582: {  	(v2sf) =	vpush v1, $0x3;
	v5 =	vld [tilespmem:s26+$0x10420]  }
0x583: {  	v8 =	vmul.f32 $8.000000000e+00, v9  }
0x584: {  	v7 =	vmul.f32 $8.000000000e+00, v7  }
0x585: {  	v9 =	vld [tilespmem:s14+$0x86B0];
	v6 =	vmul.f32 $8.000000000e+00, v6;
	v2 =	vadd.f32 v2, v8  }
0x586: {  	v8 =	vld [tilespmem:s12+$0x85B0];
	v3 =	vadd.f32 v3, v7  }
0x587: {  	v7 =	vld [tilespmem:s13+$0x84B0];
	v5 =	vadd.f32 v5, v6;
	[tilespmem:s14+$0xC6A0] =	vst v2  }
0x588: {  	[tilespmem:s12+$0xC5A0] =	vst v3;
	v2 =	vld [tilespmem:s24+$0x10430]  }
0x589: {  	[tilespmem:s13+$0xC4A0] =	vst v5;
	v3 =	vld [tilespmem:s25+$0x10430]  }
0x58a: {  	v5 =	vld [tilespmem:s26+$0x10430]  }
0x58b: {  	v6 =	vmul.f32 $8.000000000e+00, v9  }
0x58c: {  	v8 =	vmul.f32 $8.000000000e+00, v8  }
0x58d: {  	v9 =	vld [tilespmem:s14+$0x86C0];
	v7 =	vmul.f32 $8.000000000e+00, v7;
	v2 =	vadd.f32 v2, v6  }
0x58e: {  	v6 =	vld [tilespmem:s12+$0x85C0];
	v3 =	vadd.f32 v3, v8  }
0x58f: {  	s29 =	spop (v2sf);
	v8 =	vld [tilespmem:s13+$0x84C0];
	v5 =	vadd.f32 v5, v7;
	[tilespmem:s14+$0xC6B0] =	vst v2  }
0x590: {  	s30 =	spop (v2sf);
	[tilespmem:s12+$0xC5B0] =	vst v3;
	v2 =	vld [tilespmem:s29+$0x10400]  }
0x591: {  	s31 =	spop (v2sf);
	[tilespmem:s13+$0xC4B0] =	vst v5;
	v3 =	vld [tilespmem:s30+$0x10400]  }
0x592: {  	v5 =	vld [tilespmem:s31+$0x10400]  }
0x593: {  	v7 =	vmul.f32 $8.000000000e+00, v9  }
0x594: {  	v6 =	vmul.f32 $8.000000000e+00, v6  }
0x595: {  	v9 =	vld [tilespmem:s14+$0x86D0];
	v8 =	vmul.f32 $8.000000000e+00, v8;
	v2 =	vadd.f32 v2, v7  }
0x596: {  	v7 =	vld [tilespmem:s12+$0x85D0];
	v3 =	vadd.f32 v3, v6  }
0x597: {  	v6 =	vld [tilespmem:s13+$0x84D0];
	v5 =	vadd.f32 v5, v8;
	[tilespmem:s14+$0xC6C0] =	vst v2  }
0x598: {  	[tilespmem:s12+$0xC5C0] =	vst v3;
	v2 =	vld [tilespmem:s29+$0x10410]  }
0x599: {  	[tilespmem:s13+$0xC4C0] =	vst v5;
	v3 =	vld [tilespmem:s30+$0x10410]  }
0x59a: {  	v5 =	vld [tilespmem:s31+$0x10410]  }
0x59b: {  	s3 =	simm.s32 $0x8330;
	v8 =	vmul.f32 $8.000000000e+00, v9  }
0x59c: {  	v9 =	vld [tilespmem:s3+$0x0];
	v7 =	vmul.f32 $8.000000000e+00, v7  }
0x59d: {  	v10 =	vld [tilespmem:s14+$0x86E0];
	v6 =	vmul.f32 $8.000000000e+00, v6;
	v2 =	vadd.f32 v2, v8  }
0x59e: {  	v8 =	vld [tilespmem:s12+$0x85E0];
	v3 =	vadd.f32 v3, v7  }
0x59f: {  	v7 =	vld [tilespmem:s13+$0x84E0];
	v5 =	vadd.f32 v5, v6;
	[tilespmem:s14+$0xC6D0] =	vst v2  }
0x5a0: {  	(v2sf) =	vpush v4, $0xC;
	[tilespmem:s12+$0xC5D0] =	vst v3;
	v3 =	vld [tilespmem:s29+$0x10420]  }
0x5a1: {  	(v2sf) =	vpush v0, $0x8;
	v2 =	vshll.u32 v9, $0x8;
	[tilespmem:s13+$0xC4D0] =	vst v5;
	v5 =	vld [tilespmem:s30+$0x10420]  }
0x5a2: {  	(v2sf) =	vpush v1, $0x4;
	v2 =	vshra.s32 v2, $0x2;
	v6 =	vld [tilespmem:s31+$0x10420]  }
0x5a3: {  	v9 =	vmul.f32 $8.000000000e+00, v10;
	(v2sf) =	vpush v2, $0x0  }
0x5a4: {  	v8 =	vmul.f32 $8.000000000e+00, v8  }
0x5a5: {  	v10 =	vld [tilespmem:s14+$0x86F0];
	v7 =	vmul.f32 $8.000000000e+00, v7;
	v3 =	vadd.f32 v3, v9  }
0x5a6: {  	v9 =	vld [tilespmem:s12+$0x85F0];
	v5 =	vadd.f32 v5, v8  }
0x5a7: {  	v8 =	vld [tilespmem:s13+$0x84F0];
	v6 =	vadd.f32 v6, v7;
	[tilespmem:s14+$0xC6E0] =	vst v3  }
0x5a8: {  	[tilespmem:s12+$0xC5E0] =	vst v5;
	v5 =	vld [tilespmem:s29+$0x10430]  }
0x5a9: {  	[tilespmem:s13+$0xC4E0] =	vst v6;
	v6 =	vld [tilespmem:s30+$0x10430]  }
0x5aa: {  	v7 =	vld [tilespmem:s31+$0x10430]  }
0x5ab: {  	v11 =	vld [tilespmem:s14+$0x8700];
	v10 =	vmul.f32 $8.000000000e+00, v10  }
0x5ac: {  	v12 =	vld [tilespmem:s12+$0x8600];
	v9 =	vmul.f32 $8.000000000e+00, v9  }
0x5ad: {  	v13 =	vld [tilespmem:s14+$0x8710];
	v8 =	vmul.f32 $8.000000000e+00, v8;
	v5 =	vadd.f32 v5, v10  }
0x5ae: {  	s15 =	simm.s32 $0xC00;
	v10 =	vld [tilespmem:s13+$0x8500];
	v6 =	vadd.f32 v6, v9  }
0x5af: {  	s8 =	spop (v2sf);
	v9 =	vld [tilespmem:s15+$0x8400];
	v7 =	vadd.f32 v7, v8;
	[tilespmem:s14+$0xC6F0] =	vst v5  }
0x5b0: {  	s16 =	spop (v2sf);
	[tilespmem:s12+$0xC5F0] =	vst v6;
	v5 =	vld [tilespmem:s8+$0x10400]  }
0x5b1: {  	s19 =	spop (v2sf);
	[tilespmem:s13+$0xC4F0] =	vst v7;
	v6 =	vld [tilespmem:s16+$0x10400]  }
0x5b2: {  	s20 =	spop (v2sf);
	v7 =	vld [tilespmem:s19+$0x10400]  }
0x5b3: {  	v11 =	vmul.f32 $8.000000000e+00, v11;
	v8 =	vld [tilespmem:s20+$0x10400]  }
0x5b4: {  	v12 =	vmul.f32 $8.000000000e+00, v12;
	v14 =	vld [tilespmem:s12+$0x8610]  }
0x5b5: {  	v3 =	vld [tilespmem:s14+$0x87E0];
	v10 =	vmul.f32 $8.000000000e+00, v10;
	v5 =	vadd.f32 v5, v11  }
0x5b6: {  	v9 =	vmul.f32 $8.000000000e+00, v9;
	v11 =	vld [tilespmem:s13+$0x8510];
	v6 =	vadd.f32 v6, v12  }
0x5b7: {  	v12 =	vld [tilespmem:s15+$0x8410];
	v7 =	vadd.f32 v7, v10;
	[tilespmem:s14+$0xC700] =	vst v5  }
0x5b8: {  	v5 =	vadd.f32 v8, v9;
	[tilespmem:s12+$0xC600] =	vst v6;
	v6 =	vld [tilespmem:s8+$0x10410]  }
0x5b9: {  	[tilespmem:s13+$0xC500] =	vst v7;
	v7 =	vld [tilespmem:s16+$0x10410]  }
0x5ba: {  	[tilespmem:s15+$0xC400] =	vst v5;
	v5 =	vld [tilespmem:s19+$0x10410]  }
0x5bb: {  	v9 =	vmul.f32 $8.000000000e+00, v13;
	v8 =	vld [tilespmem:s20+$0x10410]  }
0x5bc: {  	v10 =	vmul.f32 $8.000000000e+00, v14;
	v14 =	vld [tilespmem:s12+$0x8620]  }
0x5bd: {  	v13 =	vld [tilespmem:s14+$0x8720];
	v11 =	vmul.f32 $8.000000000e+00, v11;
	v6 =	vadd.f32 v6, v9  }
0x5be: {  	v9 =	vmul.f32 $8.000000000e+00, v12;
	v12 =	vld [tilespmem:s13+$0x8520];
	v7 =	vadd.f32 v7, v10  }
0x5bf: {  	v10 =	vld [tilespmem:s15+$0x8420];
	v5 =	vadd.f32 v5, v11;
	[tilespmem:s14+$0xC710] =	vst v6  }
0x5c0: {  	(v2sf) =	vpush v4, $0xD;
	v6 =	vadd.f32 v8, v9;
	[tilespmem:s12+$0xC610] =	vst v7;
	v7 =	vld [tilespmem:s8+$0x10420]  }
0x5c1: {  	(v2sf) =	vpush v0, $0x9;
	[tilespmem:s13+$0xC510] =	vst v5;
	v5 =	vld [tilespmem:s16+$0x10420]  }
0x5c2: {  	(v2sf) =	vpush v1, $0x5;
	[tilespmem:s15+$0xC410] =	vst v6;
	v6 =	vld [tilespmem:s19+$0x10420]  }
0x5c3: {  	(v2sf) =	vpush v2, $0x1;
	v9 =	vmul.f32 $8.000000000e+00, v13;
	v8 =	vld [tilespmem:s20+$0x10420]  }
0x5c4: {  	v11 =	vmul.f32 $8.000000000e+00, v14;
	v14 =	vld [tilespmem:s12+$0x8630]  }
0x5c5: {  	v13 =	vld [tilespmem:s14+$0x8730];
	v12 =	vmul.f32 $8.000000000e+00, v12;
	v7 =	vadd.f32 v7, v9  }
0x5c6: {  	v9 =	vmul.f32 $8.000000000e+00, v10;
	v10 =	vld [tilespmem:s13+$0x8530];
	v5 =	vadd.f32 v5, v11  }
0x5c7: {  	v11 =	vld [tilespmem:s15+$0x8430];
	v6 =	vadd.f32 v6, v12;
	[tilespmem:s14+$0xC720] =	vst v7  }
0x5c8: {  	v7 =	vadd.f32 v8, v9;
	[tilespmem:s12+$0xC620] =	vst v5;
	v5 =	vld [tilespmem:s8+$0x10430]  }
0x5c9: {  	[tilespmem:s13+$0xC520] =	vst v6;
	v6 =	vld [tilespmem:s16+$0x10430]  }
0x5ca: {  	[tilespmem:s15+$0xC420] =	vst v7;
	v7 =	vld [tilespmem:s19+$0x10430]  }
0x5cb: {  	v9 =	vmul.f32 $8.000000000e+00, v13;
	v8 =	vld [tilespmem:s20+$0x10430]  }
0x5cc: {  	v12 =	vmul.f32 $8.000000000e+00, v14;
	v14 =	vld [tilespmem:s12+$0x8640]  }
0x5cd: {  	v13 =	vld [tilespmem:s14+$0x8740];
	v10 =	vmul.f32 $8.000000000e+00, v10;
	v5 =	vadd.f32 v5, v9  }
0x5ce: {  	v9 =	vmul.f32 $8.000000000e+00, v11;
	v11 =	vld [tilespmem:s13+$0x8540];
	v6 =	vadd.f32 v6, v12  }
0x5cf: {  	s21 =	spop (v2sf);
	v12 =	vld [tilespmem:s15+$0x8440];
	v7 =	vadd.f32 v7, v10;
	[tilespmem:s14+$0xC730] =	vst v5  }
0x5d0: {  	s22 =	spop (v2sf);
	v5 =	vadd.f32 v8, v9;
	[tilespmem:s12+$0xC630] =	vst v6;
	v6 =	vld [tilespmem:s21+$0x10400]  }
0x5d1: {  	s24 =	spop (v2sf);
	[tilespmem:s13+$0xC530] =	vst v7;
	v7 =	vld [tilespmem:s22+$0x10400]  }
0x5d2: {  	s25 =	spop (v2sf);
	[tilespmem:s15+$0xC430] =	vst v5;
	v5 =	vld [tilespmem:s24+$0x10400]  }
0x5d3: {  	v9 =	vmul.f32 $8.000000000e+00, v13;
	v8 =	vld [tilespmem:s25+$0x10400]  }
0x5d4: {  	v10 =	vmul.f32 $8.000000000e+00, v14;
	v14 =	vld [tilespmem:s12+$0x8650]  }
0x5d5: {  	v13 =	vld [tilespmem:s14+$0x8750];
	v11 =	vmul.f32 $8.000000000e+00, v11;
	v6 =	vadd.f32 v6, v9  }
0x5d6: {  	v9 =	vmul.f32 $8.000000000e+00, v12;
	v12 =	vld [tilespmem:s13+$0x8550];
	v7 =	vadd.f32 v7, v10  }
0x5d7: {  	v10 =	vld [tilespmem:s15+$0x8450];
	v5 =	vadd.f32 v5, v11;
	[tilespmem:s14+$0xC740] =	vst v6  }
0x5d8: {  	v6 =	vadd.f32 v8, v9;
	[tilespmem:s12+$0xC640] =	vst v7;
	v7 =	vld [tilespmem:s21+$0x10410]  }
0x5d9: {  	[tilespmem:s13+$0xC540] =	vst v5;
	v5 =	vld [tilespmem:s22+$0x10410]  }
0x5da: {  	[tilespmem:s15+$0xC440] =	vst v6;
	v6 =	vld [tilespmem:s24+$0x10410]  }
0x5db: {  	v9 =	vmul.f32 $8.000000000e+00, v13;
	v8 =	vld [tilespmem:s25+$0x10410]  }
0x5dc: {  	v11 =	vmul.f32 $8.000000000e+00, v14;
	v14 =	vld [tilespmem:s12+$0x8660]  }
0x5dd: {  	v13 =	vld [tilespmem:s14+$0x8760];
	v12 =	vmul.f32 $8.000000000e+00, v12;
	v7 =	vadd.f32 v7, v9  }
0x5de: {  	v9 =	vmul.f32 $8.000000000e+00, v10;
	v10 =	vld [tilespmem:s13+$0x8560];
	v5 =	vadd.f32 v5, v11  }
0x5df: {  	v11 =	vld [tilespmem:s15+$0x8460];
	v6 =	vadd.f32 v6, v12;
	[tilespmem:s14+$0xC750] =	vst v7  }
0x5e0: {  	(v2sf) =	vpush v4, $0xE;
	v7 =	vadd.f32 v8, v9;
	[tilespmem:s12+$0xC650] =	vst v5;
	v5 =	vld [tilespmem:s21+$0x10420]  }
0x5e1: {  	(v2sf) =	vpush v0, $0xA;
	[tilespmem:s13+$0xC550] =	vst v6;
	v6 =	vld [tilespmem:s22+$0x10420]  }
0x5e2: {  	(v2sf) =	vpush v1, $0x6;
	[tilespmem:s15+$0xC450] =	vst v7;
	v7 =	vld [tilespmem:s24+$0x10420]  }
0x5e3: {  	(v2sf) =	vpush v2, $0x2;
	v9 =	vmul.f32 $8.000000000e+00, v13;
	v8 =	vld [tilespmem:s25+$0x10420]  }
0x5e4: {  	v12 =	vmul.f32 $8.000000000e+00, v14;
	v14 =	vld [tilespmem:s12+$0x8670]  }
0x5e5: {  	v13 =	vld [tilespmem:s14+$0x8770];
	v10 =	vmul.f32 $8.000000000e+00, v10;
	v5 =	vadd.f32 v5, v9  }
0x5e6: {  	v9 =	vmul.f32 $8.000000000e+00, v11;
	v11 =	vld [tilespmem:s13+$0x8570];
	v6 =	vadd.f32 v6, v12  }
0x5e7: {  	v12 =	vld [tilespmem:s15+$0x8470];
	v7 =	vadd.f32 v7, v10;
	[tilespmem:s14+$0xC760] =	vst v5  }
0x5e8: {  	v5 =	vadd.f32 v8, v9;
	[tilespmem:s12+$0xC660] =	vst v6;
	v6 =	vld [tilespmem:s21+$0x10430]  }
0x5e9: {  	[tilespmem:s13+$0xC560] =	vst v7;
	v7 =	vld [tilespmem:s22+$0x10430]  }
0x5ea: {  	[tilespmem:s15+$0xC460] =	vst v5;
	v5 =	vld [tilespmem:s24+$0x10430]  }
0x5eb: {  	v9 =	vmul.f32 $8.000000000e+00, v13;
	v8 =	vld [tilespmem:s25+$0x10430]  }
0x5ec: {  	v10 =	vmul.f32 $8.000000000e+00, v14;
	v14 =	vld [tilespmem:s12+$0x8680]  }
0x5ed: {  	v13 =	vld [tilespmem:s14+$0x8780];
	v11 =	vmul.f32 $8.000000000e+00, v11;
	v6 =	vadd.f32 v6, v9  }
0x5ee: {  	v9 =	vmul.f32 $8.000000000e+00, v12;
	v12 =	vld [tilespmem:s13+$0x8580];
	v7 =	vadd.f32 v7, v10  }
0x5ef: {  	s26 =	spop (v2sf);
	v10 =	vld [tilespmem:s15+$0x8480];
	v5 =	vadd.f32 v5, v11;
	[tilespmem:s14+$0xC770] =	vst v6  }
0x5f0: {  	s29 =	spop (v2sf);
	v6 =	vadd.f32 v8, v9;
	[tilespmem:s12+$0xC670] =	vst v7;
	v7 =	vld [tilespmem:s26+$0x10400]  }
0x5f1: {  	s30 =	spop (v2sf);
	[tilespmem:s13+$0xC570] =	vst v5;
	v5 =	vld [tilespmem:s29+$0x10400]  }
0x5f2: {  	s31 =	spop (v2sf);
	[tilespmem:s15+$0xC470] =	vst v6;
	v6 =	vld [tilespmem:s30+$0x10400]  }
0x5f3: {  	v9 =	vmul.f32 $8.000000000e+00, v13;
	v8 =	vld [tilespmem:s31+$0x10400]  }
0x5f4: {  	v11 =	vmul.f32 $8.000000000e+00, v14;
	v14 =	vld [tilespmem:s12+$0x8690]  }
0x5f5: {  	v13 =	vld [tilespmem:s14+$0x8790];
	v12 =	vmul.f32 $8.000000000e+00, v12;
	v7 =	vadd.f32 v7, v9  }
0x5f6: {  	v9 =	vmul.f32 $8.000000000e+00, v10;
	v10 =	vld [tilespmem:s13+$0x8590];
	v5 =	vadd.f32 v5, v11  }
0x5f7: {  	v11 =	vld [tilespmem:s15+$0x8490];
	v6 =	vadd.f32 v6, v12;
	[tilespmem:s14+$0xC780] =	vst v7  }
0x5f8: {  	v7 =	vadd.f32 v8, v9;
	[tilespmem:s12+$0xC680] =	vst v5;
	v5 =	vld [tilespmem:s26+$0x10410]  }
0x5f9: {  	[tilespmem:s13+$0xC580] =	vst v6;
	v6 =	vld [tilespmem:s29+$0x10410]  }
0x5fa: {  	[tilespmem:s15+$0xC480] =	vst v7;
	v7 =	vld [tilespmem:s30+$0x10410]  }
0x5fb: {  	v9 =	vmul.f32 $8.000000000e+00, v13;
	v8 =	vld [tilespmem:s31+$0x10410]  }
0x5fc: {  	v12 =	vmul.f32 $8.000000000e+00, v14;
	v14 =	vld [tilespmem:s12+$0x86A0]  }
0x5fd: {  	v13 =	vld [tilespmem:s14+$0x87A0];
	v10 =	vmul.f32 $8.000000000e+00, v10;
	v5 =	vadd.f32 v5, v9  }
0x5fe: {  	v9 =	vmul.f32 $8.000000000e+00, v11;
	v11 =	vld [tilespmem:s13+$0x85A0];
	v6 =	vadd.f32 v6, v12  }
0x5ff: {  	v12 =	vld [tilespmem:s15+$0x84A0];
	v7 =	vadd.f32 v7, v10;
	[tilespmem:s14+$0xC790] =	vst v5  }
0x600: {  	(v2sf) =	vpush v4, $0xF;
	v5 =	vadd.f32 v8, v9;
	[tilespmem:s12+$0xC690] =	vst v6;
	v6 =	vld [tilespmem:s26+$0x10420]  }
0x601: {  	(v2sf) =	vpush v0, $0xB;
	[tilespmem:s13+$0xC590] =	vst v7;
	v4 =	vld [tilespmem:s29+$0x10420]  }
0x602: {  	(v2sf) =	vpush v1, $0x7;
	[tilespmem:s15+$0xC490] =	vst v5;
	v5 =	vld [tilespmem:s30+$0x10420]  }
0x603: {  	(v2sf) =	vpush v2, $0x3;
	v8 =	vmul.f32 $8.000000000e+00, v13;
	v7 =	vld [tilespmem:s31+$0x10420]  }
0x604: {  	v10 =	vld [tilespmem:s14+$0x87B0];
	v9 =	vmul.f32 $8.000000000e+00, v14  }
0x605: {  	v13 =	vld [tilespmem:s12+$0x86B0];
	v11 =	vmul.f32 $8.000000000e+00, v11;
	v6 =	vadd.f32 v6, v8  }
0x606: {  	v8 =	vmul.f32 $8.000000000e+00, v12;
	v12 =	vld [tilespmem:s13+$0x85B0];
	v4 =	vadd.f32 v4, v9  }
0x607: {  	v9 =	vld [tilespmem:s15+$0x84B0];
	v5 =	vadd.f32 v5, v11;
	[tilespmem:s14+$0xC7A0] =	vst v6  }
0x608: {  	v6 =	vadd.f32 v7, v8;
	[tilespmem:s12+$0xC6A0] =	vst v4;
	v4 =	vld [tilespmem:s26+$0x10430]  }
0x609: {  	[tilespmem:s13+$0xC5A0] =	vst v5;
	v5 =	vld [tilespmem:s29+$0x10430]  }
0x60a: {  	[tilespmem:s15+$0xC4A0] =	vst v6;
	v6 =	vld [tilespmem:s30+$0x10430]  }
0x60b: {  	v8 =	vmul.f32 $8.000000000e+00, v10;
	v7 =	vld [tilespmem:s31+$0x10430]  }
0x60c: {  	v11 =	vld [tilespmem:s14+$0x87C0];
	v10 =	vmul.f32 $8.000000000e+00, v13  }
0x60d: {  	v13 =	vld [tilespmem:s12+$0x86C0];
	v12 =	vmul.f32 $8.000000000e+00, v12;
	v4 =	vadd.f32 v4, v8  }
0x60e: {  	v8 =	vmul.f32 $8.000000000e+00, v9;
	v9 =	vld [tilespmem:s13+$0x85C0];
	v5 =	vadd.f32 v5, v10  }
0x60f: {  	s0 =	spop (v2sf);
	v10 =	vld [tilespmem:s15+$0x84C0];
	v6 =	vadd.f32 v6, v12;
	[tilespmem:s14+$0xC7B0] =	vst v4  }
0x610: {  	s8 =	spop (v2sf);
	v4 =	vadd.f32 v7, v8;
	[tilespmem:s12+$0xC6B0] =	vst v5;
	v5 =	vld [tilespmem:s0+$0x10400]  }
0x611: {  	s19 =	spop (v2sf);
	[tilespmem:s13+$0xC5B0] =	vst v6;
	v6 =	vld [tilespmem:s8+$0x10400]  }
0x612: {  	s20 =	spop (v2sf);
	[tilespmem:s15+$0xC4B0] =	vst v4;
	v7 =	vld [tilespmem:s19+$0x10400]  }
0x613: {  	v4 =	vmul.f32 $8.000000000e+00, v11;
	v8 =	vld [tilespmem:s20+$0x10400]  }
0x614: {  	v14 =	vld [tilespmem:s13+$0x85D0];
	v11 =	vmul.f32 $8.000000000e+00, v13  }
0x615: {  	v12 =	vld [tilespmem:s14+$0x87D0];
	v9 =	vmul.f32 $8.000000000e+00, v9;
	v5 =	vadd.f32 v5, v4  }
0x616: {  	v13 =	vld [tilespmem:s12+$0x86D0];
	v10 =	vmul.f32 $8.000000000e+00, v10;
	v6 =	vadd.f32 v6, v11  }
0x617: {  	v4 =	vld [tilespmem:s15+$0x84D0];
	v7 =	vadd.f32 v7, v9;
	[tilespmem:s14+$0xC7C0] =	vst v5  }
0x618: {  	v5 =	vadd.f32 v8, v10;
	[tilespmem:s12+$0xC6C0] =	vst v6;
	v15 =	vld [tilespmem:s0+$0x10410]  }
0x619: {  	[tilespmem:s13+$0xC5C0] =	vst v7;
	v8 =	vld [tilespmem:s8+$0x10410]  }
0x61a: {  	[tilespmem:s15+$0xC4C0] =	vst v5;
	v9 =	vld [tilespmem:s19+$0x10410]  }
0x61b: {  	s7 =	simm.s32 $0x8340;
	v12 =	vmul.f32 $8.000000000e+00, v12;
	v7 =	vld [tilespmem:s20+$0x10410]  }
0x61c: {  	v10 =	vmul.f32 $8.000000000e+00, v13;
	v6 =	vld [tilespmem:s7+$0x0]  }
0x61d: {  	s2 =	simm.s32 $0x4000;
	s16 =	simm.s32 $0x5000;
	v11 =	vmul.f32 $8.000000000e+00, v14;
	v5 =	vld [tilespmem:s12+$0x86E0];
	v12 =	vadd.f32 v15, v12  }
.LBB2_5:
0x61e: {  	p0 =	sne.s32 s16, $0xF000;
	v4 =	vmul.f32 $8.000000000e+00, v4;
	v13 =	vld [tilespmem:s13+$0x85E0];
	v8 =	vadd.f32 v8, v10  }
0x61f: {  	v10 =	vld [tilespmem:s15+$0x84E0];
	v9 =	vadd.f32 v9, v11;
	[tilespmem:s14+$0xC7D0] =	vst v12  }
0x620: {  	v4 =	vadd.f32 v7, v4;
	[tilespmem:s12+$0xC6D0] =	vst v8;
	v7 =	vld [tilespmem:s0+$0x10420]  }
0x621: {  	[tilespmem:s13+$0xC5D0] =	vst v9;
	v8 =	vld [tilespmem:s8+$0x10420];
	(v2sf) =	vpush v0, $0xC  }
0x622: {  	v6 =	vshll.u32 v6, $0x8;
	[tilespmem:s15+$0xC4D0] =	vst v4;
	v9 =	vld [tilespmem:s19+$0x10420];
	(v2sf) =	vpush v1, $0x8  }
0x623: {  	v3 =	vmul.f32 $8.000000000e+00, v3;
	v4 =	vshra.s32 v6, $0x2;
	v6 =	vld [tilespmem:s20+$0x10420];
	(v2sf) =	vpush v2, $0x4  }
0x624: {  	v5 =	vmul.f32 $8.000000000e+00, v5;
	(v2sf) =	vpush v4, $0x0;
	v11 =	vld [tilespmem:s14+$0x87F0]  }
0x625: {  	v12 =	vmul.f32 $8.000000000e+00, v13;
	v13 =	vld [tilespmem:s12+$0x86F0];
	v3 =	vadd.f32 v7, v3  }
0x626: {  	v7 =	vmul.f32 $8.000000000e+00, v10;
	v10 =	vld [tilespmem:s13+$0x85F0];
	v5 =	vadd.f32 v8, v5  }
0x627: {  	v8 =	vld [tilespmem:s15+$0x84F0];
	v9 =	vadd.f32 v9, v12;
	[tilespmem:s14+$0xC7E0] =	vst v3  }
0x628: {  	v3 =	vadd.f32 v6, v7;
	[tilespmem:s12+$0xC6E0] =	vst v5;
	v5 =	vld [tilespmem:s0+$0x10430]  }
0x629: {  	[tilespmem:s13+$0xC5E0] =	vst v9;
	v6 =	vld [tilespmem:s8+$0x10430]  }
0x62a: {  	[tilespmem:s15+$0xC4E0] =	vst v3;
	v7 =	vld [tilespmem:s19+$0x10430]  }
0x62b: {  	v11 =	vmul.f32 $8.000000000e+00, v11;
	v9 =	vld [tilespmem:s20+$0x10430]  }
0x62c: {  	v12 =	vmul.f32 $8.000000000e+00, v13;
	v3 =	vld [tilespmem:s12+$0x87E0]  }
0x62d: {  	v10 =	vmul.f32 $8.000000000e+00, v10;
	v13 =	vld [tilespmem:s12+$0x8700];
	v5 =	vadd.f32 v5, v11  }
0x62e: {  	v8 =	vmul.f32 $8.000000000e+00, v8;
	v11 =	vld [tilespmem:s13+$0x8600];
	v6 =	vadd.f32 v6, v12  }
0x62f: {  	s2 =	sshra.s32 s2, $0x2;
	v12 =	vld [tilespmem:s15+$0x8500];
	v7 =	vadd.f32 v7, v10;
	[tilespmem:s14+$0xC7F0] =	vst v5;
	s14 =	smov.u32 s12;
	s12 =	smov.u32 s13  }
0x630: {  	s13 =	smov.u32 s15;
	s15 =	smov.u32 s2;
	v5 =	vld [tilespmem:s2+$0x8400];
	v8 =	vadd.f32 v9, v8;
	[tilespmem:s14+$0xC6F0] =	vst v6;
	s0 =	spop (v2sf)  }
0x631: {  	s2 =	smov.u32 s16;
	[tilespmem:s12+$0xC5F0] =	vst v7;
	s8 =	spop (v2sf);
	v6 =	vld [tilespmem:s0+$0x10400]  }
0x632: {  	[tilespmem:s13+$0xC4F0] =	vst v8;
	s19 =	spop (v2sf);
	v7 =	vld [tilespmem:s8+$0x10400]  }
0x633: {  	s20 =	spop (v2sf);
	v8 =	vld [tilespmem:s19+$0x10400]  }
0x634: {  	v10 =	vmul.f32 $8.000000000e+00, v13;
	v9 =	vld [tilespmem:s20+$0x10400]  }
0x635: {  	v11 =	vmul.f32 $8.000000000e+00, v11;
	v13 =	vld [tilespmem:s14+$0x8710]  }
0x636: {  	v12 =	vmul.f32 $8.000000000e+00, v12;
	v14 =	vld [tilespmem:s12+$0x8610];
	v6 =	vadd.f32 v6, v10  }
0x637: {  	v5 =	vmul.f32 $8.000000000e+00, v5;
	v10 =	vld [tilespmem:s13+$0x8510];
	v7 =	vadd.f32 v7, v11  }
0x638: {  	v11 =	vld [tilespmem:s15+$0x8410];
	v8 =	vadd.f32 v8, v12;
	[tilespmem:s14+$0xC700] =	vst v6  }
0x639: {  	v5 =	vadd.f32 v9, v5;
	[tilespmem:s12+$0xC600] =	vst v7;
	v6 =	vld [tilespmem:s0+$0x10410]  }
0x63a: {  	[tilespmem:s13+$0xC500] =	vst v8;
	v7 =	vld [tilespmem:s8+$0x10410]  }
0x63b: {  	[tilespmem:s15+$0xC400] =	vst v5;
	v5 =	vld [tilespmem:s19+$0x10410]  }
0x63c: {  	v9 =	vmul.f32 $8.000000000e+00, v13;
	v8 =	vld [tilespmem:s20+$0x10410]  }
0x63d: {  	v12 =	vmul.f32 $8.000000000e+00, v14;
	v13 =	vld [tilespmem:s14+$0x8720]  }
0x63e: {  	v10 =	vmul.f32 $8.000000000e+00, v10;
	v14 =	vld [tilespmem:s12+$0x8620];
	v6 =	vadd.f32 v6, v9  }
0x63f: {  	v9 =	vmul.f32 $8.000000000e+00, v11;
	v11 =	vld [tilespmem:s13+$0x8520];
	v7 =	vadd.f32 v7, v12  }
0x640: {  	v12 =	vld [tilespmem:s15+$0x8420];
	v5 =	vadd.f32 v5, v10;
	[tilespmem:s14+$0xC710] =	vst v6  }
0x641: {  	v6 =	vadd.f32 v8, v9;
	[tilespmem:s12+$0xC610] =	vst v7;
	v7 =	vld [tilespmem:s0+$0x10420];
	(v2sf) =	vpush v0, $0xD  }
0x642: {  	[tilespmem:s13+$0xC510] =	vst v5;
	v5 =	vld [tilespmem:s8+$0x10420];
	(v2sf) =	vpush v1, $0x9  }
0x643: {  	[tilespmem:s15+$0xC410] =	vst v6;
	v6 =	vld [tilespmem:s19+$0x10420];
	(v2sf) =	vpush v2, $0x5  }
0x644: {  	v9 =	vmul.f32 $8.000000000e+00, v13;
	v8 =	vld [tilespmem:s20+$0x10420];
	(v2sf) =	vpush v4, $0x1  }
0x645: {  	v10 =	vmul.f32 $8.000000000e+00, v14;
	v13 =	vld [tilespmem:s14+$0x8730]  }
0x646: {  	v11 =	vmul.f32 $8.000000000e+00, v11;
	v14 =	vld [tilespmem:s12+$0x8630];
	v7 =	vadd.f32 v7, v9  }
0x647: {  	v9 =	vmul.f32 $8.000000000e+00, v12;
	v12 =	vld [tilespmem:s13+$0x8530];
	v5 =	vadd.f32 v5, v10  }
0x648: {  	v10 =	vld [tilespmem:s15+$0x8430];
	v6 =	vadd.f32 v6, v11;
	[tilespmem:s14+$0xC720] =	vst v7  }
0x649: {  	v7 =	vadd.f32 v8, v9;
	[tilespmem:s12+$0xC620] =	vst v5;
	v5 =	vld [tilespmem:s0+$0x10430]  }
0x64a: {  	[tilespmem:s13+$0xC520] =	vst v6;
	v6 =	vld [tilespmem:s8+$0x10430]  }
0x64b: {  	[tilespmem:s15+$0xC420] =	vst v7;
	v7 =	vld [tilespmem:s19+$0x10430]  }
0x64c: {  	v9 =	vmul.f32 $8.000000000e+00, v13;
	v8 =	vld [tilespmem:s20+$0x10430]  }
0x64d: {  	v11 =	vmul.f32 $8.000000000e+00, v14;
	v13 =	vld [tilespmem:s14+$0x8740]  }
0x64e: {  	v12 =	vmul.f32 $8.000000000e+00, v12;
	v14 =	vld [tilespmem:s12+$0x8640];
	v5 =	vadd.f32 v5, v9  }
0x64f: {  	v9 =	vmul.f32 $8.000000000e+00, v10;
	v10 =	vld [tilespmem:s13+$0x8540];
	v6 =	vadd.f32 v6, v11  }
0x650: {  	v11 =	vld [tilespmem:s15+$0x8440];
	v7 =	vadd.f32 v7, v12;
	[tilespmem:s14+$0xC730] =	vst v5;
	s0 =	spop (v2sf)  }
0x651: {  	v5 =	vadd.f32 v8, v9;
	[tilespmem:s12+$0xC630] =	vst v6;
	s8 =	spop (v2sf);
	v6 =	vld [tilespmem:s0+$0x10400]  }
0x652: {  	[tilespmem:s13+$0xC530] =	vst v7;
	s19 =	spop (v2sf);
	v7 =	vld [tilespmem:s8+$0x10400]  }
0x653: {  	[tilespmem:s15+$0xC430] =	vst v5;
	s20 =	spop (v2sf);
	v5 =	vld [tilespmem:s19+$0x10400]  }
0x654: {  	v9 =	vmul.f32 $8.000000000e+00, v13;
	v8 =	vld [tilespmem:s20+$0x10400]  }
0x655: {  	v12 =	vmul.f32 $8.000000000e+00, v14;
	v13 =	vld [tilespmem:s14+$0x8750]  }
0x656: {  	v10 =	vmul.f32 $8.000000000e+00, v10;
	v14 =	vld [tilespmem:s12+$0x8650];
	v6 =	vadd.f32 v6, v9  }
0x657: {  	v9 =	vmul.f32 $8.000000000e+00, v11;
	v11 =	vld [tilespmem:s13+$0x8550];
	v7 =	vadd.f32 v7, v12  }
0x658: {  	v12 =	vld [tilespmem:s15+$0x8450];
	v5 =	vadd.f32 v5, v10;
	[tilespmem:s14+$0xC740] =	vst v6  }
0x659: {  	v6 =	vadd.f32 v8, v9;
	[tilespmem:s12+$0xC640] =	vst v7;
	v7 =	vld [tilespmem:s0+$0x10410]  }
0x65a: {  	[tilespmem:s13+$0xC540] =	vst v5;
	v5 =	vld [tilespmem:s8+$0x10410]  }
0x65b: {  	[tilespmem:s15+$0xC440] =	vst v6;
	v6 =	vld [tilespmem:s19+$0x10410]  }
0x65c: {  	v9 =	vmul.f32 $8.000000000e+00, v13;
	v8 =	vld [tilespmem:s20+$0x10410]  }
0x65d: {  	v10 =	vmul.f32 $8.000000000e+00, v14;
	v13 =	vld [tilespmem:s14+$0x8760]  }
0x65e: {  	v11 =	vmul.f32 $8.000000000e+00, v11;
	v14 =	vld [tilespmem:s12+$0x8660];
	v7 =	vadd.f32 v7, v9  }
0x65f: {  	v9 =	vmul.f32 $8.000000000e+00, v12;
	v12 =	vld [tilespmem:s13+$0x8560];
	v5 =	vadd.f32 v5, v10  }
0x660: {  	v10 =	vld [tilespmem:s15+$0x8460];
	v6 =	vadd.f32 v6, v11;
	[tilespmem:s14+$0xC750] =	vst v7  }
0x661: {  	v7 =	vadd.f32 v8, v9;
	[tilespmem:s12+$0xC650] =	vst v5;
	v5 =	vld [tilespmem:s0+$0x10420];
	(v2sf) =	vpush v0, $0xE  }
0x662: {  	[tilespmem:s13+$0xC550] =	vst v6;
	v6 =	vld [tilespmem:s8+$0x10420];
	(v2sf) =	vpush v1, $0xA  }
0x663: {  	[tilespmem:s15+$0xC450] =	vst v7;
	v7 =	vld [tilespmem:s19+$0x10420];
	(v2sf) =	vpush v2, $0x6  }
0x664: {  	v9 =	vmul.f32 $8.000000000e+00, v13;
	v8 =	vld [tilespmem:s20+$0x10420];
	(v2sf) =	vpush v4, $0x2  }
0x665: {  	v11 =	vmul.f32 $8.000000000e+00, v14;
	v13 =	vld [tilespmem:s14+$0x8770]  }
0x666: {  	v12 =	vmul.f32 $8.000000000e+00, v12;
	v14 =	vld [tilespmem:s12+$0x8670];
	v5 =	vadd.f32 v5, v9  }
0x667: {  	v9 =	vmul.f32 $8.000000000e+00, v10;
	v10 =	vld [tilespmem:s13+$0x8570];
	v6 =	vadd.f32 v6, v11  }
0x668: {  	v11 =	vld [tilespmem:s15+$0x8470];
	v7 =	vadd.f32 v7, v12;
	[tilespmem:s14+$0xC760] =	vst v5  }
0x669: {  	v5 =	vadd.f32 v8, v9;
	[tilespmem:s12+$0xC660] =	vst v6;
	v6 =	vld [tilespmem:s0+$0x10430]  }
0x66a: {  	[tilespmem:s13+$0xC560] =	vst v7;
	v7 =	vld [tilespmem:s8+$0x10430]  }
0x66b: {  	[tilespmem:s15+$0xC460] =	vst v5;
	v5 =	vld [tilespmem:s19+$0x10430]  }
0x66c: {  	v9 =	vmul.f32 $8.000000000e+00, v13;
	v8 =	vld [tilespmem:s20+$0x10430]  }
0x66d: {  	v12 =	vmul.f32 $8.000000000e+00, v14;
	v13 =	vld [tilespmem:s14+$0x8780]  }
0x66e: {  	v10 =	vmul.f32 $8.000000000e+00, v10;
	v14 =	vld [tilespmem:s12+$0x8680];
	v6 =	vadd.f32 v6, v9  }
0x66f: {  	v9 =	vmul.f32 $8.000000000e+00, v11;
	v11 =	vld [tilespmem:s13+$0x8580];
	v7 =	vadd.f32 v7, v12  }
0x670: {  	v12 =	vld [tilespmem:s15+$0x8480];
	v5 =	vadd.f32 v5, v10;
	[tilespmem:s14+$0xC770] =	vst v6;
	s0 =	spop (v2sf)  }
0x671: {  	v6 =	vadd.f32 v8, v9;
	[tilespmem:s12+$0xC670] =	vst v7;
	s8 =	spop (v2sf);
	v7 =	vld [tilespmem:s0+$0x10400]  }
0x672: {  	[tilespmem:s13+$0xC570] =	vst v5;
	s19 =	spop (v2sf);
	v5 =	vld [tilespmem:s8+$0x10400]  }
0x673: {  	[tilespmem:s15+$0xC470] =	vst v6;
	s20 =	spop (v2sf);
	v6 =	vld [tilespmem:s19+$0x10400]  }
0x674: {  	v9 =	vmul.f32 $8.000000000e+00, v13;
	v8 =	vld [tilespmem:s20+$0x10400]  }
0x675: {  	v10 =	vmul.f32 $8.000000000e+00, v14;
	v13 =	vld [tilespmem:s14+$0x8790]  }
0x676: {  	v11 =	vmul.f32 $8.000000000e+00, v11;
	v14 =	vld [tilespmem:s12+$0x8690];
	v7 =	vadd.f32 v7, v9  }
0x677: {  	v9 =	vmul.f32 $8.000000000e+00, v12;
	v12 =	vld [tilespmem:s13+$0x8590];
	v5 =	vadd.f32 v5, v10  }
0x678: {  	v10 =	vld [tilespmem:s15+$0x8490];
	v6 =	vadd.f32 v6, v11;
	[tilespmem:s14+$0xC780] =	vst v7  }
0x679: {  	v7 =	vadd.f32 v8, v9;
	[tilespmem:s12+$0xC680] =	vst v5;
	v5 =	vld [tilespmem:s0+$0x10410]  }
0x67a: {  	[tilespmem:s13+$0xC580] =	vst v6;
	v6 =	vld [tilespmem:s8+$0x10410]  }
0x67b: {  	[tilespmem:s15+$0xC480] =	vst v7;
	v7 =	vld [tilespmem:s19+$0x10410]  }
0x67c: {  	v9 =	vmul.f32 $8.000000000e+00, v13;
	v8 =	vld [tilespmem:s20+$0x10410]  }
0x67d: {  	v11 =	vmul.f32 $8.000000000e+00, v14;
	v13 =	vld [tilespmem:s14+$0x87A0]  }
0x67e: {  	v12 =	vmul.f32 $8.000000000e+00, v12;
	v14 =	vld [tilespmem:s12+$0x86A0];
	v5 =	vadd.f32 v5, v9  }
0x67f: {  	v9 =	vmul.f32 $8.000000000e+00, v10;
	v10 =	vld [tilespmem:s13+$0x85A0];
	v6 =	vadd.f32 v6, v11  }
0x680: {  	v11 =	vld [tilespmem:s15+$0x84A0];
	v7 =	vadd.f32 v7, v12;
	[tilespmem:s14+$0xC790] =	vst v5  }
0x681: {  	v5 =	vadd.f32 v8, v9;
	[tilespmem:s12+$0xC690] =	vst v6;
	v6 =	vld [tilespmem:s0+$0x10420];
	(v2sf) =	vpush v0, $0xF;
	v0 =	vmovc v1;
	v1 =	vmovc v2;
	v2 =	vmov v4  }
0x682: {  	[tilespmem:s13+$0xC590] =	vst v7;
	v4 =	vld [tilespmem:s8+$0x10420];
	(v2sf) =	vpush v0, $0xB  }
0x683: {  	[tilespmem:s15+$0xC490] =	vst v5;
	v5 =	vld [tilespmem:s19+$0x10420];
	(v2sf) =	vpush v1, $0x7  }
0x684: {  	v8 =	vmul.f32 $8.000000000e+00, v13;
	v7 =	vld [tilespmem:s20+$0x10420];
	(v2sf) =	vpush v2, $0x3  }
0x685: {  	v9 =	vmul.f32 $8.000000000e+00, v14;
	v12 =	vld [tilespmem:s14+$0x87B0]  }
0x686: {  	v10 =	vmul.f32 $8.000000000e+00, v10;
	v13 =	vld [tilespmem:s12+$0x86B0];
	v6 =	vadd.f32 v6, v8  }
0x687: {  	v8 =	vmul.f32 $8.000000000e+00, v11;
	v11 =	vld [tilespmem:s13+$0x85B0];
	v4 =	vadd.f32 v4, v9  }
0x688: {  	v9 =	vld [tilespmem:s15+$0x84B0];
	v5 =	vadd.f32 v5, v10;
	[tilespmem:s14+$0xC7A0] =	vst v6  }
0x689: {  	v6 =	vadd.f32 v7, v8;
	[tilespmem:s12+$0xC6A0] =	vst v4;
	v4 =	vld [tilespmem:s0+$0x10430]  }
0x68a: {  	[tilespmem:s13+$0xC5A0] =	vst v5;
	v5 =	vld [tilespmem:s8+$0x10430]  }
0x68b: {  	[tilespmem:s15+$0xC4A0] =	vst v6;
	v6 =	vld [tilespmem:s19+$0x10430]  }
0x68c: {  	v8 =	vmul.f32 $8.000000000e+00, v12;
	v7 =	vld [tilespmem:s20+$0x10430]  }
0x68d: {  	v10 =	vmul.f32 $8.000000000e+00, v13;
	v12 =	vld [tilespmem:s14+$0x87C0]  }
0x68e: {  	v11 =	vmul.f32 $8.000000000e+00, v11;
	v13 =	vld [tilespmem:s12+$0x86C0];
	v4 =	vadd.f32 v4, v8  }
0x68f: {  	v8 =	vmul.f32 $8.000000000e+00, v9;
	v9 =	vld [tilespmem:s13+$0x85C0];
	v5 =	vadd.f32 v5, v10  }
0x690: {  	v10 =	vld [tilespmem:s15+$0x84C0];
	v6 =	vadd.f32 v6, v11;
	[tilespmem:s14+$0xC7B0] =	vst v4;
	s0 =	spop (v2sf)  }
0x691: {  	v4 =	vadd.f32 v7, v8;
	[tilespmem:s12+$0xC6B0] =	vst v5;
	s8 =	spop (v2sf);
	v5 =	vld [tilespmem:s0+$0x10400]  }
0x692: {  	[tilespmem:s13+$0xC5B0] =	vst v6;
	s19 =	spop (v2sf);
	v6 =	vld [tilespmem:s8+$0x10400]  }
0x693: {  	[tilespmem:s15+$0xC4B0] =	vst v4;
	s20 =	spop (v2sf);
	v7 =	vld [tilespmem:s19+$0x10400]  }
0x694: {  	v4 =	vmul.f32 $8.000000000e+00, v12;
	v8 =	vld [tilespmem:s20+$0x10400]  }
0x695: {  	v11 =	vmul.f32 $8.000000000e+00, v13;
	v12 =	vld [tilespmem:s14+$0x87D0]  }
0x696: {  	v9 =	vmul.f32 $8.000000000e+00, v9;
	v13 =	vld [tilespmem:s12+$0x86D0];
	v5 =	vadd.f32 v5, v4  }
0x697: {  	v10 =	vmul.f32 $8.000000000e+00, v10;
	v14 =	vld [tilespmem:s13+$0x85D0];
	v6 =	vadd.f32 v6, v11  }
0x698: {  	v4 =	vld [tilespmem:s15+$0x84D0];
	v7 =	vadd.f32 v7, v9;
	[tilespmem:s14+$0xC7C0] =	vst v5  }
0x699: {  	v5 =	vadd.f32 v8, v10;
	[tilespmem:s12+$0xC6C0] =	vst v6;
	v15 =	vld [tilespmem:s0+$0x10410]  }
.Ltmp3:
0x69a: {  	[tilespmem:s13+$0xC5C0] =	vst v7;
	v8 =	vld [tilespmem:s8+$0x10410];
	(pc) =	sbr.rel @p0 .LBB2_5-.Ltmp3, $4  }
0x69b: {  	[tilespmem:s15+$0xC4C0] =	vst v5;
	v9 =	vld [tilespmem:s19+$0x10410]  }
0x69c: {  	v12 =	vmul.f32 $8.000000000e+00, v12;
	v7 =	vld [tilespmem:s20+$0x10410]  }
0x69d: {  	s7 =	sadd.s32 $0x10, s7;
	v10 =	vmul.f32 $8.000000000e+00, v13;
	v5 =	vld [tilespmem:s12+$0x86E0]  }
0x69e: {  	s16 =	sadd.s32 $0x1000, s16;
	v11 =	vmul.f32 $8.000000000e+00, v14;
	v6 =	vld [tilespmem:s7+$0x0];
	v12 =	vadd.f32 v15, v12  }
0x69f: {  	v13 =	vld [tilespmem:s13+$0x85E0];
	v8 =	vadd.f32 v8, v10  }
0x6a0: {  	v53 =	vld [tilespmem:s15+$0x84E0]  }
0x6a1: {  	v4 =	vmul.f32 $8.000000000e+00, v4;
	v56 =	vld [tilespmem:s14+$0x87F0];
	[tilespmem:s12+$0xC6D0] =	vst v8  }
0x6a2: {  	(v2sf) =	vpush v0, $0xC;
	v8 =	vld [tilespmem:s8+$0x10420]  }
0x6a3: {  	v58 =	vld [tilespmem:s12+$0x86F0];
	v4 =	vadd.f32 v7, v4  }
0x6a4: {  	v60 =	vld [tilespmem:s13+$0x85F0];
	v9 =	vadd.f32 v9, v11;
	(v2sf) =	vpush v1, $0x8;
	v6 =	vshll.u32 v6, $0x8  }
0x6a5: {  	v61 =	vld [tilespmem:s15+$0x84F0];
	(v2sf) =	vpush v2, $0x4;
	v5 =	vmul.f32 $8.000000000e+00, v5;
	[tilespmem:s15+$0xC4D0] =	vst v4;
	v4 =	vshra.s32 v6, $0x2  }
0x6a6: {  	v19 =	vld [tilespmem:s12+$0x8700];
	(v2sf) =	vpush v4, $0x0  }
0x6a7: {  	v14 =	vld [tilespmem:s13+$0x8600];
	[tilespmem:s13+$0xC5D0] =	vst v9;
	v5 =	vadd.f32 v8, v5  }
0x6a8: {  	v9 =	vld [tilespmem:s19+$0x10420]  }
0x6a9: {  	v55 =	vld [tilespmem:s20+$0x10420];
	[tilespmem:s12+$0xC6E0] =	vst v5  }
0x6aa: {  	v5 =	vld [tilespmem:s8+$0x10430]  }
0x6ab: {  	v20 =	vld [tilespmem:s15+$0x8500];
	v57 =	vmul.f32 $8.000000000e+00, v13  }
0x6ac: {  	v15 =	vld [tilespmem:s12+$0x8710];
	v59 =	vmul.f32 $8.000000000e+00, v53  }
0x6ad: {  	v23 =	vld [tilespmem:s13+$0x8610];
	v18 =	vmul.f32 $8.000000000e+00, v58;
	v9 =	vadd.f32 v9, v57  }
0x6ae: {  	v24 =	vld [tilespmem:s15+$0x8510];
	v62 =	vadd.f32 v55, v59  }
0x6af: {  	v32 =	vld [tilespmem:s12+$0x8720];
	[tilespmem:s13+$0xC5E0] =	vst v9;
	v5 =	vadd.f32 v5, v18  }
0x6b0: {  	[tilespmem:s15+$0xC4E0] =	vst v62;
	v16 =	vld [tilespmem:s19+$0x10430]  }
0x6b1: {  	v17 =	vld [tilespmem:s20+$0x10430];
	s26 =	spop (v2sf);
	[tilespmem:s12+$0xC6F0] =	vst v5  }
0x6b2: {  	v5 =	vld [tilespmem:s26+$0x10400]  }
0x6b3: {  	s16 =	sshra.s32 s2, $0x2;
	v33 =	vld [tilespmem:s13+$0x8620];
	v10 =	vmul.f32 $8.000000000e+00, v60;
	s29 =	spop (v2sf)  }
0x6b4: {  	v21 =	vld [tilespmem:s16+$0x8400];
	v8 =	vmul.f32 $8.000000000e+00, v61;
	s7 =	spop (v2sf)  }
0x6b5: {  	v34 =	vld [tilespmem:s15+$0x8520];
	v13 =	vmul.f32 $8.000000000e+00, v19;
	v6 =	vadd.f32 v16, v10;
	s30 =	spop (v2sf)  }
0x6b6: {  	v8 =	vadd.f32 v17, v8;
	v22 =	vld [tilespmem:s30+$0x10400]  }
0x6b7: {  	v42 =	vld [tilespmem:s12+$0x8730];
	[tilespmem:s13+$0xC5F0] =	vst v6;
	v5 =	vadd.f32 v5, v13  }
0x6b8: {  	[tilespmem:s15+$0xC4F0] =	vst v8;
	v6 =	vld [tilespmem:s29+$0x10400]  }
0x6b9: {  	v10 =	vmul.f32 $8.000000000e+00, v21;
	v8 =	vld [tilespmem:s7+$0x10400];
	[tilespmem:s12+$0xC700] =	vst v5  }
0x6ba: {  	v27 =	vld [tilespmem:s26+$0x10410]  }
0x6bb: {  	v43 =	vld [tilespmem:s15+$0x8530];
	v14 =	vmul.f32 $8.000000000e+00, v14;
	v26 =	vadd.f32 v22, v10  }
0x6bc: {  	[tilespmem:s14+$0xC7D0] =	vst v12;
	v25 =	vld [tilespmem:s16+$0x8410];
	v12 =	vmul.f32 $8.000000000e+00, v20  }
0x6bd: {  	v46 =	vld [tilespmem:s15+$0x8540];
	v31 =	vmul.f32 $8.000000000e+00, v15;
	v6 =	vadd.f32 v6, v14;
	[tilespmem:s16+$0xC400] =	vst v26  }
0x6be: {  	v8 =	vadd.f32 v8, v12;
	v30 =	vld [tilespmem:s30+$0x10410]  }
0x6bf: {  	v54 =	vld [tilespmem:s0+$0x10420];
	[tilespmem:s13+$0xC600] =	vst v6;
	v6 =	vadd.f32 v27, v31  }
0x6c0: {  	[tilespmem:s15+$0xC500] =	vst v8;
	v28 =	vld [tilespmem:s29+$0x10410]  }
0x6c1: {  	v12 =	vmul.f32 $8.000000000e+00, v25;
	v29 =	vld [tilespmem:s7+$0x10410];
	[tilespmem:s12+$0xC710] =	vst v6  }
0x6c2: {  	v3 =	vmul.f32 $8.000000000e+00, v3;
	v37 =	vld [tilespmem:s26+$0x10420]  }
0x6c3: {  	v35 =	vld [tilespmem:s16+$0x8420];
	(v2sf) =	vpush v0, $0xD;
	v13 =	vmul.f32 $8.000000000e+00, v23;
	v36 =	vadd.f32 v30, v12  }
0x6c4: {  	v44 =	vld [tilespmem:s16+$0x8430];
	v3 =	vadd.f32 v54, v3;
	(v2sf) =	vpush v1, $0x9;
	v14 =	vmul.f32 $8.000000000e+00, v24  }
0x6c5: {  	v47 =	vld [tilespmem:s16+$0x8440];
	v40 =	vmul.f32 $8.000000000e+00, v32;
	(v2sf) =	vpush v2, $0x5;
	v8 =	vadd.f32 v28, v13;
	[tilespmem:s16+$0xC410] =	vst v36  }
0x6c6: {  	[tilespmem:s14+$0xC7E0] =	vst v3;
	(v2sf) =	vpush v4, $0x1;
	v5 =	vadd.f32 v29, v14;
	v16 =	vld [tilespmem:s30+$0x10420]  }
0x6c7: {  	v63 =	vld [tilespmem:s0+$0x10430];
	[tilespmem:s13+$0xC610] =	vst v8;
	v8 =	vadd.f32 v37, v40  }
0x6c8: {  	[tilespmem:s15+$0xC510] =	vst v5;
	v38 =	vld [tilespmem:s29+$0x10420]  }
0x6c9: {  	v14 =	vmul.f32 $8.000000000e+00, v35;
	v39 =	vld [tilespmem:s7+$0x10420];
	[tilespmem:s12+$0xC720] =	vst v8  }
0x6ca: {  	v11 =	vmul.f32 $8.000000000e+00, v56;
	v45 =	vld [tilespmem:s26+$0x10430]  }
0x6cb: {  	v7 =	vld [tilespmem:s13+$0x8640];
	v41 =	vmul.f32 $8.000000000e+00, v33;
	v14 =	vadd.f32 v16, v14  }
0x6cc: {  	v3 =	vld [tilespmem:s12+$0x87E0];
	v11 =	vadd.f32 v63, v11;
	v13 =	vmul.f32 $8.000000000e+00, v34  }
0x6cd: {  	v10 =	vmul.f32 $8.000000000e+00, v42;
	v6 =	vld [tilespmem:s13+$0x8630];
	v5 =	vadd.f32 v38, v41;
	[tilespmem:s16+$0xC420] =	vst v14  }
0x6ce: {  	[tilespmem:s14+$0xC7F0] =	vst v11;
	v12 =	vadd.f32 v39, v13;
	v14 =	vld [tilespmem:s30+$0x10430]  }
0x6cf: {  	[tilespmem:s13+$0xC620] =	vst v5;
	v5 =	vld [tilespmem:s12+$0x8740];
	v10 =	vadd.f32 v45, v10  }
0x6d0: {  	[tilespmem:s15+$0xC520] =	vst v12;
	v8 =	vld [tilespmem:s29+$0x10430]  }
0x6d1: {  	v48 =	vmul.f32 $8.000000000e+00, v44;
	v12 =	vld [tilespmem:s7+$0x10430];
	[tilespmem:s12+$0xC730] =	vst v10  }
0x6d2: {  	s2 =	spop (v2sf)  }
0x6d3: {  	v10 =	vadd.f32 v14, v48;
	s31 =	spop (v2sf)  }
0x6d4: {  	s3 =	spop (v2sf)  }
0x6d5: {  	[tilespmem:s16+$0xC430] =	vst v10;
	s21 =	spop (v2sf)  }
0x6d6: {  	v10 =	vld [tilespmem:s21+$0x10400];
	_ =	sdelay $0x2  }
0x6d7: {  	v11 =	vmul.f32 $8.000000000e+00, v47;
	_ =	sdelay $0x1  }
0x6d8: {  	v10 =	vadd.f32 v10, v11  }
0x6d9: {  	v49 =	vld [tilespmem:s16+$0x8450]  }
0x6da: {  	[tilespmem:s16+$0xC440] =	vst v10  }
0x6db: {  	v10 =	vld [tilespmem:s21+$0x10410];
	_ =	sdelay $0x2  }
0x6dc: {  	v11 =	vmul.f32 $8.000000000e+00, v49;
	_ =	sdelay $0x1  }
0x6dd: {  	(v2sf) =	vpush v0, $0xE;
	v10 =	vadd.f32 v10, v11  }
0x6de: {  	v50 =	vld [tilespmem:s16+$0x8460];
	(v2sf) =	vpush v1, $0xA  }
0x6df: {  	(v2sf) =	vpush v2, $0x6;
	[tilespmem:s16+$0xC450] =	vst v10  }
0x6e0: {  	(v2sf) =	vpush v4, $0x2;
	v10 =	vld [tilespmem:s21+$0x10420];
	_ =	sdelay $0x2  }
0x6e1: {  	v11 =	vmul.f32 $8.000000000e+00, v50;
	_ =	sdelay $0x1  }
0x6e2: {  	v10 =	vadd.f32 v10, v11  }
0x6e3: {  	v51 =	vld [tilespmem:s16+$0x8470]  }
0x6e4: {  	[tilespmem:s16+$0xC460] =	vst v10  }
0x6e5: {  	v10 =	vld [tilespmem:s21+$0x10430];
	_ =	sdelay $0x2  }
0x6e6: {  	v11 =	vmul.f32 $8.000000000e+00, v51  }
0x6e7: {  	s7 =	spop (v2sf)  }
0x6e8: {  	s26 =	spop (v2sf);
	v10 =	vadd.f32 v10, v11  }
0x6e9: {  	v52 =	vld [tilespmem:s16+$0x8480];
	s19 =	spop (v2sf)  }
0x6ea: {  	s22 =	spop (v2sf);
	[tilespmem:s16+$0xC470] =	vst v10  }
0x6eb: {  	v10 =	vld [tilespmem:s22+$0x10400];
	_ =	sdelay $0x2  }
0x6ec: {  	v11 =	vmul.f32 $8.000000000e+00, v52;
	_ =	sdelay $0x1  }
0x6ed: {  	v10 =	vadd.f32 v10, v11  }
0x6ee: {  	v53 =	vld [tilespmem:s16+$0x8490]  }
0x6ef: {  	[tilespmem:s16+$0xC480] =	vst v10  }
0x6f0: {  	v10 =	vld [tilespmem:s22+$0x10410];
	_ =	sdelay $0x2  }
0x6f1: {  	v11 =	vmul.f32 $8.000000000e+00, v53;
	_ =	sdelay $0x1  }
0x6f2: {  	(v2sf) =	vpush v0, $0xF;
	v10 =	vadd.f32 v10, v11  }
0x6f3: {  	v54 =	vld [tilespmem:s16+$0x84A0];
	(v2sf) =	vpush v1, $0xB  }
0x6f4: {  	(v2sf) =	vpush v2, $0x7;
	[tilespmem:s16+$0xC490] =	vst v10  }
0x6f5: {  	(v2sf) =	vpush v4, $0x3;
	v10 =	vld [tilespmem:s22+$0x10420];
	_ =	sdelay $0x2  }
0x6f6: {  	v0 =	vmul.f32 $8.000000000e+00, v54;
	_ =	sdelay $0x1  }
0x6f7: {  	v0 =	vadd.f32 v10, v0  }
0x6f8: {  	v55 =	vld [tilespmem:s16+$0x84B0]  }
0x6f9: {  	[tilespmem:s16+$0xC4A0] =	vst v0  }
0x6fa: {  	v0 =	vld [tilespmem:s22+$0x10430];
	_ =	sdelay $0x2  }
0x6fb: {  	v10 =	vmul.f32 $8.000000000e+00, v55  }
0x6fc: {  	s14 =	spop (v2sf)  }
0x6fd: {  	s25 =	spop (v2sf);
	v0 =	vadd.f32 v0, v10  }
0x6fe: {  	v56 =	vld [tilespmem:s16+$0x84C0];
	s8 =	spop (v2sf)  }
0x6ff: {  	s24 =	spop (v2sf);
	[tilespmem:s16+$0xC4B0] =	vst v0  }
0x700: {  	v0 =	vld [tilespmem:s24+$0x10400];
	_ =	sdelay $0x2  }
0x701: {  	v10 =	vmul.f32 $8.000000000e+00, v56;
	_ =	sdelay $0x1  }
0x702: {  	v0 =	vadd.f32 v0, v10  }
0x703: {  	v57 =	vld [tilespmem:s16+$0x84D0]  }
0x704: {  	[tilespmem:s16+$0xC4C0] =	vst v0  }
0x705: {  	v0 =	vld [tilespmem:s24+$0x10410];
	_ =	sdelay $0x2  }
0x706: {  	v10 =	vmul.f32 $8.000000000e+00, v57;
	_ =	sdelay $0x1  }
0x707: {  	v0 =	vadd.f32 v0, v10  }
0x708: {  	v58 =	vld [tilespmem:s16+$0x84E0];
	(v2sf) =	vpush v1, $0xC  }
0x709: {  	(v2sf) =	vpush v2, $0x8;
	[tilespmem:s16+$0xC4D0] =	vst v0  }
0x70a: {  	(v2sf) =	vpush v4, $0x4;
	v0 =	vld [tilespmem:s24+$0x10420];
	_ =	sdelay $0x2  }
0x70b: {  	v10 =	vmul.f32 $8.000000000e+00, v58;
	_ =	sdelay $0x1  }
0x70c: {  	v0 =	vadd.f32 v0, v10  }
0x70d: {  	v59 =	vld [tilespmem:s16+$0x84F0]  }
0x70e: {  	[tilespmem:s16+$0xC4E0] =	vst v0  }
0x70f: {  	v0 =	vld [tilespmem:s24+$0x10430];
	_ =	sdelay $0x2  }
0x710: {  	v10 =	vmul.f32 $8.000000000e+00, v59;
	_ =	sdelay $0x1  }
0x711: {  	s24 =	spop (v2sf);
	v0 =	vadd.f32 v0, v10  }
0x712: {  	v60 =	vld [tilespmem:s16+$0x8500];
	s0 =	spop (v2sf)  }
0x713: {  	s21 =	spop (v2sf);
	[tilespmem:s16+$0xC4F0] =	vst v0  }
0x714: {  	v0 =	vld [tilespmem:s21+$0x10400];
	_ =	sdelay $0x2  }
0x715: {  	v10 =	vmul.f32 $8.000000000e+00, v60;
	_ =	sdelay $0x1  }
0x716: {  	v0 =	vadd.f32 v0, v10  }
0x717: {  	v61 =	vld [tilespmem:s16+$0x8510]  }
0x718: {  	[tilespmem:s16+$0xC500] =	vst v0  }
0x719: {  	v0 =	vld [tilespmem:s21+$0x10410];
	_ =	sdelay $0x2  }
0x71a: {  	v10 =	vmul.f32 $8.000000000e+00, v61;
	_ =	sdelay $0x1  }
0x71b: {  	v0 =	vadd.f32 v0, v10  }
0x71c: {  	v62 =	vld [tilespmem:s16+$0x8520];
	(v2sf) =	vpush v1, $0xD  }
0x71d: {  	(v2sf) =	vpush v2, $0x9;
	[tilespmem:s16+$0xC510] =	vst v0  }
0x71e: {  	(v2sf) =	vpush v4, $0x5;
	v0 =	vld [tilespmem:s21+$0x10420];
	_ =	sdelay $0x2  }
0x71f: {  	v10 =	vmul.f32 $8.000000000e+00, v62;
	_ =	sdelay $0x1  }
0x720: {  	v0 =	vadd.f32 v0, v10  }
0x721: {  	v63 =	vld [tilespmem:s16+$0x8530]  }
0x722: {  	[tilespmem:s16+$0xC520] =	vst v0  }
0x723: {  	v14 =	vld [tilespmem:s21+$0x10430];
	_ =	sdelay $0x1  }
0x724: {  	v13 =	vmul.f32 $8.000000000e+00, v43  }
0x725: {  	v10 =	vmul.f32 $8.000000000e+00, v63  }
0x726: {  	v0 =	vadd.f32 v12, v13  }
0x727: {  	s22 =	spop (v2sf);
	v9 =	vadd.f32 v14, v10  }
0x728: {  	v16 =	vld [tilespmem:s16+$0x8540];
	s30 =	spop (v2sf);
	[tilespmem:s15+$0xC530] =	vst v0  }
0x729: {  	s29 =	spop (v2sf);
	v0 =	vld [tilespmem:s3+$0x10400];
	[tilespmem:s16+$0xC530] =	vst v9  }
0x72a: {  	v18 =	vld [tilespmem:s29+$0x10400];
	_ =	sdelay $0x1  }
0x72b: {  	v17 =	vmul.f32 $8.000000000e+00, v46  }
0x72c: {  	v10 =	vmul.f32 $8.000000000e+00, v16  }
0x72d: {  	v0 =	vadd.f32 v0, v17  }
0x72e: {  	v19 =	vld [tilespmem:s15+$0x8550];
	v10 =	vadd.f32 v18, v10  }
0x72f: {  	v20 =	vld [tilespmem:s16+$0x8550];
	[tilespmem:s15+$0xC540] =	vst v0  }
0x730: {  	v0 =	vld [tilespmem:s3+$0x10410];
	[tilespmem:s16+$0xC540] =	vst v10  }
0x731: {  	v10 =	vld [tilespmem:s29+$0x10410];
	_ =	sdelay $0x1  }
0x732: {  	v9 =	vmul.f32 $8.000000000e+00, v19  }
0x733: {  	v11 =	vmul.f32 $8.000000000e+00, v20  }
0x734: {  	v0 =	vadd.f32 v0, v9  }
0x735: {  	v21 =	vld [tilespmem:s15+$0x8560];
	v10 =	vadd.f32 v10, v11  }
0x736: {  	v22 =	vld [tilespmem:s16+$0x8560];
	(v2sf) =	vpush v1, $0xE;
	[tilespmem:s15+$0xC550] =	vst v0  }
0x737: {  	(v2sf) =	vpush v2, $0xA;
	v0 =	vld [tilespmem:s3+$0x10420];
	[tilespmem:s16+$0xC550] =	vst v10  }
0x738: {  	(v2sf) =	vpush v4, $0x6;
	v10 =	vld [tilespmem:s29+$0x10420];
	_ =	sdelay $0x1  }
0x739: {  	v9 =	vmul.f32 $8.000000000e+00, v21  }
0x73a: {  	v11 =	vmul.f32 $8.000000000e+00, v22  }
0x73b: {  	v0 =	vadd.f32 v0, v9  }
0x73c: {  	v23 =	vld [tilespmem:s15+$0x8570];
	v10 =	vadd.f32 v10, v11  }
0x73d: {  	v24 =	vld [tilespmem:s16+$0x8570];
	[tilespmem:s15+$0xC560] =	vst v0  }
0x73e: {  	v0 =	vld [tilespmem:s3+$0x10430];
	[tilespmem:s16+$0xC560] =	vst v10  }
0x73f: {  	v10 =	vld [tilespmem:s29+$0x10430];
	_ =	sdelay $0x1  }
0x740: {  	v9 =	vmul.f32 $8.000000000e+00, v23  }
0x741: {  	v11 =	vmul.f32 $8.000000000e+00, v24  }
0x742: {  	v0 =	vadd.f32 v0, v9  }
0x743: {  	v25 =	vld [tilespmem:s15+$0x8580];
	s20 =	spop (v2sf);
	v10 =	vadd.f32 v10, v11  }
0x744: {  	v26 =	vld [tilespmem:s16+$0x8580];
	s29 =	spop (v2sf);
	[tilespmem:s15+$0xC570] =	vst v0  }
0x745: {  	s3 =	spop (v2sf);
	v0 =	vld [tilespmem:s19+$0x10400];
	[tilespmem:s16+$0xC570] =	vst v10  }
0x746: {  	v10 =	vld [tilespmem:s3+$0x10400];
	_ =	sdelay $0x1  }
0x747: {  	v9 =	vmul.f32 $8.000000000e+00, v25  }
0x748: {  	v11 =	vmul.f32 $8.000000000e+00, v26  }
0x749: {  	v0 =	vadd.f32 v0, v9  }
0x74a: {  	v27 =	vld [tilespmem:s15+$0x8590];
	v10 =	vadd.f32 v10, v11  }
0x74b: {  	v28 =	vld [tilespmem:s16+$0x8590];
	[tilespmem:s15+$0xC580] =	vst v0  }
0x74c: {  	v0 =	vld [tilespmem:s19+$0x10410];
	[tilespmem:s16+$0xC580] =	vst v10  }
0x74d: {  	v10 =	vld [tilespmem:s3+$0x10410];
	_ =	sdelay $0x1  }
0x74e: {  	v9 =	vmul.f32 $8.000000000e+00, v27  }
0x74f: {  	v11 =	vmul.f32 $8.000000000e+00, v28  }
0x750: {  	v0 =	vadd.f32 v0, v9  }
0x751: {  	v29 =	vld [tilespmem:s15+$0x85A0];
	v10 =	vadd.f32 v10, v11  }
0x752: {  	v30 =	vld [tilespmem:s16+$0x85A0];
	(v2sf) =	vpush v1, $0xF;
	[tilespmem:s15+$0xC590] =	vst v0  }
0x753: {  	(v2sf) =	vpush v2, $0xB;
	v0 =	vld [tilespmem:s19+$0x10420];
	[tilespmem:s16+$0xC590] =	vst v10  }
0x754: {  	(v2sf) =	vpush v4, $0x7;
	v32 =	vld [tilespmem:s3+$0x10420];
	_ =	sdelay $0x1  }
0x755: {  	v31 =	vmul.f32 $8.000000000e+00, v29  }
0x756: {  	v34 =	vmul.f32 $8.000000000e+00, v30  }
0x757: {  	v0 =	vadd.f32 v0, v31  }
0x758: {  	v33 =	vld [tilespmem:s15+$0x85B0];
	v9 =	vadd.f32 v32, v34  }
0x759: {  	v35 =	vld [tilespmem:s16+$0x85B0];
	[tilespmem:s15+$0xC5A0] =	vst v0  }
0x75a: {  	v0 =	vld [tilespmem:s19+$0x10430];
	[tilespmem:s16+$0xC5A0] =	vst v9  }
0x75b: {  	v9 =	vld [tilespmem:s3+$0x10430];
	_ =	sdelay $0x1  }
0x75c: {  	v1 =	vmul.f32 $8.000000000e+00, v33  }
0x75d: {  	v10 =	vmul.f32 $8.000000000e+00, v35  }
0x75e: {  	v0 =	vadd.f32 v0, v1  }
0x75f: {  	v36 =	vld [tilespmem:s15+$0x85C0];
	s19 =	spop (v2sf);
	v9 =	vadd.f32 v9, v10  }
0x760: {  	v37 =	vld [tilespmem:s16+$0x85C0];
	s21 =	spop (v2sf);
	[tilespmem:s15+$0xC5B0] =	vst v0  }
0x761: {  	s3 =	spop (v2sf);
	v0 =	vld [tilespmem:s8+$0x10400];
	[tilespmem:s16+$0xC5B0] =	vst v9  }
0x762: {  	v9 =	vld [tilespmem:s3+$0x10400];
	_ =	sdelay $0x1  }
0x763: {  	v1 =	vmul.f32 $8.000000000e+00, v36  }
0x764: {  	v10 =	vmul.f32 $8.000000000e+00, v37  }
0x765: {  	v0 =	vadd.f32 v0, v1  }
0x766: {  	v38 =	vld [tilespmem:s15+$0x85D0];
	v9 =	vadd.f32 v9, v10  }
0x767: {  	v39 =	vld [tilespmem:s16+$0x85D0];
	[tilespmem:s15+$0xC5C0] =	vst v0  }
0x768: {  	v0 =	vld [tilespmem:s8+$0x10410];
	[tilespmem:s16+$0xC5C0] =	vst v9  }
0x769: {  	v9 =	vld [tilespmem:s3+$0x10410];
	_ =	sdelay $0x1  }
0x76a: {  	v1 =	vmul.f32 $8.000000000e+00, v38  }
0x76b: {  	v10 =	vmul.f32 $8.000000000e+00, v39  }
0x76c: {  	v0 =	vadd.f32 v0, v1  }
0x76d: {  	v40 =	vld [tilespmem:s15+$0x85E0];
	v9 =	vadd.f32 v9, v10  }
0x76e: {  	v41 =	vld [tilespmem:s16+$0x85E0];
	[tilespmem:s15+$0xC5D0] =	vst v0  }
0x76f: {  	(v2sf) =	vpush v2, $0xC;
	v0 =	vld [tilespmem:s8+$0x10420];
	[tilespmem:s16+$0xC5D0] =	vst v9  }
0x770: {  	(v2sf) =	vpush v4, $0x8;
	v9 =	vld [tilespmem:s3+$0x10420];
	_ =	sdelay $0x1  }
0x771: {  	v1 =	vmul.f32 $8.000000000e+00, v40  }
0x772: {  	v10 =	vmul.f32 $8.000000000e+00, v41  }
0x773: {  	v0 =	vadd.f32 v0, v1  }
0x774: {  	v42 =	vld [tilespmem:s15+$0x85F0];
	v9 =	vadd.f32 v9, v10  }
0x775: {  	v43 =	vld [tilespmem:s16+$0x85F0];
	[tilespmem:s15+$0xC5E0] =	vst v0  }
0x776: {  	v0 =	vld [tilespmem:s8+$0x10430];
	[tilespmem:s16+$0xC5E0] =	vst v9  }
0x777: {  	v9 =	vld [tilespmem:s3+$0x10430];
	_ =	sdelay $0x1  }
0x778: {  	v1 =	vmul.f32 $8.000000000e+00, v42  }
0x779: {  	v10 =	vmul.f32 $8.000000000e+00, v43  }
0x77a: {  	v0 =	vadd.f32 v0, v1  }
0x77b: {  	v44 =	vld [tilespmem:s15+$0x8600];
	v9 =	vadd.f32 v9, v10  }
0x77c: {  	v45 =	vld [tilespmem:s16+$0x8600];
	s8 =	spop (v2sf);
	[tilespmem:s15+$0xC5F0] =	vst v0  }
0x77d: {  	s3 =	spop (v2sf);
	v0 =	vld [tilespmem:s0+$0x10400];
	[tilespmem:s16+$0xC5F0] =	vst v9  }
0x77e: {  	v9 =	vld [tilespmem:s3+$0x10400];
	_ =	sdelay $0x1  }
0x77f: {  	v1 =	vmul.f32 $8.000000000e+00, v44  }
0x780: {  	v10 =	vmul.f32 $8.000000000e+00, v45  }
0x781: {  	v0 =	vadd.f32 v0, v1  }
0x782: {  	v46 =	vld [tilespmem:s15+$0x8610];
	v9 =	vadd.f32 v9, v10  }
0x783: {  	v47 =	vld [tilespmem:s16+$0x8610];
	[tilespmem:s15+$0xC600] =	vst v0  }
0x784: {  	v0 =	vld [tilespmem:s0+$0x10410];
	[tilespmem:s16+$0xC600] =	vst v9  }
0x785: {  	v9 =	vld [tilespmem:s3+$0x10410];
	_ =	sdelay $0x1  }
0x786: {  	v1 =	vmul.f32 $8.000000000e+00, v46  }
0x787: {  	v10 =	vmul.f32 $8.000000000e+00, v47  }
0x788: {  	v0 =	vadd.f32 v0, v1  }
0x789: {  	v48 =	vld [tilespmem:s15+$0x8620];
	v9 =	vadd.f32 v9, v10  }
0x78a: {  	v49 =	vld [tilespmem:s16+$0x8620];
	[tilespmem:s15+$0xC610] =	vst v0  }
0x78b: {  	(v2sf) =	vpush v2, $0xD;
	v0 =	vld [tilespmem:s0+$0x10420];
	[tilespmem:s16+$0xC610] =	vst v9  }
0x78c: {  	(v2sf) =	vpush v4, $0x9;
	v9 =	vld [tilespmem:s3+$0x10420];
	_ =	sdelay $0x1  }
0x78d: {  	v1 =	vmul.f32 $8.000000000e+00, v48  }
0x78e: {  	v10 =	vmul.f32 $8.000000000e+00, v49  }
0x78f: {  	v0 =	vadd.f32 v0, v1  }
0x790: {  	v50 =	vld [tilespmem:s15+$0x8630];
	v9 =	vadd.f32 v9, v10  }
0x791: {  	v53 =	vld [tilespmem:s16+$0x8630];
	[tilespmem:s15+$0xC620] =	vst v0  }
0x792: {  	v52 =	vld [tilespmem:s0+$0x10430];
	[tilespmem:s16+$0xC620] =	vst v9  }
0x793: {  	v51 =	vmul.f32 $8.000000000e+00, v6;
	v54 =	vld [tilespmem:s3+$0x10430];
	_ =	sdelay $0x1  }
0x794: {  	v1 =	vmul.f32 $8.000000000e+00, v50;
	v0 =	vadd.f32 v8, v51  }
0x795: {  	v56 =	vmul.f32 $8.000000000e+00, v53  }
0x796: {  	v55 =	vld [tilespmem:s15+$0x8640];
	[tilespmem:s13+$0xC630] =	vst v0;
	v1 =	vadd.f32 v52, v1  }
0x797: {  	v0 =	vld [tilespmem:s31+$0x10400];
	v8 =	vadd.f32 v54, v56  }
0x798: {  	v59 =	vld [tilespmem:s16+$0x8640];
	s0 =	spop (v2sf);
	[tilespmem:s15+$0xC630] =	vst v1  }
0x799: {  	s3 =	spop (v2sf);
	v58 =	vld [tilespmem:s30+$0x10400];
	[tilespmem:s16+$0xC630] =	vst v8  }
0x79a: {  	v57 =	vmul.f32 $8.000000000e+00, v7;
	v62 =	vld [tilespmem:s3+$0x10400];
	_ =	sdelay $0x1  }
0x79b: {  	v61 =	vmul.f32 $8.000000000e+00, v55;
	v0 =	vadd.f32 v0, v57  }
0x79c: {  	v60 =	vld [tilespmem:s13+$0x8650];
	v12 =	vmul.f32 $8.000000000e+00, v59  }
0x79d: {  	v63 =	vld [tilespmem:s15+$0x8650];
	[tilespmem:s13+$0xC640] =	vst v0;
	v1 =	vadd.f32 v58, v61  }
0x79e: {  	v0 =	vld [tilespmem:s31+$0x10410];
	v6 =	vadd.f32 v62, v12  }
0x79f: {  	v15 =	vld [tilespmem:s16+$0x8650];
	[tilespmem:s15+$0xC640] =	vst v1  }
0x7a0: {  	v14 =	vld [tilespmem:s30+$0x10410];
	[tilespmem:s16+$0xC640] =	vst v6  }
0x7a1: {  	v13 =	vmul.f32 $8.000000000e+00, v60;
	v6 =	vld [tilespmem:s3+$0x10410];
	_ =	sdelay $0x1  }
0x7a2: {  	v17 =	vmul.f32 $8.000000000e+00, v63;
	v0 =	vadd.f32 v0, v13  }
0x7a3: {  	v16 =	vld [tilespmem:s13+$0x8660];
	v8 =	vmul.f32 $8.000000000e+00, v15  }
0x7a4: {  	v18 =	vld [tilespmem:s15+$0x8660];
	[tilespmem:s13+$0xC650] =	vst v0;
	v1 =	vadd.f32 v14, v17  }
0x7a5: {  	v0 =	vld [tilespmem:s31+$0x10420];
	v6 =	vadd.f32 v6, v8  }
0x7a6: {  	v21 =	vld [tilespmem:s16+$0x8660];
	[tilespmem:s15+$0xC650] =	vst v1  }
0x7a7: {  	(v2sf) =	vpush v2, $0xE;
	v20 =	vld [tilespmem:s30+$0x10420];
	[tilespmem:s16+$0xC650] =	vst v6  }
0x7a8: {  	v19 =	vmul.f32 $8.000000000e+00, v16;
	(v2sf) =	vpush v4, $0xA;
	v6 =	vld [tilespmem:s3+$0x10420];
	_ =	sdelay $0x1  }
0x7a9: {  	v23 =	vmul.f32 $8.000000000e+00, v18;
	v0 =	vadd.f32 v0, v19  }
0x7aa: {  	v22 =	vld [tilespmem:s13+$0x8670];
	v8 =	vmul.f32 $8.000000000e+00, v21  }
0x7ab: {  	v24 =	vld [tilespmem:s15+$0x8670];
	[tilespmem:s13+$0xC660] =	vst v0;
	v1 =	vadd.f32 v20, v23  }
0x7ac: {  	v0 =	vld [tilespmem:s31+$0x10430];
	v6 =	vadd.f32 v6, v8  }
0x7ad: {  	v27 =	vld [tilespmem:s16+$0x8670];
	[tilespmem:s15+$0xC660] =	vst v1  }
0x7ae: {  	v26 =	vld [tilespmem:s30+$0x10430];
	[tilespmem:s16+$0xC660] =	vst v6  }
0x7af: {  	v25 =	vmul.f32 $8.000000000e+00, v22;
	v6 =	vld [tilespmem:s3+$0x10430];
	_ =	sdelay $0x1  }
0x7b0: {  	v29 =	vmul.f32 $8.000000000e+00, v24;
	v0 =	vadd.f32 v0, v25  }
0x7b1: {  	v28 =	vld [tilespmem:s13+$0x8680];
	v8 =	vmul.f32 $8.000000000e+00, v27  }
0x7b2: {  	v30 =	vld [tilespmem:s15+$0x8680];
	[tilespmem:s13+$0xC670] =	vst v0;
	v1 =	vadd.f32 v26, v29  }
0x7b3: {  	v0 =	vld [tilespmem:s26+$0x10400];
	v6 =	vadd.f32 v6, v8  }
0x7b4: {  	v33 =	vld [tilespmem:s16+$0x8680];
	s31 =	spop (v2sf);
	[tilespmem:s15+$0xC670] =	vst v1  }
0x7b5: {  	s30 =	spop (v2sf);
	v32 =	vld [tilespmem:s29+$0x10400];
	[tilespmem:s16+$0xC670] =	vst v6  }
0x7b6: {  	v31 =	vmul.f32 $8.000000000e+00, v28;
	v6 =	vld [tilespmem:s30+$0x10400];
	_ =	sdelay $0x1  }
0x7b7: {  	v35 =	vmul.f32 $8.000000000e+00, v30;
	v0 =	vadd.f32 v0, v31  }
0x7b8: {  	v34 =	vld [tilespmem:s13+$0x8690];
	v8 =	vmul.f32 $8.000000000e+00, v33  }
0x7b9: {  	v36 =	vld [tilespmem:s15+$0x8690];
	[tilespmem:s13+$0xC680] =	vst v0;
	v1 =	vadd.f32 v32, v35  }
0x7ba: {  	v0 =	vld [tilespmem:s26+$0x10410];
	v6 =	vadd.f32 v6, v8  }
0x7bb: {  	v39 =	vld [tilespmem:s16+$0x8690];
	[tilespmem:s15+$0xC680] =	vst v1  }
0x7bc: {  	v38 =	vld [tilespmem:s29+$0x10410];
	[tilespmem:s16+$0xC680] =	vst v6  }
0x7bd: {  	v37 =	vmul.f32 $8.000000000e+00, v34;
	v6 =	vld [tilespmem:s30+$0x10410];
	_ =	sdelay $0x1  }
0x7be: {  	v41 =	vmul.f32 $8.000000000e+00, v36;
	v0 =	vadd.f32 v0, v37  }
0x7bf: {  	v40 =	vld [tilespmem:s13+$0x86A0];
	v8 =	vmul.f32 $8.000000000e+00, v39  }
0x7c0: {  	v42 =	vld [tilespmem:s15+$0x86A0];
	[tilespmem:s13+$0xC690] =	vst v0;
	v1 =	vadd.f32 v38, v41  }
0x7c1: {  	v0 =	vld [tilespmem:s26+$0x10420];
	v6 =	vadd.f32 v6, v8  }
0x7c2: {  	v45 =	vld [tilespmem:s16+$0x86A0];
	[tilespmem:s15+$0xC690] =	vst v1  }
0x7c3: {  	(v2sf) =	vpush v2, $0xF;
	v44 =	vld [tilespmem:s29+$0x10420];
	[tilespmem:s16+$0xC690] =	vst v6  }
0x7c4: {  	v43 =	vmul.f32 $8.000000000e+00, v40;
	(v2sf) =	vpush v4, $0xB;
	v48 =	vld [tilespmem:s30+$0x10420];
	_ =	sdelay $0x1  }
0x7c5: {  	v47 =	vmul.f32 $8.000000000e+00, v42;
	v0 =	vadd.f32 v0, v43  }
0x7c6: {  	v46 =	vld [tilespmem:s13+$0x86B0];
	v50 =	vmul.f32 $8.000000000e+00, v45  }
0x7c7: {  	v49 =	vld [tilespmem:s15+$0x86B0];
	[tilespmem:s13+$0xC6A0] =	vst v0;
	v1 =	vadd.f32 v44, v47  }
0x7c8: {  	v0 =	vld [tilespmem:s26+$0x10430];
	v2 =	vadd.f32 v48, v50  }
0x7c9: {  	v53 =	vld [tilespmem:s16+$0x86B0];
	[tilespmem:s15+$0xC6A0] =	vst v1  }
0x7ca: {  	v52 =	vld [tilespmem:s29+$0x10430];
	[tilespmem:s16+$0xC6A0] =	vst v2  }
0x7cb: {  	v51 =	vmul.f32 $8.000000000e+00, v46;
	v2 =	vld [tilespmem:s30+$0x10430];
	_ =	sdelay $0x1  }
0x7cc: {  	v55 =	vmul.f32 $8.000000000e+00, v49;
	v0 =	vadd.f32 v0, v51  }
0x7cd: {  	v7 =	vmul.f32 $8.000000000e+00, v53;
	v54 =	vld [tilespmem:s13+$0x86C0]  }
0x7ce: {  	v56 =	vld [tilespmem:s15+$0x86C0];
	[tilespmem:s13+$0xC6B0] =	vst v0;
	v1 =	vadd.f32 v52, v55  }
0x7cf: {  	v0 =	vld [tilespmem:s25+$0x10400];
	v2 =	vadd.f32 v2, v7  }
0x7d0: {  	v59 =	vld [tilespmem:s16+$0x86C0];
	s26 =	spop (v2sf);
	[tilespmem:s15+$0xC6B0] =	vst v1  }
0x7d1: {  	s29 =	spop (v2sf);
	v58 =	vld [tilespmem:s21+$0x10400];
	[tilespmem:s16+$0xC6B0] =	vst v2  }
0x7d2: {  	v57 =	vmul.f32 $8.000000000e+00, v54;
	v2 =	vld [tilespmem:s29+$0x10400];
	_ =	sdelay $0x1  }
0x7d3: {  	v61 =	vmul.f32 $8.000000000e+00, v56;
	v0 =	vadd.f32 v0, v57  }
0x7d4: {  	v60 =	vld [tilespmem:s13+$0x86D0];
	v7 =	vmul.f32 $8.000000000e+00, v59  }
0x7d5: {  	v62 =	vld [tilespmem:s15+$0x86D0];
	[tilespmem:s13+$0xC6C0] =	vst v0;
	v1 =	vadd.f32 v58, v61  }
0x7d6: {  	v0 =	vld [tilespmem:s25+$0x10410];
	v2 =	vadd.f32 v2, v7  }
0x7d7: {  	v13 =	vld [tilespmem:s16+$0x86D0];
	[tilespmem:s15+$0xC6C0] =	vst v1  }
0x7d8: {  	v12 =	vld [tilespmem:s21+$0x10410];
	[tilespmem:s16+$0xC6C0] =	vst v2  }
0x7d9: {  	v63 =	vmul.f32 $8.000000000e+00, v60;
	v2 =	vld [tilespmem:s29+$0x10410];
	_ =	sdelay $0x1  }
0x7da: {  	v15 =	vmul.f32 $8.000000000e+00, v62;
	v0 =	vadd.f32 v0, v63  }
0x7db: {  	v14 =	vld [tilespmem:s13+$0x86E0];
	v7 =	vmul.f32 $8.000000000e+00, v13  }
0x7dc: {  	v16 =	vld [tilespmem:s15+$0x86E0];
	[tilespmem:s13+$0xC6D0] =	vst v0;
	v1 =	vadd.f32 v12, v15  }
0x7dd: {  	v0 =	vld [tilespmem:s25+$0x10420];
	v2 =	vadd.f32 v2, v7  }
0x7de: {  	v19 =	vld [tilespmem:s16+$0x86E0];
	[tilespmem:s15+$0xC6D0] =	vst v1  }
0x7df: {  	v18 =	vld [tilespmem:s21+$0x10420];
	[tilespmem:s16+$0xC6D0] =	vst v2  }
0x7e0: {  	v17 =	vmul.f32 $8.000000000e+00, v14;
	(v2sf) =	vpush v4, $0xC;
	v2 =	vld [tilespmem:s29+$0x10420];
	_ =	sdelay $0x1  }
0x7e1: {  	v21 =	vmul.f32 $8.000000000e+00, v16;
	v0 =	vadd.f32 v0, v17  }
0x7e2: {  	v20 =	vld [tilespmem:s13+$0x86F0];
	v7 =	vmul.f32 $8.000000000e+00, v19  }
0x7e3: {  	v22 =	vld [tilespmem:s15+$0x86F0];
	[tilespmem:s13+$0xC6E0] =	vst v0;
	v1 =	vadd.f32 v18, v21  }
0x7e4: {  	v0 =	vld [tilespmem:s25+$0x10430];
	v2 =	vadd.f32 v2, v7  }
0x7e5: {  	v25 =	vld [tilespmem:s16+$0x86F0];
	[tilespmem:s15+$0xC6E0] =	vst v1  }
0x7e6: {  	v23 =	vld [tilespmem:s21+$0x10430];
	[tilespmem:s16+$0xC6E0] =	vst v2  }
0x7e7: {  	v24 =	vmul.f32 $8.000000000e+00, v20;
	v2 =	vld [tilespmem:s29+$0x10430];
	_ =	sdelay $0x1  }
0x7e8: {  	v6 =	vmul.f32 $8.000000000e+00, v22;
	v0 =	vadd.f32 v0, v24  }
0x7e9: {  	v9 =	vmul.f32 $8.000000000e+00, v25;
	v26 =	vld [tilespmem:s13+$0x8700]  }
0x7ea: {  	v28 =	vld [tilespmem:s15+$0x8700];
	[tilespmem:s13+$0xC6F0] =	vst v0;
	v6 =	vadd.f32 v23, v6  }
0x7eb: {  	v27 =	vld [tilespmem:s24+$0x10400];
	v2 =	vadd.f32 v2, v9  }
0x7ec: {  	v29 =	vld [tilespmem:s16+$0x8700];
	[tilespmem:s15+$0xC6F0] =	vst v6  }
0x7ed: {  	s30 =	spop (v2sf);
	v30 =	vld [tilespmem:s8+$0x10400];
	[tilespmem:s16+$0xC6F0] =	vst v2  }
0x7ee: {  	v7 =	vmul.f32 $8.000000000e+00, v26;
	v2 =	vld [tilespmem:s30+$0x10400];
	_ =	sdelay $0x1  }
0x7ef: {  	v8 =	vmul.f32 $8.000000000e+00, v28;
	v7 =	vadd.f32 v27, v7  }
0x7f0: {  	v31 =	vld [tilespmem:s13+$0x8710];
	v6 =	vmul.f32 $8.000000000e+00, v29  }
0x7f1: {  	v32 =	vld [tilespmem:s15+$0x8710];
	[tilespmem:s13+$0xC700] =	vst v7;
	v8 =	vadd.f32 v30, v8  }
0x7f2: {  	v7 =	vld [tilespmem:s24+$0x10410];
	v2 =	vadd.f32 v2, v6  }
0x7f3: {  	v33 =	vld [tilespmem:s16+$0x8710];
	[tilespmem:s15+$0xC700] =	vst v8  }
0x7f4: {  	v35 =	vld [tilespmem:s8+$0x10410];
	[tilespmem:s16+$0xC700] =	vst v2  }
0x7f5: {  	v34 =	vmul.f32 $8.000000000e+00, v31;
	v2 =	vld [tilespmem:s30+$0x10410];
	_ =	sdelay $0x1  }
0x7f6: {  	v9 =	vmul.f32 $8.000000000e+00, v32;
	v7 =	vadd.f32 v7, v34  }
0x7f7: {  	v36 =	vld [tilespmem:s13+$0x8720];
	v6 =	vmul.f32 $8.000000000e+00, v33  }
0x7f8: {  	v37 =	vld [tilespmem:s15+$0x8720];
	[tilespmem:s13+$0xC710] =	vst v7;
	v9 =	vadd.f32 v35, v9  }
0x7f9: {  	v7 =	vld [tilespmem:s24+$0x10420];
	v2 =	vadd.f32 v2, v6  }
0x7fa: {  	v38 =	vld [tilespmem:s16+$0x8720];
	[tilespmem:s15+$0xC710] =	vst v9  }
0x7fb: {  	v9 =	vld [tilespmem:s8+$0x10420];
	[tilespmem:s16+$0xC710] =	vst v2  }
0x7fc: {  	(v2sf) =	vpush v4, $0xD;
	v8 =	vmul.f32 $8.000000000e+00, v36;
	v2 =	vld [tilespmem:s30+$0x10420];
	_ =	sdelay $0x1  }
0x7fd: {  	v10 =	vmul.f32 $8.000000000e+00, v37;
	v7 =	vadd.f32 v7, v8  }
0x7fe: {  	v39 =	vld [tilespmem:s13+$0x8730];
	v6 =	vmul.f32 $8.000000000e+00, v38  }
0x7ff: {  	v40 =	vld [tilespmem:s15+$0x8730];
	[tilespmem:s13+$0xC720] =	vst v7;
	v9 =	vadd.f32 v9, v10  }
0x800: {  	v7 =	vld [tilespmem:s24+$0x10430];
	v2 =	vadd.f32 v2, v6  }
0x801: {  	v41 =	vld [tilespmem:s16+$0x8730];
	[tilespmem:s15+$0xC720] =	vst v9  }
0x802: {  	v9 =	vld [tilespmem:s8+$0x10430];
	[tilespmem:s16+$0xC720] =	vst v2  }
0x803: {  	v8 =	vmul.f32 $8.000000000e+00, v39;
	v2 =	vld [tilespmem:s30+$0x10430];
	_ =	sdelay $0x1  }
0x804: {  	v42 =	vld [tilespmem:s13+$0x8740];
	v10 =	vmul.f32 $8.000000000e+00, v40;
	v7 =	vadd.f32 v7, v8  }
0x805: {  	v43 =	vld [tilespmem:s2+$0x10400];
	v6 =	vmul.f32 $8.000000000e+00, v41  }
0x806: {  	v44 =	vld [tilespmem:s15+$0x8740];
	[tilespmem:s13+$0xC730] =	vst v7;
	v9 =	vadd.f32 v9, v10  }
0x807: {  	v7 =	vld [tilespmem:s22+$0x10400];
	v2 =	vadd.f32 v2, v6  }
0x808: {  	v5 =	vmul.f32 $8.000000000e+00, v5;
	v45 =	vld [tilespmem:s16+$0x8740];
	[tilespmem:s15+$0xC730] =	vst v9  }
0x809: {  	s21 =	spop (v2sf);
	v9 =	vld [tilespmem:s0+$0x10400];
	[tilespmem:s16+$0xC730] =	vst v2  }
0x80a: {  	v46 =	vadd.f32 v43, v5;
	v8 =	vmul.f32 $8.000000000e+00, v42;
	v47 =	vld [tilespmem:s21+$0x10400]  }
0x80b: {  	v48 =	vld [tilespmem:s12+$0x8750]  }
0x80c: {  	v49 =	vld [tilespmem:s13+$0x8750];
	[tilespmem:s12+$0xC740] =	vst v46;
	v50 =	vmul.f32 $8.000000000e+00, v44;
	v7 =	vadd.f32 v7, v8  }
0x80d: {  	v51 =	vld [tilespmem:s2+$0x10410];
	v6 =	vmul.f32 $8.000000000e+00, v45  }
0x80e: {  	v52 =	vld [tilespmem:s15+$0x8750];
	[tilespmem:s13+$0xC740] =	vst v7;
	v8 =	vadd.f32 v9, v50  }
0x80f: {  	v7 =	vld [tilespmem:s22+$0x10410];
	v5 =	vadd.f32 v47, v6  }
0x810: {  	v54 =	vld [tilespmem:s16+$0x8750];
	v53 =	vmul.f32 $8.000000000e+00, v48;
	[tilespmem:s15+$0xC740] =	vst v8  }
0x811: {  	v55 =	vld [tilespmem:s0+$0x10410];
	[tilespmem:s16+$0xC740] =	vst v5  }
0x812: {  	v56 =	vadd.f32 v51, v53;
	v2 =	vmul.f32 $8.000000000e+00, v49;
	v57 =	vld [tilespmem:s21+$0x10410]  }
0x813: {  	v58 =	vld [tilespmem:s12+$0x8760]  }
0x814: {  	v60 =	vmul.f32 $8.000000000e+00, v52;
	v59 =	vld [tilespmem:s13+$0x8760];
	[tilespmem:s12+$0xC750] =	vst v56;
	v2 =	vadd.f32 v7, v2  }
0x815: {  	v62 =	vmul.f32 $8.000000000e+00, v54;
	v61 =	vld [tilespmem:s2+$0x10420]  }
0x816: {  	v12 =	vld [tilespmem:s15+$0x8760];
	[tilespmem:s13+$0xC750] =	vst v2;
	v7 =	vadd.f32 v55, v60  }
0x817: {  	v63 =	vld [tilespmem:s22+$0x10420];
	v2 =	vadd.f32 v57, v62  }
0x818: {  	v14 =	vld [tilespmem:s16+$0x8760];
	v13 =	vmul.f32 $8.000000000e+00, v58;
	[tilespmem:s15+$0xC750] =	vst v7  }
0x819: {  	v15 =	vld [tilespmem:s0+$0x10420];
	[tilespmem:s16+$0xC750] =	vst v2  }
0x81a: {  	v16 =	vadd.f32 v61, v13;
	(v2sf) =	vpush v4, $0xE;
	v5 =	vmul.f32 $8.000000000e+00, v59;
	v17 =	vld [tilespmem:s21+$0x10420]  }
0x81b: {  	v19 =	vld [tilespmem:s13+$0x8770]  }
0x81c: {  	[tilespmem:s12+$0xC760] =	vst v16;
	v20 =	vmul.f32 $8.000000000e+00, v12;
	v18 =	vld [tilespmem:s12+$0x8770];
	v5 =	vadd.f32 v63, v5  }
0x81d: {  	v22 =	vmul.f32 $8.000000000e+00, v14;
	v21 =	vld [tilespmem:s2+$0x10430]  }
0x81e: {  	v24 =	vld [tilespmem:s15+$0x8770];
	[tilespmem:s13+$0xC760] =	vst v5;
	v8 =	vadd.f32 v15, v20  }
0x81f: {  	v23 =	vld [tilespmem:s22+$0x10430];
	v5 =	vadd.f32 v17, v22  }
0x820: {  	v26 =	vld [tilespmem:s16+$0x8770];
	[tilespmem:s15+$0xC760] =	vst v8  }
0x821: {  	v25 =	vmul.f32 $8.000000000e+00, v18;
	v27 =	vld [tilespmem:s0+$0x10430];
	[tilespmem:s16+$0xC760] =	vst v5  }
0x822: {  	v2 =	vmul.f32 $8.000000000e+00, v19;
	v29 =	vld [tilespmem:s21+$0x10430]  }
0x823: {  	v31 =	vld [tilespmem:s13+$0x8780];
	v28 =	vadd.f32 v21, v25  }
0x824: {  	v32 =	vmul.f32 $8.000000000e+00, v24;
	v30 =	vld [tilespmem:s12+$0x8780];
	v2 =	vadd.f32 v23, v2  }
0x825: {  	[tilespmem:s12+$0xC770] =	vst v28;
	v34 =	vmul.f32 $8.000000000e+00, v26;
	v36 =	vld [tilespmem:s15+$0x8780]  }
0x826: {  	v33 =	vld [tilespmem:s7+$0x10400];
	[tilespmem:s13+$0xC770] =	vst v2;
	v7 =	vadd.f32 v27, v32  }
0x827: {  	v35 =	vld [tilespmem:s20+$0x10400];
	v2 =	vadd.f32 v29, v34  }
0x828: {  	v38 =	vld [tilespmem:s16+$0x8780];
	[tilespmem:s15+$0xC770] =	vst v7  }
0x829: {  	v37 =	vmul.f32 $8.000000000e+00, v30;
	s24 =	spop (v2sf);
	v39 =	vld [tilespmem:s31+$0x10400];
	[tilespmem:s16+$0xC770] =	vst v2  }
0x82a: {  	v5 =	vmul.f32 $8.000000000e+00, v31;
	v41 =	vld [tilespmem:s24+$0x10400]  }
0x82b: {  	v43 =	vld [tilespmem:s13+$0x8790];
	v40 =	vadd.f32 v33, v37  }
0x82c: {  	v44 =	vmul.f32 $8.000000000e+00, v36;
	v42 =	vld [tilespmem:s12+$0x8790];
	v5 =	vadd.f32 v35, v5  }
0x82d: {  	v48 =	vld [tilespmem:s15+$0x8790];
	[tilespmem:s12+$0xC780] =	vst v40;
	v46 =	vmul.f32 $8.000000000e+00, v38  }
0x82e: {  	v45 =	vld [tilespmem:s7+$0x10410];
	[tilespmem:s13+$0xC780] =	vst v5;
	v8 =	vadd.f32 v39, v44  }
0x82f: {  	v47 =	vld [tilespmem:s20+$0x10410];
	v5 =	vadd.f32 v41, v46  }
0x830: {  	v50 =	vld [tilespmem:s16+$0x8790];
	[tilespmem:s15+$0xC780] =	vst v8  }
0x831: {  	v49 =	vmul.f32 $8.000000000e+00, v42;
	v51 =	vld [tilespmem:s31+$0x10410];
	[tilespmem:s16+$0xC780] =	vst v5  }
0x832: {  	v2 =	vmul.f32 $8.000000000e+00, v43;
	v53 =	vld [tilespmem:s24+$0x10410]  }
0x833: {  	v54 =	vld [tilespmem:s12+$0x87A0];
	v52 =	vadd.f32 v45, v49  }
0x834: {  	v56 =	vmul.f32 $8.000000000e+00, v48;
	v55 =	vld [tilespmem:s13+$0x87A0];
	v2 =	vadd.f32 v47, v2  }
0x835: {  	[tilespmem:s12+$0xC790] =	vst v52;
	v58 =	vmul.f32 $8.000000000e+00, v50;
	v60 =	vld [tilespmem:s15+$0x87A0]  }
0x836: {  	v57 =	vld [tilespmem:s7+$0x10420];
	[tilespmem:s13+$0xC790] =	vst v2;
	v7 =	vadd.f32 v51, v56  }
0x837: {  	v59 =	vld [tilespmem:s20+$0x10420];
	v2 =	vadd.f32 v53, v58  }
0x838: {  	v62 =	vld [tilespmem:s16+$0x87A0];
	[tilespmem:s15+$0xC790] =	vst v7  }
0x839: {  	v61 =	vmul.f32 $8.000000000e+00, v54;
	v63 =	vld [tilespmem:s31+$0x10420];
	[tilespmem:s16+$0xC790] =	vst v2  }
0x83a: {  	(v2sf) =	vpush v4, $0xF;
	v5 =	vmul.f32 $8.000000000e+00, v55;
	v12 =	vld [tilespmem:s24+$0x10420]  }
0x83b: {  	v14 =	vld [tilespmem:s13+$0x87B0];
	v11 =	vadd.f32 v57, v61  }
0x83c: {  	v13 =	vld [tilespmem:s12+$0x87B0];
	v15 =	vmul.f32 $8.000000000e+00, v60;
	v5 =	vadd.f32 v59, v5  }
0x83d: {  	v19 =	vld [tilespmem:s15+$0x87B0];
	[tilespmem:s12+$0xC7A0] =	vst v11;
	v17 =	vmul.f32 $8.000000000e+00, v62  }
0x83e: {  	v16 =	vld [tilespmem:s7+$0x10430];
	[tilespmem:s13+$0xC7A0] =	vst v5;
	v8 =	vadd.f32 v63, v15  }
0x83f: {  	v18 =	vld [tilespmem:s20+$0x10430];
	v5 =	vadd.f32 v12, v17  }
0x840: {  	v20 =	vld [tilespmem:s16+$0x87B0];
	[tilespmem:s15+$0xC7A0] =	vst v8  }
0x841: {  	v4 =	vmul.f32 $8.000000000e+00, v13;
	v8 =	vld [tilespmem:s31+$0x10430];
	[tilespmem:s16+$0xC7A0] =	vst v5  }
0x842: {  	v2 =	vmul.f32 $8.000000000e+00, v14;
	v5 =	vld [tilespmem:s24+$0x10430]  }
0x843: {  	v21 =	vld [tilespmem:s12+$0x87C0];
	v4 =	vadd.f32 v16, v4  }
0x844: {  	v23 =	vmul.f32 $8.000000000e+00, v19;
	v22 =	vld [tilespmem:s13+$0x87C0];
	v2 =	vadd.f32 v18, v2  }
0x845: {  	v25 =	vmul.f32 $8.000000000e+00, v20;
	v27 =	vld [tilespmem:s15+$0x87C0];
	[tilespmem:s12+$0xC7B0] =	vst v4  }
0x846: {  	v24 =	vld [tilespmem:s14+$0x10400];
	[tilespmem:s13+$0xC7B0] =	vst v2;
	v7 =	vadd.f32 v8, v23  }
0x847: {  	v26 =	vld [tilespmem:s19+$0x10400];
	v2 =	vadd.f32 v5, v25  }
0x848: {  	v29 =	vld [tilespmem:s16+$0x87C0];
	[tilespmem:s15+$0xC7B0] =	vst v7  }
0x849: {  	v28 =	vmul.f32 $8.000000000e+00, v21;
	s25 =	spop (v2sf);
	v30 =	vld [tilespmem:s26+$0x10400];
	[tilespmem:s16+$0xC7B0] =	vst v2  }
0x84a: {  	v4 =	vmul.f32 $8.000000000e+00, v22;
	v32 =	vld [tilespmem:s25+$0x10400]  }
0x84b: {  	v33 =	vld [tilespmem:s12+$0x87D0];
	v31 =	vadd.f32 v24, v28  }
0x84c: {  	v35 =	vmul.f32 $8.000000000e+00, v27;
	v34 =	vld [tilespmem:s13+$0x87D0];
	v4 =	vadd.f32 v26, v4  }
0x84d: {  	v39 =	vld [tilespmem:s15+$0x87D0];
	v37 =	vmul.f32 $8.000000000e+00, v29;
	[tilespmem:s12+$0xC7C0] =	vst v31  }
0x84e: {  	v36 =	vld [tilespmem:s14+$0x10410];
	[tilespmem:s13+$0xC7C0] =	vst v4;
	v6 =	vadd.f32 v30, v35  }
0x84f: {  	v38 =	vld [tilespmem:s19+$0x10410];
	v4 =	vadd.f32 v32, v37  }
0x850: {  	v41 =	vld [tilespmem:s16+$0x87D0];
	[tilespmem:s15+$0xC7C0] =	vst v6  }
0x851: {  	v42 =	vld [tilespmem:s26+$0x10410];
	[tilespmem:s16+$0xC7C0] =	vst v4  }
0x852: {  	v2 =	vmul.f32 $8.000000000e+00, v34;
	v44 =	vld [tilespmem:s25+$0x10410]  }
0x853: {  	v40 =	vmul.f32 $8.000000000e+00, v33  }
0x854: {  	v1 =	vld [tilespmem:s13+$0x87E0];
	v45 =	vmul.f32 $8.000000000e+00, v39;
	v2 =	vadd.f32 v38, v2  }
0x855: {  	v0 =	vld [tilespmem:s15+$0x87E0];
	v43 =	vadd.f32 v36, v40;
	v47 =	vmul.f32 $8.000000000e+00, v41  }
0x856: {  	v49 =	vld [tilespmem:s16+$0x87E0];
	[tilespmem:s13+$0xC7D0] =	vst v2;
	v4 =	vadd.f32 v42, v45  }
0x857: {  	[tilespmem:s12+$0xC7D0] =	vst v43;
	v48 =	vld [tilespmem:s19+$0x10420];
	v2 =	vadd.f32 v44, v47  }
0x858: {  	v46 =	vld [tilespmem:s14+$0x10420];
	[tilespmem:s15+$0xC7D0] =	vst v4  }
0x859: {  	v50 =	vld [tilespmem:s26+$0x10420];
	[tilespmem:s16+$0xC7D0] =	vst v2  }
0x85a: {  	v1 =	vmul.f32 $8.000000000e+00, v1;
	v52 =	vld [tilespmem:s25+$0x10420]  }
0x85b: {  	v3 =	vmul.f32 $8.000000000e+00, v3;
	v54 =	vld [tilespmem:s13+$0x87F0]  }
0x85c: {  	v0 =	vmul.f32 $8.000000000e+00, v0;
	v59 =	vld [tilespmem:s16+$0x87F0];
	v1 =	vadd.f32 v48, v1  }
0x85d: {  	v56 =	vmul.f32 $8.000000000e+00, v49;
	v53 =	vld [tilespmem:s12+$0x87F0];
	v51 =	vadd.f32 v46, v3  }
0x85e: {  	v58 =	vld [tilespmem:s15+$0x87F0];
	[tilespmem:s13+$0xC7E0] =	vst v1;
	v0 =	vadd.f32 v50, v0  }
0x85f: {  	[tilespmem:s12+$0xC7E0] =	vst v51;
	v57 =	vld [tilespmem:s19+$0x10430];
	v1 =	vadd.f32 v52, v56  }
0x860: {  	v55 =	vld [tilespmem:s14+$0x10430];
	[tilespmem:s15+$0xC7E0] =	vst v0  }
0x861: {  	v60 =	vld [tilespmem:s26+$0x10430];
	[tilespmem:s16+$0xC7E0] =	vst v1  }
0x862: {  	v2 =	vmul.f32 $8.000000000e+00, v54;
	v62 =	vld [tilespmem:s25+$0x10430]  }
0x863: {  	v61 =	vmul.f32 $8.000000000e+00, v53  }
0x864: {  	v5 =	vmul.f32 $8.000000000e+00, v58;
	v2 =	vadd.f32 v57, v2  }
0x865: {  	v0 =	vmul.f32 $8.000000000e+00, v59;
	v1 =	vadd.f32 v55, v61  }
.Ltmp4:
0x866: {  	[tilespmem:s13+$0xC7F0] =	vst v2;
	v63 =	vadd.f32 v60, v5;
	(pc) =	sbr.rel @p1 .LBB2_8-.Ltmp4, $4  }
0x867: {  	[tilespmem:s12+$0xC7F0] =	vst v1;
	v0 =	vadd.f32 v62, v0  }
0x868: {  	s29 =	simm.s32 $0x3200;
	[tilespmem:s15+$0xC7F0] =	vst v63  }
0x869: {  	s30 =	simm.s32 $0xC400;
	s31 =	simm.s32 $0x40;
	s26 =	sadd.s32 $0x64000, s11;
	[tilespmem:s16+$0xC7F0] =	vst v0  }
0x86a: {  	[hbm4b:s26+s31] =	stream.strided.scatter [tilespmem:s30], [sflag:$0x6], $0x4000, s29, s31, $0x38;
	[tilespmem:$0x13600] =	vst v63  }
0x86b: {  	_ =	swait.ge [sflag:s17], $0x100  }
0x86c: {  	[sflag:s17] =	ssyncset.done $0x0  }
0x86d: {  	[sflag:s17] =	ssyncadd.s32 $0xFFFFFF00  }
0x86e: {  	_ =	swait.ge [sflag:s17], $0x100  }
0x86f: {  	[sflag:s17] =	ssyncset.done $0x0  }
0x870: {  	s3 =	simm.s32 $0x0;
	s0 =	simm.s32 $0x200;
	[sflag:s17] =	ssyncadd.s32 $0xFFFFFF00  }
0x871: {  	[tilespmem:s0], [sflag:$0x2] =	stream.indirect.gather [hbm4b:s6+s18], $0x40, s3, s18, $0xb8;
	[tilespmem:$0x13600] =	vst v63  }
0x872: {  	s26 =	simm.s32 $0x2200;
	s29 =	sshll.u32 s10, $0x5  }
0x873: {  	[tilespmem:s26], [sflag:$0x2] =	stream.indirect.gather [hbm4b:s6+s18], $0x40, s18, s18, $0xb8;
	[tilespmem:$0x13600] =	vst v63  }
.Ltmp5:
0x874: {  	s0 =	sadd.s32 $0x60, s29;
	(pc) =	sbr.rel .LBB2_2-.Ltmp5, $4  }
0x875: {  	s7 =	simm.s32 $0x8200;
	s2 =	sadd.s32 s4, s0  }
0x876: {  	[tilespmem:s7], [sflag:$0x4] =	stream.linear.gather [hbm4b:s2+s3], $0x100, $0x38;
	[tilespmem:$0x13600] =	vst v63  }
0x877: {  	s30 =	simm.s32 $0x8300;
	s9 =	sadd.s32 $0x1, s9;
	s0 =	sadd.s32 s5, s0  }
0x878: {  	[tilespmem:s30], [sflag:$0x4] =	stream.linear.gather [hbm4b:s0+s3], $0x100, $0x38;
	[tilespmem:$0x13600] =	vst v63  }
.LBB2_9:
0x879: {  	_ =	sfence.sel $0x180000  }
0x87a: {  	[bflag:$0x0] =	sbarrier.arrive $0xFFFF  }
0x87b: {  	_ =	strace $0x90000047  }
0x87c: {  	s0 =	stileid.u32;
	[bflag:$0x2] =	sbarrier.arrive $0xFFFF  }
0x87d: {  	p0 =	sne.s32 s0, $0x0;
	s0 =	rddreg [dreg:$0x2]  }
0x87e: {  	s0 =	sadd.s32 @!p0 $0x100000, s0  }
0x87f: {  	[sflag:s0] =	ssyncadd.tile.s32 @!p0 $0x1;
	_ =	shalt  }
.Lfunc_end2:
_tile_overlayer_lowered:
.L_overlay_start_2:
0x880: {  	(tag) =	ssettag $0x2  }
0x881: {  	s0 =	rddreg [dreg:$0x0];
	s2 =	stileid.u32  }
0x882: {  	s1 =	rddreg [dreg:$0x1];
	p0 =	sne.s32 s2, $0x0  }
0x883: {  	s3 =	rddreg [dreg:$0x2];
	[bflag:$0x3] =	sbarrier.arrive $0xFFFF;
	s2 =	simm.s32 @!p0 $0x1C07  }
0x884: {  	[timem:s3], [sflag:s2] =	dma.local @!p0 [hbm:s0], s1  }
0x885: {  	s0 =	simm.s32 @!p0 $0x7  }
0x886: {  	_ =	swait.ge @!p0 [sflag:s0], s1  }
0x887: {  	s1 =	ssub.s32 @!p0 $0x0, s1;
	[sflag:s0] =	ssyncset.done @!p0 $0x0  }
0x888: {  	[sflag:s0] =	ssyncadd.s32 @!p0 s1  }
0x889: {  	[bflag:$0x3] =	sbarrier.arrive $0xFFFF  }
0x88a: {  	_ =	shalt  }

// kernel: sparse-core-data-format-call.cloned.1.call-start
scs
called_computation_lowered:
.L_overlay_start_0:
0x0: {  	s2 =	sld [smem:$0x3FD9]  }
0x1: {  	s3 =	sld [smem:$0x3FFE];
	_ =	sdelay $0x1  }
0x2: {  	s1 =	srdreg.scid  }
0x3: {  	s0 =	sand.u32 $0x1, s1  }
0x4: {  	s18 =	sshll.u32 s0, $0xA;
	s2 =	sadd.s32 s3, s2  }
0x5: {  	s2 =	sadd.s32 s2, s18  }
0x6: {  	[smem:$0x3FC4] =	sst s2  }
0x7: {  	_ = 	snop  }
0x8: {  	s2 =	sld [smem:$0x3FD0];
	(tm) =	ssettm $0x1  }
0x9: {  	s19 =	sld [smem:$0x3FFB];
	_ =	sdelay $0x3  }
0xa: {  	_ =	strace s19  }
0xb: {  	s3 =	sld [smem:$0x3FFC];
	_ =	sdelay $0x3  }
0xc: {  	_ =	strace s3  }
0xd: {  	s3 =	sld [smem:$0x3FFD];
	_ =	sdelay $0x3  }
0xe: {  	_ =	strace s3  }
0xf: {  	_ =	strace $0x8FFFFFFF  }
0x10: {  	s20 =	sld [smem:$0x3FDB];
	_ =	sdelay $0x1  }
0x11: {  	s4 =	simm.s32 $_scs_section_size  }
0x12: {  	s5 =	simm.s32 $_size__tile_overlayer_lowered;
	s6 =	simm.s32 $_tile_overlayer_lowered  }
0x13: {  	s23 =	simm.s32 $0x1BFF;
	s22 =	sshll.u32 s6, $0x1;
	s3 =	sadd.s32 s4, s20  }
0x14: {  	s7 =	simm.s32 $0x0;
	s21 =	sshll.u32 s5, $0x1;
	s5 =	sadd.s32 s22, s3  }
0x15: {  	[timem:s7], [sflag:s23] =	dma.local [hbm:s5], s21  }
0x16: {  	_ =	swait.ge [sflag:s23], s21  }
0x17: {  	s4 =	ssub.s32 $0x0, s21;
	[sflag:s23] =	ssyncset.done $0x0  }
0x18: {  	[sflag:s23] =	ssyncadd.s32 s4;
	_ =	sdelay $0x1  }
0x19: {  	s24 =	simm.s32 $0x1B8B  }
0x1a: {  	_ =	swait.ge [sflag:s24], $0x1  }
0x1b: {  	[sflag:s24] =	ssyncset.done $0x0  }
0x1c: {  	s26 =	simm.s32 $0x1B8E;
	s25 =	sld [smem:$0x3FFE];
	[sflag:s24] =	ssyncadd.s32 $0xFFFFFFFF  }
0x1d: {  	s27 =	simm.s32 $execute0_lowered;
	[smem:$0x3FD2] =	sst s26  }
0x1e: {  	s5 =	sshll.u32 s27, $0x1;
	_ =	strace $0x80000049;
	[dreg:$0x1] =	wrdreg $0xFFFFFFFF  }
0x1f: {  	s28 =	simm.s32 $_size_execute0_lowered;
	s3 =	sadd.s32 s3, s5;
	[dreg:$0x0] =	wrdreg $0x0  }
0x20: {  	s5 =	sshll.u32 s28, $0x1;
	[dreg:$0x2] =	wrdreg s3  }
0x21: {  	[dreg:$0x3] =	wrdreg s5  }
0x22: {  	[dreg:$0x4] =	wrdreg $0xC0  }
0x23: {  	_ =	task [dreg:s7], $0x5FFFF  }
0x24: {  	[dreg:$0x1] =	wrdreg $0xFFFFFFFF  }
0x25: {  	[dreg:$0x0] =	wrdreg $0x60  }
0x26: {  	[dreg:$0x2] =	wrdreg s25  }
0x27: {  	[dreg:$0x3] =	wrdreg s2  }
0x28: {  	[dreg:$0x4] =	wrdreg $0x9  }
0x29: {  	_ =	task.clear_ibuf [dreg:s7], $0x5FFFF;
	_ =	strace $0x90000049  }
0x2a: {  	s29 =	simm.s32 $0x9;
	_ =	strace $0x8000004B  }
0x2b: {  	_ =	swait.ge [sflag:s29], $0x1  }
0x2c: {  	[sflag:s29] =	ssyncadd.s32 $0xFFFFFFFF  }
0x2d: {  	_ =	strace $0x9000004B  }
0x2e: {  	_ =	sfence  }
0x2f: {  	s30 =	sld [smem:$0x0];
	_ =	sdelay $0x2  }
0x30: {  	s31 =	sshll.u32 s1, $0xD;
	s1 =	sshrl.u32 s1, $0x2  }
0x31: {  	s3 =	sand.u32 $0x4000, s31;
	s1 =	sadd.s32 s1, s30  }
0x32: {  	s0 =	sor.u32 s3, s0;
	s1 =	sshll.u32 s1, $0x11  }
0x33: {  	s0 =	sor.u32 s1, s0  }
0x34: {  	s0 =	sadd.s32 $0x8F2B, s0  }
0x35: {  	[sflag:s0] =	ssyncadd.remote.s32 $0x1  }
0x36: {  	_ =	sfence.sel $0xFFFF  }
0x37: {  	[dreg:$0x0] =	wrdreg $0xFFFFFFFF;
	(pc) =	sbr.abs _section_cstart, $3  }
0x38: {  	[dreg:$0x1] =	wrdreg $0xFFFFFFFF  }
0x39: {  	_ =	task.clear_ibuf [dreg:s7], $0x2FFFF;
	_ =	strace $0x9FFFFFFF  }
0x3a: {  	(tm) =	ssettm $0x7FFFFFFF  }
0x3b: {  	_ =	shalt  }
tec
execute0_lowered:
.L_overlay_start_1:
0x0: {  	(tag) =	ssettag $0x1  }
0x1: {  	s0 =	srdreg.scid  }
0x2: {  	s1 =	sshll.u32 s0, $0x4  }
0x3: {  	s0 =	stileid.u32;
	s1 =	sand.u32 $0x10, s1  }
0x4: {  	s1 =	sor.u32 s0, s1  }
0x5: {  	s6 =	rddreg [dreg:$0x0];
	s4 =	simm.s32 $0x1;
	s2 =	sshll.u32 s1, $0x7  }
0x6: {  	s7 =	simm.s32 $0x2;
	s13 =	simm.s32 $0x0;
	s1 =	ssub.s32 $0x1000, s2  }
0x7: {  	s8 =	simm.s32 $0x8000;
	s12 =	simm.s32 $0x0;
	s3 =	sand.u32 $0xF80, s1  }
0x8: {  	s9 =	simm.s32 $0x0;
	s5 =	sshrl.u32 s1, $0xC;
	p0 =	sne.s32 s3, $0x0  }
.Ltmp0:
0x9: {  	s1 =	rddreg [dreg:$0x2];
	s4 =	simm.s32 @!p0 $0x0;
	(pc) =	sbr.rel .LBB1_1-.Ltmp0, $4  }
0xa: {  	s11 =	simm.s32 $0x0;
	s3 =	rddreg [dreg:$0x1];
	s5 =	sadd.s32 s4, s5  }
0xb: {  	_ =	strace $0x8000004A;
	s4 =	simm.s32 $0x1;
	s5 =	smul.u32 $0x64, s5  }
0xc: {  	s6 =	sadd.s32 $0xE00, s6;
	s10 =	smov.u32 s2;
	[sflag:s4] =	ssyncpa.u1 $0x0  }
0xd: {  	p0 =	por $0x0, $0x0;
	[sflag:s7] =	ssyncpa.u1 $0x0;
	s7 =	sor.u32 $0x1, s5  }
.LBB1_4:
0xe: {  	v5 =	vld [tilespmem:s17+$0xFFFFFFD0];
	[tilespmem:s16+$0x2040 ss:$0x81] =	vst.msk $0xffff, v4;
	s19 =	sshll.u32 s13, $0xC;
	s20 =	sshll.u32 s12, $0x3  }
0xf: {  	v58 =	vld [tilespmem:s17+$0xFFFFFFE0];
	[tilespmem:s16+$0x2850 ss:$0x81] =	vst.msk $0xffff, v3;
	s19 =	sand.u32 $0xFFFF8000, s19;
	s21 =	sand.u32 $0xFFFFFC00, s20  }
0x10: {  	s18 =	sshra.s32 s18, $0x2;
	v59 =	vld [tilespmem:s17+$0xFFFFFFF0];
	[tilespmem:s16+$0x3060 ss:$0x81] =	vst.msk $0xffff, v2;
	s19 =	sadd.s32 s21, s19  }
0x11: {  	v60 =	vld [tilespmem:s17+$0x0];
	[tilespmem:s16+$0x0 ss:$0x81] =	vst.msk $0xffff, v0;
	s15 =	sadd.s32 s18, s15;
	s26 =	sshrl.u32 s19, $0xC  }
0x12: {  	v61 =	vld [tilespmem:s17+$0x10];
	[tilespmem:s15+$0x3870 ss:$0x81] =	vst.msk $0xffff, v1;
	s27 =	smulhi.u32 $0xA3D71, s26  }
0x13: {  	v62 =	vld [tilespmem:s17+$0x20];
	s28 =	sand.u32 $0x78, s12;
	[tilespmem:s15+$0x810 ss:$0x81] =	vst.msk $0xffff, v5  }
0x14: {  	v63 =	vld [tilespmem:s17+$0xFFFFFFC0];
	s29 =	sshll.u32 s13, $0x7;
	s30 =	sand.u32 $0xC00, s20;
	[tilespmem:s15+$0x1020 ss:$0x81] =	vst.msk $0xffff, v58;
	s18 =	sshrl.u32 s27, $0x1  }
0x15: {  	s13 =	sand.u32 $0x380, s29;
	s17 =	sor.u32 s28, s30;
	[tilespmem:s15+$0x1830 ss:$0x81] =	vst.msk $0xffff, v59;
	s18 =	smul.u32 $0x3200, s18  }
0x16: {  	s13 =	sor.u32 s13, s17;
	[tilespmem:s15+$0x2040 ss:$0x81] =	vst.msk $0xffff, v60  }
0x17: {  	s31 =	sand.u32 $0x7, s12;
	s13 =	sshrl.u32 s13, $0x3;
	[tilespmem:s15+$0x2850 ss:$0x81] =	vst.msk $0xffff, v61;
	s16 =	ssub.s32 s26, s18  }
0x18: {  	s12 =	sshll.u32 s31, $0x12;
	[tilespmem:s15+$0x3060 ss:$0x81] =	vst.msk $0xffff, v62;
	s13 =	sadd.s32 s3, s13;
	s16 =	sshll.u32 s16, $0x9  }
0x19: {  	s12 =	sor.u32 $0x400, s12;
	[tilespmem:s15+$0x0 ss:$0x81] =	vst.msk $0xffff, v63;
	s13 =	sadd.s32 s16, s13  }
0x1a: {  	[hbm4b:s13+s12] =	stream.strided.scatter [tilespmem:s14], [sflag:$0x2], $0x4000, s8, s12, $0x20;
	[tilespmem:$0x10100] =	vst v63  }
.LBB1_5:
0x1b: {  	s14 =	sadd.s32 $0x80, s9  }
0x1c: {  	s12 =	sadd.s32 $0x1000, s10;
	s16 =	smov.u32 s10;
	p2 =	sgt.s32 s14, $0x31FF  }
0x1d: {  	s16 =	smov.u32 @p2 s12  }
0x1e: {  	s14 =	simm.s32 @p2 $0x0;
	p2 =	sgt.s32 s16, $0xFFF  }
0x1f: {  	s16 =	smov.u32 @p2 s2;
	p2 =	sne.s32 s11, s7  }
.Ltmp1:
0x20: {  	p1 =	slt.u32 s11, $0x2;
	(pc) =	sbr.rel @!p2 .LBB1_6-.Ltmp1, $4  }
0x21: {  	s15 =	simm.s32 @!p1 $0x2  }
0x22: {  	s13 =	smov.u32 s9;
	p0 =	por !p0, !p0;
	_ =	swait.ge @!p1 [sflag:s15], $0x4000  }
0x23: {  	s12 =	smov.u32 s10;
	[sflag:s15] =	ssyncset.done @!p1 $0x0;
	s9 =	smov.u32 s14  }
0x24: {  	s11 =	sadd.s32 $0x1, s11;
	[sflag:s15] =	ssyncadd.s32 @!p1 $0xFFFFC000;
	s10 =	smov.u32 s16  }
.LBB1_1:
0x25: {  	p1 =	sge.u32 s11, s5  }
0x26: {  	s14 =	sshrl.u32 @!p1 s10, $0x3  }
0x27: {  	s15 =	sshll.u32 @!p1 s9, $0x3;
	s14 =	smul.u32 @!p1 $0x19000, s14  }
0x28: {  	s16 =	sshll.u32 @!p1 s10, $0x7;
	s15 =	sand.u32 @!p1 $0xFFFFFC00, s15  }
0x29: {  	s14 =	sadd.s32 @!p1 s14, s15;
	s15 =	sand.u32 @!p1 $0x380, s16  }
0x2a: {  	s16 =	sand.u32 @!p1 $0x7F, s9;
	s14 =	sor.u32 @!p1 s15, s14  }
0x2b: {  	s15 =	sor.u32 @!p1 s16, s14  }
0x2c: {  	s16 =	smulhi.u32 @!p1 $0x51EB851F, s15;
	_ =	sdelay $0x1  }
0x2d: {  	s14 =	smulhi.u32 @!p1 $0x51EB851F, s14;
	s16 =	sshrl.u32 @!p1 s16, $0xC  }
0x2e: {  	s16 =	smul.u32 @!p1 $0x3200, s16  }
0x2f: {  	s31 =	sadd.s32 $0xFFFFFFFF, s11;
	s17 =	sxor.u32 @!p1 $0xFFFFFFFF, s11;
	s14 =	sshrl.u32 @!p1 s14, $0xC  }
0x30: {  	s17 =	sshll.u32 @!p1 s17, $0xE;
	s14 =	sand.u32 @!p1 $0xFFF, s14;
	s15 =	ssub.s32 @!p1 s15, s16  }
0x31: {  	s14 =	smul.u32 @!p1 $0x640, s14;
	s16 =	sshrl.u32 @!p1 s15, $0x3;
	s15 =	sand.u32 @!p1 $0x7, s15  }
0x32: {  	s17 =	sand.u32 @!p1 $0x4000, s17;
	s16 =	sadd.s32 @!p1 s6, s16;
	s15 =	sshll.u32 @!p1 s15, $0x12  }
0x33: {  	s14 =	sadd.s32 @!p1 s14, s16;
	s15 =	sor.u32 @!p1 $0x400, s15;
	s16 =	simm.s32 @!p1 $0x19000  }
0x34: {  	[tilespmem:s17], [sflag:$0x1] =	stream.strided.gather @!p1 [hbm4b:s14+s15], $0x4000, s16, s15, $0x38;
	[tilespmem:$0x10100] =	vst v63  }
0x35: {  	p1 =	sge.u32 s31, s5  }
.Ltmp2:
0x36: {  	_ = 	snop;
	(pc) =	sbr.rel @p1 .LBB1_5-.Ltmp2, $1  }
0x37: {  	_ =	sdelay $0x3  }
0x38: {  	s14 =	simm.s32 $0x1  }
0x39: {  	_ =	swait.ge [sflag:s4], $0x4000;
	s14 =	simm.s32 @!p0 $0x0  }
0x3a: {  	[sflag:s4] =	ssyncset.done $0x0;
	s15 =	sshll.u32 s14, $0xE  }
0x3b: {  	[sflag:s4] =	ssyncadd.s32 $0xFFFFC000;
	s17 =	sor.u32 $0x40, s15  }
0x3c: {  	s14 =	smul.u32 $0x10200, s14;
	v0 =	vld [tilespmem:s17+$0x30]  }
0x3d: {  	v1 =	vld [tilespmem:s17+$0xFFFFFFD0]  }
0x3e: {  	s14 =	sshrl.u32 s14, $0x2;
	v5 =	vld [tilespmem:s17+$0xFFFFFFE0]  }
0x3f: {  	v6 =	vld [tilespmem:s17+$0xFFFFFFF0];
	s15 =	sor.u32 $0x8000, s14  }
0x40: {  	s31 =	sand.u32 $0x1, s11;
	v4 =	vld [tilespmem:s17+$0x0];
	s16 =	sadd.s32 $0x0, s15  }
0x41: {  	v3 =	vld [tilespmem:s17+$0x10];
	s14 =	smul.u32 $0x10200, s31;
	[tilespmem:s16+$0x3870 ss:$0x81] =	vst.msk $0xffff, v0  }
0x42: {  	v2 =	vld [tilespmem:s17+$0x20];
	[tilespmem:s16+$0x810 ss:$0x81] =	vst.msk $0xffff, v1  }
0x43: {  	s14 =	sshrl.u32 s14, $0x2;
	v0 =	vld [tilespmem:s17+$0xFFFFFFC0];
	[tilespmem:s16+$0x1020 ss:$0x81] =	vst.msk $0xffff, v5;
	s17 =	sadd.s32 $0x80, s17  }
0x44: {  	s18 =	simm.s32 $0x4;
	s19 =	simm.s32 $0x8;
	s14 =	sor.u32 $0x8000, s14;
	[tilespmem:s16+$0x1830 ss:$0x81] =	vst.msk $0xffff, v6;
	v1 =	vld [tilespmem:s17+$0x30]  }
.LBB1_3:
0x45: {  	p1 =	sne.s32 s19, $0x1FC;
	v5 =	vld [tilespmem:s17+$0xFFFFFFD0];
	[tilespmem:s16+$0x2040 ss:$0x81] =	vst.msk $0xffff, v4  }
0x46: {  	v6 =	vld [tilespmem:s17+$0xFFFFFFE0];
	[tilespmem:s16+$0x2850 ss:$0x81] =	vst.msk $0xffff, v3  }
0x47: {  	s20 =	sshra.s32 s18, $0x2;
	s18 =	smov.u32 s19;
	v7 =	vld [tilespmem:s17+$0xFFFFFFF0];
	[tilespmem:s16+$0x3060 ss:$0x81] =	vst.msk $0xffff, v2  }
.Ltmp3:
0x48: {  	v4 =	vld [tilespmem:s17+$0x0];
	[tilespmem:s16+$0x0 ss:$0x81] =	vst.msk $0xffff, v0;
	s16 =	sadd.s32 s20, s15;
	(pc) =	sbr.rel @p1 .LBB1_3-.Ltmp3, $4  }
0x49: {  	v3 =	vld [tilespmem:s17+$0x10];
	[tilespmem:s16+$0x3870 ss:$0x81] =	vst.msk $0xffff, v1  }
0x4a: {  	[tilespmem:s16+$0x810 ss:$0x81] =	vst.msk $0xffff, v5;
	v2 =	vld [tilespmem:s17+$0x20]  }
0x4b: {  	v0 =	vld [tilespmem:s17+$0xFFFFFFC0];
	[tilespmem:s16+$0x1020 ss:$0x81] =	vst.msk $0xffff, v6;
	s17 =	sadd.s32 $0x80, s17  }
0x4c: {  	s19 =	sadd.s32 $0x4, s19;
	v1 =	vld [tilespmem:s17+$0x30];
	[tilespmem:s16+$0x1830 ss:$0x81] =	vst.msk $0xffff, v7  }
.Ltmp4:
0x4d: {  	_ = 	snop;
	(pc) =	sbr.rel .LBB1_4-.Ltmp4, $1  }
0x4e: {  	_ =	sdelay $0x3  }
.LBB1_6:
0x4f: {  	_ =	sfence.sel $0x180000  }
0x50: {  	s2 =	simm.s32 $0x1;
	[bflag:$0x0] =	sbarrier.arrive $0xFFFF  }
0x51: {  	s31 =	simm.s32 $0x2;
	[sflag:s2] =	ssyncpa.u1 $0x1  }
0x52: {  	[sflag:s31] =	ssyncpa.u1 $0x1  }
0x53: {  	p0 =	sne.s32 s0, $0x0;
	_ =	strace $0x9000004A  }
0x54: {  	s0 =	sadd.s32 @!p0 $0x100000, s1;
	[bflag:$0x2] =	sbarrier.arrive $0xFFFF  }
0x55: {  	[sflag:s0] =	ssyncadd.tile.s32 @!p0 $0x1;
	_ =	shalt  }
.Lfunc_end1:
_tile_overlayer_lowered:
.L_overlay_start_2:
0x56: {  	(tag) =	ssettag $0x2  }
0x57: {  	s0 =	rddreg [dreg:$0x0];
	s2 =	stileid.u32  }
0x58: {  	s1 =	rddreg [dreg:$0x1];
	p0 =	sne.s32 s2, $0x0  }
0x59: {  	s3 =	rddreg [dreg:$0x2];
	[bflag:$0x3] =	sbarrier.arrive $0xFFFF;
	s2 =	simm.s32 @!p0 $0x1C01  }
0x5a: {  	[timem:s3], [sflag:s2] =	dma.local @!p0 [hbm:s0], s1  }
0x5b: {  	s0 =	simm.s32 @!p0 $0x1  }
0x5c: {  	_ =	swait.ge @!p0 [sflag:s0], s1  }
0x5d: {  	s1 =	ssub.s32 @!p0 $0x0, s1;
	[sflag:s0] =	ssyncset.done @!p0 $0x0  }
0x5e: {  	[sflag:s0] =	ssyncadd.s32 @!p0 s1  }
0x5f: {  	[bflag:$0x3] =	sbarrier.arrive $0xFFFF  }
0x60: {  	_ =	shalt  }

</sc_bundles>
